<compile_context>
chip_gen: v7x
topology: tpu7x:2x2x1
jax: 0.10.2.dev20260603
libtpu: 0.0.44.dev20260713+nightly
codegen_flags: <defaults>
</compile_context>

<pallas_src>
import functools

import jax
import jax.numpy as jnp
from jax import lax
from jax.experimental import pallas as pl
from jax.experimental.pallas import tpu as pltpu
from jax.experimental.pallas import tpu_sc as plsc

N = 10000
E = 320000
D_IN = 128
D_H = 64
G = 128
HN = N // 2

NC = 2
NS = 16
NW = NC * NS
EPW = E // NW
K = 80
NCHUNK = EPW // K
RPT = 624
RPT_LAST = N - RPT * (NS - 1)
RB = 2000
PB = RB // 2
GRID = N // RB
NBUF = 5
GROUPS = NCHUNK // NBUF


def _mesh():
    return plsc.VectorSubcoreMesh(
        core_axis_name="c", subcore_axis_name="s", num_cores=NC, num_subcores=NS
    )


_SC_PARAMS = pltpu.CompilerParams(use_tc_tiling_on_sc=False)


@functools.partial(
    pl.kernel,
    out_type=(
        jax.ShapeDtypeStruct((GRID, NC, PB), jnp.float32),
        jax.ShapeDtypeStruct((GRID, NC, PB), jnp.float32),
    ),
    mesh=_mesh(),
    scratch_types=[
        pltpu.VMEM((NCHUNK, K), jnp.int32),
        pltpu.VMEM((K,), jnp.float32),
        pltpu.VMEM_SHARED((N,), jnp.float32),
        pltpu.SemaphoreType.DMA,
    ],
    compiler_params=_SC_PARAMS,
)
def _sc_degree(dst_hbm, zeros_hbm, oute_hbm, outo_hbm, di_big, ones_v, sdeg,
               sem):
    c = lax.axis_index("c")
    s = lax.axis_index("s")
    wid = c * NS + s
    for j in range(K // 16):
        ones_v[pl.ds(j * 16, 16)] = jnp.ones((16,), jnp.float32)
    pltpu.sync_copy(dst_hbm.at[wid], di_big)

    @plsc.parallel_loop(0, NCHUNK, 1, unroll=5)
    def _(j):
        for l in range(K // 16):
            v = di_big[j, pl.ds(l * 16, 16)]
            di_big[j, pl.ds(l * 16, 16)] = (v >> 1) + (v & 1) * HN

    @pl.when(s == 0)
    def _():
        pltpu.sync_copy(zeros_hbm, sdeg)

    plsc.subcore_barrier()

    def body(g, carry):
        descs = [
            pltpu.async_copy(ones_v, sdeg.at[di_big.at[g * NBUF + b]], sem,
                             add=True)
            for b in range(NBUF)
        ]
        for d in descs:
            d.wait()
        return carry

    lax.fori_loop(0, GROUPS, body, 0)
    plsc.subcore_barrier()

    @pl.when(s == 0)
    def _():
        for g in range(GRID):
            pltpu.sync_copy(sdeg.at[pl.ds(g * PB, PB)], oute_hbm.at[g, c])
            pltpu.sync_copy(sdeg.at[pl.ds(HN + g * PB, PB)], outo_hbm.at[g, c])


@functools.partial(
    pl.kernel,
    out_type=jax.ShapeDtypeStruct((NC, N, D_H), jnp.float32),
    mesh=_mesh(),
    scratch_types=[
        pltpu.VMEM((NCHUNK, K), jnp.int32),
        pltpu.VMEM((NCHUNK, K), jnp.int32),
        pltpu.VMEM((2 * NBUF, K, D_H), jnp.float32),
        pltpu.VMEM_SHARED((N, D_H), jnp.float32),
        [pltpu.SemaphoreType.DMA] * (2 * NBUF),
        [pltpu.SemaphoreType.DMA] * (2 * NBUF),
    ],
    compiler_params=_SC_PARAMS,
)
def _sc_aggregate(y_hbm, src_hbm, dst_hbm, zrows_hbm, out_hbm,
                  si_big, di_big, rows_v, sacc, gsems, ssems):
    c = lax.axis_index("c")
    s = lax.axis_index("s")
    wid = c * NS + s
    pltpu.sync_copy(src_hbm.at[wid], si_big)
    pltpu.sync_copy(dst_hbm.at[wid], di_big)

    @pl.when(s < NS - 1)
    def _():
        r0 = s * RPT
        pltpu.sync_copy(zrows_hbm.at[pl.ds(r0, RPT)], sacc.at[pl.ds(r0, RPT)])

    @pl.when(s == NS - 1)
    def _():
        r0 = (NS - 1) * RPT
        pltpu.sync_copy(zrows_hbm.at[pl.ds(r0, RPT_LAST)],
                        sacc.at[pl.ds(r0, RPT_LAST)])

    plsc.subcore_barrier()

    def _gather(j, b):
        return pltpu.async_copy(y_hbm.at[si_big.at[j]], rows_v.at[b],
                                gsems[b])

    def _gather_wait(j, b):
        pltpu.make_async_copy(y_hbm.at[si_big.at[j]], rows_v.at[b],
                              gsems[b]).wait()

    def _scatter(j, b):
        return pltpu.async_copy(rows_v.at[b], sacc.at[di_big.at[j]],
                                ssems[b], add=True)

    for b in range(NBUF):
        _gather(b, b)
    for b in range(NBUF):
        _gather(NBUF + b, NBUF + b)

    def _process(g, half_base):
        sds = []
        for b in range(NBUF):
            _gather_wait(g * NBUF + b, half_base + b)
            sds.append(_scatter(g * NBUF + b, half_base + b))
        for b in range(NBUF):
            sds[b].wait()

            @pl.when(g + 2 < GROUPS)
            def _():
                _gather((g + 2) * NBUF + b, half_base + b)

    def body(i, carry):
        _process(2 * i, 0)
        _process(2 * i + 1, NBUF)
        return carry

    lax.fori_loop(0, GROUPS // 2, body, 0)
    _process(GROUPS - 1, 0)
    plsc.subcore_barrier()

    @pl.when(s < NS - 1)
    def _():
        r0 = s * RPT
        pltpu.sync_copy(sacc.at[pl.ds(r0, RPT)], out_hbm.at[c, pl.ds(r0, RPT)])

    @pl.when(s == NS - 1)
    def _():
        r0 = (NS - 1) * RPT
        pltpu.sync_copy(sacc.at[pl.ds(r0, RPT_LAST)],
                        out_hbm.at[c, pl.ds(r0, RPT_LAST)])


def _dscale(dge_blk, dgo_blk):
    ev = 1.0 + dge_blk[0, 0:1, :] + dge_blk[0, 1:2, :]
    od = 1.0 + dgo_blk[0, 0:1, :] + dgo_blk[0, 1:2, :]
    de = jnp.transpose(lax.rsqrt(ev), (1, 0))
    do = jnp.transpose(lax.rsqrt(od), (1, 0))
    return jnp.concatenate(
        [jnp.broadcast_to(de, (PB, D_H)), jnp.broadcast_to(do, (PB, D_H))],
        axis=1,
    )


def _tc1_body(xp_ref, wd_ref, dge_ref, dgo_ref, y_ref):
    ds_blk = _dscale(dge_ref[...], dgo_ref[...])
    y_ref[...] = jnp.dot(xp_ref[...], wd_ref[...],
                         preferred_element_type=jnp.float32) * ds_blk


_tc1 = pl.pallas_call(
    _tc1_body,
    grid=(GRID,),
    in_specs=[
        pl.BlockSpec((PB, 2 * D_IN), lambda i: (i, 0)),
        pl.BlockSpec((2 * D_IN, 2 * D_H), lambda i: (0, 0)),
        pl.BlockSpec((1, NC, PB), lambda i: (i, 0, 0)),
        pl.BlockSpec((1, NC, PB), lambda i: (i, 0, 0)),
    ],
    out_specs=pl.BlockSpec((PB, 2 * D_H), lambda i: (i, 0)),
    out_shape=jax.ShapeDtypeStruct((HN, 2 * D_H), jnp.float32),
)


def _tc2_body(pq_ref, y1_ref, dge_ref, dgo_ref, b_ref, wd_ref, out_ref):
    ds_blk = _dscale(dge_ref[...], dgo_ref[...])
    s = pq_ref[0] + pq_ref[1] + y1_ref[...]
    h = jnp.maximum(ds_blk * s + b_ref[...], 0.0)
    out_ref[...] = jnp.dot(h, wd_ref[...],
                           preferred_element_type=jnp.float32) * ds_blk


_tc2 = pl.pallas_call(
    _tc2_body,
    grid=(GRID,),
    in_specs=[
        pl.BlockSpec((NC, PB, 2 * D_H), lambda i: (0, i, 0)),
        pl.BlockSpec((PB, 2 * D_H), lambda i: (i, 0)),
        pl.BlockSpec((1, NC, PB), lambda i: (i, 0, 0)),
        pl.BlockSpec((1, NC, PB), lambda i: (i, 0, 0)),
        pl.BlockSpec((1, 2 * D_H), lambda i: (0, 0)),
        pl.BlockSpec((2 * D_H, 2 * D_H), lambda i: (0, 0)),
    ],
    out_specs=pl.BlockSpec((PB, 2 * D_H), lambda i: (i, 0)),
    out_shape=jax.ShapeDtypeStruct((HN, 2 * D_H), jnp.float32),
)


def _tc3_body(qq_ref, y2_ref, dge_ref, dgo_ref, b_ref, be_ref, bo_ref,
              out_ref, acc_ref):
    i = pl.program_id(0)
    ds_blk = _dscale(dge_ref[...], dgo_ref[...])
    o2 = ds_blk * (qq_ref[0] + qq_ref[1] + y2_ref[...]) + b_ref[...]
    ones = jnp.ones((PB, D_H), jnp.float32)
    gid = lax.broadcasted_iota(jnp.int32, (PB, G), 1)
    bce = jnp.transpose(be_ref[0], (1, 0))
    bco = jnp.transpose(bo_ref[0], (1, 0))
    oh_e = (bce == gid).astype(jnp.float32)
    oh_o = (bco == gid).astype(jnp.float32)
    ext_e = jnp.concatenate([o2[:, :D_H], ones], axis=1)
    ext_o = jnp.concatenate([o2[:, D_H:], ones], axis=1)
    dn = (((0,), (0,)), ((), ()))
    part = (lax.dot_general(oh_e, ext_e, dn, preferred_element_type=jnp.float32)
            + lax.dot_general(oh_o, ext_o, dn,
                              preferred_element_type=jnp.float32))

    @pl.when(i == 0)
    def _():
        acc_ref[...] = jnp.zeros_like(acc_ref)

    acc_ref[...] += part

    @pl.when(i == pl.num_programs(0) - 1)
    def _():
        a = acc_ref[...]
        out_ref[...] = a[:, :D_H] / jnp.maximum(a[:, D_H:D_H + 1], 1.0)


_tc3 = pl.pallas_call(
    _tc3_body,
    grid=(GRID,),
    in_specs=[
        pl.BlockSpec((NC, PB, 2 * D_H), lambda i: (0, i, 0)),
        pl.BlockSpec((PB, 2 * D_H), lambda i: (i, 0)),
        pl.BlockSpec((1, NC, PB), lambda i: (i, 0, 0)),
        pl.BlockSpec((1, NC, PB), lambda i: (i, 0, 0)),
        pl.BlockSpec((1, 2 * D_H), lambda i: (0, 0)),
        pl.BlockSpec((1, 1, PB), lambda i: (i, 0, 0)),
        pl.BlockSpec((1, 1, PB), lambda i: (i, 0, 0)),
    ],
    out_specs=pl.BlockSpec((G, D_H), lambda i: (0, 0)),
    out_shape=jax.ShapeDtypeStruct((G, D_H), jnp.float32),
    scratch_shapes=[pltpu.VMEM((G, G), jnp.float32)],
)


def _blockdiag(W):
    z = jnp.zeros_like(W)
    return jnp.concatenate(
        [jnp.concatenate([W, z], axis=1), jnp.concatenate([z, W], axis=1)],
        axis=0,
    )


def kernel(x, edge_index, batch, W1, b1, W2, b2):
    src = edge_index[0].reshape(NW, NCHUNK, K)
    dst = edge_index[1].reshape(NW, NCHUNK, K)
    zdeg = jnp.zeros((N,), jnp.float32)
    zrow = jnp.zeros((N, D_H), jnp.float32)
    xpair = x.reshape(HN, 2 * D_IN)
    W1d = _blockdiag(W1)
    W2d = _blockdiag(W2)
    b1p = jnp.concatenate([b1, b1]).reshape(1, 2 * D_H)
    b2p = jnp.concatenate([b2, b2]).reshape(1, 2 * D_H)
    bev = batch[0::2].reshape(GRID, 1, PB)
    bod = batch[1::2].reshape(GRID, 1, PB)

    dge, dgo = _sc_degree(dst, zdeg)
    y1p = _tc1(xpair, W1d, dge, dgo)
    p = _sc_aggregate(y1p.reshape(N, D_H), src, dst, zrow)
    y2p = _tc2(p.reshape(NC, HN, 2 * D_H), y1p, dge, dgo, b1p, W2d)
    q = _sc_aggregate(y2p.reshape(N, D_H), src, dst, zrow)
    out = _tc3(q.reshape(NC, HN, 2 * D_H), y2p, dge, dgo, b2p, bev, bod)
    return out

# --- scband reference (transcript-rebuilt; emitter-appended) ---
"""Pipeline reference for scband-simple-molecular-gnn-20392504721597 (READ-ONLY COPY).

The authoritative reference and input builder live on the scoring server;
editing this copy changes nothing except your own understanding.
"""

import jax, jax.numpy as jnp
import numpy as np

N = 10000
E = 320000
D_IN = 128
D_H = 64
D_OUT = 64
G = 128  # number of graphs in the batch


def setup_inputs(seed: int = 0) -> dict:
    key = jax.random.key(seed)
    ks = jax.random.split(key, 8)
    x = jax.random.normal(ks[0], (N, D_IN), dtype=jnp.float32)
    edge_index = jax.random.randint(ks[1], (2, E), 0, N, dtype=jnp.int32)
    batch = jnp.sort(jax.random.randint(ks[2], (N,), 0, G, dtype=jnp.int32))
    # GCNConv parameters (glorot-ish scaling)
    W1 = jax.random.normal(ks[3], (D_IN, D_H), dtype=jnp.float32) * (1.0 / np.sqrt(D_IN))
    b1 = jnp.zeros((D_H,), dtype=jnp.float32)
    W2 = jax.random.normal(ks[4], (D_H, D_OUT), dtype=jnp.float32) * (1.0 / np.sqrt(D_H))
    b2 = jnp.zeros((D_OUT,), dtype=jnp.float32)
    return {"x": x, "edge_index": edge_index, "batch": batch, "W1": W1, "b1": b1, "W2": W2, "b2": b2}


def _gcn_conv(x, W, b, edge_index, num_nodes):
    # PyG GCNConv: add self-loops, symmetric normalization D^-1/2 A D^-1/2, then linear + bias
    loop = jnp.arange(num_nodes, dtype=edge_index.dtype)
    src = jnp.concatenate([edge_index[0], loop])
    dst = jnp.concatenate([edge_index[1], loop])
    xw = x @ W
    deg = jnp.zeros((num_nodes,), dtype=jnp.float32).at[dst].add(1.0)
    dinv = 1.0 / jnp.sqrt(jnp.clip(deg, 1.0))
    norm = dinv[src] * dinv[dst]
    msgs = norm[:, None] * jnp.take(xw, src, axis=0)
    out = jnp.zeros((num_nodes, W.shape[1]), dtype=jnp.float32).at[dst].add(msgs)
    return out + b


def reference(x, edge_index, batch, W1, b1, W2, b2):
    h = jax.nn.relu(_gcn_conv(x, W1, b1, edge_index, N))
    # dropout is identity in eval mode
    h = _gcn_conv(h, W2, b2, edge_index, N)
    # global_mean_pool over graph ids
    sums = jax.ops.segment_sum(h, batch, num_segments=G)
    cnt = jax.ops.segment_sum(jnp.ones((N,), dtype=jnp.float32), batch, num_segments=G)
    return sums / jnp.clip(cnt, 1.0)[:, None]

if __name__ == "__main__":
    import jax
    _d = setup_inputs()
    print(jax.jit(kernel)(*tuple(_d.values())))

</pallas_src>

<mosaic_0001>
#map = affine_map<(d0, d1) -> (0, 0)>
#map1 = affine_map<(d0, d1) -> (0, 0, 0)>
module attributes {stable_mosaic.version = 14 : i64} {
  func.func @_sc_aggregate(%arg0: i32, %arg1: i32, %arg2: memref<10000x64xf32, #tpu.memory_space<hbm>>, %arg3: memref<32x125x80xi32, #tpu.memory_space<hbm>>, %arg4: memref<32x125x80xi32, #tpu.memory_space<hbm>>, %arg5: memref<10000x64xf32, #tpu.memory_space<hbm>>, %arg6: memref<2x10000x64xf32, #tpu.memory_space<hbm>>, %arg7: memref<125x80xi32, #tpu.memory_space<vmem>>, %arg8: memref<125x80xi32, #tpu.memory_space<vmem>>, %arg9: memref<10x80x64xf32, #tpu.memory_space<vmem>>, %arg10: memref<10000x64xf32, #tpu.memory_space<vmem_shared>>, %arg11: memref<!tpu.dma_semaphore, #tpu.memory_space<semaphore_mem>>, %arg12: memref<!tpu.dma_semaphore, #tpu.memory_space<semaphore_mem>>, %arg13: memref<!tpu.dma_semaphore, #tpu.memory_space<semaphore_mem>>, %arg14: memref<!tpu.dma_semaphore, #tpu.memory_space<semaphore_mem>>, %arg15: memref<!tpu.dma_semaphore, #tpu.memory_space<semaphore_mem>>, %arg16: memref<!tpu.dma_semaphore, #tpu.memory_space<semaphore_mem>>, %arg17: memref<!tpu.dma_semaphore, #tpu.memory_space<semaphore_mem>>, %arg18: memref<!tpu.dma_semaphore, #tpu.memory_space<semaphore_mem>>, %arg19: memref<!tpu.dma_semaphore, #tpu.memory_space<semaphore_mem>>, %arg20: memref<!tpu.dma_semaphore, #tpu.memory_space<semaphore_mem>>, %arg21: memref<!tpu.dma_semaphore, #tpu.memory_space<semaphore_mem>>, %arg22: memref<!tpu.dma_semaphore, #tpu.memory_space<semaphore_mem>>, %arg23: memref<!tpu.dma_semaphore, #tpu.memory_space<semaphore_mem>>, %arg24: memref<!tpu.dma_semaphore, #tpu.memory_space<semaphore_mem>>, %arg25: memref<!tpu.dma_semaphore, #tpu.memory_space<semaphore_mem>>, %arg26: memref<!tpu.dma_semaphore, #tpu.memory_space<semaphore_mem>>, %arg27: memref<!tpu.dma_semaphore, #tpu.memory_space<semaphore_mem>>, %arg28: memref<!tpu.dma_semaphore, #tpu.memory_space<semaphore_mem>>, %arg29: memref<!tpu.dma_semaphore, #tpu.memory_space<semaphore_mem>>, %arg30: memref<!tpu.dma_semaphore, #tpu.memory_space<semaphore_mem>>) attributes {dimension_semantics = [#tpu.dimension_semantics<core_parallel>, #tpu.dimension_semantics<subcore_parallel>], iteration_bounds = array<i64: 2, 16>, scalar_prefetch = 0 : i64, scratch_operands = 24 : i64, tpu.core_type = #tpu.core_type<sc_vector_subcore>, window_params = [{transform_indices = #map}, {transform_indices = #map1}, {transform_indices = #map1}, {transform_indices = #map}, {transform_indices = #map1}]} {
    %mul3A = arith.constant 16 : i32
    %mul3A_0 = arith.muli %arg0, %mul3A : i32
    %add3A = arith.addi %mul3A_0, %arg1 : i32
    "tpu.region"() ({
      %run_scoped3A = tpu.sem_alloc : memref<!tpu.dma_semaphore, #tpu.memory_space<semaphore_mem>>
      %dma_start3A_321 = arith.constant 0 : i32
      %dma_start3A_322 = arith.constant 0 : i32
      %dma_start3A_323 = tpu.memref_slice %arg3[%add3A, %dma_start3A_321, %dma_start3A_322] : memref<32x125x80xi32, #tpu.memory_space<hbm>> -> memref<1x125x80xi32, #tpu.memory_space<hbm>>
      %dma_start3A_324 = tpu.memref_squeeze %dma_start3A_323 : memref<1x125x80xi32, #tpu.memory_space<hbm>> -> memref<125x80xi32, #tpu.memory_space<hbm>>
      %dma_start3A_325 = arith.constant 0 : i32
      %dma_start3A_326 = arith.constant 0 : i32
      %dma_start3A_327 = tpu.memref_slice %arg3[%add3A, %dma_start3A_325, %dma_start3A_326] : memref<32x125x80xi32, #tpu.memory_space<hbm>> -> memref<1x125x80xi32, #tpu.memory_space<hbm>>
      %dma_start3A_328 = tpu.memref_squeeze %dma_start3A_327 : memref<1x125x80xi32, #tpu.memory_space<hbm>> -> memref<125x80xi32, #tpu.memory_space<hbm>>
      tpu.enqueue_dma source(%dma_start3A_328 : memref<125x80xi32, #tpu.memory_space<hbm>>) target(%arg7 : memref<125x80xi32, #tpu.memory_space<vmem>>) target_semaphore(%run_scoped3A : memref<!tpu.dma_semaphore, #tpu.memory_space<semaphore_mem>>)
      %dma_wait3A_329 = arith.constant 0 : i32
      %dma_wait3A_330 = arith.constant 0 : i32
      %dma_wait3A_331 = tpu.memref_slice %arg3[%add3A, %dma_wait3A_329, %dma_wait3A_330] : memref<32x125x80xi32, #tpu.memory_space<hbm>> -> memref<1x125x80xi32, #tpu.memory_space<hbm>>
      %dma_wait3A_332 = tpu.memref_squeeze %dma_wait3A_331 : memref<1x125x80xi32, #tpu.memory_space<hbm>> -> memref<125x80xi32, #tpu.memory_space<hbm>>
      %dma_wait3A_333 = arith.constant 0 : i32
      %dma_wait3A_334 = arith.constant 0 : i32
      %dma_wait3A_335 = tpu.memref_slice %arg3[%add3A, %dma_wait3A_333, %dma_wait3A_334] : memref<32x125x80xi32, #tpu.memory_space<hbm>> -> memref<1x125x80xi32, #tpu.memory_space<hbm>>
      %dma_wait3A_336 = tpu.memref_squeeze %dma_wait3A_335 : memref<1x125x80xi32, #tpu.memory_space<hbm>> -> memref<125x80xi32, #tpu.memory_space<hbm>>
      tpu.wait_dma2 semaphore(%run_scoped3A : memref<!tpu.dma_semaphore, #tpu.memory_space<semaphore_mem>>) src(%dma_wait3A_336 : memref<125x80xi32, #tpu.memory_space<hbm>>) dst(%arg7 : memref<125x80xi32, #tpu.memory_space<vmem>>)
      tpu.yield
    }) : () -> ()
    "tpu.region"() ({
      %run_scoped3A = tpu.sem_alloc : memref<!tpu.dma_semaphore, #tpu.memory_space<semaphore_mem>>
      %dma_start3A_321 = arith.constant 0 : i32
      %dma_start3A_322 = arith.constant 0 : i32
      %dma_start3A_323 = tpu.memref_slice %arg4[%add3A, %dma_start3A_321, %dma_start3A_322] : memref<32x125x80xi32, #tpu.memory_space<hbm>> -> memref<1x125x80xi32, #tpu.memory_space<hbm>>
      %dma_start3A_324 = tpu.memref_squeeze %dma_start3A_323 : memref<1x125x80xi32, #tpu.memory_space<hbm>> -> memref<125x80xi32, #tpu.memory_space<hbm>>
      %dma_start3A_325 = arith.constant 0 : i32
      %dma_start3A_326 = arith.constant 0 : i32
      %dma_start3A_327 = tpu.memref_slice %arg4[%add3A, %dma_start3A_325, %dma_start3A_326] : memref<32x125x80xi32, #tpu.memory_space<hbm>> -> memref<1x125x80xi32, #tpu.memory_space<hbm>>
      %dma_start3A_328 = tpu.memref_squeeze %dma_start3A_327 : memref<1x125x80xi32, #tpu.memory_space<hbm>> -> memref<125x80xi32, #tpu.memory_space<hbm>>
      tpu.enqueue_dma source(%dma_start3A_328 : memref<125x80xi32, #tpu.memory_space<hbm>>) target(%arg8 : memref<125x80xi32, #tpu.memory_space<vmem>>) target_semaphore(%run_scoped3A : memref<!tpu.dma_semaphore, #tpu.memory_space<semaphore_mem>>)
      %dma_wait3A_329 = arith.constant 0 : i32
      %dma_wait3A_330 = arith.constant 0 : i32
      %dma_wait3A_331 = tpu.memref_slice %arg4[%add3A, %dma_wait3A_329, %dma_wait3A_330] : memref<32x125x80xi32, #tpu.memory_space<hbm>> -> memref<1x125x80xi32, #tpu.memory_space<hbm>>
      %dma_wait3A_332 = tpu.memref_squeeze %dma_wait3A_331 : memref<1x125x80xi32, #tpu.memory_space<hbm>> -> memref<125x80xi32, #tpu.memory_space<hbm>>
      %dma_wait3A_333 = arith.constant 0 : i32
      %dma_wait3A_334 = arith.constant 0 : i32
      %dma_wait3A_335 = tpu.memref_slice %arg4[%add3A, %dma_wait3A_333, %dma_wait3A_334] : memref<32x125x80xi32, #tpu.memory_space<hbm>> -> memref<1x125x80xi32, #tpu.memory_space<hbm>>
      %dma_wait3A_336 = tpu.memref_squeeze %dma_wait3A_335 : memref<1x125x80xi32, #tpu.memory_space<hbm>> -> memref<125x80xi32, #tpu.memory_space<hbm>>
      tpu.wait_dma2 semaphore(%run_scoped3A : memref<!tpu.dma_semaphore, #tpu.memory_space<semaphore_mem>>) src(%dma_wait3A_336 : memref<125x80xi32, #tpu.memory_space<hbm>>) dst(%arg8 : memref<125x80xi32, #tpu.memory_space<vmem>>)
      tpu.yield
    }) : () -> ()
    %lt3A = arith.constant 15 : i32
    %lt3A_1 = arith.cmpi slt, %arg1, %lt3A : i32
    %convert_element_type3A = arith.extui %lt3A_1 : i1 to i32
    %cond3A = arith.constant 0 : i32
    %cond3A_2 = arith.cmpi ne, %convert_element_type3A, %cond3A : i32
    scf.if %cond3A_2 {
      %mul3A_321 = arith.constant 624 : i32
      %mul3A_322 = arith.muli %arg1, %mul3A_321 : i32
      "tpu.region"() ({
        %run_scoped3A = tpu.sem_alloc : memref<!tpu.dma_semaphore, #tpu.memory_space<semaphore_mem>>
        %dma_start3A_323 = arith.constant 0 : i32
        %dma_start3A_324 = tpu.memref_slice %arg10[%mul3A_322, %dma_start3A_323] : memref<10000x64xf32, #tpu.memory_space<vmem_shared>> -> memref<624x64xf32, #tpu.memory_space<vmem_shared>>
        %dma_start3A_325 = arith.constant 0 : i32
        %dma_start3A_326 = tpu.memref_slice %arg5[%mul3A_322, %dma_start3A_325] : memref<10000x64xf32, #tpu.memory_space<hbm>> -> memref<624x64xf32, #tpu.memory_space<hbm>>
        tpu.enqueue_dma source(%dma_start3A_326 : memref<624x64xf32, #tpu.memory_space<hbm>>) target(%dma_start3A_324 : memref<624x64xf32, #tpu.memory_space<vmem_shared>>) target_semaphore(%run_scoped3A : memref<!tpu.dma_semaphore, #tpu.memory_space<semaphore_mem>>)
        %dma_wait3A_327 = arith.constant 0 : i32
        %dma_wait3A_328 = tpu.memref_slice %arg10[%mul3A_322, %dma_wait3A_327] : memref<10000x64xf32, #tpu.memory_space<vmem_shared>> -> memref<624x64xf32, #tpu.memory_space<vmem_shared>>
        %dma_wait3A_329 = arith.constant 0 : i32
        %dma_wait3A_330 = tpu.memref_slice %arg5[%mul3A_322, %dma_wait3A_329] : memref<10000x64xf32, #tpu.memory_space<hbm>> -> memref<624x64xf32, #tpu.memory_space<hbm>>
        tpu.wait_dma2 semaphore(%run_scoped3A : memref<!tpu.dma_semaphore, #tpu.memory_space<semaphore_mem>>) src(%dma_wait3A_330 : memref<624x64xf32, #tpu.memory_space<hbm>>) dst(%dma_wait3A_328 : memref<624x64xf32, #tpu.memory_space<vmem_shared>>)
        tpu.yield
      }) : () -> ()
    } else {
    }
    %eq3A = arith.constant 15 : i32
    %eq3A_3 = arith.cmpi eq, %arg1, %eq3A : i32
    %convert_element_type3A_4 = arith.extui %eq3A_3 : i1 to i32
    %cond3A_5 = arith.constant 0 : i32
    %cond3A_6 = arith.cmpi ne, %convert_element_type3A_4, %cond3A_5 : i32
    scf.if %cond3A_6 {
      "tpu.region"() ({
        %run_scoped3A = tpu.sem_alloc : memref<!tpu.dma_semaphore, #tpu.memory_space<semaphore_mem>>
        %dma_start3A_321 = arith.constant 9360 : i32
        %dma_start3A_322 = arith.constant 0 : i32
        %dma_start3A_323 = tpu.memref_slice %arg10[%dma_start3A_321, %dma_start3A_322] : memref<10000x64xf32, #tpu.memory_space<vmem_shared>> -> memref<640x64xf32, #tpu.memory_space<vmem_shared>>
        %dma_start3A_324 = arith.constant 9360 : i32
        %dma_start3A_325 = arith.constant 0 : i32
        %dma_start3A_326 = tpu.memref_slice %arg5[%dma_start3A_324, %dma_start3A_325] : memref<10000x64xf32, #tpu.memory_space<hbm>> -> memref<640x64xf32, #tpu.memory_space<hbm>>
        tpu.enqueue_dma source(%dma_start3A_326 : memref<640x64xf32, #tpu.memory_space<hbm>>) target(%dma_start3A_323 : memref<640x64xf32, #tpu.memory_space<vmem_shared>>) target_semaphore(%run_scoped3A : memref<!tpu.dma_semaphore, #tpu.memory_space<semaphore_mem>>)
        %dma_wait3A_327 = arith.constant 9360 : i32
        %dma_wait3A_328 = arith.constant 0 : i32
        %dma_wait3A_329 = tpu.memref_slice %arg10[%dma_wait3A_327, %dma_wait3A_328] : memref<10000x64xf32, #tpu.memory_space<vmem_shared>> -> memref<640x64xf32, #tpu.memory_space<vmem_shared>>
        %dma_wait3A_330 = arith.constant 9360 : i32
        %dma_wait3A_331 = arith.constant 0 : i32
        %dma_wait3A_332 = tpu.memref_slice %arg5[%dma_wait3A_330, %dma_wait3A_331] : memref<10000x64xf32, #tpu.memory_space<hbm>> -> memref<640x64xf32, #tpu.memory_space<hbm>>
        tpu.wait_dma2 semaphore(%run_scoped3A : memref<!tpu.dma_semaphore, #tpu.memory_space<semaphore_mem>>) src(%dma_wait3A_332 : memref<640x64xf32, #tpu.memory_space<hbm>>) dst(%dma_wait3A_329 : memref<640x64xf32, #tpu.memory_space<vmem_shared>>)
        tpu.yield
      }) : () -> ()
    } else {
    }
    %barrier3A = arith.constant 0 : index
    tpu.barrier barrier_id(%barrier3A)
    %dma_start3A = arith.constant 0 : i32
    %dma_start3A_7 = arith.constant 0 : i32
    %dma_start3A_8 = arith.constant 0 : i32
    %dma_start3A_9 = arith.constant 0 : i32
    %dma_start3A_10 = tpu.memref_slice %arg9[%dma_start3A_7, %dma_start3A_8, %dma_start3A_9] : memref<10x80x64xf32, #tpu.memory_space<vmem>> -> memref<1x80x64xf32, #tpu.memory_space<vmem>>
    %dma_start3A_11 = tpu.memref_squeeze %dma_start3A_10 : memref<1x80x64xf32, #tpu.memory_space<vmem>> -> memref<80x64xf32, #tpu.memory_space<vmem>>
    %dma_start3A_12 = arith.constant 0 : i32
    %dma_start3A_13 = tpu.memref_slice %arg7[%dma_start3A, %dma_start3A_12] : memref<125x80xi32, #tpu.memory_space<vmem>> -> memref<1x80xi32, #tpu.memory_space<vmem>>
    %dma_start3A_14 = tpu.memref_squeeze %dma_start3A_13 : memref<1x80xi32, #tpu.memory_space<vmem>> -> memref<80xi32, #tpu.memory_space<vmem>>
    %dma_start3A_15 = arith.constant 0 : i32
    %dma_start3A_16 = arith.constant 0 : i32
    %dma_start3A_17 = tpu.memref_slice %arg2[%dma_start3A_15, %dma_start3A_16] : memref<10000x64xf32, #tpu.memory_space<hbm>> -> memref<10000x64xf32, #tpu.memory_space<hbm>>
    tpu.enqueue_indirect_dma source(%dma_start3A_17 : memref<10000x64xf32, #tpu.memory_space<hbm>>) target(%dma_start3A_11 : memref<80x64xf32, #tpu.memory_space<vmem>>) offsets(%dma_start3A_14 : memref<80xi32, #tpu.memory_space<vmem>>) semaphore(%arg11 : memref<!tpu.dma_semaphore, #tpu.memory_space<semaphore_mem>>)
    %dma_start3A_18 = arith.constant 1 : i32
    %dma_start3A_19 = arith.constant 1 : i32
    %dma_start3A_20 = arith.constant 0 : i32
    %dma_start3A_21 = arith.constant 0 : i32
    %dma_start3A_22 = tpu.memref_slice %arg9[%dma_start3A_19, %dma_start3A_20, %dma_start3A_21] : memref<10x80x64xf32, #tpu.memory_space<vmem>> -> memref<1x80x64xf32, #tpu.memory_space<vmem>>
    %dma_start3A_23 = tpu.memref_squeeze %dma_start3A_22 : memref<1x80x64xf32, #tpu.memory_space<vmem>> -> memref<80x64xf32, #tpu.memory_space<vmem>>
    %dma_start3A_24 = arith.constant 0 : i32
    %dma_start3A_25 = tpu.memref_slice %arg7[%dma_start3A_18, %dma_start3A_24] : memref<125x80xi32, #tpu.memory_space<vmem>> -> memref<1x80xi32, #tpu.memory_space<vmem>>
    %dma_start3A_26 = tpu.memref_squeeze %dma_start3A_25 : memref<1x80xi32, #tpu.memory_space<vmem>> -> memref<80xi32, #tpu.memory_space<vmem>>
    %dma_start3A_27 = arith.constant 0 : i32
    %dma_start3A_28 = arith.constant 0 : i32
    %dma_start3A_29 = tpu.memref_slice %arg2[%dma_start3A_27, %dma_start3A_28] : memref<10000x64xf32, #tpu.memory_space<hbm>> -> memref<10000x64xf32, #tpu.memory_space<hbm>>
    tpu.enqueue_indirect_dma source(%dma_start3A_29 : memref<10000x64xf32, #tpu.memory_space<hbm>>) target(%dma_start3A_23 : memref<80x64xf32, #tpu.memory_space<vmem>>) offsets(%dma_start3A_26 : memref<80xi32, #tpu.memory_space<vmem>>) semaphore(%arg12 : memref<!tpu.dma_semaphore, #tpu.memory_space<semaphore_mem>>)
    %dma_start3A_30 = arith.constant 2 : i32
    %dma_start3A_31 = arith.constant 2 : i32
    %dma_start3A_32 = arith.constant 0 : i32
    %dma_start3A_33 = arith.constant 0 : i32
    %dma_start3A_34 = tpu.memref_slice %arg9[%dma_start3A_31, %dma_start3A_32, %dma_start3A_33] : memref<10x80x64xf32, #tpu.memory_space<vmem>> -> memref<1x80x64xf32, #tpu.memory_space<vmem>>
    %dma_start3A_35 = tpu.memref_squeeze %dma_start3A_34 : memref<1x80x64xf32, #tpu.memory_space<vmem>> -> memref<80x64xf32, #tpu.memory_space<vmem>>
    %dma_start3A_36 = arith.constant 0 : i32
    %dma_start3A_37 = tpu.memref_slice %arg7[%dma_start3A_30, %dma_start3A_36] : memref<125x80xi32, #tpu.memory_space<vmem>> -> memref<1x80xi32, #tpu.memory_space<vmem>>
    %dma_start3A_38 = tpu.memref_squeeze %dma_start3A_37 : memref<1x80xi32, #tpu.memory_space<vmem>> -> memref<80xi32, #tpu.memory_space<vmem>>
    %dma_start3A_39 = arith.constant 0 : i32
    %dma_start3A_40 = arith.constant 0 : i32
    %dma_start3A_41 = tpu.memref_slice %arg2[%dma_start3A_39, %dma_start3A_40] : memref<10000x64xf32, #tpu.memory_space<hbm>> -> memref<10000x64xf32, #tpu.memory_space<hbm>>
    tpu.enqueue_indirect_dma source(%dma_start3A_41 : memref<10000x64xf32, #tpu.memory_space<hbm>>) target(%dma_start3A_35 : memref<80x64xf32, #tpu.memory_space<vmem>>) offsets(%dma_start3A_38 : memref<80xi32, #tpu.memory_space<vmem>>) semaphore(%arg13 : memref<!tpu.dma_semaphore, #tpu.memory_space<semaphore_mem>>)
    %dma_start3A_42 = arith.constant 3 : i32
    %dma_start3A_43 = arith.constant 3 : i32
    %dma_start3A_44 = arith.constant 0 : i32
    %dma_start3A_45 = arith.constant 0 : i32
    %dma_start3A_46 = tpu.memref_slice %arg9[%dma_start3A_43, %dma_start3A_44, %dma_start3A_45] : memref<10x80x64xf32, #tpu.memory_space<vmem>> -> memref<1x80x64xf32, #tpu.memory_space<vmem>>
    %dma_start3A_47 = tpu.memref_squeeze %dma_start3A_46 : memref<1x80x64xf32, #tpu.memory_space<vmem>> -> memref<80x64xf32, #tpu.memory_space<vmem>>
    %dma_start3A_48 = arith.constant 0 : i32
    %dma_start3A_49 = tpu.memref_slice %arg7[%dma_start3A_42, %dma_start3A_48] : memref<125x80xi32, #tpu.memory_space<vmem>> -> memref<1x80xi32, #tpu.memory_space<vmem>>
    %dma_start3A_50 = tpu.memref_squeeze %dma_start3A_49 : memref<1x80xi32, #tpu.memory_space<vmem>> -> memref<80xi32, #tpu.memory_space<vmem>>
    %dma_start3A_51 = arith.constant 0 : i32
    %dma_start3A_52 = arith.constant 0 : i32
    %dma_start3A_53 = tpu.memref_slice %arg2[%dma_start3A_51, %dma_start3A_52] : memref<10000x64xf32, #tpu.memory_space<hbm>> -> memref<10000x64xf32, #tpu.memory_space<hbm>>
    tpu.enqueue_indirect_dma source(%dma_start3A_53 : memref<10000x64xf32, #tpu.memory_space<hbm>>) target(%dma_start3A_47 : memref<80x64xf32, #tpu.memory_space<vmem>>) offsets(%dma_start3A_50 : memref<80xi32, #tpu.memory_space<vmem>>) semaphore(%arg14 : memref<!tpu.dma_semaphore, #tpu.memory_space<semaphore_mem>>)
    %dma_start3A_54 = arith.constant 4 : i32
    %dma_start3A_55 = arith.constant 4 : i32
    %dma_start3A_56 = arith.constant 0 : i32
    %dma_start3A_57 = arith.constant 0 : i32
    %dma_start3A_58 = tpu.memref_slice %arg9[%dma_start3A_55, %dma_start3A_56, %dma_start3A_57] : memref<10x80x64xf32, #tpu.memory_space<vmem>> -> memref<1x80x64xf32, #tpu.memory_space<vmem>>
    %dma_start3A_59 = tpu.memref_squeeze %dma_start3A_58 : memref<1x80x64xf32, #tpu.memory_space<vmem>> -> memref<80x64xf32, #tpu.memory_space<vmem>>
    %dma_start3A_60 = arith.constant 0 : i32
    %dma_start3A_61 = tpu.memref_slice %arg7[%dma_start3A_54, %dma_start3A_60] : memref<125x80xi32, #tpu.memory_space<vmem>> -> memref<1x80xi32, #tpu.memory_space<vmem>>
    %dma_start3A_62 = tpu.memref_squeeze %dma_start3A_61 : memref<1x80xi32, #tpu.memory_space<vmem>> -> memref<80xi32, #tpu.memory_space<vmem>>
    %dma_start3A_63 = arith.constant 0 : i32
    %dma_start3A_64 = arith.constant 0 : i32
    %dma_start3A_65 = tpu.memref_slice %arg2[%dma_start3A_63, %dma_start3A_64] : memref<10000x64xf32, #tpu.memory_space<hbm>> -> memref<10000x64xf32, #tpu.memory_space<hbm>>
    tpu.enqueue_indirect_dma source(%dma_start3A_65 : memref<10000x64xf32, #tpu.memory_space<hbm>>) target(%dma_start3A_59 : memref<80x64xf32, #tpu.memory_space<vmem>>) offsets(%dma_start3A_62 : memref<80xi32, #tpu.memory_space<vmem>>) semaphore(%arg15 : memref<!tpu.dma_semaphore, #tpu.memory_space<semaphore_mem>>)
    %dma_start3A_66 = arith.constant 5 : i32
    %dma_start3A_67 = arith.constant 5 : i32
    %dma_start3A_68 = arith.constant 0 : i32
    %dma_start3A_69 = arith.constant 0 : i32
    %dma_start3A_70 = tpu.memref_slice %arg9[%dma_start3A_67, %dma_start3A_68, %dma_start3A_69] : memref<10x80x64xf32, #tpu.memory_space<vmem>> -> memref<1x80x64xf32, #tpu.memory_space<vmem>>
    %dma_start3A_71 = tpu.memref_squeeze %dma_start3A_70 : memref<1x80x64xf32, #tpu.memory_space<vmem>> -> memref<80x64xf32, #tpu.memory_space<vmem>>
    %dma_start3A_72 = arith.constant 0 : i32
    %dma_start3A_73 = tpu.memref_slice %arg7[%dma_start3A_66, %dma_start3A_72] : memref<125x80xi32, #tpu.memory_space<vmem>> -> memref<1x80xi32, #tpu.memory_space<vmem>>
    %dma_start3A_74 = tpu.memref_squeeze %dma_start3A_73 : memref<1x80xi32, #tpu.memory_space<vmem>> -> memref<80xi32, #tpu.memory_space<vmem>>
    %dma_start3A_75 = arith.constant 0 : i32
    %dma_start3A_76 = arith.constant 0 : i32
    %dma_start3A_77 = tpu.memref_slice %arg2[%dma_start3A_75, %dma_start3A_76] : memref<10000x64xf32, #tpu.memory_space<hbm>> -> memref<10000x64xf32, #tpu.memory_space<hbm>>
    tpu.enqueue_indirect_dma source(%dma_start3A_77 : memref<10000x64xf32, #tpu.memory_space<hbm>>) target(%dma_start3A_71 : memref<80x64xf32, #tpu.memory_space<vmem>>) offsets(%dma_start3A_74 : memref<80xi32, #tpu.memory_space<vmem>>) semaphore(%arg16 : memref<!tpu.dma_semaphore, #tpu.memory_space<semaphore_mem>>)
    %dma_start3A_78 = arith.constant 6 : i32
    %dma_start3A_79 = arith.constant 6 : i32
    %dma_start3A_80 = arith.constant 0 : i32
    %dma_start3A_81 = arith.constant 0 : i32
    %dma_start3A_82 = tpu.memref_slice %arg9[%dma_start3A_79, %dma_start3A_80, %dma_start3A_81] : memref<10x80x64xf32, #tpu.memory_space<vmem>> -> memref<1x80x64xf32, #tpu.memory_space<vmem>>
    %dma_start3A_83 = tpu.memref_squeeze %dma_start3A_82 : memref<1x80x64xf32, #tpu.memory_space<vmem>> -> memref<80x64xf32, #tpu.memory_space<vmem>>
    %dma_start3A_84 = arith.constant 0 : i32
    %dma_start3A_85 = tpu.memref_slice %arg7[%dma_start3A_78, %dma_start3A_84] : memref<125x80xi32, #tpu.memory_space<vmem>> -> memref<1x80xi32, #tpu.memory_space<vmem>>
    %dma_start3A_86 = tpu.memref_squeeze %dma_start3A_85 : memref<1x80xi32, #tpu.memory_space<vmem>> -> memref<80xi32, #tpu.memory_space<vmem>>
    %dma_start3A_87 = arith.constant 0 : i32
    %dma_start3A_88 = arith.constant 0 : i32
    %dma_start3A_89 = tpu.memref_slice %arg2[%dma_start3A_87, %dma_start3A_88] : memref<10000x64xf32, #tpu.memory_space<hbm>> -> memref<10000x64xf32, #tpu.memory_space<hbm>>
    tpu.enqueue_indirect_dma source(%dma_start3A_89 : memref<10000x64xf32, #tpu.memory_space<hbm>>) target(%dma_start3A_83 : memref<80x64xf32, #tpu.memory_space<vmem>>) offsets(%dma_start3A_86 : memref<80xi32, #tpu.memory_space<vmem>>) semaphore(%arg17 : memref<!tpu.dma_semaphore, #tpu.memory_space<semaphore_mem>>)
    %dma_start3A_90 = arith.constant 7 : i32
    %dma_start3A_91 = arith.constant 7 : i32
    %dma_start3A_92 = arith.constant 0 : i32
    %dma_start3A_93 = arith.constant 0 : i32
    %dma_start3A_94 = tpu.memref_slice %arg9[%dma_start3A_91, %dma_start3A_92, %dma_start3A_93] : memref<10x80x64xf32, #tpu.memory_space<vmem>> -> memref<1x80x64xf32, #tpu.memory_space<vmem>>
    %dma_start3A_95 = tpu.memref_squeeze %dma_start3A_94 : memref<1x80x64xf32, #tpu.memory_space<vmem>> -> memref<80x64xf32, #tpu.memory_space<vmem>>
    %dma_start3A_96 = arith.constant 0 : i32
    %dma_start3A_97 = tpu.memref_slice %arg7[%dma_start3A_90, %dma_start3A_96] : memref<125x80xi32, #tpu.memory_space<vmem>> -> memref<1x80xi32, #tpu.memory_space<vmem>>
    %dma_start3A_98 = tpu.memref_squeeze %dma_start3A_97 : memref<1x80xi32, #tpu.memory_space<vmem>> -> memref<80xi32, #tpu.memory_space<vmem>>
    %dma_start3A_99 = arith.constant 0 : i32
    %dma_start3A_100 = arith.constant 0 : i32
    %dma_start3A_101 = tpu.memref_slice %arg2[%dma_start3A_99, %dma_start3A_100] : memref<10000x64xf32, #tpu.memory_space<hbm>> -> memref<10000x64xf32, #tpu.memory_space<hbm>>
    tpu.enqueue_indirect_dma source(%dma_start3A_101 : memref<10000x64xf32, #tpu.memory_space<hbm>>) target(%dma_start3A_95 : memref<80x64xf32, #tpu.memory_space<vmem>>) offsets(%dma_start3A_98 : memref<80xi32, #tpu.memory_space<vmem>>) semaphore(%arg18 : memref<!tpu.dma_semaphore, #tpu.memory_space<semaphore_mem>>)
    %dma_start3A_102 = arith.constant 8 : i32
    %dma_start3A_103 = arith.constant 8 : i32
    %dma_start3A_104 = arith.constant 0 : i32
    %dma_start3A_105 = arith.constant 0 : i32
    %dma_start3A_106 = tpu.memref_slice %arg9[%dma_start3A_103, %dma_start3A_104, %dma_start3A_105] : memref<10x80x64xf32, #tpu.memory_space<vmem>> -> memref<1x80x64xf32, #tpu.memory_space<vmem>>
    %dma_start3A_107 = tpu.memref_squeeze %dma_start3A_106 : memref<1x80x64xf32, #tpu.memory_space<vmem>> -> memref<80x64xf32, #tpu.memory_space<vmem>>
    %dma_start3A_108 = arith.constant 0 : i32
    %dma_start3A_109 = tpu.memref_slice %arg7[%dma_start3A_102, %dma_start3A_108] : memref<125x80xi32, #tpu.memory_space<vmem>> -> memref<1x80xi32, #tpu.memory_space<vmem>>
    %dma_start3A_110 = tpu.memref_squeeze %dma_start3A_109 : memref<1x80xi32, #tpu.memory_space<vmem>> -> memref<80xi32, #tpu.memory_space<vmem>>
    %dma_start3A_111 = arith.constant 0 : i32
    %dma_start3A_112 = arith.constant 0 : i32
    %dma_start3A_113 = tpu.memref_slice %arg2[%dma_start3A_111, %dma_start3A_112] : memref<10000x64xf32, #tpu.memory_space<hbm>> -> memref<10000x64xf32, #tpu.memory_space<hbm>>
    tpu.enqueue_indirect_dma source(%dma_start3A_113 : memref<10000x64xf32, #tpu.memory_space<hbm>>) target(%dma_start3A_107 : memref<80x64xf32, #tpu.memory_space<vmem>>) offsets(%dma_start3A_110 : memref<80xi32, #tpu.memory_space<vmem>>) semaphore(%arg19 : memref<!tpu.dma_semaphore, #tpu.memory_space<semaphore_mem>>)
    %dma_start3A_114 = arith.constant 9 : i32
    %dma_start3A_115 = arith.constant 9 : i32
    %dma_start3A_116 = arith.constant 0 : i32
    %dma_start3A_117 = arith.constant 0 : i32
    %dma_start3A_118 = tpu.memref_slice %arg9[%dma_start3A_115, %dma_start3A_116, %dma_start3A_117] : memref<10x80x64xf32, #tpu.memory_space<vmem>> -> memref<1x80x64xf32, #tpu.memory_space<vmem>>
    %dma_start3A_119 = tpu.memref_squeeze %dma_start3A_118 : memref<1x80x64xf32, #tpu.memory_space<vmem>> -> memref<80x64xf32, #tpu.memory_space<vmem>>
    %dma_start3A_120 = arith.constant 0 : i32
    %dma_start3A_121 = tpu.memref_slice %arg7[%dma_start3A_114, %dma_start3A_120] : memref<125x80xi32, #tpu.memory_space<vmem>> -> memref<1x80xi32, #tpu.memory_space<vmem>>
    %dma_start3A_122 = tpu.memref_squeeze %dma_start3A_121 : memref<1x80xi32, #tpu.memory_space<vmem>> -> memref<80xi32, #tpu.memory_space<vmem>>
    %dma_start3A_123 = arith.constant 0 : i32
    %dma_start3A_124 = arith.constant 0 : i32
    %dma_start3A_125 = tpu.memref_slice %arg2[%dma_start3A_123, %dma_start3A_124] : memref<10000x64xf32, #tpu.memory_space<hbm>> -> memref<10000x64xf32, #tpu.memory_space<hbm>>
    tpu.enqueue_indirect_dma source(%dma_start3A_125 : memref<10000x64xf32, #tpu.memory_space<hbm>>) target(%dma_start3A_119 : memref<80x64xf32, #tpu.memory_space<vmem>>) offsets(%dma_start3A_122 : memref<80xi32, #tpu.memory_space<vmem>>) semaphore(%arg20 : memref<!tpu.dma_semaphore, #tpu.memory_space<semaphore_mem>>)
    %scan3A = arith.constant 0 : i32
    %scan3A_126 = arith.constant 0 : i32
    %scan3A_127 = arith.constant 12 : i32
    %scan3A_128 = arith.addi %scan3A_126, %scan3A_127 : i32
    %scan3A_129 = arith.constant 1 : i32
    scf.for %scan3A_321 = %scan3A_126 to %scan3A_128 step %scan3A_129  : i32 {
      %mul3A_322 = arith.constant 2 : i32
      %mul3A_323 = arith.muli %mul3A_322, %scan3A_321 : i32
      %mul3A_324 = arith.constant 5 : i32
      %mul3A_325 = arith.muli %mul3A_323, %mul3A_324 : i32
      %add3A_326 = arith.constant 0 : i32
      %add3A_327 = arith.addi %mul3A_325, %add3A_326 : i32
      %dma_wait3A_328 = arith.constant 0 : i32
      %dma_wait3A_329 = arith.constant 0 : i32
      %dma_wait3A_330 = arith.constant 0 : i32
      %dma_wait3A_331 = tpu.memref_slice %arg9[%dma_wait3A_328, %dma_wait3A_329, %dma_wait3A_330] : memref<10x80x64xf32, #tpu.memory_space<vmem>> -> memref<1x80x64xf32, #tpu.memory_space<vmem>>
      %dma_wait3A_332 = tpu.memref_squeeze %dma_wait3A_331 : memref<1x80x64xf32, #tpu.memory_space<vmem>> -> memref<80x64xf32, #tpu.memory_space<vmem>>
      %dma_wait3A_333 = arith.constant 0 : i32
      %dma_wait3A_334 = tpu.memref_slice %arg7[%add3A_327, %dma_wait3A_333] : memref<125x80xi32, #tpu.memory_space<vmem>> -> memref<1x80xi32, #tpu.memory_space<vmem>>
      %dma_wait3A_335 = tpu.memref_squeeze %dma_wait3A_334 : memref<1x80xi32, #tpu.memory_space<vmem>> -> memref<80xi32, #tpu.memory_space<vmem>>
      %dma_wait3A_336 = arith.constant 0 : i32
      %dma_wait3A_337 = arith.constant 0 : i32
      %dma_wait3A_338 = tpu.memref_slice %arg2[%dma_wait3A_336, %dma_wait3A_337] : memref<10000x64xf32, #tpu.memory_space<hbm>> -> memref<10000x64xf32, #tpu.memory_space<hbm>>
      tpu.wait_indirect_dma semaphore(%arg11 : memref<!tpu.dma_semaphore, #tpu.memory_space<semaphore_mem>>) src(%dma_wait3A_338 : memref<10000x64xf32, #tpu.memory_space<hbm>>) dst(%dma_wait3A_332 : memref<80x64xf32, #tpu.memory_space<vmem>>)
      %mul3A_339 = arith.constant 5 : i32
      %mul3A_340 = arith.muli %mul3A_323, %mul3A_339 : i32
      %add3A_341 = arith.constant 0 : i32
      %add3A_342 = arith.addi %mul3A_340, %add3A_341 : i32
      %dma_start3A_343 = arith.constant 0 : i32
      %dma_start3A_344 = arith.constant 0 : i32
      %dma_start3A_345 = arith.constant 0 : i32
      %dma_start3A_346 = tpu.memref_slice %arg9[%dma_start3A_343, %dma_start3A_344, %dma_start3A_345] : memref<10x80x64xf32, #tpu.memory_space<vmem>> -> memref<1x80x64xf32, #tpu.memory_space<vmem>>
      %dma_start3A_347 = tpu.memref_squeeze %dma_start3A_346 : memref<1x80x64xf32, #tpu.memory_space<vmem>> -> memref<80x64xf32, #tpu.memory_space<vmem>>
      %dma_start3A_348 = arith.constant 0 : i32
      %dma_start3A_349 = tpu.memref_slice %arg8[%add3A_342, %dma_start3A_348] : memref<125x80xi32, #tpu.memory_space<vmem>> -> memref<1x80xi32, #tpu.memory_space<vmem>>
      %dma_start3A_350 = tpu.memref_squeeze %dma_start3A_349 : memref<1x80xi32, #tpu.memory_space<vmem>> -> memref<80xi32, #tpu.memory_space<vmem>>
      %dma_start3A_351 = arith.constant 0 : i32
      %dma_start3A_352 = arith.constant 0 : i32
      %dma_start3A_353 = tpu.memref_slice %arg10[%dma_start3A_351, %dma_start3A_352] : memref<10000x64xf32, #tpu.memory_space<vmem_shared>> -> memref<10000x64xf32, #tpu.memory_space<vmem_shared>>
      tpu.enqueue_indirect_dma source(%dma_start3A_347 : memref<80x64xf32, #tpu.memory_space<vmem>>) target(%dma_start3A_353 : memref<10000x64xf32, #tpu.memory_space<vmem_shared>>) offsets(%dma_start3A_350 : memref<80xi32, #tpu.memory_space<vmem>>) semaphore(%arg21 : memref<!tpu.dma_semaphore, #tpu.memory_space<semaphore_mem>>) {add = true}
      %mul3A_354 = arith.constant 5 : i32
      %mul3A_355 = arith.muli %mul3A_323, %mul3A_354 : i32
      %add3A_356 = arith.constant 1 : i32
      %add3A_357 = arith.addi %mul3A_355, %add3A_356 : i32
      %dma_wait3A_358 = arith.constant 1 : i32
      %dma_wait3A_359 = arith.constant 0 : i32
      %dma_wait3A_360 = arith.constant 0 : i32
      %dma_wait3A_361 = tpu.memref_slice %arg9[%dma_wait3A_358, %dma_wait3A_359, %dma_wait3A_360] : memref<10x80x64xf32, #tpu.memory_space<vmem>> -> memref<1x80x64xf32, #tpu.memory_space<vmem>>
      %dma_wait3A_362 = tpu.memref_squeeze %dma_wait3A_361 : memref<1x80x64xf32, #tpu.memory_space<vmem>> -> memref<80x64xf32, #tpu.memory_space<vmem>>
      %dma_wait3A_363 = arith.constant 0 : i32
      %dma_wait3A_364 = tpu.memref_slice %arg7[%add3A_357, %dma_wait3A_363] : memref<125x80xi32, #tpu.memory_space<vmem>> -> memref<1x80xi32, #tpu.memory_space<vmem>>
      %dma_wait3A_365 = tpu.memref_squeeze %dma_wait3A_364 : memref<1x80xi32, #tpu.memory_space<vmem>> -> memref<80xi32, #tpu.memory_space<vmem>>
      %dma_wait3A_366 = arith.constant 0 : i32
      %dma_wait3A_367 = arith.constant 0 : i32
      %dma_wait3A_368 = tpu.memref_slice %arg2[%dma_wait3A_366, %dma_wait3A_367] : memref<10000x64xf32, #tpu.memory_space<hbm>> -> memref<10000x64xf32, #tpu.memory_space<hbm>>
      tpu.wait_indirect_dma semaphore(%arg12 : memref<!tpu.dma_semaphore, #tpu.memory_space<semaphore_mem>>) src(%dma_wait3A_368 : memref<10000x64xf32, #tpu.memory_space<hbm>>) dst(%dma_wait3A_362 : memref<80x64xf32, #tpu.memory_space<vmem>>)
      %mul3A_369 = arith.constant 5 : i32
      %mul3A_370 = arith.muli %mul3A_323, %mul3A_369 : i32
      %add3A_371 = arith.constant 1 : i32
      %add3A_372 = arith.addi %mul3A_370, %add3A_371 : i32
      %dma_start3A_373 = arith.constant 1 : i32
      %dma_start3A_374 = arith.constant 0 : i32
      %dma_start3A_375 = arith.constant 0 : i32
      %dma_start3A_376 = tpu.memref_slice %arg9[%dma_start3A_373, %dma_start3A_374, %dma_start3A_375] : memref<10x80x64xf32, #tpu.memory_space<vmem>> -> memref<1x80x64xf32, #tpu.memory_space<vmem>>
      %dma_start3A_377 = tpu.memref_squeeze %dma_start3A_376 : memref<1x80x64xf32, #tpu.memory_space<vmem>> -> memref<80x64xf32, #tpu.memory_space<vmem>>
      %dma_start3A_378 = arith.constant 0 : i32
      %dma_start3A_379 = tpu.memref_slice %arg8[%add3A_372, %dma_start3A_378] : memref<125x80xi32, #tpu.memory_space<vmem>> -> memref<1x80xi32, #tpu.memory_space<vmem>>
      %dma_start3A_380 = tpu.memref_squeeze %dma_start3A_379 : memref<1x80xi32, #tpu.memory_space<vmem>> -> memref<80xi32, #tpu.memory_space<vmem>>
      %dma_start3A_381 = arith.constant 0 : i32
      %dma_start3A_382 = arith.constant 0 : i32
      %dma_start3A_383 = tpu.memref_slice %arg10[%dma_start3A_381, %dma_start3A_382] : memref<10000x64xf32, #tpu.memory_space<vmem_shared>> -> memref<10000x64xf32, #tpu.memory_space<vmem_shared>>
      tpu.enqueue_indirect_dma source(%dma_start3A_377 : memref<80x64xf32, #tpu.memory_space<vmem>>) target(%dma_start3A_383 : memref<10000x64xf32, #tpu.memory_space<vmem_shared>>) offsets(%dma_start3A_380 : memref<80xi32, #tpu.memory_space<vmem>>) semaphore(%arg22 : memref<!tpu.dma_semaphore, #tpu.memory_space<semaphore_mem>>) {add = true}
      %mul3A_384 = arith.constant 5 : i32
      %mul3A_385 = arith.muli %mul3A_323, %mul3A_384 : i32
      %add3A_386 = arith.constant 2 : i32
      %add3A_387 = arith.addi %mul3A_385, %add3A_386 : i32
      %dma_wait3A_388 = arith.constant 2 : i32
      %dma_wait3A_389 = arith.constant 0 : i32
      %dma_wait3A_390 = arith.constant 0 : i32
      %dma_wait3A_391 = tpu.memref_slice %arg9[%dma_wait3A_388, %dma_wait3A_389, %dma_wait3A_390] : memref<10x80x64xf32, #tpu.memory_space<vmem>> -> memref<1x80x64xf32, #tpu.memory_space<vmem>>
      %dma_wait3A_392 = tpu.memref_squeeze %dma_wait3A_391 : memref<1x80x64xf32, #tpu.memory_space<vmem>> -> memref<80x64xf32, #tpu.memory_space<vmem>>
      %dma_wait3A_393 = arith.constant 0 : i32
      %dma_wait3A_394 = tpu.memref_slice %arg7[%add3A_387, %dma_wait3A_393] : memref<125x80xi32, #tpu.memory_space<vmem>> -> memref<1x80xi32, #tpu.memory_space<vmem>>
      %dma_wait3A_395 = tpu.memref_squeeze %dma_wait3A_394 : memref<1x80xi32, #tpu.memory_space<vmem>> -> memref<80xi32, #tpu.memory_space<vmem>>
      %dma_wait3A_396 = arith.constant 0 : i32
      %dma_wait3A_397 = arith.constant 0 : i32
      %dma_wait3A_398 = tpu.memref_slice %arg2[%dma_wait3A_396, %dma_wait3A_397] : memref<10000x64xf32, #tpu.memory_space<hbm>> -> memref<10000x64xf32, #tpu.memory_space<hbm>>
      tpu.wait_indirect_dma semaphore(%arg13 : memref<!tpu.dma_semaphore, #tpu.memory_space<semaphore_mem>>) src(%dma_wait3A_398 : memref<10000x64xf32, #tpu.memory_space<hbm>>) dst(%dma_wait3A_392 : memref<80x64xf32, #tpu.memory_space<vmem>>)
      %mul3A_399 = arith.constant 5 : i32
      %mul3A_400 = arith.muli %mul3A_323, %mul3A_399 : i32
      %add3A_401 = arith.constant 2 : i32
      %add3A_402 = arith.addi %mul3A_400, %add3A_401 : i32
      %dma_start3A_403 = arith.constant 2 : i32
      %dma_start3A_404 = arith.constant 0 : i32
      %dma_start3A_405 = arith.constant 0 : i32
      %dma_start3A_406 = tpu.memref_slice %arg9[%dma_start3A_403, %dma_start3A_404, %dma_start3A_405] : memref<10x80x64xf32, #tpu.memory_space<vmem>> -> memref<1x80x64xf32, #tpu.memory_space<vmem>>
      %dma_start3A_407 = tpu.memref_squeeze %dma_start3A_406 : memref<1x80x64xf32, #tpu.memory_space<vmem>> -> memref<80x64xf32, #tpu.memory_space<vmem>>
      %dma_start3A_408 = arith.constant 0 : i32
      %dma_start3A_409 = tpu.memref_slice %arg8[%add3A_402, %dma_start3A_408] : memref<125x80xi32, #tpu.memory_space<vmem>> -> memref<1x80xi32, #tpu.memory_space<vmem>>
      %dma_start3A_410 = tpu.memref_squeeze %dma_start3A_409 : memref<1x80xi32, #tpu.memory_space<vmem>> -> memref<80xi32, #tpu.memory_space<vmem>>
      %dma_start3A_411 = arith.constant 0 : i32
      %dma_start3A_412 = arith.constant 0 : i32
      %dma_start3A_413 = tpu.memref_slice %arg10[%dma_start3A_411, %dma_start3A_412] : memref<10000x64xf32, #tpu.memory_space<vmem_shared>> -> memref<10000x64xf32, #tpu.memory_space<vmem_shared>>
      tpu.enqueue_indirect_dma source(%dma_start3A_407 : memref<80x64xf32, #tpu.memory_space<vmem>>) target(%dma_start3A_413 : memref<10000x64xf32, #tpu.memory_space<vmem_shared>>) offsets(%dma_start3A_410 : memref<80xi32, #tpu.memory_space<vmem>>) semaphore(%arg23 : memref<!tpu.dma_semaphore, #tpu.memory_space<semaphore_mem>>) {add = true}
      %mul3A_414 = arith.constant 5 : i32
      %mul3A_415 = arith.muli %mul3A_323, %mul3A_414 : i32
      %add3A_416 = arith.constant 3 : i32
      %add3A_417 = arith.addi %mul3A_415, %add3A_416 : i32
      %dma_wait3A_418 = arith.constant 3 : i32
      %dma_wait3A_419 = arith.constant 0 : i32
      %dma_wait3A_420 = arith.constant 0 : i32
      %dma_wait3A_421 = tpu.memref_slice %arg9[%dma_wait3A_418, %dma_wait3A_419, %dma_wait3A_420] : memref<10x80x64xf32, #tpu.memory_space<vmem>> -> memref<1x80x64xf32, #tpu.memory_space<vmem>>
      %dma_wait3A_422 = tpu.memref_squeeze %dma_wait3A_421 : memref<1x80x64xf32, #tpu.memory_space<vmem>> -> memref<80x64xf32, #tpu.memory_space<vmem>>
      %dma_wait3A_423 = arith.constant 0 : i32
      %dma_wait3A_424 = tpu.memref_slice %arg7[%add3A_417, %dma_wait3A_423] : memref<125x80xi32, #tpu.memory_space<vmem>> -> memref<1x80xi32, #tpu.memory_space<vmem>>
      %dma_wait3A_425 = tpu.memref_squeeze %dma_wait3A_424 : memref<1x80xi32, #tpu.memory_space<vmem>> -> memref<80xi32, #tpu.memory_space<vmem>>
      %dma_wait3A_426 = arith.constant 0 : i32
      %dma_wait3A_427 = arith.constant 0 : i32
      %dma_wait3A_428 = tpu.memref_slice %arg2[%dma_wait3A_426, %dma_wait3A_427] : memref<10000x64xf32, #tpu.memory_space<hbm>> -> memref<10000x64xf32, #tpu.memory_space<hbm>>
      tpu.wait_indirect_dma semaphore(%arg14 : memref<!tpu.dma_semaphore, #tpu.memory_space<semaphore_mem>>) src(%dma_wait3A_428 : memref<10000x64xf32, #tpu.memory_space<hbm>>) dst(%dma_wait3A_422 : memref<80x64xf32, #tpu.memory_space<vmem>>)
      %mul3A_429 = arith.constant 5 : i32
      %mul3A_430 = arith.muli %mul3A_323, %mul3A_429 : i32
      %add3A_431 = arith.constant 3 : i32
      %add3A_432 = arith.addi %mul3A_430, %add3A_431 : i32
      %dma_start3A_433 = arith.constant 3 : i32
      %dma_start3A_434 = arith.constant 0 : i32
      %dma_start3A_435 = arith.constant 0 : i32
      %dma_start3A_436 = tpu.memref_slice %arg9[%dma_start3A_433, %dma_start3A_434, %dma_start3A_435] : memref<10x80x64xf32, #tpu.memory_space<vmem>> -> memref<1x80x64xf32, #tpu.memory_space<vmem>>
      %dma_start3A_437 = tpu.memref_squeeze %dma_start3A_436 : memref<1x80x64xf32, #tpu.memory_space<vmem>> -> memref<80x64xf32, #tpu.memory_space<vmem>>
      %dma_start3A_438 = arith.constant 0 : i32
      %dma_start3A_439 = tpu.memref_slice %arg8[%add3A_432, %dma_start3A_438] : memref<125x80xi32, #tpu.memory_space<vmem>> -> memref<1x80xi32, #tpu.memory_space<vmem>>
      %dma_start3A_440 = tpu.memref_squeeze %dma_start3A_439 : memref<1x80xi32, #tpu.memory_space<vmem>> -> memref<80xi32, #tpu.memory_space<vmem>>
      %dma_start3A_441 = arith.constant 0 : i32
      %dma_start3A_442 = arith.constant 0 : i32
      %dma_start3A_443 = tpu.memref_slice %arg10[%dma_start3A_441, %dma_start3A_442] : memref<10000x64xf32, #tpu.memory_space<vmem_shared>> -> memref<10000x64xf32, #tpu.memory_space<vmem_shared>>
      tpu.enqueue_indirect_dma source(%dma_start3A_437 : memref<80x64xf32, #tpu.memory_space<vmem>>) target(%dma_start3A_443 : memref<10000x64xf32, #tpu.memory_space<vmem_shared>>) offsets(%dma_start3A_440 : memref<80xi32, #tpu.memory_space<vmem>>) semaphore(%arg24 : memref<!tpu.dma_semaphore, #tpu.memory_space<semaphore_mem>>) {add = true}
      %mul3A_444 = arith.constant 5 : i32
      %mul3A_445 = arith.muli %mul3A_323, %mul3A_444 : i32
      %add3A_446 = arith.constant 4 : i32
      %add3A_447 = arith.addi %mul3A_445, %add3A_446 : i32
      %dma_wait3A_448 = arith.constant 4 : i32
      %dma_wait3A_449 = arith.constant 0 : i32
      %dma_wait3A_450 = arith.constant 0 : i32
      %dma_wait3A_451 = tpu.memref_slice %arg9[%dma_wait3A_448, %dma_wait3A_449, %dma_wait3A_450] : memref<10x80x64xf32, #tpu.memory_space<vmem>> -> memref<1x80x64xf32, #tpu.memory_space<vmem>>
      %dma_wait3A_452 = tpu.memref_squeeze %dma_wait3A_451 : memref<1x80x64xf32, #tpu.memory_space<vmem>> -> memref<80x64xf32, #tpu.memory_space<vmem>>
      %dma_wait3A_453 = arith.constant 0 : i32
      %dma_wait3A_454 = tpu.memref_slice %arg7[%add3A_447, %dma_wait3A_453] : memref<125x80xi32, #tpu.memory_space<vmem>> -> memref<1x80xi32, #tpu.memory_space<vmem>>
      %dma_wait3A_455 = tpu.memref_squeeze %dma_wait3A_454 : memref<1x80xi32, #tpu.memory_space<vmem>> -> memref<80xi32, #tpu.memory_space<vmem>>
      %dma_wait3A_456 = arith.constant 0 : i32
      %dma_wait3A_457 = arith.constant 0 : i32
      %dma_wait3A_458 = tpu.memref_slice %arg2[%dma_wait3A_456, %dma_wait3A_457] : memref<10000x64xf32, #tpu.memory_space<hbm>> -> memref<10000x64xf32, #tpu.memory_space<hbm>>
      tpu.wait_indirect_dma semaphore(%arg15 : memref<!tpu.dma_semaphore, #tpu.memory_space<semaphore_mem>>) src(%dma_wait3A_458 : memref<10000x64xf32, #tpu.memory_space<hbm>>) dst(%dma_wait3A_452 : memref<80x64xf32, #tpu.memory_space<vmem>>)
      %mul3A_459 = arith.constant 5 : i32
      %mul3A_460 = arith.muli %mul3A_323, %mul3A_459 : i32
      %add3A_461 = arith.constant 4 : i32
      %add3A_462 = arith.addi %mul3A_460, %add3A_461 : i32
      %dma_start3A_463 = arith.constant 4 : i32
      %dma_start3A_464 = arith.constant 0 : i32
      %dma_start3A_465 = arith.constant 0 : i32
      %dma_start3A_466 = tpu.memref_slice %arg9[%dma_start3A_463, %dma_start3A_464, %dma_start3A_465] : memref<10x80x64xf32, #tpu.memory_space<vmem>> -> memref<1x80x64xf32, #tpu.memory_space<vmem>>
      %dma_start3A_467 = tpu.memref_squeeze %dma_start3A_466 : memref<1x80x64xf32, #tpu.memory_space<vmem>> -> memref<80x64xf32, #tpu.memory_space<vmem>>
      %dma_start3A_468 = arith.constant 0 : i32
      %dma_start3A_469 = tpu.memref_slice %arg8[%add3A_462, %dma_start3A_468] : memref<125x80xi32, #tpu.memory_space<vmem>> -> memref<1x80xi32, #tpu.memory_space<vmem>>
      %dma_start3A_470 = tpu.memref_squeeze %dma_start3A_469 : memref<1x80xi32, #tpu.memory_space<vmem>> -> memref<80xi32, #tpu.memory_space<vmem>>
      %dma_start3A_471 = arith.constant 0 : i32
      %dma_start3A_472 = arith.constant 0 : i32
      %dma_start3A_473 = tpu.memref_slice %arg10[%dma_start3A_471, %dma_start3A_472] : memref<10000x64xf32, #tpu.memory_space<vmem_shared>> -> memref<10000x64xf32, #tpu.memory_space<vmem_shared>>
      tpu.enqueue_indirect_dma source(%dma_start3A_467 : memref<80x64xf32, #tpu.memory_space<vmem>>) target(%dma_start3A_473 : memref<10000x64xf32, #tpu.memory_space<vmem_shared>>) offsets(%dma_start3A_470 : memref<80xi32, #tpu.memory_space<vmem>>) semaphore(%arg25 : memref<!tpu.dma_semaphore, #tpu.memory_space<semaphore_mem>>) {add = true}
      %dma_wait3A_474 = arith.constant 0 : i32
      %dma_wait3A_475 = arith.constant 0 : i32
      %dma_wait3A_476 = arith.constant 0 : i32
      %dma_wait3A_477 = tpu.memref_slice %arg9[%dma_wait3A_474, %dma_wait3A_475, %dma_wait3A_476] : memref<10x80x64xf32, #tpu.memory_space<vmem>> -> memref<1x80x64xf32, #tpu.memory_space<vmem>>
      %dma_wait3A_478 = tpu.memref_squeeze %dma_wait3A_477 : memref<1x80x64xf32, #tpu.memory_space<vmem>> -> memref<80x64xf32, #tpu.memory_space<vmem>>
      %dma_wait3A_479 = arith.constant 0 : i32
      %dma_wait3A_480 = tpu.memref_slice %arg8[%add3A_342, %dma_wait3A_479] : memref<125x80xi32, #tpu.memory_space<vmem>> -> memref<1x80xi32, #tpu.memory_space<vmem>>
      %dma_wait3A_481 = tpu.memref_squeeze %dma_wait3A_480 : memref<1x80xi32, #tpu.memory_space<vmem>> -> memref<80xi32, #tpu.memory_space<vmem>>
      %dma_wait3A_482 = arith.constant 0 : i32
      %dma_wait3A_483 = arith.constant 0 : i32
      %dma_wait3A_484 = tpu.memref_slice %arg10[%dma_wait3A_482, %dma_wait3A_483] : memref<10000x64xf32, #tpu.memory_space<vmem_shared>> -> memref<10000x64xf32, #tpu.memory_space<vmem_shared>>
      tpu.wait_indirect_dma semaphore(%arg21 : memref<!tpu.dma_semaphore, #tpu.memory_space<semaphore_mem>>) src(%dma_wait3A_478 : memref<80x64xf32, #tpu.memory_space<vmem>>) dst(%dma_wait3A_484 : memref<10000x64xf32, #tpu.memory_space<vmem_shared>>)
      %add3A_485 = arith.constant 2 : i32
      %add3A_486 = arith.addi %mul3A_323, %add3A_485 : i32
      %lt3A_487 = arith.constant 25 : i32
      %lt3A_488 = arith.cmpi slt, %add3A_486, %lt3A_487 : i32
      %convert_element_type3A_489 = arith.extui %lt3A_488 : i1 to i32
      %cond3A_490 = arith.constant 0 : i32
      %cond3A_491 = arith.cmpi ne, %convert_element_type3A_489, %cond3A_490 : i32
      scf.if %cond3A_491 {
        %add3A_808 = arith.constant 2 : i32
        %add3A_809 = arith.addi %mul3A_323, %add3A_808 : i32
        %mul3A_810 = arith.constant 5 : i32
        %mul3A_811 = arith.muli %add3A_809, %mul3A_810 : i32
        %add3A_812 = arith.constant 0 : i32
        %add3A_813 = arith.addi %mul3A_811, %add3A_812 : i32
        %dma_start3A_814 = arith.constant 0 : i32
        %dma_start3A_815 = arith.constant 0 : i32
        %dma_start3A_816 = arith.constant 0 : i32
        %dma_start3A_817 = tpu.memref_slice %arg9[%dma_start3A_814, %dma_start3A_815, %dma_start3A_816] : memref<10x80x64xf32, #tpu.memory_space<vmem>> -> memref<1x80x64xf32, #tpu.memory_space<vmem>>
        %dma_start3A_818 = tpu.memref_squeeze %dma_start3A_817 : memref<1x80x64xf32, #tpu.memory_space<vmem>> -> memref<80x64xf32, #tpu.memory_space<vmem>>
        %dma_start3A_819 = arith.constant 0 : i32
        %dma_start3A_820 = tpu.memref_slice %arg7[%add3A_813, %dma_start3A_819] : memref<125x80xi32, #tpu.memory_space<vmem>> -> memref<1x80xi32, #tpu.memory_space<vmem>>
        %dma_start3A_821 = tpu.memref_squeeze %dma_start3A_820 : memref<1x80xi32, #tpu.memory_space<vmem>> -> memref<80xi32, #tpu.memory_space<vmem>>
        %dma_start3A_822 = arith.constant 0 : i32
        %dma_start3A_823 = arith.constant 0 : i32
        %dma_start3A_824 = tpu.memref_slice %arg2[%dma_start3A_822, %dma_start3A_823] : memref<10000x64xf32, #tpu.memory_space<hbm>> -> memref<10000x64xf32, #tpu.memory_space<hbm>>
        tpu.enqueue_indirect_dma source(%dma_start3A_824 : memref<10000x64xf32, #tpu.memory_space<hbm>>) target(%dma_start3A_818 : memref<80x64xf32, #tpu.memory_space<vmem>>) offsets(%dma_start3A_821 : memref<80xi32, #tpu.memory_space<vmem>>) semaphore(%arg11 : memref<!tpu.dma_semaphore, #tpu.memory_space<semaphore_mem>>)
      } else {
      }
      %dma_wait3A_492 = arith.constant 1 : i32
      %dma_wait3A_493 = arith.constant 0 : i32
      %dma_wait3A_494 = arith.constant 0 : i32
      %dma_wait3A_495 = tpu.memref_slice %arg9[%dma_wait3A_492, %dma_wait3A_493, %dma_wait3A_494] : memref<10x80x64xf32, #tpu.memory_space<vmem>> -> memref<1x80x64xf32, #tpu.memory_space<vmem>>
      %dma_wait3A_496 = tpu.memref_squeeze %dma_wait3A_495 : memref<1x80x64xf32, #tpu.memory_space<vmem>> -> memref<80x64xf32, #tpu.memory_space<vmem>>
      %dma_wait3A_497 = arith.constant 0 : i32
      %dma_wait3A_498 = tpu.memref_slice %arg8[%add3A_372, %dma_wait3A_497] : memref<125x80xi32, #tpu.memory_space<vmem>> -> memref<1x80xi32, #tpu.memory_space<vmem>>
      %dma_wait3A_499 = tpu.memref_squeeze %dma_wait3A_498 : memref<1x80xi32, #tpu.memory_space<vmem>> -> memref<80xi32, #tpu.memory_space<vmem>>
      %dma_wait3A_500 = arith.constant 0 : i32
      %dma_wait3A_501 = arith.constant 0 : i32
      %dma_wait3A_502 = tpu.memref_slice %arg10[%dma_wait3A_500, %dma_wait3A_501] : memref<10000x64xf32, #tpu.memory_space<vmem_shared>> -> memref<10000x64xf32, #tpu.memory_space<vmem_shared>>
      tpu.wait_indirect_dma semaphore(%arg22 : memref<!tpu.dma_semaphore, #tpu.memory_space<semaphore_mem>>) src(%dma_wait3A_496 : memref<80x64xf32, #tpu.memory_space<vmem>>) dst(%dma_wait3A_502 : memref<10000x64xf32, #tpu.memory_space<vmem_shared>>)
      %add3A_503 = arith.constant 2 : i32
      %add3A_504 = arith.addi %mul3A_323, %add3A_503 : i32
      %lt3A_505 = arith.constant 25 : i32
      %lt3A_506 = arith.cmpi slt, %add3A_504, %lt3A_505 : i32
      %convert_element_type3A_507 = arith.extui %lt3A_506 : i1 to i32
      %cond3A_508 = arith.constant 0 : i32
      %cond3A_509 = arith.cmpi ne, %convert_element_type3A_507, %cond3A_508 : i32
      scf.if %cond3A_509 {
        %add3A_808 = arith.constant 2 : i32
        %add3A_809 = arith.addi %mul3A_323, %add3A_808 : i32
        %mul3A_810 = arith.constant 5 : i32
        %mul3A_811 = arith.muli %add3A_809, %mul3A_810 : i32
        %add3A_812 = arith.constant 1 : i32
        %add3A_813 = arith.addi %mul3A_811, %add3A_812 : i32
        %dma_start3A_814 = arith.constant 1 : i32
        %dma_start3A_815 = arith.constant 0 : i32
        %dma_start3A_816 = arith.constant 0 : i32
        %dma_start3A_817 = tpu.memref_slice %arg9[%dma_start3A_814, %dma_start3A_815, %dma_start3A_816] : memref<10x80x64xf32, #tpu.memory_space<vmem>> -> memref<1x80x64xf32, #tpu.memory_space<vmem>>
        %dma_start3A_818 = tpu.memref_squeeze %dma_start3A_817 : memref<1x80x64xf32, #tpu.memory_space<vmem>> -> memref<80x64xf32, #tpu.memory_space<vmem>>
        %dma_start3A_819 = arith.constant 0 : i32
        %dma_start3A_820 = tpu.memref_slice %arg7[%add3A_813, %dma_start3A_819] : memref<125x80xi32, #tpu.memory_space<vmem>> -> memref<1x80xi32, #tpu.memory_space<vmem>>
        %dma_start3A_821 = tpu.memref_squeeze %dma_start3A_820 : memref<1x80xi32, #tpu.memory_space<vmem>> -> memref<80xi32, #tpu.memory_space<vmem>>
        %dma_start3A_822 = arith.constant 0 : i32
        %dma_start3A_823 = arith.constant 0 : i32
        %dma_start3A_824 = tpu.memref_slice %arg2[%dma_start3A_822, %dma_start3A_823] : memref<10000x64xf32, #tpu.memory_space<hbm>> -> memref<10000x64xf32, #tpu.memory_space<hbm>>
        tpu.enqueue_indirect_dma source(%dma_start3A_824 : memref<10000x64xf32, #tpu.memory_space<hbm>>) target(%dma_start3A_818 : memref<80x64xf32, #tpu.memory_space<vmem>>) offsets(%dma_start3A_821 : memref<80xi32, #tpu.memory_space<vmem>>) semaphore(%arg12 : memref<!tpu.dma_semaphore, #tpu.memory_space<semaphore_mem>>)
      } else {
      }
      %dma_wait3A_510 = arith.constant 2 : i32
      %dma_wait3A_511 = arith.constant 0 : i32
      %dma_wait3A_512 = arith.constant 0 : i32
      %dma_wait3A_513 = tpu.memref_slice %arg9[%dma_wait3A_510, %dma_wait3A_511, %dma_wait3A_512] : memref<10x80x64xf32, #tpu.memory_space<vmem>> -> memref<1x80x64xf32, #tpu.memory_space<vmem>>
      %dma_wait3A_514 = tpu.memref_squeeze %dma_wait3A_513 : memref<1x80x64xf32, #tpu.memory_space<vmem>> -> memref<80x64xf32, #tpu.memory_space<vmem>>
      %dma_wait3A_515 = arith.constant 0 : i32
      %dma_wait3A_516 = tpu.memref_slice %arg8[%add3A_402, %dma_wait3A_515] : memref<125x80xi32, #tpu.memory_space<vmem>> -> memref<1x80xi32, #tpu.memory_space<vmem>>
      %dma_wait3A_517 = tpu.memref_squeeze %dma_wait3A_516 : memref<1x80xi32, #tpu.memory_space<vmem>> -> memref<80xi32, #tpu.memory_space<vmem>>
      %dma_wait3A_518 = arith.constant 0 : i32
      %dma_wait3A_519 = arith.constant 0 : i32
      %dma_wait3A_520 = tpu.memref_slice %arg10[%dma_wait3A_518, %dma_wait3A_519] : memref<10000x64xf32, #tpu.memory_space<vmem_shared>> -> memref<10000x64xf32, #tpu.memory_space<vmem_shared>>
      tpu.wait_indirect_dma semaphore(%arg23 : memref<!tpu.dma_semaphore, #tpu.memory_space<semaphore_mem>>) src(%dma_wait3A_514 : memref<80x64xf32, #tpu.memory_space<vmem>>) dst(%dma_wait3A_520 : memref<10000x64xf32, #tpu.memory_space<vmem_shared>>)
      %add3A_521 = arith.constant 2 : i32
      %add3A_522 = arith.addi %mul3A_323, %add3A_521 : i32
      %lt3A_523 = arith.constant 25 : i32
      %lt3A_524 = arith.cmpi slt, %add3A_522, %lt3A_523 : i32
      %convert_element_type3A_525 = arith.extui %lt3A_524 : i1 to i32
      %cond3A_526 = arith.constant 0 : i32
      %cond3A_527 = arith.cmpi ne, %convert_element_type3A_525, %cond3A_526 : i32
      scf.if %cond3A_527 {
        %add3A_808 = arith.constant 2 : i32
        %add3A_809 = arith.addi %mul3A_323, %add3A_808 : i32
        %mul3A_810 = arith.constant 5 : i32
        %mul3A_811 = arith.muli %add3A_809, %mul3A_810 : i32
        %add3A_812 = arith.constant 2 : i32
        %add3A_813 = arith.addi %mul3A_811, %add3A_812 : i32
        %dma_start3A_814 = arith.constant 2 : i32
        %dma_start3A_815 = arith.constant 0 : i32
        %dma_start3A_816 = arith.constant 0 : i32
        %dma_start3A_817 = tpu.memref_slice %arg9[%dma_start3A_814, %dma_start3A_815, %dma_start3A_816] : memref<10x80x64xf32, #tpu.memory_space<vmem>> -> memref<1x80x64xf32, #tpu.memory_space<vmem>>
        %dma_start3A_818 = tpu.memref_squeeze %dma_start3A_817 : memref<1x80x64xf32, #tpu.memory_space<vmem>> -> memref<80x64xf32, #tpu.memory_space<vmem>>
        %dma_start3A_819 = arith.constant 0 : i32
        %dma_start3A_820 = tpu.memref_slice %arg7[%add3A_813, %dma_start3A_819] : memref<125x80xi32, #tpu.memory_space<vmem>> -> memref<1x80xi32, #tpu.memory_space<vmem>>
        %dma_start3A_821 = tpu.memref_squeeze %dma_start3A_820 : memref<1x80xi32, #tpu.memory_space<vmem>> -> memref<80xi32, #tpu.memory_space<vmem>>
        %dma_start3A_822 = arith.constant 0 : i32
        %dma_start3A_823 = arith.constant 0 : i32
        %dma_start3A_824 = tpu.memref_slice %arg2[%dma_start3A_822, %dma_start3A_823] : memref<10000x64xf32, #tpu.memory_space<hbm>> -> memref<10000x64xf32, #tpu.memory_space<hbm>>
        tpu.enqueue_indirect_dma source(%dma_start3A_824 : memref<10000x64xf32, #tpu.memory_space<hbm>>) target(%dma_start3A_818 : memref<80x64xf32, #tpu.memory_space<vmem>>) offsets(%dma_start3A_821 : memref<80xi32, #tpu.memory_space<vmem>>) semaphore(%arg13 : memref<!tpu.dma_semaphore, #tpu.memory_space<semaphore_mem>>)
      } else {
      }
      %dma_wait3A_528 = arith.constant 3 : i32
      %dma_wait3A_529 = arith.constant 0 : i32
      %dma_wait3A_530 = arith.constant 0 : i32
      %dma_wait3A_531 = tpu.memref_slice %arg9[%dma_wait3A_528, %dma_wait3A_529, %dma_wait3A_530] : memref<10x80x64xf32, #tpu.memory_space<vmem>> -> memref<1x80x64xf32, #tpu.memory_space<vmem>>
      %dma_wait3A_532 = tpu.memref_squeeze %dma_wait3A_531 : memref<1x80x64xf32, #tpu.memory_space<vmem>> -> memref<80x64xf32, #tpu.memory_space<vmem>>
      %dma_wait3A_533 = arith.constant 0 : i32
      %dma_wait3A_534 = tpu.memref_slice %arg8[%add3A_432, %dma_wait3A_533] : memref<125x80xi32, #tpu.memory_space<vmem>> -> memref<1x80xi32, #tpu.memory_space<vmem>>
      %dma_wait3A_535 = tpu.memref_squeeze %dma_wait3A_534 : memref<1x80xi32, #tpu.memory_space<vmem>> -> memref<80xi32, #tpu.memory_space<vmem>>
      %dma_wait3A_536 = arith.constant 0 : i32
      %dma_wait3A_537 = arith.constant 0 : i32
      %dma_wait3A_538 = tpu.memref_slice %arg10[%dma_wait3A_536, %dma_wait3A_537] : memref<10000x64xf32, #tpu.memory_space<vmem_shared>> -> memref<10000x64xf32, #tpu.memory_space<vmem_shared>>
      tpu.wait_indirect_dma semaphore(%arg24 : memref<!tpu.dma_semaphore, #tpu.memory_space<semaphore_mem>>) src(%dma_wait3A_532 : memref<80x64xf32, #tpu.memory_space<vmem>>) dst(%dma_wait3A_538 : memref<10000x64xf32, #tpu.memory_space<vmem_shared>>)
      %add3A_539 = arith.constant 2 : i32
      %add3A_540 = arith.addi %mul3A_323, %add3A_539 : i32
      %lt3A_541 = arith.constant 25 : i32
      %lt3A_542 = arith.cmpi slt, %add3A_540, %lt3A_541 : i32
      %convert_element_type3A_543 = arith.extui %lt3A_542 : i1 to i32
      %cond3A_544 = arith.constant 0 : i32
      %cond3A_545 = arith.cmpi ne, %convert_element_type3A_543, %cond3A_544 : i32
      scf.if %cond3A_545 {
        %add3A_808 = arith.constant 2 : i32
        %add3A_809 = arith.addi %mul3A_323, %add3A_808 : i32
        %mul3A_810 = arith.constant 5 : i32
        %mul3A_811 = arith.muli %add3A_809, %mul3A_810 : i32
        %add3A_812 = arith.constant 3 : i32
        %add3A_813 = arith.addi %mul3A_811, %add3A_812 : i32
        %dma_start3A_814 = arith.constant 3 : i32
        %dma_start3A_815 = arith.constant 0 : i32
        %dma_start3A_816 = arith.constant 0 : i32
        %dma_start3A_817 = tpu.memref_slice %arg9[%dma_start3A_814, %dma_start3A_815, %dma_start3A_816] : memref<10x80x64xf32, #tpu.memory_space<vmem>> -> memref<1x80x64xf32, #tpu.memory_space<vmem>>
        %dma_start3A_818 = tpu.memref_squeeze %dma_start3A_817 : memref<1x80x64xf32, #tpu.memory_space<vmem>> -> memref<80x64xf32, #tpu.memory_space<vmem>>
        %dma_start3A_819 = arith.constant 0 : i32
        %dma_start3A_820 = tpu.memref_slice %arg7[%add3A_813, %dma_start3A_819] : memref<125x80xi32, #tpu.memory_space<vmem>> -> memref<1x80xi32, #tpu.memory_space<vmem>>
        %dma_start3A_821 = tpu.memref_squeeze %dma_start3A_820 : memref<1x80xi32, #tpu.memory_space<vmem>> -> memref<80xi32, #tpu.memory_space<vmem>>
        %dma_start3A_822 = arith.constant 0 : i32
        %dma_start3A_823 = arith.constant 0 : i32
        %dma_start3A_824 = tpu.memref_slice %arg2[%dma_start3A_822, %dma_start3A_823] : memref<10000x64xf32, #tpu.memory_space<hbm>> -> memref<10000x64xf32, #tpu.memory_space<hbm>>
        tpu.enqueue_indirect_dma source(%dma_start3A_824 : memref<10000x64xf32, #tpu.memory_space<hbm>>) target(%dma_start3A_818 : memref<80x64xf32, #tpu.memory_space<vmem>>) offsets(%dma_start3A_821 : memref<80xi32, #tpu.memory_space<vmem>>) semaphore(%arg14 : memref<!tpu.dma_semaphore, #tpu.memory_space<semaphore_mem>>)
      } else {
      }
      %dma_wait3A_546 = arith.constant 4 : i32
      %dma_wait3A_547 = arith.constant 0 : i32
      %dma_wait3A_548 = arith.constant 0 : i32
      %dma_wait3A_549 = tpu.memref_slice %arg9[%dma_wait3A_546, %dma_wait3A_547, %dma_wait3A_548] : memref<10x80x64xf32, #tpu.memory_space<vmem>> -> memref<1x80x64xf32, #tpu.memory_space<vmem>>
      %dma_wait3A_550 = tpu.memref_squeeze %dma_wait3A_549 : memref<1x80x64xf32, #tpu.memory_space<vmem>> -> memref<80x64xf32, #tpu.memory_space<vmem>>
      %dma_wait3A_551 = arith.constant 0 : i32
      %dma_wait3A_552 = tpu.memref_slice %arg8[%add3A_462, %dma_wait3A_551] : memref<125x80xi32, #tpu.memory_space<vmem>> -> memref<1x80xi32, #tpu.memory_space<vmem>>
      %dma_wait3A_553 = tpu.memref_squeeze %dma_wait3A_552 : memref<1x80xi32, #tpu.memory_space<vmem>> -> memref<80xi32, #tpu.memory_space<vmem>>
      %dma_wait3A_554 = arith.constant 0 : i32
      %dma_wait3A_555 = arith.constant 0 : i32
      %dma_wait3A_556 = tpu.memref_slice %arg10[%dma_wait3A_554, %dma_wait3A_555] : memref<10000x64xf32, #tpu.memory_space<vmem_shared>> -> memref<10000x64xf32, #tpu.memory_space<vmem_shared>>
      tpu.wait_indirect_dma semaphore(%arg25 : memref<!tpu.dma_semaphore, #tpu.memory_space<semaphore_mem>>) src(%dma_wait3A_550 : memref<80x64xf32, #tpu.memory_space<vmem>>) dst(%dma_wait3A_556 : memref<10000x64xf32, #tpu.memory_space<vmem_shared>>)
      %add3A_557 = arith.constant 2 : i32
      %add3A_558 = arith.addi %mul3A_323, %add3A_557 : i32
      %lt3A_559 = arith.constant 25 : i32
      %lt3A_560 = arith.cmpi slt, %add3A_558, %lt3A_559 : i32
      %convert_element_type3A_561 = arith.extui %lt3A_560 : i1 to i32
      %cond3A_562 = arith.constant 0 : i32
      %cond3A_563 = arith.cmpi ne, %convert_element_type3A_561, %cond3A_562 : i32
      scf.if %cond3A_563 {
        %add3A_808 = arith.constant 2 : i32
        %add3A_809 = arith.addi %mul3A_323, %add3A_808 : i32
        %mul3A_810 = arith.constant 5 : i32
        %mul3A_811 = arith.muli %add3A_809, %mul3A_810 : i32
        %add3A_812 = arith.constant 4 : i32
        %add3A_813 = arith.addi %mul3A_811, %add3A_812 : i32
        %dma_start3A_814 = arith.constant 4 : i32
        %dma_start3A_815 = arith.constant 0 : i32
        %dma_start3A_816 = arith.constant 0 : i32
        %dma_start3A_817 = tpu.memref_slice %arg9[%dma_start3A_814, %dma_start3A_815, %dma_start3A_816] : memref<10x80x64xf32, #tpu.memory_space<vmem>> -> memref<1x80x64xf32, #tpu.memory_space<vmem>>
        %dma_start3A_818 = tpu.memref_squeeze %dma_start3A_817 : memref<1x80x64xf32, #tpu.memory_space<vmem>> -> memref<80x64xf32, #tpu.memory_space<vmem>>
        %dma_start3A_819 = arith.constant 0 : i32
        %dma_start3A_820 = tpu.memref_slice %arg7[%add3A_813, %dma_start3A_819] : memref<125x80xi32, #tpu.memory_space<vmem>> -> memref<1x80xi32, #tpu.memory_space<vmem>>
        %dma_start3A_821 = tpu.memref_squeeze %dma_start3A_820 : memref<1x80xi32, #tpu.memory_space<vmem>> -> memref<80xi32, #tpu.memory_space<vmem>>
        %dma_start3A_822 = arith.constant 0 : i32
        %dma_start3A_823 = arith.constant 0 : i32
        %dma_start3A_824 = tpu.memref_slice %arg2[%dma_start3A_822, %dma_start3A_823] : memref<10000x64xf32, #tpu.memory_space<hbm>> -> memref<10000x64xf32, #tpu.memory_space<hbm>>
        tpu.enqueue_indirect_dma source(%dma_start3A_824 : memref<10000x64xf32, #tpu.memory_space<hbm>>) target(%dma_start3A_818 : memref<80x64xf32, #tpu.memory_space<vmem>>) offsets(%dma_start3A_821 : memref<80xi32, #tpu.memory_space<vmem>>) semaphore(%arg15 : memref<!tpu.dma_semaphore, #tpu.memory_space<semaphore_mem>>)
      } else {
      }
      %mul3A_564 = arith.constant 2 : i32
      %mul3A_565 = arith.muli %mul3A_564, %scan3A_321 : i32
      %add3A_566 = arith.constant 1 : i32
      %add3A_567 = arith.addi %mul3A_565, %add3A_566 : i32
      %mul3A_568 = arith.constant 5 : i32
      %mul3A_569 = arith.muli %add3A_567, %mul3A_568 : i32
      %add3A_570 = arith.constant 0 : i32
      %add3A_571 = arith.addi %mul3A_569, %add3A_570 : i32
      %dma_wait3A_572 = arith.constant 5 : i32
      %dma_wait3A_573 = arith.constant 0 : i32
      %dma_wait3A_574 = arith.constant 0 : i32
      %dma_wait3A_575 = tpu.memref_slice %arg9[%dma_wait3A_572, %dma_wait3A_573, %dma_wait3A_574] : memref<10x80x64xf32, #tpu.memory_space<vmem>> -> memref<1x80x64xf32, #tpu.memory_space<vmem>>
      %dma_wait3A_576 = tpu.memref_squeeze %dma_wait3A_575 : memref<1x80x64xf32, #tpu.memory_space<vmem>> -> memref<80x64xf32, #tpu.memory_space<vmem>>
      %dma_wait3A_577 = arith.constant 0 : i32
      %dma_wait3A_578 = tpu.memref_slice %arg7[%add3A_571, %dma_wait3A_577] : memref<125x80xi32, #tpu.memory_space<vmem>> -> memref<1x80xi32, #tpu.memory_space<vmem>>
      %dma_wait3A_579 = tpu.memref_squeeze %dma_wait3A_578 : memref<1x80xi32, #tpu.memory_space<vmem>> -> memref<80xi32, #tpu.memory_space<vmem>>
      %dma_wait3A_580 = arith.constant 0 : i32
      %dma_wait3A_581 = arith.constant 0 : i32
      %dma_wait3A_582 = tpu.memref_slice %arg2[%dma_wait3A_580, %dma_wait3A_581] : memref<10000x64xf32, #tpu.memory_space<hbm>> -> memref<10000x64xf32, #tpu.memory_space<hbm>>
      tpu.wait_indirect_dma semaphore(%arg16 : memref<!tpu.dma_semaphore, #tpu.memory_space<semaphore_mem>>) src(%dma_wait3A_582 : memref<10000x64xf32, #tpu.memory_space<hbm>>) dst(%dma_wait3A_576 : memref<80x64xf32, #tpu.memory_space<vmem>>)
      %mul3A_583 = arith.constant 5 : i32
      %mul3A_584 = arith.muli %add3A_567, %mul3A_583 : i32
      %add3A_585 = arith.constant 0 : i32
      %add3A_586 = arith.addi %mul3A_584, %add3A_585 : i32
      %dma_start3A_587 = arith.constant 5 : i32
      %dma_start3A_588 = arith.constant 0 : i32
      %dma_start3A_589 = arith.constant 0 : i32
      %dma_start3A_590 = tpu.memref_slice %arg9[%dma_start3A_587, %dma_start3A_588, %dma_start3A_589] : memref<10x80x64xf32, #tpu.memory_space<vmem>> -> memref<1x80x64xf32, #tpu.memory_space<vmem>>
      %dma_start3A_591 = tpu.memref_squeeze %dma_start3A_590 : memref<1x80x64xf32, #tpu.memory_space<vmem>> -> memref<80x64xf32, #tpu.memory_space<vmem>>
      %dma_start3A_592 = arith.constant 0 : i32
      %dma_start3A_593 = tpu.memref_slice %arg8[%add3A_586, %dma_start3A_592] : memref<125x80xi32, #tpu.memory_space<vmem>> -> memref<1x80xi32, #tpu.memory_space<vmem>>
      %dma_start3A_594 = tpu.memref_squeeze %dma_start3A_593 : memref<1x80xi32, #tpu.memory_space<vmem>> -> memref<80xi32, #tpu.memory_space<vmem>>
      %dma_start3A_595 = arith.constant 0 : i32
      %dma_start3A_596 = arith.constant 0 : i32
      %dma_start3A_597 = tpu.memref_slice %arg10[%dma_start3A_595, %dma_start3A_596] : memref<10000x64xf32, #tpu.memory_space<vmem_shared>> -> memref<10000x64xf32, #tpu.memory_space<vmem_shared>>
      tpu.enqueue_indirect_dma source(%dma_start3A_591 : memref<80x64xf32, #tpu.memory_space<vmem>>) target(%dma_start3A_597 : memref<10000x64xf32, #tpu.memory_space<vmem_shared>>) offsets(%dma_start3A_594 : memref<80xi32, #tpu.memory_space<vmem>>) semaphore(%arg26 : memref<!tpu.dma_semaphore, #tpu.memory_space<semaphore_mem>>) {add = true}
      %mul3A_598 = arith.constant 5 : i32
      %mul3A_599 = arith.muli %add3A_567, %mul3A_598 : i32
      %add3A_600 = arith.constant 1 : i32
      %add3A_601 = arith.addi %mul3A_599, %add3A_600 : i32
      %dma_wait3A_602 = arith.constant 6 : i32
      %dma_wait3A_603 = arith.constant 0 : i32
      %dma_wait3A_604 = arith.constant 0 : i32
      %dma_wait3A_605 = tpu.memref_slice %arg9[%dma_wait3A_602, %dma_wait3A_603, %dma_wait3A_604] : memref<10x80x64xf32, #tpu.memory_space<vmem>> -> memref<1x80x64xf32, #tpu.memory_space<vmem>>
      %dma_wait3A_606 = tpu.memref_squeeze %dma_wait3A_605 : memref<1x80x64xf32, #tpu.memory_space<vmem>> -> memref<80x64xf32, #tpu.memory_space<vmem>>
      %dma_wait3A_607 = arith.constant 0 : i32
      %dma_wait3A_608 = tpu.memref_slice %arg7[%add3A_601, %dma_wait3A_607] : memref<125x80xi32, #tpu.memory_space<vmem>> -> memref<1x80xi32, #tpu.memory_space<vmem>>
      %dma_wait3A_609 = tpu.memref_squeeze %dma_wait3A_608 : memref<1x80xi32, #tpu.memory_space<vmem>> -> memref<80xi32, #tpu.memory_space<vmem>>
      %dma_wait3A_610 = arith.constant 0 : i32
      %dma_wait3A_611 = arith.constant 0 : i32
      %dma_wait3A_612 = tpu.memref_slice %arg2[%dma_wait3A_610, %dma_wait3A_611] : memref<10000x64xf32, #tpu.memory_space<hbm>> -> memref<10000x64xf32, #tpu.memory_space<hbm>>
      tpu.wait_indirect_dma semaphore(%arg17 : memref<!tpu.dma_semaphore, #tpu.memory_space<semaphore_mem>>) src(%dma_wait3A_612 : memref<10000x64xf32, #tpu.memory_space<hbm>>) dst(%dma_wait3A_606 : memref<80x64xf32, #tpu.memory_space<vmem>>)
      %mul3A_613 = arith.constant 5 : i32
      %mul3A_614 = arith.muli %add3A_567, %mul3A_613 : i32
      %add3A_615 = arith.constant 1 : i32
      %add3A_616 = arith.addi %mul3A_614, %add3A_615 : i32
      %dma_start3A_617 = arith.constant 6 : i32
      %dma_start3A_618 = arith.constant 0 : i32
      %dma_start3A_619 = arith.constant 0 : i32
      %dma_start3A_620 = tpu.memref_slice %arg9[%dma_start3A_617, %dma_start3A_618, %dma_start3A_619] : memref<10x80x64xf32, #tpu.memory_space<vmem>> -> memref<1x80x64xf32, #tpu.memory_space<vmem>>
      %dma_start3A_621 = tpu.memref_squeeze %dma_start3A_620 : memref<1x80x64xf32, #tpu.memory_space<vmem>> -> memref<80x64xf32, #tpu.memory_space<vmem>>
      %dma_start3A_622 = arith.constant 0 : i32
      %dma_start3A_623 = tpu.memref_slice %arg8[%add3A_616, %dma_start3A_622] : memref<125x80xi32, #tpu.memory_space<vmem>> -> memref<1x80xi32, #tpu.memory_space<vmem>>
      %dma_start3A_624 = tpu.memref_squeeze %dma_start3A_623 : memref<1x80xi32, #tpu.memory_space<vmem>> -> memref<80xi32, #tpu.memory_space<vmem>>
      %dma_start3A_625 = arith.constant 0 : i32
      %dma_start3A_626 = arith.constant 0 : i32
      %dma_start3A_627 = tpu.memref_slice %arg10[%dma_start3A_625, %dma_start3A_626] : memref<10000x64xf32, #tpu.memory_space<vmem_shared>> -> memref<10000x64xf32, #tpu.memory_space<vmem_shared>>
      tpu.enqueue_indirect_dma source(%dma_start3A_621 : memref<80x64xf32, #tpu.memory_space<vmem>>) target(%dma_start3A_627 : memref<10000x64xf32, #tpu.memory_space<vmem_shared>>) offsets(%dma_start3A_624 : memref<80xi32, #tpu.memory_space<vmem>>) semaphore(%arg27 : memref<!tpu.dma_semaphore, #tpu.memory_space<semaphore_mem>>) {add = true}
      %mul3A_628 = arith.constant 5 : i32
      %mul3A_629 = arith.muli %add3A_567, %mul3A_628 : i32
      %add3A_630 = arith.constant 2 : i32
      %add3A_631 = arith.addi %mul3A_629, %add3A_630 : i32
      %dma_wait3A_632 = arith.constant 7 : i32
      %dma_wait3A_633 = arith.constant 0 : i32
      %dma_wait3A_634 = arith.constant 0 : i32
      %dma_wait3A_635 = tpu.memref_slice %arg9[%dma_wait3A_632, %dma_wait3A_633, %dma_wait3A_634] : memref<10x80x64xf32, #tpu.memory_space<vmem>> -> memref<1x80x64xf32, #tpu.memory_space<vmem>>
      %dma_wait3A_636 = tpu.memref_squeeze %dma_wait3A_635 : memref<1x80x64xf32, #tpu.memory_space<vmem>> -> memref<80x64xf32, #tpu.memory_space<vmem>>
      %dma_wait3A_637 = arith.constant 0 : i32
      %dma_wait3A_638 = tpu.memref_slice %arg7[%add3A_631, %dma_wait3A_637] : memref<125x80xi32, #tpu.memory_space<vmem>> -> memref<1x80xi32, #tpu.memory_space<vmem>>
      %dma_wait3A_639 = tpu.memref_squeeze %dma_wait3A_638 : memref<1x80xi32, #tpu.memory_space<vmem>> -> memref<80xi32, #tpu.memory_space<vmem>>
      %dma_wait3A_640 = arith.constant 0 : i32
      %dma_wait3A_641 = arith.constant 0 : i32
      %dma_wait3A_642 = tpu.memref_slice %arg2[%dma_wait3A_640, %dma_wait3A_641] : memref<10000x64xf32, #tpu.memory_space<hbm>> -> memref<10000x64xf32, #tpu.memory_space<hbm>>
      tpu.wait_indirect_dma semaphore(%arg18 : memref<!tpu.dma_semaphore, #tpu.memory_space<semaphore_mem>>) src(%dma_wait3A_642 : memref<10000x64xf32, #tpu.memory_space<hbm>>) dst(%dma_wait3A_636 : memref<80x64xf32, #tpu.memory_space<vmem>>)
      %mul3A_643 = arith.constant 5 : i32
      %mul3A_644 = arith.muli %add3A_567, %mul3A_643 : i32
      %add3A_645 = arith.constant 2 : i32
      %add3A_646 = arith.addi %mul3A_644, %add3A_645 : i32
      %dma_start3A_647 = arith.constant 7 : i32
      %dma_start3A_648 = arith.constant 0 : i32
      %dma_start3A_649 = arith.constant 0 : i32
      %dma_start3A_650 = tpu.memref_slice %arg9[%dma_start3A_647, %dma_start3A_648, %dma_start3A_649] : memref<10x80x64xf32, #tpu.memory_space<vmem>> -> memref<1x80x64xf32, #tpu.memory_space<vmem>>
      %dma_start3A_651 = tpu.memref_squeeze %dma_start3A_650 : memref<1x80x64xf32, #tpu.memory_space<vmem>> -> memref<80x64xf32, #tpu.memory_space<vmem>>
      %dma_start3A_652 = arith.constant 0 : i32
      %dma_start3A_653 = tpu.memref_slice %arg8[%add3A_646, %dma_start3A_652] : memref<125x80xi32, #tpu.memory_space<vmem>> -> memref<1x80xi32, #tpu.memory_space<vmem>>
      %dma_start3A_654 = tpu.memref_squeeze %dma_start3A_653 : memref<1x80xi32, #tpu.memory_space<vmem>> -> memref<80xi32, #tpu.memory_space<vmem>>
      %dma_start3A_655 = arith.constant 0 : i32
      %dma_start3A_656 = arith.constant 0 : i32
      %dma_start3A_657 = tpu.memref_slice %arg10[%dma_start3A_655, %dma_start3A_656] : memref<10000x64xf32, #tpu.memory_space<vmem_shared>> -> memref<10000x64xf32, #tpu.memory_space<vmem_shared>>
      tpu.enqueue_indirect_dma source(%dma_start3A_651 : memref<80x64xf32, #tpu.memory_space<vmem>>) target(%dma_start3A_657 : memref<10000x64xf32, #tpu.memory_space<vmem_shared>>) offsets(%dma_start3A_654 : memref<80xi32, #tpu.memory_space<vmem>>) semaphore(%arg28 : memref<!tpu.dma_semaphore, #tpu.memory_space<semaphore_mem>>) {add = true}
      %mul3A_658 = arith.constant 5 : i32
      %mul3A_659 = arith.muli %add3A_567, %mul3A_658 : i32
      %add3A_660 = arith.constant 3 : i32
      %add3A_661 = arith.addi %mul3A_659, %add3A_660 : i32
      %dma_wait3A_662 = arith.constant 8 : i32
      %dma_wait3A_663 = arith.constant 0 : i32
      %dma_wait3A_664 = arith.constant 0 : i32
      %dma_wait3A_665 = tpu.memref_slice %arg9[%dma_wait3A_662, %dma_wait3A_663, %dma_wait3A_664] : memref<10x80x64xf32, #tpu.memory_space<vmem>> -> memref<1x80x64xf32, #tpu.memory_space<vmem>>
      %dma_wait3A_666 = tpu.memref_squeeze %dma_wait3A_665 : memref<1x80x64xf32, #tpu.memory_space<vmem>> -> memref<80x64xf32, #tpu.memory_space<vmem>>
      %dma_wait3A_667 = arith.constant 0 : i32
      %dma_wait3A_668 = tpu.memref_slice %arg7[%add3A_661, %dma_wait3A_667] : memref<125x80xi32, #tpu.memory_space<vmem>> -> memref<1x80xi32, #tpu.memory_space<vmem>>
      %dma_wait3A_669 = tpu.memref_squeeze %dma_wait3A_668 : memref<1x80xi32, #tpu.memory_space<vmem>> -> memref<80xi32, #tpu.memory_space<vmem>>
      %dma_wait3A_670 = arith.constant 0 : i32
      %dma_wait3A_671 = arith.constant 0 : i32
      %dma_wait3A_672 = tpu.memref_slice %arg2[%dma_wait3A_670, %dma_wait3A_671] : memref<10000x64xf32, #tpu.memory_space<hbm>> -> memref<10000x64xf32, #tpu.memory_space<hbm>>
      tpu.wait_indirect_dma semaphore(%arg19 : memref<!tpu.dma_semaphore, #tpu.memory_space<semaphore_mem>>) src(%dma_wait3A_672 : memref<10000x64xf32, #tpu.memory_space<hbm>>) dst(%dma_wait3A_666 : memref<80x64xf32, #tpu.memory_space<vmem>>)
      %mul3A_673 = arith.constant 5 : i32
      %mul3A_674 = arith.muli %add3A_567, %mul3A_673 : i32
      %add3A_675 = arith.constant 3 : i32
      %add3A_676 = arith.addi %mul3A_674, %add3A_675 : i32
      %dma_start3A_677 = arith.constant 8 : i32
      %dma_start3A_678 = arith.constant 0 : i32
      %dma_start3A_679 = arith.constant 0 : i32
      %dma_start3A_680 = tpu.memref_slice %arg9[%dma_start3A_677, %dma_start3A_678, %dma_start3A_679] : memref<10x80x64xf32, #tpu.memory_space<vmem>> -> memref<1x80x64xf32, #tpu.memory_space<vmem>>
      %dma_start3A_681 = tpu.memref_squeeze %dma_start3A_680 : memref<1x80x64xf32, #tpu.memory_space<vmem>> -> memref<80x64xf32, #tpu.memory_space<vmem>>
      %dma_start3A_682 = arith.constant 0 : i32
      %dma_start3A_683 = tpu.memref_slice %arg8[%add3A_676, %dma_start3A_682] : memref<125x80xi32, #tpu.memory_space<vmem>> -> memref<1x80xi32, #tpu.memory_space<vmem>>
      %dma_start3A_684 = tpu.memref_squeeze %dma_start3A_683 : memref<1x80xi32, #tpu.memory_space<vmem>> -> memref<80xi32, #tpu.memory_space<vmem>>
      %dma_start3A_685 = arith.constant 0 : i32
      %dma_start3A_686 = arith.constant 0 : i32
      %dma_start3A_687 = tpu.memref_slice %arg10[%dma_start3A_685, %dma_start3A_686] : memref<10000x64xf32, #tpu.memory_space<vmem_shared>> -> memref<10000x64xf32, #tpu.memory_space<vmem_shared>>
      tpu.enqueue_indirect_dma source(%dma_start3A_681 : memref<80x64xf32, #tpu.memory_space<vmem>>) target(%dma_start3A_687 : memref<10000x64xf32, #tpu.memory_space<vmem_shared>>) offsets(%dma_start3A_684 : memref<80xi32, #tpu.memory_space<vmem>>) semaphore(%arg29 : memref<!tpu.dma_semaphore, #tpu.memory_space<semaphore_mem>>) {add = true}
      %mul3A_688 = arith.constant 5 : i32
      %mul3A_689 = arith.muli %add3A_567, %mul3A_688 : i32
      %add3A_690 = arith.constant 4 : i32
      %add3A_691 = arith.addi %mul3A_689, %add3A_690 : i32
      %dma_wait3A_692 = arith.constant 9 : i32
      %dma_wait3A_693 = arith.constant 0 : i32
      %dma_wait3A_694 = arith.constant 0 : i32
      %dma_wait3A_695 = tpu.memref_slice %arg9[%dma_wait3A_692, %dma_wait3A_693, %dma_wait3A_694] : memref<10x80x64xf32, #tpu.memory_space<vmem>> -> memref<1x80x64xf32, #tpu.memory_space<vmem>>
      %dma_wait3A_696 = tpu.memref_squeeze %dma_wait3A_695 : memref<1x80x64xf32, #tpu.memory_space<vmem>> -> memref<80x64xf32, #tpu.memory_space<vmem>>
      %dma_wait3A_697 = arith.constant 0 : i32
      %dma_wait3A_698 = tpu.memref_slice %arg7[%add3A_691, %dma_wait3A_697] : memref<125x80xi32, #tpu.memory_space<vmem>> -> memref<1x80xi32, #tpu.memory_space<vmem>>
      %dma_wait3A_699 = tpu.memref_squeeze %dma_wait3A_698 : memref<1x80xi32, #tpu.memory_space<vmem>> -> memref<80xi32, #tpu.memory_space<vmem>>
      %dma_wait3A_700 = arith.constant 0 : i32
      %dma_wait3A_701 = arith.constant 0 : i32
      %dma_wait3A_702 = tpu.memref_slice %arg2[%dma_wait3A_700, %dma_wait3A_701] : memref<10000x64xf32, #tpu.memory_space<hbm>> -> memref<10000x64xf32, #tpu.memory_space<hbm>>
      tpu.wait_indirect_dma semaphore(%arg20 : memref<!tpu.dma_semaphore, #tpu.memory_space<semaphore_mem>>) src(%dma_wait3A_702 : memref<10000x64xf32, #tpu.memory_space<hbm>>) dst(%dma_wait3A_696 : memref<80x64xf32, #tpu.memory_space<vmem>>)
      %mul3A_703 = arith.constant 5 : i32
      %mul3A_704 = arith.muli %add3A_567, %mul3A_703 : i32
      %add3A_705 = arith.constant 4 : i32
      %add3A_706 = arith.addi %mul3A_704, %add3A_705 : i32
      %dma_start3A_707 = arith.constant 9 : i32
      %dma_start3A_708 = arith.constant 0 : i32
      %dma_start3A_709 = arith.constant 0 : i32
      %dma_start3A_710 = tpu.memref_slice %arg9[%dma_start3A_707, %dma_start3A_708, %dma_start3A_709] : memref<10x80x64xf32, #tpu.memory_space<vmem>> -> memref<1x80x64xf32, #tpu.memory_space<vmem>>
      %dma_start3A_711 = tpu.memref_squeeze %dma_start3A_710 : memref<1x80x64xf32, #tpu.memory_space<vmem>> -> memref<80x64xf32, #tpu.memory_space<vmem>>
      %dma_start3A_712 = arith.constant 0 : i32
      %dma_start3A_713 = tpu.memref_slice %arg8[%add3A_706, %dma_start3A_712] : memref<125x80xi32, #tpu.memory_space<vmem>> -> memref<1x80xi32, #tpu.memory_space<vmem>>
      %dma_start3A_714 = tpu.memref_squeeze %dma_start3A_713 : memref<1x80xi32, #tpu.memory_space<vmem>> -> memref<80xi32, #tpu.memory_space<vmem>>
      %dma_start3A_715 = arith.constant 0 : i32
      %dma_start3A_716 = arith.constant 0 : i32
      %dma_start3A_717 = tpu.memref_slice %arg10[%dma_start3A_715, %dma_start3A_716] : memref<10000x64xf32, #tpu.memory_space<vmem_shared>> -> memref<10000x64xf32, #tpu.memory_space<vmem_shared>>
      tpu.enqueue_indirect_dma source(%dma_start3A_711 : memref<80x64xf32, #tpu.memory_space<vmem>>) target(%dma_start3A_717 : memref<10000x64xf32, #tpu.memory_space<vmem_shared>>) offsets(%dma_start3A_714 : memref<80xi32, #tpu.memory_space<vmem>>) semaphore(%arg30 : memref<!tpu.dma_semaphore, #tpu.memory_space<semaphore_mem>>) {add = true}
      %dma_wait3A_718 = arith.constant 5 : i32
      %dma_wait3A_719 = arith.constant 0 : i32
      %dma_wait3A_720 = arith.constant 0 : i32
      %dma_wait3A_721 = tpu.memref_slice %arg9[%dma_wait3A_718, %dma_wait3A_719, %dma_wait3A_720] : memref<10x80x64xf32, #tpu.memory_space<vmem>> -> memref<1x80x64xf32, #tpu.memory_space<vmem>>
      %dma_wait3A_722 = tpu.memref_squeeze %dma_wait3A_721 : memref<1x80x64xf32, #tpu.memory_space<vmem>> -> memref<80x64xf32, #tpu.memory_space<vmem>>
      %dma_wait3A_723 = arith.constant 0 : i32
      %dma_wait3A_724 = tpu.memref_slice %arg8[%add3A_586, %dma_wait3A_723] : memref<125x80xi32, #tpu.memory_space<vmem>> -> memref<1x80xi32, #tpu.memory_space<vmem>>
      %dma_wait3A_725 = tpu.memref_squeeze %dma_wait3A_724 : memref<1x80xi32, #tpu.memory_space<vmem>> -> memref<80xi32, #tpu.memory_space<vmem>>
      %dma_wait3A_726 = arith.constant 0 : i32
      %dma_wait3A_727 = arith.constant 0 : i32
      %dma_wait3A_728 = tpu.memref_slice %arg10[%dma_wait3A_726, %dma_wait3A_727] : memref<10000x64xf32, #tpu.memory_space<vmem_shared>> -> memref<10000x64xf32, #tpu.memory_space<vmem_shared>>
      tpu.wait_indirect_dma semaphore(%arg26 : memref<!tpu.dma_semaphore, #tpu.memory_space<semaphore_mem>>) src(%dma_wait3A_722 : memref<80x64xf32, #tpu.memory_space<vmem>>) dst(%dma_wait3A_728 : memref<10000x64xf32, #tpu.memory_space<vmem_shared>>)
      %add3A_729 = arith.constant 2 : i32
      %add3A_730 = arith.addi %add3A_567, %add3A_729 : i32
      %lt3A_731 = arith.constant 25 : i32
      %lt3A_732 = arith.cmpi slt, %add3A_730, %lt3A_731 : i32
      %convert_element_type3A_733 = arith.extui %lt3A_732 : i1 to i32
      %cond3A_734 = arith.constant 0 : i32
      %cond3A_735 = arith.cmpi ne, %convert_element_type3A_733, %cond3A_734 : i32
      scf.if %cond3A_735 {
        %add3A_808 = arith.constant 2 : i32
        %add3A_809 = arith.addi %add3A_567, %add3A_808 : i32
        %mul3A_810 = arith.constant 5 : i32
        %mul3A_811 = arith.muli %add3A_809, %mul3A_810 : i32
        %add3A_812 = arith.constant 0 : i32
        %add3A_813 = arith.addi %mul3A_811, %add3A_812 : i32
        %dma_start3A_814 = arith.constant 5 : i32
        %dma_start3A_815 = arith.constant 0 : i32
        %dma_start3A_816 = arith.constant 0 : i32
        %dma_start3A_817 = tpu.memref_slice %arg9[%dma_start3A_814, %dma_start3A_815, %dma_start3A_816] : memref<10x80x64xf32, #tpu.memory_space<vmem>> -> memref<1x80x64xf32, #tpu.memory_space<vmem>>
        %dma_start3A_818 = tpu.memref_squeeze %dma_start3A_817 : memref<1x80x64xf32, #tpu.memory_space<vmem>> -> memref<80x64xf32, #tpu.memory_space<vmem>>
        %dma_start3A_819 = arith.constant 0 : i32
        %dma_start3A_820 = tpu.memref_slice %arg7[%add3A_813, %dma_start3A_819] : memref<125x80xi32, #tpu.memory_space<vmem>> -> memref<1x80xi32, #tpu.memory_space<vmem>>
        %dma_start3A_821 = tpu.memref_squeeze %dma_start3A_820 : memref<1x80xi32, #tpu.memory_space<vmem>> -> memref<80xi32, #tpu.memory_space<vmem>>
        %dma_start3A_822 = arith.constant 0 : i32
        %dma_start3A_823 = arith.constant 0 : i32
        %dma_start3A_824 = tpu.memref_slice %arg2[%dma_start3A_822, %dma_start3A_823] : memref<10000x64xf32, #tpu.memory_space<hbm>> -> memref<10000x64xf32, #tpu.memory_space<hbm>>
        tpu.enqueue_indirect_dma source(%dma_start3A_824 : memref<10000x64xf32, #tpu.memory_space<hbm>>) target(%dma_start3A_818 : memref<80x64xf32, #tpu.memory_space<vmem>>) offsets(%dma_start3A_821 : memref<80xi32, #tpu.memory_space<vmem>>) semaphore(%arg16 : memref<!tpu.dma_semaphore, #tpu.memory_space<semaphore_mem>>)
      } else {
      }
      %dma_wait3A_736 = arith.constant 6 : i32
      %dma_wait3A_737 = arith.constant 0 : i32
      %dma_wait3A_738 = arith.constant 0 : i32
      %dma_wait3A_739 = tpu.memref_slice %arg9[%dma_wait3A_736, %dma_wait3A_737, %dma_wait3A_738] : memref<10x80x64xf32, #tpu.memory_space<vmem>> -> memref<1x80x64xf32, #tpu.memory_space<vmem>>
      %dma_wait3A_740 = tpu.memref_squeeze %dma_wait3A_739 : memref<1x80x64xf32, #tpu.memory_space<vmem>> -> memref<80x64xf32, #tpu.memory_space<vmem>>
      %dma_wait3A_741 = arith.constant 0 : i32
      %dma_wait3A_742 = tpu.memref_slice %arg8[%add3A_616, %dma_wait3A_741] : memref<125x80xi32, #tpu.memory_space<vmem>> -> memref<1x80xi32, #tpu.memory_space<vmem>>
      %dma_wait3A_743 = tpu.memref_squeeze %dma_wait3A_742 : memref<1x80xi32, #tpu.memory_space<vmem>> -> memref<80xi32, #tpu.memory_space<vmem>>
      %dma_wait3A_744 = arith.constant 0 : i32
      %dma_wait3A_745 = arith.constant 0 : i32
      %dma_wait3A_746 = tpu.memref_slice %arg10[%dma_wait3A_744, %dma_wait3A_745] : memref<10000x64xf32, #tpu.memory_space<vmem_shared>> -> memref<10000x64xf32, #tpu.memory_space<vmem_shared>>
      tpu.wait_indirect_dma semaphore(%arg27 : memref<!tpu.dma_semaphore, #tpu.memory_space<semaphore_mem>>) src(%dma_wait3A_740 : memref<80x64xf32, #tpu.memory_space<vmem>>) dst(%dma_wait3A_746 : memref<10000x64xf32, #tpu.memory_space<vmem_shared>>)
      %add3A_747 = arith.constant 2 : i32
      %add3A_748 = arith.addi %add3A_567, %add3A_747 : i32
      %lt3A_749 = arith.constant 25 : i32
      %lt3A_750 = arith.cmpi slt, %add3A_748, %lt3A_749 : i32
      %convert_element_type3A_751 = arith.extui %lt3A_750 : i1 to i32
      %cond3A_752 = arith.constant 0 : i32
      %cond3A_753 = arith.cmpi ne, %convert_element_type3A_751, %cond3A_752 : i32
      scf.if %cond3A_753 {
        %add3A_808 = arith.constant 2 : i32
        %add3A_809 = arith.addi %add3A_567, %add3A_808 : i32
        %mul3A_810 = arith.constant 5 : i32
        %mul3A_811 = arith.muli %add3A_809, %mul3A_810 : i32
        %add3A_812 = arith.constant 1 : i32
        %add3A_813 = arith.addi %mul3A_811, %add3A_812 : i32
        %dma_start3A_814 = arith.constant 6 : i32
        %dma_start3A_815 = arith.constant 0 : i32
        %dma_start3A_816 = arith.constant 0 : i32
        %dma_start3A_817 = tpu.memref_slice %arg9[%dma_start3A_814, %dma_start3A_815, %dma_start3A_816] : memref<10x80x64xf32, #tpu.memory_space<vmem>> -> memref<1x80x64xf32, #tpu.memory_space<vmem>>
        %dma_start3A_818 = tpu.memref_squeeze %dma_start3A_817 : memref<1x80x64xf32, #tpu.memory_space<vmem>> -> memref<80x64xf32, #tpu.memory_space<vmem>>
        %dma_start3A_819 = arith.constant 0 : i32
        %dma_start3A_820 = tpu.memref_slice %arg7[%add3A_813, %dma_start3A_819] : memref<125x80xi32, #tpu.memory_space<vmem>> -> memref<1x80xi32, #tpu.memory_space<vmem>>
        %dma_start3A_821 = tpu.memref_squeeze %dma_start3A_820 : memref<1x80xi32, #tpu.memory_space<vmem>> -> memref<80xi32, #tpu.memory_space<vmem>>
        %dma_start3A_822 = arith.constant 0 : i32
        %dma_start3A_823 = arith.constant 0 : i32
        %dma_start3A_824 = tpu.memref_slice %arg2[%dma_start3A_822, %dma_start3A_823] : memref<10000x64xf32, #tpu.memory_space<hbm>> -> memref<10000x64xf32, #tpu.memory_space<hbm>>
        tpu.enqueue_indirect_dma source(%dma_start3A_824 : memref<10000x64xf32, #tpu.memory_space<hbm>>) target(%dma_start3A_818 : memref<80x64xf32, #tpu.memory_space<vmem>>) offsets(%dma_start3A_821 : memref<80xi32, #tpu.memory_space<vmem>>) semaphore(%arg17 : memref<!tpu.dma_semaphore, #tpu.memory_space<semaphore_mem>>)
      } else {
      }
      %dma_wait3A_754 = arith.constant 7 : i32
      %dma_wait3A_755 = arith.constant 0 : i32
      %dma_wait3A_756 = arith.constant 0 : i32
      %dma_wait3A_757 = tpu.memref_slice %arg9[%dma_wait3A_754, %dma_wait3A_755, %dma_wait3A_756] : memref<10x80x64xf32, #tpu.memory_space<vmem>> -> memref<1x80x64xf32, #tpu.memory_space<vmem>>
      %dma_wait3A_758 = tpu.memref_squeeze %dma_wait3A_757 : memref<1x80x64xf32, #tpu.memory_space<vmem>> -> memref<80x64xf32, #tpu.memory_space<vmem>>
      %dma_wait3A_759 = arith.constant 0 : i32
      %dma_wait3A_760 = tpu.memref_slice %arg8[%add3A_646, %dma_wait3A_759] : memref<125x80xi32, #tpu.memory_space<vmem>> -> memref<1x80xi32, #tpu.memory_space<vmem>>
      %dma_wait3A_761 = tpu.memref_squeeze %dma_wait3A_760 : memref<1x80xi32, #tpu.memory_space<vmem>> -> memref<80xi32, #tpu.memory_space<vmem>>
      %dma_wait3A_762 = arith.constant 0 : i32
      %dma_wait3A_763 = arith.constant 0 : i32
      %dma_wait3A_764 = tpu.memref_slice %arg10[%dma_wait3A_762, %dma_wait3A_763] : memref<10000x64xf32, #tpu.memory_space<vmem_shared>> -> memref<10000x64xf32, #tpu.memory_space<vmem_shared>>
      tpu.wait_indirect_dma semaphore(%arg28 : memref<!tpu.dma_semaphore, #tpu.memory_space<semaphore_mem>>) src(%dma_wait3A_758 : memref<80x64xf32, #tpu.memory_space<vmem>>) dst(%dma_wait3A_764 : memref<10000x64xf32, #tpu.memory_space<vmem_shared>>)
      %add3A_765 = arith.constant 2 : i32
      %add3A_766 = arith.addi %add3A_567, %add3A_765 : i32
      %lt3A_767 = arith.constant 25 : i32
      %lt3A_768 = arith.cmpi slt, %add3A_766, %lt3A_767 : i32
      %convert_element_type3A_769 = arith.extui %lt3A_768 : i1 to i32
      %cond3A_770 = arith.constant 0 : i32
      %cond3A_771 = arith.cmpi ne, %convert_element_type3A_769, %cond3A_770 : i32
      scf.if %cond3A_771 {
        %add3A_808 = arith.constant 2 : i32
        %add3A_809 = arith.addi %add3A_567, %add3A_808 : i32
        %mul3A_810 = arith.constant 5 : i32
        %mul3A_811 = arith.muli %add3A_809, %mul3A_810 : i32
        %add3A_812 = arith.constant 2 : i32
        %add3A_813 = arith.addi %mul3A_811, %add3A_812 : i32
        %dma_start3A_814 = arith.constant 7 : i32
        %dma_start3A_815 = arith.constant 0 : i32
        %dma_start3A_816 = arith.constant 0 : i32
        %dma_start3A_817 = tpu.memref_slice %arg9[%dma_start3A_814, %dma_start3A_815, %dma_start3A_816] : memref<10x80x64xf32, #tpu.memory_space<vmem>> -> memref<1x80x64xf32, #tpu.memory_space<vmem>>
        %dma_start3A_818 = tpu.memref_squeeze %dma_start3A_817 : memref<1x80x64xf32, #tpu.memory_space<vmem>> -> memref<80x64xf32, #tpu.memory_space<vmem>>
        %dma_start3A_819 = arith.constant 0 : i32
        %dma_start3A_820 = tpu.memref_slice %arg7[%add3A_813, %dma_start3A_819] : memref<125x80xi32, #tpu.memory_space<vmem>> -> memref<1x80xi32, #tpu.memory_space<vmem>>
        %dma_start3A_821 = tpu.memref_squeeze %dma_start3A_820 : memref<1x80xi32, #tpu.memory_space<vmem>> -> memref<80xi32, #tpu.memory_space<vmem>>
        %dma_start3A_822 = arith.constant 0 : i32
        %dma_start3A_823 = arith.constant 0 : i32
        %dma_start3A_824 = tpu.memref_slice %arg2[%dma_start3A_822, %dma_start3A_823] : memref<10000x64xf32, #tpu.memory_space<hbm>> -> memref<10000x64xf32, #tpu.memory_space<hbm>>
        tpu.enqueue_indirect_dma source(%dma_start3A_824 : memref<10000x64xf32, #tpu.memory_space<hbm>>) target(%dma_start3A_818 : memref<80x64xf32, #tpu.memory_space<vmem>>) offsets(%dma_start3A_821 : memref<80xi32, #tpu.memory_space<vmem>>) semaphore(%arg18 : memref<!tpu.dma_semaphore, #tpu.memory_space<semaphore_mem>>)
      } else {
      }
      %dma_wait3A_772 = arith.constant 8 : i32
      %dma_wait3A_773 = arith.constant 0 : i32
      %dma_wait3A_774 = arith.constant 0 : i32
      %dma_wait3A_775 = tpu.memref_slice %arg9[%dma_wait3A_772, %dma_wait3A_773, %dma_wait3A_774] : memref<10x80x64xf32, #tpu.memory_space<vmem>> -> memref<1x80x64xf32, #tpu.memory_space<vmem>>
      %dma_wait3A_776 = tpu.memref_squeeze %dma_wait3A_775 : memref<1x80x64xf32, #tpu.memory_space<vmem>> -> memref<80x64xf32, #tpu.memory_space<vmem>>
      %dma_wait3A_777 = arith.constant 0 : i32
      %dma_wait3A_778 = tpu.memref_slice %arg8[%add3A_676, %dma_wait3A_777] : memref<125x80xi32, #tpu.memory_space<vmem>> -> memref<1x80xi32, #tpu.memory_space<vmem>>
      %dma_wait3A_779 = tpu.memref_squeeze %dma_wait3A_778 : memref<1x80xi32, #tpu.memory_space<vmem>> -> memref<80xi32, #tpu.memory_space<vmem>>
      %dma_wait3A_780 = arith.constant 0 : i32
      %dma_wait3A_781 = arith.constant 0 : i32
      %dma_wait3A_782 = tpu.memref_slice %arg10[%dma_wait3A_780, %dma_wait3A_781] : memref<10000x64xf32, #tpu.memory_space<vmem_shared>> -> memref<10000x64xf32, #tpu.memory_space<vmem_shared>>
      tpu.wait_indirect_dma semaphore(%arg29 : memref<!tpu.dma_semaphore, #tpu.memory_space<semaphore_mem>>) src(%dma_wait3A_776 : memref<80x64xf32, #tpu.memory_space<vmem>>) dst(%dma_wait3A_782 : memref<10000x64xf32, #tpu.memory_space<vmem_shared>>)
      %add3A_783 = arith.constant 2 : i32
      %add3A_784 = arith.addi %add3A_567, %add3A_783 : i32
      %lt3A_785 = arith.constant 25 : i32
      %lt3A_786 = arith.cmpi slt, %add3A_784, %lt3A_785 : i32
      %convert_element_type3A_787 = arith.extui %lt3A_786 : i1 to i32
      %cond3A_788 = arith.constant 0 : i32
      %cond3A_789 = arith.cmpi ne, %convert_element_type3A_787, %cond3A_788 : i32
      scf.if %cond3A_789 {
        %add3A_808 = arith.constant 2 : i32
        %add3A_809 = arith.addi %add3A_567, %add3A_808 : i32
        %mul3A_810 = arith.constant 5 : i32
        %mul3A_811 = arith.muli %add3A_809, %mul3A_810 : i32
        %add3A_812 = arith.constant 3 : i32
        %add3A_813 = arith.addi %mul3A_811, %add3A_812 : i32
        %dma_start3A_814 = arith.constant 8 : i32
        %dma_start3A_815 = arith.constant 0 : i32
        %dma_start3A_816 = arith.constant 0 : i32
        %dma_start3A_817 = tpu.memref_slice %arg9[%dma_start3A_814, %dma_start3A_815, %dma_start3A_816] : memref<10x80x64xf32, #tpu.memory_space<vmem>> -> memref<1x80x64xf32, #tpu.memory_space<vmem>>
        %dma_start3A_818 = tpu.memref_squeeze %dma_start3A_817 : memref<1x80x64xf32, #tpu.memory_space<vmem>> -> memref<80x64xf32, #tpu.memory_space<vmem>>
        %dma_start3A_819 = arith.constant 0 : i32
        %dma_start3A_820 = tpu.memref_slice %arg7[%add3A_813, %dma_start3A_819] : memref<125x80xi32, #tpu.memory_space<vmem>> -> memref<1x80xi32, #tpu.memory_space<vmem>>
        %dma_start3A_821 = tpu.memref_squeeze %dma_start3A_820 : memref<1x80xi32, #tpu.memory_space<vmem>> -> memref<80xi32, #tpu.memory_space<vmem>>
        %dma_start3A_822 = arith.constant 0 : i32
        %dma_start3A_823 = arith.constant 0 : i32
        %dma_start3A_824 = tpu.memref_slice %arg2[%dma_start3A_822, %dma_start3A_823] : memref<10000x64xf32, #tpu.memory_space<hbm>> -> memref<10000x64xf32, #tpu.memory_space<hbm>>
        tpu.enqueue_indirect_dma source(%dma_start3A_824 : memref<10000x64xf32, #tpu.memory_space<hbm>>) target(%dma_start3A_818 : memref<80x64xf32, #tpu.memory_space<vmem>>) offsets(%dma_start3A_821 : memref<80xi32, #tpu.memory_space<vmem>>) semaphore(%arg19 : memref<!tpu.dma_semaphore, #tpu.memory_space<semaphore_mem>>)
      } else {
      }
      %dma_wait3A_790 = arith.constant 9 : i32
      %dma_wait3A_791 = arith.constant 0 : i32
      %dma_wait3A_792 = arith.constant 0 : i32
      %dma_wait3A_793 = tpu.memref_slice %arg9[%dma_wait3A_790, %dma_wait3A_791, %dma_wait3A_792] : memref<10x80x64xf32, #tpu.memory_space<vmem>> -> memref<1x80x64xf32, #tpu.memory_space<vmem>>
      %dma_wait3A_794 = tpu.memref_squeeze %dma_wait3A_793 : memref<1x80x64xf32, #tpu.memory_space<vmem>> -> memref<80x64xf32, #tpu.memory_space<vmem>>
      %dma_wait3A_795 = arith.constant 0 : i32
      %dma_wait3A_796 = tpu.memref_slice %arg8[%add3A_706, %dma_wait3A_795] : memref<125x80xi32, #tpu.memory_space<vmem>> -> memref<1x80xi32, #tpu.memory_space<vmem>>
      %dma_wait3A_797 = tpu.memref_squeeze %dma_wait3A_796 : memref<1x80xi32, #tpu.memory_space<vmem>> -> memref<80xi32, #tpu.memory_space<vmem>>
      %dma_wait3A_798 = arith.constant 0 : i32
      %dma_wait3A_799 = arith.constant 0 : i32
      %dma_wait3A_800 = tpu.memref_slice %arg10[%dma_wait3A_798, %dma_wait3A_799] : memref<10000x64xf32, #tpu.memory_space<vmem_shared>> -> memref<10000x64xf32, #tpu.memory_space<vmem_shared>>
      tpu.wait_indirect_dma semaphore(%arg30 : memref<!tpu.dma_semaphore, #tpu.memory_space<semaphore_mem>>) src(%dma_wait3A_794 : memref<80x64xf32, #tpu.memory_space<vmem>>) dst(%dma_wait3A_800 : memref<10000x64xf32, #tpu.memory_space<vmem_shared>>)
      %add3A_801 = arith.constant 2 : i32
      %add3A_802 = arith.addi %add3A_567, %add3A_801 : i32
      %lt3A_803 = arith.constant 25 : i32
      %lt3A_804 = arith.cmpi slt, %add3A_802, %lt3A_803 : i32
      %convert_element_type3A_805 = arith.extui %lt3A_804 : i1 to i32
      %cond3A_806 = arith.constant 0 : i32
      %cond3A_807 = arith.cmpi ne, %convert_element_type3A_805, %cond3A_806 : i32
      scf.if %cond3A_807 {
        %add3A_808 = arith.constant 2 : i32
        %add3A_809 = arith.addi %add3A_567, %add3A_808 : i32
        %mul3A_810 = arith.constant 5 : i32
        %mul3A_811 = arith.muli %add3A_809, %mul3A_810 : i32
        %add3A_812 = arith.constant 4 : i32
        %add3A_813 = arith.addi %mul3A_811, %add3A_812 : i32
        %dma_start3A_814 = arith.constant 9 : i32
        %dma_start3A_815 = arith.constant 0 : i32
        %dma_start3A_816 = arith.constant 0 : i32
        %dma_start3A_817 = tpu.memref_slice %arg9[%dma_start3A_814, %dma_start3A_815, %dma_start3A_816] : memref<10x80x64xf32, #tpu.memory_space<vmem>> -> memref<1x80x64xf32, #tpu.memory_space<vmem>>
        %dma_start3A_818 = tpu.memref_squeeze %dma_start3A_817 : memref<1x80x64xf32, #tpu.memory_space<vmem>> -> memref<80x64xf32, #tpu.memory_space<vmem>>
        %dma_start3A_819 = arith.constant 0 : i32
        %dma_start3A_820 = tpu.memref_slice %arg7[%add3A_813, %dma_start3A_819] : memref<125x80xi32, #tpu.memory_space<vmem>> -> memref<1x80xi32, #tpu.memory_space<vmem>>
        %dma_start3A_821 = tpu.memref_squeeze %dma_start3A_820 : memref<1x80xi32, #tpu.memory_space<vmem>> -> memref<80xi32, #tpu.memory_space<vmem>>
        %dma_start3A_822 = arith.constant 0 : i32
        %dma_start3A_823 = arith.constant 0 : i32
        %dma_start3A_824 = tpu.memref_slice %arg2[%dma_start3A_822, %dma_start3A_823] : memref<10000x64xf32, #tpu.memory_space<hbm>> -> memref<10000x64xf32, #tpu.memory_space<hbm>>
        tpu.enqueue_indirect_dma source(%dma_start3A_824 : memref<10000x64xf32, #tpu.memory_space<hbm>>) target(%dma_start3A_818 : memref<80x64xf32, #tpu.memory_space<vmem>>) offsets(%dma_start3A_821 : memref<80xi32, #tpu.memory_space<vmem>>) semaphore(%arg20 : memref<!tpu.dma_semaphore, #tpu.memory_space<semaphore_mem>>)
      } else {
      }
    }
    %scan3A_130 = arith.constant 12 : i32
    %dma_wait3A = arith.constant 120 : i32
    %dma_wait3A_131 = arith.constant 0 : i32
    %dma_wait3A_132 = arith.constant 0 : i32
    %dma_wait3A_133 = arith.constant 0 : i32
    %dma_wait3A_134 = tpu.memref_slice %arg9[%dma_wait3A_131, %dma_wait3A_132, %dma_wait3A_133] : memref<10x80x64xf32, #tpu.memory_space<vmem>> -> memref<1x80x64xf32, #tpu.memory_space<vmem>>
    %dma_wait3A_135 = tpu.memref_squeeze %dma_wait3A_134 : memref<1x80x64xf32, #tpu.memory_space<vmem>> -> memref<80x64xf32, #tpu.memory_space<vmem>>
    %dma_wait3A_136 = arith.constant 0 : i32
    %dma_wait3A_137 = tpu.memref_slice %arg7[%dma_wait3A, %dma_wait3A_136] : memref<125x80xi32, #tpu.memory_space<vmem>> -> memref<1x80xi32, #tpu.memory_space<vmem>>
    %dma_wait3A_138 = tpu.memref_squeeze %dma_wait3A_137 : memref<1x80xi32, #tpu.memory_space<vmem>> -> memref<80xi32, #tpu.memory_space<vmem>>
    %dma_wait3A_139 = arith.constant 0 : i32
    %dma_wait3A_140 = arith.constant 0 : i32
    %dma_wait3A_141 = tpu.memref_slice %arg2[%dma_wait3A_139, %dma_wait3A_140] : memref<10000x64xf32, #tpu.memory_space<hbm>> -> memref<10000x64xf32, #tpu.memory_space<hbm>>
    tpu.wait_indirect_dma semaphore(%arg11 : memref<!tpu.dma_semaphore, #tpu.memory_space<semaphore_mem>>) src(%dma_wait3A_141 : memref<10000x64xf32, #tpu.memory_space<hbm>>) dst(%dma_wait3A_135 : memref<80x64xf32, #tpu.memory_space<vmem>>)
    %dma_start3A_142 = arith.constant 0 : i32
    %dma_start3A_143 = arith.constant 120 : i32
    %dma_start3A_144 = arith.constant 0 : i32
    %dma_start3A_145 = arith.constant 0 : i32
    %dma_start3A_146 = tpu.memref_slice %arg9[%dma_start3A_142, %dma_start3A_144, %dma_start3A_145] : memref<10x80x64xf32, #tpu.memory_space<vmem>> -> memref<1x80x64xf32, #tpu.memory_space<vmem>>
    %dma_start3A_147 = tpu.memref_squeeze %dma_start3A_146 : memref<1x80x64xf32, #tpu.memory_space<vmem>> -> memref<80x64xf32, #tpu.memory_space<vmem>>
    %dma_start3A_148 = arith.constant 0 : i32
    %dma_start3A_149 = tpu.memref_slice %arg8[%dma_start3A_143, %dma_start3A_148] : memref<125x80xi32, #tpu.memory_space<vmem>> -> memref<1x80xi32, #tpu.memory_space<vmem>>
    %dma_start3A_150 = tpu.memref_squeeze %dma_start3A_149 : memref<1x80xi32, #tpu.memory_space<vmem>> -> memref<80xi32, #tpu.memory_space<vmem>>
    %dma_start3A_151 = arith.constant 0 : i32
    %dma_start3A_152 = arith.constant 0 : i32
    %dma_start3A_153 = tpu.memref_slice %arg10[%dma_start3A_151, %dma_start3A_152] : memref<10000x64xf32, #tpu.memory_space<vmem_shared>> -> memref<10000x64xf32, #tpu.memory_space<vmem_shared>>
    tpu.enqueue_indirect_dma source(%dma_start3A_147 : memref<80x64xf32, #tpu.memory_space<vmem>>) target(%dma_start3A_153 : memref<10000x64xf32, #tpu.memory_space<vmem_shared>>) offsets(%dma_start3A_150 : memref<80xi32, #tpu.memory_space<vmem>>) semaphore(%arg21 : memref<!tpu.dma_semaphore, #tpu.memory_space<semaphore_mem>>) {add = true}
    %dma_wait3A_154 = arith.constant 121 : i32
    %dma_wait3A_155 = arith.constant 1 : i32
    %dma_wait3A_156 = arith.constant 0 : i32
    %dma_wait3A_157 = arith.constant 0 : i32
    %dma_wait3A_158 = tpu.memref_slice %arg9[%dma_wait3A_155, %dma_wait3A_156, %dma_wait3A_157] : memref<10x80x64xf32, #tpu.memory_space<vmem>> -> memref<1x80x64xf32, #tpu.memory_space<vmem>>
    %dma_wait3A_159 = tpu.memref_squeeze %dma_wait3A_158 : memref<1x80x64xf32, #tpu.memory_space<vmem>> -> memref<80x64xf32, #tpu.memory_space<vmem>>
    %dma_wait3A_160 = arith.constant 0 : i32
    %dma_wait3A_161 = tpu.memref_slice %arg7[%dma_wait3A_154, %dma_wait3A_160] : memref<125x80xi32, #tpu.memory_space<vmem>> -> memref<1x80xi32, #tpu.memory_space<vmem>>
    %dma_wait3A_162 = tpu.memref_squeeze %dma_wait3A_161 : memref<1x80xi32, #tpu.memory_space<vmem>> -> memref<80xi32, #tpu.memory_space<vmem>>
    %dma_wait3A_163 = arith.constant 0 : i32
    %dma_wait3A_164 = arith.constant 0 : i32
    %dma_wait3A_165 = tpu.memref_slice %arg2[%dma_wait3A_163, %dma_wait3A_164] : memref<10000x64xf32, #tpu.memory_space<hbm>> -> memref<10000x64xf32, #tpu.memory_space<hbm>>
    tpu.wait_indirect_dma semaphore(%arg12 : memref<!tpu.dma_semaphore, #tpu.memory_space<semaphore_mem>>) src(%dma_wait3A_165 : memref<10000x64xf32, #tpu.memory_space<hbm>>) dst(%dma_wait3A_159 : memref<80x64xf32, #tpu.memory_space<vmem>>)
    %dma_start3A_166 = arith.constant 1 : i32
    %dma_start3A_167 = arith.constant 121 : i32
    %dma_start3A_168 = arith.constant 0 : i32
    %dma_start3A_169 = arith.constant 0 : i32
    %dma_start3A_170 = tpu.memref_slice %arg9[%dma_start3A_166, %dma_start3A_168, %dma_start3A_169] : memref<10x80x64xf32, #tpu.memory_space<vmem>> -> memref<1x80x64xf32, #tpu.memory_space<vmem>>
    %dma_start3A_171 = tpu.memref_squeeze %dma_start3A_170 : memref<1x80x64xf32, #tpu.memory_space<vmem>> -> memref<80x64xf32, #tpu.memory_space<vmem>>
    %dma_start3A_172 = arith.constant 0 : i32
    %dma_start3A_173 = tpu.memref_slice %arg8[%dma_start3A_167, %dma_start3A_172] : memref<125x80xi32, #tpu.memory_space<vmem>> -> memref<1x80xi32, #tpu.memory_space<vmem>>
    %dma_start3A_174 = tpu.memref_squeeze %dma_start3A_173 : memref<1x80xi32, #tpu.memory_space<vmem>> -> memref<80xi32, #tpu.memory_space<vmem>>
    %dma_start3A_175 = arith.constant 0 : i32
    %dma_start3A_176 = arith.constant 0 : i32
    %dma_start3A_177 = tpu.memref_slice %arg10[%dma_start3A_175, %dma_start3A_176] : memref<10000x64xf32, #tpu.memory_space<vmem_shared>> -> memref<10000x64xf32, #tpu.memory_space<vmem_shared>>
    tpu.enqueue_indirect_dma source(%dma_start3A_171 : memref<80x64xf32, #tpu.memory_space<vmem>>) target(%dma_start3A_177 : memref<10000x64xf32, #tpu.memory_space<vmem_shared>>) offsets(%dma_start3A_174 : memref<80xi32, #tpu.memory_space<vmem>>) semaphore(%arg22 : memref<!tpu.dma_semaphore, #tpu.memory_space<semaphore_mem>>) {add = true}
    %dma_wait3A_178 = arith.constant 122 : i32
    %dma_wait3A_179 = arith.constant 2 : i32
    %dma_wait3A_180 = arith.constant 0 : i32
    %dma_wait3A_181 = arith.constant 0 : i32
    %dma_wait3A_182 = tpu.memref_slice %arg9[%dma_wait3A_179, %dma_wait3A_180, %dma_wait3A_181] : memref<10x80x64xf32, #tpu.memory_space<vmem>> -> memref<1x80x64xf32, #tpu.memory_space<vmem>>
    %dma_wait3A_183 = tpu.memref_squeeze %dma_wait3A_182 : memref<1x80x64xf32, #tpu.memory_space<vmem>> -> memref<80x64xf32, #tpu.memory_space<vmem>>
    %dma_wait3A_184 = arith.constant 0 : i32
    %dma_wait3A_185 = tpu.memref_slice %arg7[%dma_wait3A_178, %dma_wait3A_184] : memref<125x80xi32, #tpu.memory_space<vmem>> -> memref<1x80xi32, #tpu.memory_space<vmem>>
    %dma_wait3A_186 = tpu.memref_squeeze %dma_wait3A_185 : memref<1x80xi32, #tpu.memory_space<vmem>> -> memref<80xi32, #tpu.memory_space<vmem>>
    %dma_wait3A_187 = arith.constant 0 : i32
    %dma_wait3A_188 = arith.constant 0 : i32
    %dma_wait3A_189 = tpu.memref_slice %arg2[%dma_wait3A_187, %dma_wait3A_188] : memref<10000x64xf32, #tpu.memory_space<hbm>> -> memref<10000x64xf32, #tpu.memory_space<hbm>>
    tpu.wait_indirect_dma semaphore(%arg13 : memref<!tpu.dma_semaphore, #tpu.memory_space<semaphore_mem>>) src(%dma_wait3A_189 : memref<10000x64xf32, #tpu.memory_space<hbm>>) dst(%dma_wait3A_183 : memref<80x64xf32, #tpu.memory_space<vmem>>)
    %dma_start3A_190 = arith.constant 2 : i32
    %dma_start3A_191 = arith.constant 122 : i32
    %dma_start3A_192 = arith.constant 0 : i32
    %dma_start3A_193 = arith.constant 0 : i32
    %dma_start3A_194 = tpu.memref_slice %arg9[%dma_start3A_190, %dma_start3A_192, %dma_start3A_193] : memref<10x80x64xf32, #tpu.memory_space<vmem>> -> memref<1x80x64xf32, #tpu.memory_space<vmem>>
    %dma_start3A_195 = tpu.memref_squeeze %dma_start3A_194 : memref<1x80x64xf32, #tpu.memory_space<vmem>> -> memref<80x64xf32, #tpu.memory_space<vmem>>
    %dma_start3A_196 = arith.constant 0 : i32
    %dma_start3A_197 = tpu.memref_slice %arg8[%dma_start3A_191, %dma_start3A_196] : memref<125x80xi32, #tpu.memory_space<vmem>> -> memref<1x80xi32, #tpu.memory_space<vmem>>
    %dma_start3A_198 = tpu.memref_squeeze %dma_start3A_197 : memref<1x80xi32, #tpu.memory_space<vmem>> -> memref<80xi32, #tpu.memory_space<vmem>>
    %dma_start3A_199 = arith.constant 0 : i32
    %dma_start3A_200 = arith.constant 0 : i32
    %dma_start3A_201 = tpu.memref_slice %arg10[%dma_start3A_199, %dma_start3A_200] : memref<10000x64xf32, #tpu.memory_space<vmem_shared>> -> memref<10000x64xf32, #tpu.memory_space<vmem_shared>>
    tpu.enqueue_indirect_dma source(%dma_start3A_195 : memref<80x64xf32, #tpu.memory_space<vmem>>) target(%dma_start3A_201 : memref<10000x64xf32, #tpu.memory_space<vmem_shared>>) offsets(%dma_start3A_198 : memref<80xi32, #tpu.memory_space<vmem>>) semaphore(%arg23 : memref<!tpu.dma_semaphore, #tpu.memory_space<semaphore_mem>>) {add = true}
    %dma_wait3A_202 = arith.constant 123 : i32
    %dma_wait3A_203 = arith.constant 3 : i32
    %dma_wait3A_204 = arith.constant 0 : i32
    %dma_wait3A_205 = arith.constant 0 : i32
    %dma_wait3A_206 = tpu.memref_slice %arg9[%dma_wait3A_203, %dma_wait3A_204, %dma_wait3A_205] : memref<10x80x64xf32, #tpu.memory_space<vmem>> -> memref<1x80x64xf32, #tpu.memory_space<vmem>>
    %dma_wait3A_207 = tpu.memref_squeeze %dma_wait3A_206 : memref<1x80x64xf32, #tpu.memory_space<vmem>> -> memref<80x64xf32, #tpu.memory_space<vmem>>
    %dma_wait3A_208 = arith.constant 0 : i32
    %dma_wait3A_209 = tpu.memref_slice %arg7[%dma_wait3A_202, %dma_wait3A_208] : memref<125x80xi32, #tpu.memory_space<vmem>> -> memref<1x80xi32, #tpu.memory_space<vmem>>
    %dma_wait3A_210 = tpu.memref_squeeze %dma_wait3A_209 : memref<1x80xi32, #tpu.memory_space<vmem>> -> memref<80xi32, #tpu.memory_space<vmem>>
    %dma_wait3A_211 = arith.constant 0 : i32
    %dma_wait3A_212 = arith.constant 0 : i32
    %dma_wait3A_213 = tpu.memref_slice %arg2[%dma_wait3A_211, %dma_wait3A_212] : memref<10000x64xf32, #tpu.memory_space<hbm>> -> memref<10000x64xf32, #tpu.memory_space<hbm>>
    tpu.wait_indirect_dma semaphore(%arg14 : memref<!tpu.dma_semaphore, #tpu.memory_space<semaphore_mem>>) src(%dma_wait3A_213 : memref<10000x64xf32, #tpu.memory_space<hbm>>) dst(%dma_wait3A_207 : memref<80x64xf32, #tpu.memory_space<vmem>>)
    %dma_start3A_214 = arith.constant 3 : i32
    %dma_start3A_215 = arith.constant 123 : i32
    %dma_start3A_216 = arith.constant 0 : i32
    %dma_start3A_217 = arith.constant 0 : i32
    %dma_start3A_218 = tpu.memref_slice %arg9[%dma_start3A_214, %dma_start3A_216, %dma_start3A_217] : memref<10x80x64xf32, #tpu.memory_space<vmem>> -> memref<1x80x64xf32, #tpu.memory_space<vmem>>
    %dma_start3A_219 = tpu.memref_squeeze %dma_start3A_218 : memref<1x80x64xf32, #tpu.memory_space<vmem>> -> memref<80x64xf32, #tpu.memory_space<vmem>>
    %dma_start3A_220 = arith.constant 0 : i32
    %dma_start3A_221 = tpu.memref_slice %arg8[%dma_start3A_215, %dma_start3A_220] : memref<125x80xi32, #tpu.memory_space<vmem>> -> memref<1x80xi32, #tpu.memory_space<vmem>>
    %dma_start3A_222 = tpu.memref_squeeze %dma_start3A_221 : memref<1x80xi32, #tpu.memory_space<vmem>> -> memref<80xi32, #tpu.memory_space<vmem>>
    %dma_start3A_223 = arith.constant 0 : i32
    %dma_start3A_224 = arith.constant 0 : i32
    %dma_start3A_225 = tpu.memref_slice %arg10[%dma_start3A_223, %dma_start3A_224] : memref<10000x64xf32, #tpu.memory_space<vmem_shared>> -> memref<10000x64xf32, #tpu.memory_space<vmem_shared>>
    tpu.enqueue_indirect_dma source(%dma_start3A_219 : memref<80x64xf32, #tpu.memory_space<vmem>>) target(%dma_start3A_225 : memref<10000x64xf32, #tpu.memory_space<vmem_shared>>) offsets(%dma_start3A_222 : memref<80xi32, #tpu.memory_space<vmem>>) semaphore(%arg24 : memref<!tpu.dma_semaphore, #tpu.memory_space<semaphore_mem>>) {add = true}
    %dma_wait3A_226 = arith.constant 124 : i32
    %dma_wait3A_227 = arith.constant 4 : i32
    %dma_wait3A_228 = arith.constant 0 : i32
    %dma_wait3A_229 = arith.constant 0 : i32
    %dma_wait3A_230 = tpu.memref_slice %arg9[%dma_wait3A_227, %dma_wait3A_228, %dma_wait3A_229] : memref<10x80x64xf32, #tpu.memory_space<vmem>> -> memref<1x80x64xf32, #tpu.memory_space<vmem>>
    %dma_wait3A_231 = tpu.memref_squeeze %dma_wait3A_230 : memref<1x80x64xf32, #tpu.memory_space<vmem>> -> memref<80x64xf32, #tpu.memory_space<vmem>>
    %dma_wait3A_232 = arith.constant 0 : i32
    %dma_wait3A_233 = tpu.memref_slice %arg7[%dma_wait3A_226, %dma_wait3A_232] : memref<125x80xi32, #tpu.memory_space<vmem>> -> memref<1x80xi32, #tpu.memory_space<vmem>>
    %dma_wait3A_234 = tpu.memref_squeeze %dma_wait3A_233 : memref<1x80xi32, #tpu.memory_space<vmem>> -> memref<80xi32, #tpu.memory_space<vmem>>
    %dma_wait3A_235 = arith.constant 0 : i32
    %dma_wait3A_236 = arith.constant 0 : i32
    %dma_wait3A_237 = tpu.memref_slice %arg2[%dma_wait3A_235, %dma_wait3A_236] : memref<10000x64xf32, #tpu.memory_space<hbm>> -> memref<10000x64xf32, #tpu.memory_space<hbm>>
    tpu.wait_indirect_dma semaphore(%arg15 : memref<!tpu.dma_semaphore, #tpu.memory_space<semaphore_mem>>) src(%dma_wait3A_237 : memref<10000x64xf32, #tpu.memory_space<hbm>>) dst(%dma_wait3A_231 : memref<80x64xf32, #tpu.memory_space<vmem>>)
    %dma_start3A_238 = arith.constant 4 : i32
    %dma_start3A_239 = arith.constant 124 : i32
    %dma_start3A_240 = arith.constant 0 : i32
    %dma_start3A_241 = arith.constant 0 : i32
    %dma_start3A_242 = tpu.memref_slice %arg9[%dma_start3A_238, %dma_start3A_240, %dma_start3A_241] : memref<10x80x64xf32, #tpu.memory_space<vmem>> -> memref<1x80x64xf32, #tpu.memory_space<vmem>>
    %dma_start3A_243 = tpu.memref_squeeze %dma_start3A_242 : memref<1x80x64xf32, #tpu.memory_space<vmem>> -> memref<80x64xf32, #tpu.memory_space<vmem>>
    %dma_start3A_244 = arith.constant 0 : i32
    %dma_start3A_245 = tpu.memref_slice %arg8[%dma_start3A_239, %dma_start3A_244] : memref<125x80xi32, #tpu.memory_space<vmem>> -> memref<1x80xi32, #tpu.memory_space<vmem>>
    %dma_start3A_246 = tpu.memref_squeeze %dma_start3A_245 : memref<1x80xi32, #tpu.memory_space<vmem>> -> memref<80xi32, #tpu.memory_space<vmem>>
    %dma_start3A_247 = arith.constant 0 : i32
    %dma_start3A_248 = arith.constant 0 : i32
    %dma_start3A_249 = tpu.memref_slice %arg10[%dma_start3A_247, %dma_start3A_248] : memref<10000x64xf32, #tpu.memory_space<vmem_shared>> -> memref<10000x64xf32, #tpu.memory_space<vmem_shared>>
    tpu.enqueue_indirect_dma source(%dma_start3A_243 : memref<80x64xf32, #tpu.memory_space<vmem>>) target(%dma_start3A_249 : memref<10000x64xf32, #tpu.memory_space<vmem_shared>>) offsets(%dma_start3A_246 : memref<80xi32, #tpu.memory_space<vmem>>) semaphore(%arg25 : memref<!tpu.dma_semaphore, #tpu.memory_space<semaphore_mem>>) {add = true}
    %dma_wait3A_250 = arith.constant 0 : i32
    %dma_wait3A_251 = arith.constant 120 : i32
    %dma_wait3A_252 = arith.constant 0 : i32
    %dma_wait3A_253 = arith.constant 0 : i32
    %dma_wait3A_254 = tpu.memref_slice %arg9[%dma_wait3A_250, %dma_wait3A_252, %dma_wait3A_253] : memref<10x80x64xf32, #tpu.memory_space<vmem>> -> memref<1x80x64xf32, #tpu.memory_space<vmem>>
    %dma_wait3A_255 = tpu.memref_squeeze %dma_wait3A_254 : memref<1x80x64xf32, #tpu.memory_space<vmem>> -> memref<80x64xf32, #tpu.memory_space<vmem>>
    %dma_wait3A_256 = arith.constant 0 : i32
    %dma_wait3A_257 = tpu.memref_slice %arg8[%dma_wait3A_251, %dma_wait3A_256] : memref<125x80xi32, #tpu.memory_space<vmem>> -> memref<1x80xi32, #tpu.memory_space<vmem>>
    %dma_wait3A_258 = tpu.memref_squeeze %dma_wait3A_257 : memref<1x80xi32, #tpu.memory_space<vmem>> -> memref<80xi32, #tpu.memory_space<vmem>>
    %dma_wait3A_259 = arith.constant 0 : i32
    %dma_wait3A_260 = arith.constant 0 : i32
    %dma_wait3A_261 = tpu.memref_slice %arg10[%dma_wait3A_259, %dma_wait3A_260] : memref<10000x64xf32, #tpu.memory_space<vmem_shared>> -> memref<10000x64xf32, #tpu.memory_space<vmem_shared>>
    tpu.wait_indirect_dma semaphore(%arg21 : memref<!tpu.dma_semaphore, #tpu.memory_space<semaphore_mem>>) src(%dma_wait3A_255 : memref<80x64xf32, #tpu.memory_space<vmem>>) dst(%dma_wait3A_261 : memref<10000x64xf32, #tpu.memory_space<vmem_shared>>)
    %dma_wait3A_262 = arith.constant 1 : i32
    %dma_wait3A_263 = arith.constant 121 : i32
    %dma_wait3A_264 = arith.constant 0 : i32
    %dma_wait3A_265 = arith.constant 0 : i32
    %dma_wait3A_266 = tpu.memref_slice %arg9[%dma_wait3A_262, %dma_wait3A_264, %dma_wait3A_265] : memref<10x80x64xf32, #tpu.memory_space<vmem>> -> memref<1x80x64xf32, #tpu.memory_space<vmem>>
    %dma_wait3A_267 = tpu.memref_squeeze %dma_wait3A_266 : memref<1x80x64xf32, #tpu.memory_space<vmem>> -> memref<80x64xf32, #tpu.memory_space<vmem>>
    %dma_wait3A_268 = arith.constant 0 : i32
    %dma_wait3A_269 = tpu.memref_slice %arg8[%dma_wait3A_263, %dma_wait3A_268] : memref<125x80xi32, #tpu.memory_space<vmem>> -> memref<1x80xi32, #tpu.memory_space<vmem>>
    %dma_wait3A_270 = tpu.memref_squeeze %dma_wait3A_269 : memref<1x80xi32, #tpu.memory_space<vmem>> -> memref<80xi32, #tpu.memory_space<vmem>>
    %dma_wait3A_271 = arith.constant 0 : i32
    %dma_wait3A_272 = arith.constant 0 : i32
    %dma_wait3A_273 = tpu.memref_slice %arg10[%dma_wait3A_271, %dma_wait3A_272] : memref<10000x64xf32, #tpu.memory_space<vmem_shared>> -> memref<10000x64xf32, #tpu.memory_space<vmem_shared>>
    tpu.wait_indirect_dma semaphore(%arg22 : memref<!tpu.dma_semaphore, #tpu.memory_space<semaphore_mem>>) src(%dma_wait3A_267 : memref<80x64xf32, #tpu.memory_space<vmem>>) dst(%dma_wait3A_273 : memref<10000x64xf32, #tpu.memory_space<vmem_shared>>)
    %dma_wait3A_274 = arith.constant 2 : i32
    %dma_wait3A_275 = arith.constant 122 : i32
    %dma_wait3A_276 = arith.constant 0 : i32
    %dma_wait3A_277 = arith.constant 0 : i32
    %dma_wait3A_278 = tpu.memref_slice %arg9[%dma_wait3A_274, %dma_wait3A_276, %dma_wait3A_277] : memref<10x80x64xf32, #tpu.memory_space<vmem>> -> memref<1x80x64xf32, #tpu.memory_space<vmem>>
    %dma_wait3A_279 = tpu.memref_squeeze %dma_wait3A_278 : memref<1x80x64xf32, #tpu.memory_space<vmem>> -> memref<80x64xf32, #tpu.memory_space<vmem>>
    %dma_wait3A_280 = arith.constant 0 : i32
    %dma_wait3A_281 = tpu.memref_slice %arg8[%dma_wait3A_275, %dma_wait3A_280] : memref<125x80xi32, #tpu.memory_space<vmem>> -> memref<1x80xi32, #tpu.memory_space<vmem>>
    %dma_wait3A_282 = tpu.memref_squeeze %dma_wait3A_281 : memref<1x80xi32, #tpu.memory_space<vmem>> -> memref<80xi32, #tpu.memory_space<vmem>>
    %dma_wait3A_283 = arith.constant 0 : i32
    %dma_wait3A_284 = arith.constant 0 : i32
    %dma_wait3A_285 = tpu.memref_slice %arg10[%dma_wait3A_283, %dma_wait3A_284] : memref<10000x64xf32, #tpu.memory_space<vmem_shared>> -> memref<10000x64xf32, #tpu.memory_space<vmem_shared>>
    tpu.wait_indirect_dma semaphore(%arg23 : memref<!tpu.dma_semaphore, #tpu.memory_space<semaphore_mem>>) src(%dma_wait3A_279 : memref<80x64xf32, #tpu.memory_space<vmem>>) dst(%dma_wait3A_285 : memref<10000x64xf32, #tpu.memory_space<vmem_shared>>)
    %dma_wait3A_286 = arith.constant 3 : i32
    %dma_wait3A_287 = arith.constant 123 : i32
    %dma_wait3A_288 = arith.constant 0 : i32
    %dma_wait3A_289 = arith.constant 0 : i32
    %dma_wait3A_290 = tpu.memref_slice %arg9[%dma_wait3A_286, %dma_wait3A_288, %dma_wait3A_289] : memref<10x80x64xf32, #tpu.memory_space<vmem>> -> memref<1x80x64xf32, #tpu.memory_space<vmem>>
    %dma_wait3A_291 = tpu.memref_squeeze %dma_wait3A_290 : memref<1x80x64xf32, #tpu.memory_space<vmem>> -> memref<80x64xf32, #tpu.memory_space<vmem>>
    %dma_wait3A_292 = arith.constant 0 : i32
    %dma_wait3A_293 = tpu.memref_slice %arg8[%dma_wait3A_287, %dma_wait3A_292] : memref<125x80xi32, #tpu.memory_space<vmem>> -> memref<1x80xi32, #tpu.memory_space<vmem>>
    %dma_wait3A_294 = tpu.memref_squeeze %dma_wait3A_293 : memref<1x80xi32, #tpu.memory_space<vmem>> -> memref<80xi32, #tpu.memory_space<vmem>>
    %dma_wait3A_295 = arith.constant 0 : i32
    %dma_wait3A_296 = arith.constant 0 : i32
    %dma_wait3A_297 = tpu.memref_slice %arg10[%dma_wait3A_295, %dma_wait3A_296] : memref<10000x64xf32, #tpu.memory_space<vmem_shared>> -> memref<10000x64xf32, #tpu.memory_space<vmem_shared>>
    tpu.wait_indirect_dma semaphore(%arg24 : memref<!tpu.dma_semaphore, #tpu.memory_space<semaphore_mem>>) src(%dma_wait3A_291 : memref<80x64xf32, #tpu.memory_space<vmem>>) dst(%dma_wait3A_297 : memref<10000x64xf32, #tpu.memory_space<vmem_shared>>)
    %dma_wait3A_298 = arith.constant 4 : i32
    %dma_wait3A_299 = arith.constant 124 : i32
    %dma_wait3A_300 = arith.constant 0 : i32
    %dma_wait3A_301 = arith.constant 0 : i32
    %dma_wait3A_302 = tpu.memref_slice %arg9[%dma_wait3A_298, %dma_wait3A_300, %dma_wait3A_301] : memref<10x80x64xf32, #tpu.memory_space<vmem>> -> memref<1x80x64xf32, #tpu.memory_space<vmem>>
    %dma_wait3A_303 = tpu.memref_squeeze %dma_wait3A_302 : memref<1x80x64xf32, #tpu.memory_space<vmem>> -> memref<80x64xf32, #tpu.memory_space<vmem>>
    %dma_wait3A_304 = arith.constant 0 : i32
    %dma_wait3A_305 = tpu.memref_slice %arg8[%dma_wait3A_299, %dma_wait3A_304] : memref<125x80xi32, #tpu.memory_space<vmem>> -> memref<1x80xi32, #tpu.memory_space<vmem>>
    %dma_wait3A_306 = tpu.memref_squeeze %dma_wait3A_305 : memref<1x80xi32, #tpu.memory_space<vmem>> -> memref<80xi32, #tpu.memory_space<vmem>>
    %dma_wait3A_307 = arith.constant 0 : i32
    %dma_wait3A_308 = arith.constant 0 : i32
    %dma_wait3A_309 = tpu.memref_slice %arg10[%dma_wait3A_307, %dma_wait3A_308] : memref<10000x64xf32, #tpu.memory_space<vmem_shared>> -> memref<10000x64xf32, #tpu.memory_space<vmem_shared>>
    tpu.wait_indirect_dma semaphore(%arg25 : memref<!tpu.dma_semaphore, #tpu.memory_space<semaphore_mem>>) src(%dma_wait3A_303 : memref<80x64xf32, #tpu.memory_space<vmem>>) dst(%dma_wait3A_309 : memref<10000x64xf32, #tpu.memory_space<vmem_shared>>)
    %barrier3A_310 = arith.constant 0 : index
    tpu.barrier barrier_id(%barrier3A_310)
    %lt3A_311 = arith.constant 15 : i32
    %lt3A_312 = arith.cmpi slt, %arg1, %lt3A_311 : i32
    %convert_element_type3A_313 = arith.extui %lt3A_312 : i1 to i32
    %cond3A_314 = arith.constant 0 : i32
    %cond3A_315 = arith.cmpi ne, %convert_element_type3A_313, %cond3A_314 : i32
    scf.if %cond3A_315 {
      %mul3A_321 = arith.constant 624 : i32
      %mul3A_322 = arith.muli %arg1, %mul3A_321 : i32
      "tpu.region"() ({
        %run_scoped3A = tpu.sem_alloc : memref<!tpu.dma_semaphore, #tpu.memory_space<semaphore_mem>>
        %dma_start3A_323 = arith.constant 0 : i32
        %dma_start3A_324 = tpu.memref_slice %arg6[%arg0, %mul3A_322, %dma_start3A_323] : memref<2x10000x64xf32, #tpu.memory_space<hbm>> -> memref<1x624x64xf32, #tpu.memory_space<hbm>>
        %dma_start3A_325 = tpu.memref_squeeze %dma_start3A_324 : memref<1x624x64xf32, #tpu.memory_space<hbm>> -> memref<624x64xf32, #tpu.memory_space<hbm>>
        %dma_start3A_326 = arith.constant 0 : i32
        %dma_start3A_327 = tpu.memref_slice %arg10[%mul3A_322, %dma_start3A_326] : memref<10000x64xf32, #tpu.memory_space<vmem_shared>> -> memref<624x64xf32, #tpu.memory_space<vmem_shared>>
        tpu.enqueue_dma source(%dma_start3A_327 : memref<624x64xf32, #tpu.memory_space<vmem_shared>>) target(%dma_start3A_325 : memref<624x64xf32, #tpu.memory_space<hbm>>) target_semaphore(%run_scoped3A : memref<!tpu.dma_semaphore, #tpu.memory_space<semaphore_mem>>)
        %dma_wait3A_328 = arith.constant 0 : i32
        %dma_wait3A_329 = tpu.memref_slice %arg6[%arg0, %mul3A_322, %dma_wait3A_328] : memref<2x10000x64xf32, #tpu.memory_space<hbm>> -> memref<1x624x64xf32, #tpu.memory_space<hbm>>
        %dma_wait3A_330 = tpu.memref_squeeze %dma_wait3A_329 : memref<1x624x64xf32, #tpu.memory_space<hbm>> -> memref<624x64xf32, #tpu.memory_space<hbm>>
        %dma_wait3A_331 = arith.constant 0 : i32
        %dma_wait3A_332 = tpu.memref_slice %arg10[%mul3A_322, %dma_wait3A_331] : memref<10000x64xf32, #tpu.memory_space<vmem_shared>> -> memref<624x64xf32, #tpu.memory_space<vmem_shared>>
        tpu.wait_dma2 semaphore(%run_scoped3A : memref<!tpu.dma_semaphore, #tpu.memory_space<semaphore_mem>>) src(%dma_wait3A_332 : memref<624x64xf32, #tpu.memory_space<vmem_shared>>) dst(%dma_wait3A_330 : memref<624x64xf32, #tpu.memory_space<hbm>>)
        tpu.yield
      }) : () -> ()
    } else {
    }
    %eq3A_316 = arith.constant 15 : i32
    %eq3A_317 = arith.cmpi eq, %arg1, %eq3A_316 : i32
    %convert_element_type3A_318 = arith.extui %eq3A_317 : i1 to i32
    %cond3A_319 = arith.constant 0 : i32
    %cond3A_320 = arith.cmpi ne, %convert_element_type3A_318, %cond3A_319 : i32
    scf.if %cond3A_320 {
      "tpu.region"() ({
        %run_scoped3A = tpu.sem_alloc : memref<!tpu.dma_semaphore, #tpu.memory_space<semaphore_mem>>
        %dma_start3A_321 = arith.constant 9360 : i32
        %dma_start3A_322 = arith.constant 0 : i32
        %dma_start3A_323 = tpu.memref_slice %arg6[%arg0, %dma_start3A_321, %dma_start3A_322] : memref<2x10000x64xf32, #tpu.memory_space<hbm>> -> memref<1x640x64xf32, #tpu.memory_space<hbm>>
        %dma_start3A_324 = tpu.memref_squeeze %dma_start3A_323 : memref<1x640x64xf32, #tpu.memory_space<hbm>> -> memref<640x64xf32, #tpu.memory_space<hbm>>
        %dma_start3A_325 = arith.constant 9360 : i32
        %dma_start3A_326 = arith.constant 0 : i32
        %dma_start3A_327 = tpu.memref_slice %arg10[%dma_start3A_325, %dma_start3A_326] : memref<10000x64xf32, #tpu.memory_space<vmem_shared>> -> memref<640x64xf32, #tpu.memory_space<vmem_shared>>
        tpu.enqueue_dma source(%dma_start3A_327 : memref<640x64xf32, #tpu.memory_space<vmem_shared>>) target(%dma_start3A_324 : memref<640x64xf32, #tpu.memory_space<hbm>>) target_semaphore(%run_scoped3A : memref<!tpu.dma_semaphore, #tpu.memory_space<semaphore_mem>>)
        %dma_wait3A_328 = arith.constant 9360 : i32
        %dma_wait3A_329 = arith.constant 0 : i32
        %dma_wait3A_330 = tpu.memref_slice %arg6[%arg0, %dma_wait3A_328, %dma_wait3A_329] : memref<2x10000x64xf32, #tpu.memory_space<hbm>> -> memref<1x640x64xf32, #tpu.memory_space<hbm>>
        %dma_wait3A_331 = tpu.memref_squeeze %dma_wait3A_330 : memref<1x640x64xf32, #tpu.memory_space<hbm>> -> memref<640x64xf32, #tpu.memory_space<hbm>>
        %dma_wait3A_332 = arith.constant 9360 : i32
        %dma_wait3A_333 = arith.constant 0 : i32
        %dma_wait3A_334 = tpu.memref_slice %arg10[%dma_wait3A_332, %dma_wait3A_333] : memref<10000x64xf32, #tpu.memory_space<vmem_shared>> -> memref<640x64xf32, #tpu.memory_space<vmem_shared>>
        tpu.wait_dma2 semaphore(%run_scoped3A : memref<!tpu.dma_semaphore, #tpu.memory_space<semaphore_mem>>) src(%dma_wait3A_334 : memref<640x64xf32, #tpu.memory_space<vmem_shared>>) dst(%dma_wait3A_331 : memref<640x64xf32, #tpu.memory_space<hbm>>)
        tpu.yield
      }) : () -> ()
    } else {
    }
    return
  }
}

#map = affine_map<(d0, d1) -> (0, 0, 0)>
#map1 = affine_map<(d0, d1) -> (0)>
module attributes {stable_mosaic.version = 14 : i64} {
  func.func @_sc_degree(%arg0: i32, %arg1: i32, %arg2: memref<32x125x80xi32, #tpu.memory_space<hbm>>, %arg3: memref<10000xf32, #tpu.memory_space<hbm>>, %arg4: memref<5x2x1000xf32, #tpu.memory_space<hbm>>, %arg5: memref<5x2x1000xf32, #tpu.memory_space<hbm>>, %arg6: memref<125x80xi32, #tpu.memory_space<vmem>>, %arg7: memref<80xf32, #tpu.memory_space<vmem>>, %arg8: memref<10000xf32, #tpu.memory_space<vmem_shared>>, %arg9: memref<!tpu.dma_semaphore, #tpu.memory_space<semaphore_mem>>) attributes {dimension_semantics = [#tpu.dimension_semantics<core_parallel>, #tpu.dimension_semantics<subcore_parallel>], iteration_bounds = array<i64: 2, 16>, scalar_prefetch = 0 : i64, scratch_operands = 4 : i64, tpu.core_type = #tpu.core_type<sc_vector_subcore>, window_params = [{transform_indices = #map}, {transform_indices = #map1}, {transform_indices = #map}, {transform_indices = #map}]} {
    %mul3A = arith.constant 16 : i32
    %mul3A_0 = arith.muli %arg0, %mul3A : i32
    %add3A = arith.addi %mul3A_0, %arg1 : i32
    %broadcast_in_dim3A = arith.constant 1.000000e+00 : f32
    %broadcast_in_dim3A_1 = vector.broadcast %broadcast_in_dim3A : f32 to vector<16xf32>
    %swap3A = arith.constant 0 : index
    %swap3A_2 = tpu.vector_load %arg7[%swap3A] {strides = array<i32>} : memref<80xf32, #tpu.memory_space<vmem>>, vector<16xf32>,
    %swap3A_3 = vector.shape_cast %swap3A_2 : vector<16xf32> to vector<16xf32>
    %swap3A_4 = vector.shape_cast %broadcast_in_dim3A_1 : vector<16xf32> to vector<16xf32>
    tpu.vector_store %arg7[%swap3A], %swap3A_4 {strides = array<i32>} : memref<80xf32, #tpu.memory_space<vmem>>, vector<16xf32>,
    %broadcast_in_dim3A_5 = arith.constant 1.000000e+00 : f32
    %broadcast_in_dim3A_6 = vector.broadcast %broadcast_in_dim3A_5 : f32 to vector<16xf32>
    %swap3A_7 = arith.constant 16 : index
    %swap3A_8 = tpu.vector_load %arg7[%swap3A_7] {strides = array<i32>} : memref<80xf32, #tpu.memory_space<vmem>>, vector<16xf32>,
    %swap3A_9 = vector.shape_cast %swap3A_8 : vector<16xf32> to vector<16xf32>
    %swap3A_10 = vector.shape_cast %broadcast_in_dim3A_6 : vector<16xf32> to vector<16xf32>
    tpu.vector_store %arg7[%swap3A_7], %swap3A_10 {strides = array<i32>} : memref<80xf32, #tpu.memory_space<vmem>>, vector<16xf32>,
    %broadcast_in_dim3A_11 = arith.constant 1.000000e+00 : f32
    %broadcast_in_dim3A_12 = vector.broadcast %broadcast_in_dim3A_11 : f32 to vector<16xf32>
    %swap3A_13 = arith.constant 32 : index
    %swap3A_14 = tpu.vector_load %arg7[%swap3A_13] {strides = array<i32>} : memref<80xf32, #tpu.memory_space<vmem>>, vector<16xf32>,
    %swap3A_15 = vector.shape_cast %swap3A_14 : vector<16xf32> to vector<16xf32>
    %swap3A_16 = vector.shape_cast %broadcast_in_dim3A_12 : vector<16xf32> to vector<16xf32>
    tpu.vector_store %arg7[%swap3A_13], %swap3A_16 {strides = array<i32>} : memref<80xf32, #tpu.memory_space<vmem>>, vector<16xf32>,
    %broadcast_in_dim3A_17 = arith.constant 1.000000e+00 : f32
    %broadcast_in_dim3A_18 = vector.broadcast %broadcast_in_dim3A_17 : f32 to vector<16xf32>
    %swap3A_19 = arith.constant 48 : index
    %swap3A_20 = tpu.vector_load %arg7[%swap3A_19] {strides = array<i32>} : memref<80xf32, #tpu.memory_space<vmem>>, vector<16xf32>,
    %swap3A_21 = vector.shape_cast %swap3A_20 : vector<16xf32> to vector<16xf32>
    %swap3A_22 = vector.shape_cast %broadcast_in_dim3A_18 : vector<16xf32> to vector<16xf32>
    tpu.vector_store %arg7[%swap3A_19], %swap3A_22 {strides = array<i32>} : memref<80xf32, #tpu.memory_space<vmem>>, vector<16xf32>,
    %broadcast_in_dim3A_23 = arith.constant 1.000000e+00 : f32
    %broadcast_in_dim3A_24 = vector.broadcast %broadcast_in_dim3A_23 : f32 to vector<16xf32>
    %swap3A_25 = arith.constant 64 : index
    %swap3A_26 = tpu.vector_load %arg7[%swap3A_25] {strides = array<i32>} : memref<80xf32, #tpu.memory_space<vmem>>, vector<16xf32>,
    %swap3A_27 = vector.shape_cast %swap3A_26 : vector<16xf32> to vector<16xf32>
    %swap3A_28 = vector.shape_cast %broadcast_in_dim3A_24 : vector<16xf32> to vector<16xf32>
    tpu.vector_store %arg7[%swap3A_25], %swap3A_28 {strides = array<i32>} : memref<80xf32, #tpu.memory_space<vmem>>, vector<16xf32>,
    "tpu.region"() ({
      %run_scoped3A = tpu.sem_alloc : memref<!tpu.dma_semaphore, #tpu.memory_space<semaphore_mem>>
      %dma_start3A = arith.constant 0 : i32
      %dma_start3A_44 = arith.constant 0 : i32
      %dma_start3A_45 = tpu.memref_slice %arg2[%add3A, %dma_start3A, %dma_start3A_44] : memref<32x125x80xi32, #tpu.memory_space<hbm>> -> memref<1x125x80xi32, #tpu.memory_space<hbm>>
      %dma_start3A_46 = tpu.memref_squeeze %dma_start3A_45 : memref<1x125x80xi32, #tpu.memory_space<hbm>> -> memref<125x80xi32, #tpu.memory_space<hbm>>
      %dma_start3A_47 = arith.constant 0 : i32
      %dma_start3A_48 = arith.constant 0 : i32
      %dma_start3A_49 = tpu.memref_slice %arg2[%add3A, %dma_start3A_47, %dma_start3A_48] : memref<32x125x80xi32, #tpu.memory_space<hbm>> -> memref<1x125x80xi32, #tpu.memory_space<hbm>>
      %dma_start3A_50 = tpu.memref_squeeze %dma_start3A_49 : memref<1x125x80xi32, #tpu.memory_space<hbm>> -> memref<125x80xi32, #tpu.memory_space<hbm>>
      tpu.enqueue_dma source(%dma_start3A_50 : memref<125x80xi32, #tpu.memory_space<hbm>>) target(%arg6 : memref<125x80xi32, #tpu.memory_space<vmem>>) target_semaphore(%run_scoped3A : memref<!tpu.dma_semaphore, #tpu.memory_space<semaphore_mem>>)
      %dma_wait3A = arith.constant 0 : i32
      %dma_wait3A_51 = arith.constant 0 : i32
      %dma_wait3A_52 = tpu.memref_slice %arg2[%add3A, %dma_wait3A, %dma_wait3A_51] : memref<32x125x80xi32, #tpu.memory_space<hbm>> -> memref<1x125x80xi32, #tpu.memory_space<hbm>>
      %dma_wait3A_53 = tpu.memref_squeeze %dma_wait3A_52 : memref<1x125x80xi32, #tpu.memory_space<hbm>> -> memref<125x80xi32, #tpu.memory_space<hbm>>
      %dma_wait3A_54 = arith.constant 0 : i32
      %dma_wait3A_55 = arith.constant 0 : i32
      %dma_wait3A_56 = tpu.memref_slice %arg2[%add3A, %dma_wait3A_54, %dma_wait3A_55] : memref<32x125x80xi32, #tpu.memory_space<hbm>> -> memref<1x125x80xi32, #tpu.memory_space<hbm>>
      %dma_wait3A_57 = tpu.memref_squeeze %dma_wait3A_56 : memref<1x125x80xi32, #tpu.memory_space<hbm>> -> memref<125x80xi32, #tpu.memory_space<hbm>>
      tpu.wait_dma2 semaphore(%run_scoped3A : memref<!tpu.dma_semaphore, #tpu.memory_space<semaphore_mem>>) src(%dma_wait3A_57 : memref<125x80xi32, #tpu.memory_space<hbm>>) dst(%arg6 : memref<125x80xi32, #tpu.memory_space<vmem>>)
      tpu.yield
    }) : () -> ()
    %parallel_loop3A = arith.constant 0 : i32
    %parallel_loop3A_29 = arith.constant 125 : i32
    %parallel_loop3A_30 = arith.constant 1 : i32
    scf.for %parallel_loop3A_44 = %parallel_loop3A to %parallel_loop3A_29 step %parallel_loop3A_30  : i32 {
      %parallel_loop3A_45 = arith.index_cast %parallel_loop3A_44 : i32 to index
      %parallel_loop3A_46 = arith.constant 0 : index
      %parallel_loop3A_47 = tpu.vector_load %arg6[%parallel_loop3A_45, %parallel_loop3A_46] {strides = array<i32>} : memref<125x80xi32, #tpu.memory_space<vmem>>, vector<1x16xi32>,
      %parallel_loop3A_48 = vector.shape_cast %parallel_loop3A_47 : vector<1x16xi32> to vector<16xi32>
      %parallel_loop3A_49 = arith.constant 1 : i32
      %parallel_loop3A_50 = vector.broadcast %parallel_loop3A_49 : i32 to vector<16xi32>
      %parallel_loop3A_51 = arith.shrsi %parallel_loop3A_48, %parallel_loop3A_50 : vector<16xi32>
      %parallel_loop3A_52 = arith.constant 1 : i32
      %parallel_loop3A_53 = vector.broadcast %parallel_loop3A_52 : i32 to vector<16xi32>
      %parallel_loop3A_54 = arith.andi %parallel_loop3A_48, %parallel_loop3A_53 : vector<16xi32>
      %parallel_loop3A_55 = arith.constant 5000 : i32
      %parallel_loop3A_56 = vector.broadcast %parallel_loop3A_55 : i32 to vector<16xi32>
      %parallel_loop3A_57 = arith.muli %parallel_loop3A_54, %parallel_loop3A_56 : vector<16xi32>
      %parallel_loop3A_58 = arith.addi %parallel_loop3A_51, %parallel_loop3A_57 : vector<16xi32>
      %parallel_loop3A_59 = arith.index_cast %parallel_loop3A_44 : i32 to index
      %parallel_loop3A_60 = arith.constant 0 : index
      %parallel_loop3A_61 = tpu.vector_load %arg6[%parallel_loop3A_59, %parallel_loop3A_60] {strides = array<i32>} : memref<125x80xi32, #tpu.memory_space<vmem>>, vector<1x16xi32>,
      %parallel_loop3A_62 = vector.shape_cast %parallel_loop3A_61 : vector<1x16xi32> to vector<16xi32>
      %parallel_loop3A_63 = vector.shape_cast %parallel_loop3A_58 : vector<16xi32> to vector<1x16xi32>
      tpu.vector_store %arg6[%parallel_loop3A_59, %parallel_loop3A_60], %parallel_loop3A_63 {strides = array<i32>} : memref<125x80xi32, #tpu.memory_space<vmem>>, vector<1x16xi32>,
      %parallel_loop3A_64 = arith.index_cast %parallel_loop3A_44 : i32 to index
      %parallel_loop3A_65 = arith.constant 16 : index
      %parallel_loop3A_66 = tpu.vector_load %arg6[%parallel_loop3A_64, %parallel_loop3A_65] {strides = array<i32>} : memref<125x80xi32, #tpu.memory_space<vmem>>, vector<1x16xi32>,
      %parallel_loop3A_67 = vector.shape_cast %parallel_loop3A_66 : vector<1x16xi32> to vector<16xi32>
      %parallel_loop3A_68 = arith.constant 1 : i32
      %parallel_loop3A_69 = vector.broadcast %parallel_loop3A_68 : i32 to vector<16xi32>
      %parallel_loop3A_70 = arith.shrsi %parallel_loop3A_67, %parallel_loop3A_69 : vector<16xi32>
      %parallel_loop3A_71 = arith.constant 1 : i32
      %parallel_loop3A_72 = vector.broadcast %parallel_loop3A_71 : i32 to vector<16xi32>
      %parallel_loop3A_73 = arith.andi %parallel_loop3A_67, %parallel_loop3A_72 : vector<16xi32>
      %parallel_loop3A_74 = arith.constant 5000 : i32
      %parallel_loop3A_75 = vector.broadcast %parallel_loop3A_74 : i32 to vector<16xi32>
      %parallel_loop3A_76 = arith.muli %parallel_loop3A_73, %parallel_loop3A_75 : vector<16xi32>
      %parallel_loop3A_77 = arith.addi %parallel_loop3A_70, %parallel_loop3A_76 : vector<16xi32>
      %parallel_loop3A_78 = arith.index_cast %parallel_loop3A_44 : i32 to index
      %parallel_loop3A_79 = arith.constant 16 : index
      %parallel_loop3A_80 = tpu.vector_load %arg6[%parallel_loop3A_78, %parallel_loop3A_79] {strides = array<i32>} : memref<125x80xi32, #tpu.memory_space<vmem>>, vector<1x16xi32>,
      %parallel_loop3A_81 = vector.shape_cast %parallel_loop3A_80 : vector<1x16xi32> to vector<16xi32>
      %parallel_loop3A_82 = vector.shape_cast %parallel_loop3A_77 : vector<16xi32> to vector<1x16xi32>
      tpu.vector_store %arg6[%parallel_loop3A_78, %parallel_loop3A_79], %parallel_loop3A_82 {strides = array<i32>} : memref<125x80xi32, #tpu.memory_space<vmem>>, vector<1x16xi32>,
      %parallel_loop3A_83 = arith.index_cast %parallel_loop3A_44 : i32 to index
      %parallel_loop3A_84 = arith.constant 32 : index
      %parallel_loop3A_85 = tpu.vector_load %arg6[%parallel_loop3A_83, %parallel_loop3A_84] {strides = array<i32>} : memref<125x80xi32, #tpu.memory_space<vmem>>, vector<1x16xi32>,
      %parallel_loop3A_86 = vector.shape_cast %parallel_loop3A_85 : vector<1x16xi32> to vector<16xi32>
      %parallel_loop3A_87 = arith.constant 1 : i32
      %parallel_loop3A_88 = vector.broadcast %parallel_loop3A_87 : i32 to vector<16xi32>
      %parallel_loop3A_89 = arith.shrsi %parallel_loop3A_86, %parallel_loop3A_88 : vector<16xi32>
      %parallel_loop3A_90 = arith.constant 1 : i32
      %parallel_loop3A_91 = vector.broadcast %parallel_loop3A_90 : i32 to vector<16xi32>
      %parallel_loop3A_92 = arith.andi %parallel_loop3A_86, %parallel_loop3A_91 : vector<16xi32>
      %parallel_loop3A_93 = arith.constant 5000 : i32
      %parallel_loop3A_94 = vector.broadcast %parallel_loop3A_93 : i32 to vector<16xi32>
      %parallel_loop3A_95 = arith.muli %parallel_loop3A_92, %parallel_loop3A_94 : vector<16xi32>
      %parallel_loop3A_96 = arith.addi %parallel_loop3A_89, %parallel_loop3A_95 : vector<16xi32>
      %parallel_loop3A_97 = arith.index_cast %parallel_loop3A_44 : i32 to index
      %parallel_loop3A_98 = arith.constant 32 : index
      %parallel_loop3A_99 = tpu.vector_load %arg6[%parallel_loop3A_97, %parallel_loop3A_98] {strides = array<i32>} : memref<125x80xi32, #tpu.memory_space<vmem>>, vector<1x16xi32>,
      %parallel_loop3A_100 = vector.shape_cast %parallel_loop3A_99 : vector<1x16xi32> to vector<16xi32>
      %parallel_loop3A_101 = vector.shape_cast %parallel_loop3A_96 : vector<16xi32> to vector<1x16xi32>
      tpu.vector_store %arg6[%parallel_loop3A_97, %parallel_loop3A_98], %parallel_loop3A_101 {strides = array<i32>} : memref<125x80xi32, #tpu.memory_space<vmem>>, vector<1x16xi32>,
      %parallel_loop3A_102 = arith.index_cast %parallel_loop3A_44 : i32 to index
      %parallel_loop3A_103 = arith.constant 48 : index
      %parallel_loop3A_104 = tpu.vector_load %arg6[%parallel_loop3A_102, %parallel_loop3A_103] {strides = array<i32>} : memref<125x80xi32, #tpu.memory_space<vmem>>, vector<1x16xi32>,
      %parallel_loop3A_105 = vector.shape_cast %parallel_loop3A_104 : vector<1x16xi32> to vector<16xi32>
      %parallel_loop3A_106 = arith.constant 1 : i32
      %parallel_loop3A_107 = vector.broadcast %parallel_loop3A_106 : i32 to vector<16xi32>
      %parallel_loop3A_108 = arith.shrsi %parallel_loop3A_105, %parallel_loop3A_107 : vector<16xi32>
      %parallel_loop3A_109 = arith.constant 1 : i32
      %parallel_loop3A_110 = vector.broadcast %parallel_loop3A_109 : i32 to vector<16xi32>
      %parallel_loop3A_111 = arith.andi %parallel_loop3A_105, %parallel_loop3A_110 : vector<16xi32>
      %parallel_loop3A_112 = arith.constant 5000 : i32
      %parallel_loop3A_113 = vector.broadcast %parallel_loop3A_112 : i32 to vector<16xi32>
      %parallel_loop3A_114 = arith.muli %parallel_loop3A_111, %parallel_loop3A_113 : vector<16xi32>
      %parallel_loop3A_115 = arith.addi %parallel_loop3A_108, %parallel_loop3A_114 : vector<16xi32>
      %parallel_loop3A_116 = arith.index_cast %parallel_loop3A_44 : i32 to index
      %parallel_loop3A_117 = arith.constant 48 : index
      %parallel_loop3A_118 = tpu.vector_load %arg6[%parallel_loop3A_116, %parallel_loop3A_117] {strides = array<i32>} : memref<125x80xi32, #tpu.memory_space<vmem>>, vector<1x16xi32>,
      %parallel_loop3A_119 = vector.shape_cast %parallel_loop3A_118 : vector<1x16xi32> to vector<16xi32>
      %parallel_loop3A_120 = vector.shape_cast %parallel_loop3A_115 : vector<16xi32> to vector<1x16xi32>
      tpu.vector_store %arg6[%parallel_loop3A_116, %parallel_loop3A_117], %parallel_loop3A_120 {strides = array<i32>} : memref<125x80xi32, #tpu.memory_space<vmem>>, vector<1x16xi32>,
      %parallel_loop3A_121 = arith.index_cast %parallel_loop3A_44 : i32 to index
      %parallel_loop3A_122 = arith.constant 64 : index
      %parallel_loop3A_123 = tpu.vector_load %arg6[%parallel_loop3A_121, %parallel_loop3A_122] {strides = array<i32>} : memref<125x80xi32, #tpu.memory_space<vmem>>, vector<1x16xi32>,
      %parallel_loop3A_124 = vector.shape_cast %parallel_loop3A_123 : vector<1x16xi32> to vector<16xi32>
      %parallel_loop3A_125 = arith.constant 1 : i32
      %parallel_loop3A_126 = vector.broadcast %parallel_loop3A_125 : i32 to vector<16xi32>
      %parallel_loop3A_127 = arith.shrsi %parallel_loop3A_124, %parallel_loop3A_126 : vector<16xi32>
      %parallel_loop3A_128 = arith.constant 1 : i32
      %parallel_loop3A_129 = vector.broadcast %parallel_loop3A_128 : i32 to vector<16xi32>
      %parallel_loop3A_130 = arith.andi %parallel_loop3A_124, %parallel_loop3A_129 : vector<16xi32>
      %parallel_loop3A_131 = arith.constant 5000 : i32
      %parallel_loop3A_132 = vector.broadcast %parallel_loop3A_131 : i32 to vector<16xi32>
      %parallel_loop3A_133 = arith.muli %parallel_loop3A_130, %parallel_loop3A_132 : vector<16xi32>
      %parallel_loop3A_134 = arith.addi %parallel_loop3A_127, %parallel_loop3A_133 : vector<16xi32>
      %parallel_loop3A_135 = arith.index_cast %parallel_loop3A_44 : i32 to index
      %parallel_loop3A_136 = arith.constant 64 : index
      %parallel_loop3A_137 = tpu.vector_load %arg6[%parallel_loop3A_135, %parallel_loop3A_136] {strides = array<i32>} : memref<125x80xi32, #tpu.memory_space<vmem>>, vector<1x16xi32>,
      %parallel_loop3A_138 = vector.shape_cast %parallel_loop3A_137 : vector<1x16xi32> to vector<16xi32>
      %parallel_loop3A_139 = vector.shape_cast %parallel_loop3A_134 : vector<16xi32> to vector<1x16xi32>
      tpu.vector_store %arg6[%parallel_loop3A_135, %parallel_loop3A_136], %parallel_loop3A_139 {strides = array<i32>} : memref<125x80xi32, #tpu.memory_space<vmem>>, vector<1x16xi32>,
    } {sc.loop_unroll_factor = 5 : i64, sc.parallel_access}
    %eq3A = arith.constant 0 : i32
    %eq3A_31 = arith.cmpi eq, %arg1, %eq3A : i32
    %convert_element_type3A = arith.extui %eq3A_31 : i1 to i32
    %cond3A = arith.constant 0 : i32
    %cond3A_32 = arith.cmpi ne, %convert_element_type3A, %cond3A : i32
    scf.if %cond3A_32 {
      "tpu.region"() ({
        %run_scoped3A = tpu.sem_alloc : memref<!tpu.dma_semaphore, #tpu.memory_space<semaphore_mem>>
        tpu.enqueue_dma source(%arg3 : memref<10000xf32, #tpu.memory_space<hbm>>) target(%arg8 : memref<10000xf32, #tpu.memory_space<vmem_shared>>) target_semaphore(%run_scoped3A : memref<!tpu.dma_semaphore, #tpu.memory_space<semaphore_mem>>)
        tpu.wait_dma2 semaphore(%run_scoped3A : memref<!tpu.dma_semaphore, #tpu.memory_space<semaphore_mem>>) src(%arg3 : memref<10000xf32, #tpu.memory_space<hbm>>) dst(%arg8 : memref<10000xf32, #tpu.memory_space<vmem_shared>>)
        tpu.yield
      }) : () -> ()
    } else {
    }
    %barrier3A = arith.constant 0 : index
    tpu.barrier barrier_id(%barrier3A)
    %scan3A = arith.constant 0 : i32
    %scan3A_33 = arith.constant 0 : i32
    %scan3A_34 = arith.constant 25 : i32
    %scan3A_35 = arith.addi %scan3A_33, %scan3A_34 : i32
    %scan3A_36 = arith.constant 1 : i32
    scf.for %scan3A_44 = %scan3A_33 to %scan3A_35 step %scan3A_36  : i32 {
      %mul3A_45 = arith.constant 5 : i32
      %mul3A_46 = arith.muli %scan3A_44, %mul3A_45 : i32
      %add3A_47 = arith.constant 0 : i32
      %add3A_48 = arith.addi %mul3A_46, %add3A_47 : i32
      %dma_start3A = arith.constant 0 : i32
      %dma_start3A_49 = tpu.memref_slice %arg6[%add3A_48, %dma_start3A] : memref<125x80xi32, #tpu.memory_space<vmem>> -> memref<1x80xi32, #tpu.memory_space<vmem>>
      %dma_start3A_50 = tpu.memref_squeeze %dma_start3A_49 : memref<1x80xi32, #tpu.memory_space<vmem>> -> memref<80xi32, #tpu.memory_space<vmem>>
      %dma_start3A_51 = arith.constant 0 : i32
      %dma_start3A_52 = tpu.memref_slice %arg8[%dma_start3A_51] : memref<10000xf32, #tpu.memory_space<vmem_shared>> -> memref<10000xf32, #tpu.memory_space<vmem_shared>>
      tpu.enqueue_indirect_dma source(%arg7 : memref<80xf32, #tpu.memory_space<vmem>>) target(%dma_start3A_52 : memref<10000xf32, #tpu.memory_space<vmem_shared>>) offsets(%dma_start3A_50 : memref<80xi32, #tpu.memory_space<vmem>>) semaphore(%arg9 : memref<!tpu.dma_semaphore, #tpu.memory_space<semaphore_mem>>) {add = true}
      %mul3A_53 = arith.constant 5 : i32
      %mul3A_54 = arith.muli %scan3A_44, %mul3A_53 : i32
      %add3A_55 = arith.constant 1 : i32
      %add3A_56 = arith.addi %mul3A_54, %add3A_55 : i32
      %dma_start3A_57 = arith.constant 0 : i32
      %dma_start3A_58 = tpu.memref_slice %arg6[%add3A_56, %dma_start3A_57] : memref<125x80xi32, #tpu.memory_space<vmem>> -> memref<1x80xi32, #tpu.memory_space<vmem>>
      %dma_start3A_59 = tpu.memref_squeeze %dma_start3A_58 : memref<1x80xi32, #tpu.memory_space<vmem>> -> memref<80xi32, #tpu.memory_space<vmem>>
      %dma_start3A_60 = arith.constant 0 : i32
      %dma_start3A_61 = tpu.memref_slice %arg8[%dma_start3A_60] : memref<10000xf32, #tpu.memory_space<vmem_shared>> -> memref<10000xf32, #tpu.memory_space<vmem_shared>>
      tpu.enqueue_indirect_dma source(%arg7 : memref<80xf32, #tpu.memory_space<vmem>>) target(%dma_start3A_61 : memref<10000xf32, #tpu.memory_space<vmem_shared>>) offsets(%dma_start3A_59 : memref<80xi32, #tpu.memory_space<vmem>>) semaphore(%arg9 : memref<!tpu.dma_semaphore, #tpu.memory_space<semaphore_mem>>) {add = true}
      %mul3A_62 = arith.constant 5 : i32
      %mul3A_63 = arith.muli %scan3A_44, %mul3A_62 : i32
      %add3A_64 = arith.constant 2 : i32
      %add3A_65 = arith.addi %mul3A_63, %add3A_64 : i32
      %dma_start3A_66 = arith.constant 0 : i32
      %dma_start3A_67 = tpu.memref_slice %arg6[%add3A_65, %dma_start3A_66] : memref<125x80xi32, #tpu.memory_space<vmem>> -> memref<1x80xi32, #tpu.memory_space<vmem>>
      %dma_start3A_68 = tpu.memref_squeeze %dma_start3A_67 : memref<1x80xi32, #tpu.memory_space<vmem>> -> memref<80xi32, #tpu.memory_space<vmem>>
      %dma_start3A_69 = arith.constant 0 : i32
      %dma_start3A_70 = tpu.memref_slice %arg8[%dma_start3A_69] : memref<10000xf32, #tpu.memory_space<vmem_shared>> -> memref<10000xf32, #tpu.memory_space<vmem_shared>>
      tpu.enqueue_indirect_dma source(%arg7 : memref<80xf32, #tpu.memory_space<vmem>>) target(%dma_start3A_70 : memref<10000xf32, #tpu.memory_space<vmem_shared>>) offsets(%dma_start3A_68 : memref<80xi32, #tpu.memory_space<vmem>>) semaphore(%arg9 : memref<!tpu.dma_semaphore, #tpu.memory_space<semaphore_mem>>) {add = true}
      %mul3A_71 = arith.constant 5 : i32
      %mul3A_72 = arith.muli %scan3A_44, %mul3A_71 : i32
      %add3A_73 = arith.constant 3 : i32
      %add3A_74 = arith.addi %mul3A_72, %add3A_73 : i32
      %dma_start3A_75 = arith.constant 0 : i32
      %dma_start3A_76 = tpu.memref_slice %arg6[%add3A_74, %dma_start3A_75] : memref<125x80xi32, #tpu.memory_space<vmem>> -> memref<1x80xi32, #tpu.memory_space<vmem>>
      %dma_start3A_77 = tpu.memref_squeeze %dma_start3A_76 : memref<1x80xi32, #tpu.memory_space<vmem>> -> memref<80xi32, #tpu.memory_space<vmem>>
      %dma_start3A_78 = arith.constant 0 : i32
      %dma_start3A_79 = tpu.memref_slice %arg8[%dma_start3A_78] : memref<10000xf32, #tpu.memory_space<vmem_shared>> -> memref<10000xf32, #tpu.memory_space<vmem_shared>>
      tpu.enqueue_indirect_dma source(%arg7 : memref<80xf32, #tpu.memory_space<vmem>>) target(%dma_start3A_79 : memref<10000xf32, #tpu.memory_space<vmem_shared>>) offsets(%dma_start3A_77 : memref<80xi32, #tpu.memory_space<vmem>>) semaphore(%arg9 : memref<!tpu.dma_semaphore, #tpu.memory_space<semaphore_mem>>) {add = true}
      %mul3A_80 = arith.constant 5 : i32
      %mul3A_81 = arith.muli %scan3A_44, %mul3A_80 : i32
      %add3A_82 = arith.constant 4 : i32
      %add3A_83 = arith.addi %mul3A_81, %add3A_82 : i32
      %dma_start3A_84 = arith.constant 0 : i32
      %dma_start3A_85 = tpu.memref_slice %arg6[%add3A_83, %dma_start3A_84] : memref<125x80xi32, #tpu.memory_space<vmem>> -> memref<1x80xi32, #tpu.memory_space<vmem>>
      %dma_start3A_86 = tpu.memref_squeeze %dma_start3A_85 : memref<1x80xi32, #tpu.memory_space<vmem>> -> memref<80xi32, #tpu.memory_space<vmem>>
      %dma_start3A_87 = arith.constant 0 : i32
      %dma_start3A_88 = tpu.memref_slice %arg8[%dma_start3A_87] : memref<10000xf32, #tpu.memory_space<vmem_shared>> -> memref<10000xf32, #tpu.memory_space<vmem_shared>>
      tpu.enqueue_indirect_dma source(%arg7 : memref<80xf32, #tpu.memory_space<vmem>>) target(%dma_start3A_88 : memref<10000xf32, #tpu.memory_space<vmem_shared>>) offsets(%dma_start3A_86 : memref<80xi32, #tpu.memory_space<vmem>>) semaphore(%arg9 : memref<!tpu.dma_semaphore, #tpu.memory_space<semaphore_mem>>) {add = true}
      %dma_wait3A = arith.constant 0 : i32
      %dma_wait3A_89 = tpu.memref_slice %arg6[%add3A_48, %dma_wait3A] : memref<125x80xi32, #tpu.memory_space<vmem>> -> memref<1x80xi32, #tpu.memory_space<vmem>>
      %dma_wait3A_90 = tpu.memref_squeeze %dma_wait3A_89 : memref<1x80xi32, #tpu.memory_space<vmem>> -> memref<80xi32, #tpu.memory_space<vmem>>
      %dma_wait3A_91 = arith.constant 0 : i32
      %dma_wait3A_92 = tpu.memref_slice %arg8[%dma_wait3A_91] : memref<10000xf32, #tpu.memory_space<vmem_shared>> -> memref<10000xf32, #tpu.memory_space<vmem_shared>>
      tpu.wait_indirect_dma semaphore(%arg9 : memref<!tpu.dma_semaphore, #tpu.memory_space<semaphore_mem>>) src(%arg7 : memref<80xf32, #tpu.memory_space<vmem>>) dst(%dma_wait3A_92 : memref<10000xf32, #tpu.memory_space<vmem_shared>>)
      %dma_wait3A_93 = arith.constant 0 : i32
      %dma_wait3A_94 = tpu.memref_slice %arg6[%add3A_56, %dma_wait3A_93] : memref<125x80xi32, #tpu.memory_space<vmem>> -> memref<1x80xi32, #tpu.memory_space<vmem>>
      %dma_wait3A_95 = tpu.memref_squeeze %dma_wait3A_94 : memref<1x80xi32, #tpu.memory_space<vmem>> -> memref<80xi32, #tpu.memory_space<vmem>>
      %dma_wait3A_96 = arith.constant 0 : i32
      %dma_wait3A_97 = tpu.memref_slice %arg8[%dma_wait3A_96] : memref<10000xf32, #tpu.memory_space<vmem_shared>> -> memref<10000xf32, #tpu.memory_space<vmem_shared>>
      tpu.wait_indirect_dma semaphore(%arg9 : memref<!tpu.dma_semaphore, #tpu.memory_space<semaphore_mem>>) src(%arg7 : memref<80xf32, #tpu.memory_space<vmem>>) dst(%dma_wait3A_97 : memref<10000xf32, #tpu.memory_space<vmem_shared>>)
      %dma_wait3A_98 = arith.constant 0 : i32
      %dma_wait3A_99 = tpu.memref_slice %arg6[%add3A_65, %dma_wait3A_98] : memref<125x80xi32, #tpu.memory_space<vmem>> -> memref<1x80xi32, #tpu.memory_space<vmem>>
      %dma_wait3A_100 = tpu.memref_squeeze %dma_wait3A_99 : memref<1x80xi32, #tpu.memory_space<vmem>> -> memref<80xi32, #tpu.memory_space<vmem>>
      %dma_wait3A_101 = arith.constant 0 : i32
      %dma_wait3A_102 = tpu.memref_slice %arg8[%dma_wait3A_101] : memref<10000xf32, #tpu.memory_space<vmem_shared>> -> memref<10000xf32, #tpu.memory_space<vmem_shared>>
      tpu.wait_indirect_dma semaphore(%arg9 : memref<!tpu.dma_semaphore, #tpu.memory_space<semaphore_mem>>) src(%arg7 : memref<80xf32, #tpu.memory_space<vmem>>) dst(%dma_wait3A_102 : memref<10000xf32, #tpu.memory_space<vmem_shared>>)
      %dma_wait3A_103 = arith.constant 0 : i32
      %dma_wait3A_104 = tpu.memref_slice %arg6[%add3A_74, %dma_wait3A_103] : memref<125x80xi32, #tpu.memory_space<vmem>> -> memref<1x80xi32, #tpu.memory_space<vmem>>
      %dma_wait3A_105 = tpu.memref_squeeze %dma_wait3A_104 : memref<1x80xi32, #tpu.memory_space<vmem>> -> memref<80xi32, #tpu.memory_space<vmem>>
      %dma_wait3A_106 = arith.constant 0 : i32
      %dma_wait3A_107 = tpu.memref_slice %arg8[%dma_wait3A_106] : memref<10000xf32, #tpu.memory_space<vmem_shared>> -> memref<10000xf32, #tpu.memory_space<vmem_shared>>
      tpu.wait_indirect_dma semaphore(%arg9 : memref<!tpu.dma_semaphore, #tpu.memory_space<semaphore_mem>>) src(%arg7 : memref<80xf32, #tpu.memory_space<vmem>>) dst(%dma_wait3A_107 : memref<10000xf32, #tpu.memory_space<vmem_shared>>)
      %dma_wait3A_108 = arith.constant 0 : i32
      %dma_wait3A_109 = tpu.memref_slice %arg6[%add3A_83, %dma_wait3A_108] : memref<125x80xi32, #tpu.memory_space<vmem>> -> memref<1x80xi32, #tpu.memory_space<vmem>>
      %dma_wait3A_110 = tpu.memref_squeeze %dma_wait3A_109 : memref<1x80xi32, #tpu.memory_space<vmem>> -> memref<80xi32, #tpu.memory_space<vmem>>
      %dma_wait3A_111 = arith.constant 0 : i32
      %dma_wait3A_112 = tpu.memref_slice %arg8[%dma_wait3A_111] : memref<10000xf32, #tpu.memory_space<vmem_shared>> -> memref<10000xf32, #tpu.memory_space<vmem_shared>>
      tpu.wait_indirect_dma semaphore(%arg9 : memref<!tpu.dma_semaphore, #tpu.memory_space<semaphore_mem>>) src(%arg7 : memref<80xf32, #tpu.memory_space<vmem>>) dst(%dma_wait3A_112 : memref<10000xf32, #tpu.memory_space<vmem_shared>>)
    }
    %scan3A_37 = arith.constant 25 : i32
    %barrier3A_38 = arith.constant 0 : index
    tpu.barrier barrier_id(%barrier3A_38)
    %eq3A_39 = arith.constant 0 : i32
    %eq3A_40 = arith.cmpi eq, %arg1, %eq3A_39 : i32
    %convert_element_type3A_41 = arith.extui %eq3A_40 : i1 to i32
    %cond3A_42 = arith.constant 0 : i32
    %cond3A_43 = arith.cmpi ne, %convert_element_type3A_41, %cond3A_42 : i32
    scf.if %cond3A_43 {
      %run_scoped3A = arith.constant 0 : i32
      "tpu.region"() ({
        %run_scoped3A_53 = tpu.sem_alloc : memref<!tpu.dma_semaphore, #tpu.memory_space<semaphore_mem>>
        %dma_start3A = arith.constant 0 : i32
        %dma_start3A_54 = tpu.memref_slice %arg4[%run_scoped3A, %arg0, %dma_start3A] : memref<5x2x1000xf32, #tpu.memory_space<hbm>> -> memref<1x1x1000xf32, #tpu.memory_space<hbm>>
        %dma_start3A_55 = tpu.memref_squeeze %dma_start3A_54 : memref<1x1x1000xf32, #tpu.memory_space<hbm>> -> memref<1000xf32, #tpu.memory_space<hbm>>
        %dma_start3A_56 = arith.constant 0 : i32
        %dma_start3A_57 = tpu.memref_slice %arg8[%dma_start3A_56] : memref<10000xf32, #tpu.memory_space<vmem_shared>> -> memref<1000xf32, #tpu.memory_space<vmem_shared>>
        tpu.enqueue_dma source(%dma_start3A_57 : memref<1000xf32, #tpu.memory_space<vmem_shared>>) target(%dma_start3A_55 : memref<1000xf32, #tpu.memory_space<hbm>>) target_semaphore(%run_scoped3A_53 : memref<!tpu.dma_semaphore, #tpu.memory_space<semaphore_mem>>)
        %dma_wait3A = arith.constant 0 : i32
        %dma_wait3A_58 = tpu.memref_slice %arg4[%run_scoped3A, %arg0, %dma_wait3A] : memref<5x2x1000xf32, #tpu.memory_space<hbm>> -> memref<1x1x1000xf32, #tpu.memory_space<hbm>>
        %dma_wait3A_59 = tpu.memref_squeeze %dma_wait3A_58 : memref<1x1x1000xf32, #tpu.memory_space<hbm>> -> memref<1000xf32, #tpu.memory_space<hbm>>
        %dma_wait3A_60 = arith.constant 0 : i32
        %dma_wait3A_61 = tpu.memref_slice %arg8[%dma_wait3A_60] : memref<10000xf32, #tpu.memory_space<vmem_shared>> -> memref<1000xf32, #tpu.memory_space<vmem_shared>>
        tpu.wait_dma2 semaphore(%run_scoped3A_53 : memref<!tpu.dma_semaphore, #tpu.memory_space<semaphore_mem>>) src(%dma_wait3A_61 : memref<1000xf32, #tpu.memory_space<vmem_shared>>) dst(%dma_wait3A_59 : memref<1000xf32, #tpu.memory_space<hbm>>)
        tpu.yield
      }) : () -> ()
      %run_scoped3A_44 = arith.constant 0 : i32
      "tpu.region"() ({
        %run_scoped3A_53 = tpu.sem_alloc : memref<!tpu.dma_semaphore, #tpu.memory_space<semaphore_mem>>
        %dma_start3A = arith.constant 0 : i32
        %dma_start3A_54 = tpu.memref_slice %arg5[%run_scoped3A_44, %arg0, %dma_start3A] : memref<5x2x1000xf32, #tpu.memory_space<hbm>> -> memref<1x1x1000xf32, #tpu.memory_space<hbm>>
        %dma_start3A_55 = tpu.memref_squeeze %dma_start3A_54 : memref<1x1x1000xf32, #tpu.memory_space<hbm>> -> memref<1000xf32, #tpu.memory_space<hbm>>
        %dma_start3A_56 = arith.constant 5000 : i32
        %dma_start3A_57 = tpu.memref_slice %arg8[%dma_start3A_56] : memref<10000xf32, #tpu.memory_space<vmem_shared>> -> memref<1000xf32, #tpu.memory_space<vmem_shared>>
        tpu.enqueue_dma source(%dma_start3A_57 : memref<1000xf32, #tpu.memory_space<vmem_shared>>) target(%dma_start3A_55 : memref<1000xf32, #tpu.memory_space<hbm>>) target_semaphore(%run_scoped3A_53 : memref<!tpu.dma_semaphore, #tpu.memory_space<semaphore_mem>>)
        %dma_wait3A = arith.constant 0 : i32
        %dma_wait3A_58 = tpu.memref_slice %arg5[%run_scoped3A_44, %arg0, %dma_wait3A] : memref<5x2x1000xf32, #tpu.memory_space<hbm>> -> memref<1x1x1000xf32, #tpu.memory_space<hbm>>
        %dma_wait3A_59 = tpu.memref_squeeze %dma_wait3A_58 : memref<1x1x1000xf32, #tpu.memory_space<hbm>> -> memref<1000xf32, #tpu.memory_space<hbm>>
        %dma_wait3A_60 = arith.constant 5000 : i32
        %dma_wait3A_61 = tpu.memref_slice %arg8[%dma_wait3A_60] : memref<10000xf32, #tpu.memory_space<vmem_shared>> -> memref<1000xf32, #tpu.memory_space<vmem_shared>>
        tpu.wait_dma2 semaphore(%run_scoped3A_53 : memref<!tpu.dma_semaphore, #tpu.memory_space<semaphore_mem>>) src(%dma_wait3A_61 : memref<1000xf32, #tpu.memory_space<vmem_shared>>) dst(%dma_wait3A_59 : memref<1000xf32, #tpu.memory_space<hbm>>)
        tpu.yield
      }) : () -> ()
      %run_scoped3A_45 = arith.constant 1 : i32
      "tpu.region"() ({
        %run_scoped3A_53 = tpu.sem_alloc : memref<!tpu.dma_semaphore, #tpu.memory_space<semaphore_mem>>
        %dma_start3A = arith.constant 0 : i32
        %dma_start3A_54 = tpu.memref_slice %arg4[%run_scoped3A_45, %arg0, %dma_start3A] : memref<5x2x1000xf32, #tpu.memory_space<hbm>> -> memref<1x1x1000xf32, #tpu.memory_space<hbm>>
        %dma_start3A_55 = tpu.memref_squeeze %dma_start3A_54 : memref<1x1x1000xf32, #tpu.memory_space<hbm>> -> memref<1000xf32, #tpu.memory_space<hbm>>
        %dma_start3A_56 = arith.constant 1000 : i32
        %dma_start3A_57 = tpu.memref_slice %arg8[%dma_start3A_56] : memref<10000xf32, #tpu.memory_space<vmem_shared>> -> memref<1000xf32, #tpu.memory_space<vmem_shared>>
        tpu.enqueue_dma source(%dma_start3A_57 : memref<1000xf32, #tpu.memory_space<vmem_shared>>) target(%dma_start3A_55 : memref<1000xf32, #tpu.memory_space<hbm>>) target_semaphore(%run_scoped3A_53 : memref<!tpu.dma_semaphore, #tpu.memory_space<semaphore_mem>>)
        %dma_wait3A = arith.constant 0 : i32
        %dma_wait3A_58 = tpu.memref_slice %arg4[%run_scoped3A_45, %arg0, %dma_wait3A] : memref<5x2x1000xf32, #tpu.memory_space<hbm>> -> memref<1x1x1000xf32, #tpu.memory_space<hbm>>
        %dma_wait3A_59 = tpu.memref_squeeze %dma_wait3A_58 : memref<1x1x1000xf32, #tpu.memory_space<hbm>> -> memref<1000xf32, #tpu.memory_space<hbm>>
        %dma_wait3A_60 = arith.constant 1000 : i32
        %dma_wait3A_61 = tpu.memref_slice %arg8[%dma_wait3A_60] : memref<10000xf32, #tpu.memory_space<vmem_shared>> -> memref<1000xf32, #tpu.memory_space<vmem_shared>>
        tpu.wait_dma2 semaphore(%run_scoped3A_53 : memref<!tpu.dma_semaphore, #tpu.memory_space<semaphore_mem>>) src(%dma_wait3A_61 : memref<1000xf32, #tpu.memory_space<vmem_shared>>) dst(%dma_wait3A_59 : memref<1000xf32, #tpu.memory_space<hbm>>)
        tpu.yield
      }) : () -> ()
      %run_scoped3A_46 = arith.constant 1 : i32
      "tpu.region"() ({
        %run_scoped3A_53 = tpu.sem_alloc : memref<!tpu.dma_semaphore, #tpu.memory_space<semaphore_mem>>
        %dma_start3A = arith.constant 0 : i32
        %dma_start3A_54 = tpu.memref_slice %arg5[%run_scoped3A_46, %arg0, %dma_start3A] : memref<5x2x1000xf32, #tpu.memory_space<hbm>> -> memref<1x1x1000xf32, #tpu.memory_space<hbm>>
        %dma_start3A_55 = tpu.memref_squeeze %dma_start3A_54 : memref<1x1x1000xf32, #tpu.memory_space<hbm>> -> memref<1000xf32, #tpu.memory_space<hbm>>
        %dma_start3A_56 = arith.constant 6000 : i32
        %dma_start3A_57 = tpu.memref_slice %arg8[%dma_start3A_56] : memref<10000xf32, #tpu.memory_space<vmem_shared>> -> memref<1000xf32, #tpu.memory_space<vmem_shared>>
        tpu.enqueue_dma source(%dma_start3A_57 : memref<1000xf32, #tpu.memory_space<vmem_shared>>) target(%dma_start3A_55 : memref<1000xf32, #tpu.memory_space<hbm>>) target_semaphore(%run_scoped3A_53 : memref<!tpu.dma_semaphore, #tpu.memory_space<semaphore_mem>>)
        %dma_wait3A = arith.constant 0 : i32
        %dma_wait3A_58 = tpu.memref_slice %arg5[%run_scoped3A_46, %arg0, %dma_wait3A] : memref<5x2x1000xf32, #tpu.memory_space<hbm>> -> memref<1x1x1000xf32, #tpu.memory_space<hbm>>
        %dma_wait3A_59 = tpu.memref_squeeze %dma_wait3A_58 : memref<1x1x1000xf32, #tpu.memory_space<hbm>> -> memref<1000xf32, #tpu.memory_space<hbm>>
        %dma_wait3A_60 = arith.constant 6000 : i32
        %dma_wait3A_61 = tpu.memref_slice %arg8[%dma_wait3A_60] : memref<10000xf32, #tpu.memory_space<vmem_shared>> -> memref<1000xf32, #tpu.memory_space<vmem_shared>>
        tpu.wait_dma2 semaphore(%run_scoped3A_53 : memref<!tpu.dma_semaphore, #tpu.memory_space<semaphore_mem>>) src(%dma_wait3A_61 : memref<1000xf32, #tpu.memory_space<vmem_shared>>) dst(%dma_wait3A_59 : memref<1000xf32, #tpu.memory_space<hbm>>)
        tpu.yield
      }) : () -> ()
      %run_scoped3A_47 = arith.constant 2 : i32
      "tpu.region"() ({
        %run_scoped3A_53 = tpu.sem_alloc : memref<!tpu.dma_semaphore, #tpu.memory_space<semaphore_mem>>
        %dma_start3A = arith.constant 0 : i32
        %dma_start3A_54 = tpu.memref_slice %arg4[%run_scoped3A_47, %arg0, %dma_start3A] : memref<5x2x1000xf32, #tpu.memory_space<hbm>> -> memref<1x1x1000xf32, #tpu.memory_space<hbm>>
        %dma_start3A_55 = tpu.memref_squeeze %dma_start3A_54 : memref<1x1x1000xf32, #tpu.memory_space<hbm>> -> memref<1000xf32, #tpu.memory_space<hbm>>
        %dma_start3A_56 = arith.constant 2000 : i32
        %dma_start3A_57 = tpu.memref_slice %arg8[%dma_start3A_56] : memref<10000xf32, #tpu.memory_space<vmem_shared>> -> memref<1000xf32, #tpu.memory_space<vmem_shared>>
        tpu.enqueue_dma source(%dma_start3A_57 : memref<1000xf32, #tpu.memory_space<vmem_shared>>) target(%dma_start3A_55 : memref<1000xf32, #tpu.memory_space<hbm>>) target_semaphore(%run_scoped3A_53 : memref<!tpu.dma_semaphore, #tpu.memory_space<semaphore_mem>>)
        %dma_wait3A = arith.constant 0 : i32
        %dma_wait3A_58 = tpu.memref_slice %arg4[%run_scoped3A_47, %arg0, %dma_wait3A] : memref<5x2x1000xf32, #tpu.memory_space<hbm>> -> memref<1x1x1000xf32, #tpu.memory_space<hbm>>
        %dma_wait3A_59 = tpu.memref_squeeze %dma_wait3A_58 : memref<1x1x1000xf32, #tpu.memory_space<hbm>> -> memref<1000xf32, #tpu.memory_space<hbm>>
        %dma_wait3A_60 = arith.constant 2000 : i32
        %dma_wait3A_61 = tpu.memref_slice %arg8[%dma_wait3A_60] : memref<10000xf32, #tpu.memory_space<vmem_shared>> -> memref<1000xf32, #tpu.memory_space<vmem_shared>>
        tpu.wait_dma2 semaphore(%run_scoped3A_53 : memref<!tpu.dma_semaphore, #tpu.memory_space<semaphore_mem>>) src(%dma_wait3A_61 : memref<1000xf32, #tpu.memory_space<vmem_shared>>) dst(%dma_wait3A_59 : memref<1000xf32, #tpu.memory_space<hbm>>)
        tpu.yield
      }) : () -> ()
      %run_scoped3A_48 = arith.constant 2 : i32
      "tpu.region"() ({
        %run_scoped3A_53 = tpu.sem_alloc : memref<!tpu.dma_semaphore, #tpu.memory_space<semaphore_mem>>
        %dma_start3A = arith.constant 0 : i32
        %dma_start3A_54 = tpu.memref_slice %arg5[%run_scoped3A_48, %arg0, %dma_start3A] : memref<5x2x1000xf32, #tpu.memory_space<hbm>> -> memref<1x1x1000xf32, #tpu.memory_space<hbm>>
        %dma_start3A_55 = tpu.memref_squeeze %dma_start3A_54 : memref<1x1x1000xf32, #tpu.memory_space<hbm>> -> memref<1000xf32, #tpu.memory_space<hbm>>
        %dma_start3A_56 = arith.constant 7000 : i32
        %dma_start3A_57 = tpu.memref_slice %arg8[%dma_start3A_56] : memref<10000xf32, #tpu.memory_space<vmem_shared>> -> memref<1000xf32, #tpu.memory_space<vmem_shared>>
        tpu.enqueue_dma source(%dma_start3A_57 : memref<1000xf32, #tpu.memory_space<vmem_shared>>) target(%dma_start3A_55 : memref<1000xf32, #tpu.memory_space<hbm>>) target_semaphore(%run_scoped3A_53 : memref<!tpu.dma_semaphore, #tpu.memory_space<semaphore_mem>>)
        %dma_wait3A = arith.constant 0 : i32
        %dma_wait3A_58 = tpu.memref_slice %arg5[%run_scoped3A_48, %arg0, %dma_wait3A] : memref<5x2x1000xf32, #tpu.memory_space<hbm>> -> memref<1x1x1000xf32, #tpu.memory_space<hbm>>
        %dma_wait3A_59 = tpu.memref_squeeze %dma_wait3A_58 : memref<1x1x1000xf32, #tpu.memory_space<hbm>> -> memref<1000xf32, #tpu.memory_space<hbm>>
        %dma_wait3A_60 = arith.constant 7000 : i32
        %dma_wait3A_61 = tpu.memref_slice %arg8[%dma_wait3A_60] : memref<10000xf32, #tpu.memory_space<vmem_shared>> -> memref<1000xf32, #tpu.memory_space<vmem_shared>>
        tpu.wait_dma2 semaphore(%run_scoped3A_53 : memref<!tpu.dma_semaphore, #tpu.memory_space<semaphore_mem>>) src(%dma_wait3A_61 : memref<1000xf32, #tpu.memory_space<vmem_shared>>) dst(%dma_wait3A_59 : memref<1000xf32, #tpu.memory_space<hbm>>)
        tpu.yield
      }) : () -> ()
      %run_scoped3A_49 = arith.constant 3 : i32
      "tpu.region"() ({
        %run_scoped3A_53 = tpu.sem_alloc : memref<!tpu.dma_semaphore, #tpu.memory_space<semaphore_mem>>
        %dma_start3A = arith.constant 0 : i32
        %dma_start3A_54 = tpu.memref_slice %arg4[%run_scoped3A_49, %arg0, %dma_start3A] : memref<5x2x1000xf32, #tpu.memory_space<hbm>> -> memref<1x1x1000xf32, #tpu.memory_space<hbm>>
        %dma_start3A_55 = tpu.memref_squeeze %dma_start3A_54 : memref<1x1x1000xf32, #tpu.memory_space<hbm>> -> memref<1000xf32, #tpu.memory_space<hbm>>
        %dma_start3A_56 = arith.constant 3000 : i32
        %dma_start3A_57 = tpu.memref_slice %arg8[%dma_start3A_56] : memref<10000xf32, #tpu.memory_space<vmem_shared>> -> memref<1000xf32, #tpu.memory_space<vmem_shared>>
        tpu.enqueue_dma source(%dma_start3A_57 : memref<1000xf32, #tpu.memory_space<vmem_shared>>) target(%dma_start3A_55 : memref<1000xf32, #tpu.memory_space<hbm>>) target_semaphore(%run_scoped3A_53 : memref<!tpu.dma_semaphore, #tpu.memory_space<semaphore_mem>>)
        %dma_wait3A = arith.constant 0 : i32
        %dma_wait3A_58 = tpu.memref_slice %arg4[%run_scoped3A_49, %arg0, %dma_wait3A] : memref<5x2x1000xf32, #tpu.memory_space<hbm>> -> memref<1x1x1000xf32, #tpu.memory_space<hbm>>
        %dma_wait3A_59 = tpu.memref_squeeze %dma_wait3A_58 : memref<1x1x1000xf32, #tpu.memory_space<hbm>> -> memref<1000xf32, #tpu.memory_space<hbm>>
        %dma_wait3A_60 = arith.constant 3000 : i32
        %dma_wait3A_61 = tpu.memref_slice %arg8[%dma_wait3A_60] : memref<10000xf32, #tpu.memory_space<vmem_shared>> -> memref<1000xf32, #tpu.memory_space<vmem_shared>>
        tpu.wait_dma2 semaphore(%run_scoped3A_53 : memref<!tpu.dma_semaphore, #tpu.memory_space<semaphore_mem>>) src(%dma_wait3A_61 : memref<1000xf32, #tpu.memory_space<vmem_shared>>) dst(%dma_wait3A_59 : memref<1000xf32, #tpu.memory_space<hbm>>)
        tpu.yield
      }) : () -> ()
      %run_scoped3A_50 = arith.constant 3 : i32
      "tpu.region"() ({
        %run_scoped3A_53 = tpu.sem_alloc : memref<!tpu.dma_semaphore, #tpu.memory_space<semaphore_mem>>
        %dma_start3A = arith.constant 0 : i32
        %dma_start3A_54 = tpu.memref_slice %arg5[%run_scoped3A_50, %arg0, %dma_start3A] : memref<5x2x1000xf32, #tpu.memory_space<hbm>> -> memref<1x1x1000xf32, #tpu.memory_space<hbm>>
        %dma_start3A_55 = tpu.memref_squeeze %dma_start3A_54 : memref<1x1x1000xf32, #tpu.memory_space<hbm>> -> memref<1000xf32, #tpu.memory_space<hbm>>
        %dma_start3A_56 = arith.constant 8000 : i32
        %dma_start3A_57 = tpu.memref_slice %arg8[%dma_start3A_56] : memref<10000xf32, #tpu.memory_space<vmem_shared>> -> memref<1000xf32, #tpu.memory_space<vmem_shared>>
        tpu.enqueue_dma source(%dma_start3A_57 : memref<1000xf32, #tpu.memory_space<vmem_shared>>) target(%dma_start3A_55 : memref<1000xf32, #tpu.memory_space<hbm>>) target_semaphore(%run_scoped3A_53 : memref<!tpu.dma_semaphore, #tpu.memory_space<semaphore_mem>>)
        %dma_wait3A = arith.constant 0 : i32
        %dma_wait3A_58 = tpu.memref_slice %arg5[%run_scoped3A_50, %arg0, %dma_wait3A] : memref<5x2x1000xf32, #tpu.memory_space<hbm>> -> memref<1x1x1000xf32, #tpu.memory_space<hbm>>
        %dma_wait3A_59 = tpu.memref_squeeze %dma_wait3A_58 : memref<1x1x1000xf32, #tpu.memory_space<hbm>> -> memref<1000xf32, #tpu.memory_space<hbm>>
        %dma_wait3A_60 = arith.constant 8000 : i32
        %dma_wait3A_61 = tpu.memref_slice %arg8[%dma_wait3A_60] : memref<10000xf32, #tpu.memory_space<vmem_shared>> -> memref<1000xf32, #tpu.memory_space<vmem_shared>>
        tpu.wait_dma2 semaphore(%run_scoped3A_53 : memref<!tpu.dma_semaphore, #tpu.memory_space<semaphore_mem>>) src(%dma_wait3A_61 : memref<1000xf32, #tpu.memory_space<vmem_shared>>) dst(%dma_wait3A_59 : memref<1000xf32, #tpu.memory_space<hbm>>)
        tpu.yield
      }) : () -> ()
      %run_scoped3A_51 = arith.constant 4 : i32
      "tpu.region"() ({
        %run_scoped3A_53 = tpu.sem_alloc : memref<!tpu.dma_semaphore, #tpu.memory_space<semaphore_mem>>
        %dma_start3A = arith.constant 0 : i32
        %dma_start3A_54 = tpu.memref_slice %arg4[%run_scoped3A_51, %arg0, %dma_start3A] : memref<5x2x1000xf32, #tpu.memory_space<hbm>> -> memref<1x1x1000xf32, #tpu.memory_space<hbm>>
        %dma_start3A_55 = tpu.memref_squeeze %dma_start3A_54 : memref<1x1x1000xf32, #tpu.memory_space<hbm>> -> memref<1000xf32, #tpu.memory_space<hbm>>
        %dma_start3A_56 = arith.constant 4000 : i32
        %dma_start3A_57 = tpu.memref_slice %arg8[%dma_start3A_56] : memref<10000xf32, #tpu.memory_space<vmem_shared>> -> memref<1000xf32, #tpu.memory_space<vmem_shared>>
        tpu.enqueue_dma source(%dma_start3A_57 : memref<1000xf32, #tpu.memory_space<vmem_shared>>) target(%dma_start3A_55 : memref<1000xf32, #tpu.memory_space<hbm>>) target_semaphore(%run_scoped3A_53 : memref<!tpu.dma_semaphore, #tpu.memory_space<semaphore_mem>>)
        %dma_wait3A = arith.constant 0 : i32
        %dma_wait3A_58 = tpu.memref_slice %arg4[%run_scoped3A_51, %arg0, %dma_wait3A] : memref<5x2x1000xf32, #tpu.memory_space<hbm>> -> memref<1x1x1000xf32, #tpu.memory_space<hbm>>
        %dma_wait3A_59 = tpu.memref_squeeze %dma_wait3A_58 : memref<1x1x1000xf32, #tpu.memory_space<hbm>> -> memref<1000xf32, #tpu.memory_space<hbm>>
        %dma_wait3A_60 = arith.constant 4000 : i32
        %dma_wait3A_61 = tpu.memref_slice %arg8[%dma_wait3A_60] : memref<10000xf32, #tpu.memory_space<vmem_shared>> -> memref<1000xf32, #tpu.memory_space<vmem_shared>>
        tpu.wait_dma2 semaphore(%run_scoped3A_53 : memref<!tpu.dma_semaphore, #tpu.memory_space<semaphore_mem>>) src(%dma_wait3A_61 : memref<1000xf32, #tpu.memory_space<vmem_shared>>) dst(%dma_wait3A_59 : memref<1000xf32, #tpu.memory_space<hbm>>)
        tpu.yield
      }) : () -> ()
      %run_scoped3A_52 = arith.constant 4 : i32
      "tpu.region"() ({
        %run_scoped3A_53 = tpu.sem_alloc : memref<!tpu.dma_semaphore, #tpu.memory_space<semaphore_mem>>
        %dma_start3A = arith.constant 0 : i32
        %dma_start3A_54 = tpu.memref_slice %arg5[%run_scoped3A_52, %arg0, %dma_start3A] : memref<5x2x1000xf32, #tpu.memory_space<hbm>> -> memref<1x1x1000xf32, #tpu.memory_space<hbm>>
        %dma_start3A_55 = tpu.memref_squeeze %dma_start3A_54 : memref<1x1x1000xf32, #tpu.memory_space<hbm>> -> memref<1000xf32, #tpu.memory_space<hbm>>
        %dma_start3A_56 = arith.constant 9000 : i32
        %dma_start3A_57 = tpu.memref_slice %arg8[%dma_start3A_56] : memref<10000xf32, #tpu.memory_space<vmem_shared>> -> memref<1000xf32, #tpu.memory_space<vmem_shared>>
        tpu.enqueue_dma source(%dma_start3A_57 : memref<1000xf32, #tpu.memory_space<vmem_shared>>) target(%dma_start3A_55 : memref<1000xf32, #tpu.memory_space<hbm>>) target_semaphore(%run_scoped3A_53 : memref<!tpu.dma_semaphore, #tpu.memory_space<semaphore_mem>>)
        %dma_wait3A = arith.constant 0 : i32
        %dma_wait3A_58 = tpu.memref_slice %arg5[%run_scoped3A_52, %arg0, %dma_wait3A] : memref<5x2x1000xf32, #tpu.memory_space<hbm>> -> memref<1x1x1000xf32, #tpu.memory_space<hbm>>
        %dma_wait3A_59 = tpu.memref_squeeze %dma_wait3A_58 : memref<1x1x1000xf32, #tpu.memory_space<hbm>> -> memref<1000xf32, #tpu.memory_space<hbm>>
        %dma_wait3A_60 = arith.constant 9000 : i32
        %dma_wait3A_61 = tpu.memref_slice %arg8[%dma_wait3A_60] : memref<10000xf32, #tpu.memory_space<vmem_shared>> -> memref<1000xf32, #tpu.memory_space<vmem_shared>>
        tpu.wait_dma2 semaphore(%run_scoped3A_53 : memref<!tpu.dma_semaphore, #tpu.memory_space<semaphore_mem>>) src(%dma_wait3A_61 : memref<1000xf32, #tpu.memory_space<vmem_shared>>) dst(%dma_wait3A_59 : memref<1000xf32, #tpu.memory_space<hbm>>)
        tpu.yield
      }) : () -> ()
    } else {
    }
    return
  }
}

#map = affine_map<(d0, d1) -> (0, 0)>
#map1 = affine_map<(d0, d1) -> (0, 0, 0)>
module attributes {stable_mosaic.version = 14 : i64} {
  func.func @_sc_aggregate(%arg0: i32, %arg1: i32, %arg2: memref<10000x64xf32, #tpu.memory_space<hbm>>, %arg3: memref<32x125x80xi32, #tpu.memory_space<hbm>>, %arg4: memref<32x125x80xi32, #tpu.memory_space<hbm>>, %arg5: memref<10000x64xf32, #tpu.memory_space<hbm>>, %arg6: memref<2x10000x64xf32, #tpu.memory_space<hbm>>, %arg7: memref<125x80xi32, #tpu.memory_space<vmem>>, %arg8: memref<125x80xi32, #tpu.memory_space<vmem>>, %arg9: memref<10x80x64xf32, #tpu.memory_space<vmem>>, %arg10: memref<10000x64xf32, #tpu.memory_space<vmem_shared>>, %arg11: memref<!tpu.dma_semaphore, #tpu.memory_space<semaphore_mem>>, %arg12: memref<!tpu.dma_semaphore, #tpu.memory_space<semaphore_mem>>, %arg13: memref<!tpu.dma_semaphore, #tpu.memory_space<semaphore_mem>>, %arg14: memref<!tpu.dma_semaphore, #tpu.memory_space<semaphore_mem>>, %arg15: memref<!tpu.dma_semaphore, #tpu.memory_space<semaphore_mem>>, %arg16: memref<!tpu.dma_semaphore, #tpu.memory_space<semaphore_mem>>, %arg17: memref<!tpu.dma_semaphore, #tpu.memory_space<semaphore_mem>>, %arg18: memref<!tpu.dma_semaphore, #tpu.memory_space<semaphore_mem>>, %arg19: memref<!tpu.dma_semaphore, #tpu.memory_space<semaphore_mem>>, %arg20: memref<!tpu.dma_semaphore, #tpu.memory_space<semaphore_mem>>, %arg21: memref<!tpu.dma_semaphore, #tpu.memory_space<semaphore_mem>>, %arg22: memref<!tpu.dma_semaphore, #tpu.memory_space<semaphore_mem>>, %arg23: memref<!tpu.dma_semaphore, #tpu.memory_space<semaphore_mem>>, %arg24: memref<!tpu.dma_semaphore, #tpu.memory_space<semaphore_mem>>, %arg25: memref<!tpu.dma_semaphore, #tpu.memory_space<semaphore_mem>>, %arg26: memref<!tpu.dma_semaphore, #tpu.memory_space<semaphore_mem>>, %arg27: memref<!tpu.dma_semaphore, #tpu.memory_space<semaphore_mem>>, %arg28: memref<!tpu.dma_semaphore, #tpu.memory_space<semaphore_mem>>, %arg29: memref<!tpu.dma_semaphore, #tpu.memory_space<semaphore_mem>>, %arg30: memref<!tpu.dma_semaphore, #tpu.memory_space<semaphore_mem>>) attributes {dimension_semantics = [#tpu.dimension_semantics<core_parallel>, #tpu.dimension_semantics<subcore_parallel>], iteration_bounds = array<i64: 2, 16>, scalar_prefetch = 0 : i64, scratch_operands = 24 : i64, tpu.core_type = #tpu.core_type<sc_vector_subcore>, window_params = [{transform_indices = #map}, {transform_indices = #map1}, {transform_indices = #map1}, {transform_indices = #map}, {transform_indices = #map1}]} {
    %mul3A = arith.constant 16 : i32
    %mul3A_0 = arith.muli %arg0, %mul3A : i32
    %add3A = arith.addi %mul3A_0, %arg1 : i32
    "tpu.region"() ({
      %run_scoped3A = tpu.sem_alloc : memref<!tpu.dma_semaphore, #tpu.memory_space<semaphore_mem>>
      %dma_start3A_321 = arith.constant 0 : i32
      %dma_start3A_322 = arith.constant 0 : i32
      %dma_start3A_323 = tpu.memref_slice %arg3[%add3A, %dma_start3A_321, %dma_start3A_322] : memref<32x125x80xi32, #tpu.memory_space<hbm>> -> memref<1x125x80xi32, #tpu.memory_space<hbm>>
      %dma_start3A_324 = tpu.memref_squeeze %dma_start3A_323 : memref<1x125x80xi32, #tpu.memory_space<hbm>> -> memref<125x80xi32, #tpu.memory_space<hbm>>
      %dma_start3A_325 = arith.constant 0 : i32
      %dma_start3A_326 = arith.constant 0 : i32
      %dma_start3A_327 = tpu.memref_slice %arg3[%add3A, %dma_start3A_325, %dma_start3A_326] : memref<32x125x80xi32, #tpu.memory_space<hbm>> -> memref<1x125x80xi32, #tpu.memory_space<hbm>>
      %dma_start3A_328 = tpu.memref_squeeze %dma_start3A_327 : memref<1x125x80xi32, #tpu.memory_space<hbm>> -> memref<125x80xi32, #tpu.memory_space<hbm>>
      tpu.enqueue_dma source(%dma_start3A_328 : memref<125x80xi32, #tpu.memory_space<hbm>>) target(%arg7 : memref<125x80xi32, #tpu.memory_space<vmem>>) target_semaphore(%run_scoped3A : memref<!tpu.dma_semaphore, #tpu.memory_space<semaphore_mem>>)
      %dma_wait3A_329 = arith.constant 0 : i32
      %dma_wait3A_330 = arith.constant 0 : i32
      %dma_wait3A_331 = tpu.memref_slice %arg3[%add3A, %dma_wait3A_329, %dma_wait3A_330] : memref<32x125x80xi32, #tpu.memory_space<hbm>> -> memref<1x125x80xi32, #tpu.memory_space<hbm>>
      %dma_wait3A_332 = tpu.memref_squeeze %dma_wait3A_331 : memref<1x125x80xi32, #tpu.memory_space<hbm>> -> memref<125x80xi32, #tpu.memory_space<hbm>>
      %dma_wait3A_333 = arith.constant 0 : i32
      %dma_wait3A_334 = arith.constant 0 : i32
      %dma_wait3A_335 = tpu.memref_slice %arg3[%add3A, %dma_wait3A_333, %dma_wait3A_334] : memref<32x125x80xi32, #tpu.memory_space<hbm>> -> memref<1x125x80xi32, #tpu.memory_space<hbm>>
      %dma_wait3A_336 = tpu.memref_squeeze %dma_wait3A_335 : memref<1x125x80xi32, #tpu.memory_space<hbm>> -> memref<125x80xi32, #tpu.memory_space<hbm>>
      tpu.wait_dma2 semaphore(%run_scoped3A : memref<!tpu.dma_semaphore, #tpu.memory_space<semaphore_mem>>) src(%dma_wait3A_336 : memref<125x80xi32, #tpu.memory_space<hbm>>) dst(%arg7 : memref<125x80xi32, #tpu.memory_space<vmem>>)
      tpu.yield
    }) : () -> ()
    "tpu.region"() ({
      %run_scoped3A = tpu.sem_alloc : memref<!tpu.dma_semaphore, #tpu.memory_space<semaphore_mem>>
      %dma_start3A_321 = arith.constant 0 : i32
      %dma_start3A_322 = arith.constant 0 : i32
      %dma_start3A_323 = tpu.memref_slice %arg4[%add3A, %dma_start3A_321, %dma_start3A_322] : memref<32x125x80xi32, #tpu.memory_space<hbm>> -> memref<1x125x80xi32, #tpu.memory_space<hbm>>
      %dma_start3A_324 = tpu.memref_squeeze %dma_start3A_323 : memref<1x125x80xi32, #tpu.memory_space<hbm>> -> memref<125x80xi32, #tpu.memory_space<hbm>>
      %dma_start3A_325 = arith.constant 0 : i32
      %dma_start3A_326 = arith.constant 0 : i32
      %dma_start3A_327 = tpu.memref_slice %arg4[%add3A, %dma_start3A_325, %dma_start3A_326] : memref<32x125x80xi32, #tpu.memory_space<hbm>> -> memref<1x125x80xi32, #tpu.memory_space<hbm>>
      %dma_start3A_328 = tpu.memref_squeeze %dma_start3A_327 : memref<1x125x80xi32, #tpu.memory_space<hbm>> -> memref<125x80xi32, #tpu.memory_space<hbm>>
      tpu.enqueue_dma source(%dma_start3A_328 : memref<125x80xi32, #tpu.memory_space<hbm>>) target(%arg8 : memref<125x80xi32, #tpu.memory_space<vmem>>) target_semaphore(%run_scoped3A : memref<!tpu.dma_semaphore, #tpu.memory_space<semaphore_mem>>)
      %dma_wait3A_329 = arith.constant 0 : i32
      %dma_wait3A_330 = arith.constant 0 : i32
      %dma_wait3A_331 = tpu.memref_slice %arg4[%add3A, %dma_wait3A_329, %dma_wait3A_330] : memref<32x125x80xi32, #tpu.memory_space<hbm>> -> memref<1x125x80xi32, #tpu.memory_space<hbm>>
      %dma_wait3A_332 = tpu.memref_squeeze %dma_wait3A_331 : memref<1x125x80xi32, #tpu.memory_space<hbm>> -> memref<125x80xi32, #tpu.memory_space<hbm>>
      %dma_wait3A_333 = arith.constant 0 : i32
      %dma_wait3A_334 = arith.constant 0 : i32
      %dma_wait3A_335 = tpu.memref_slice %arg4[%add3A, %dma_wait3A_333, %dma_wait3A_334] : memref<32x125x80xi32, #tpu.memory_space<hbm>> -> memref<1x125x80xi32, #tpu.memory_space<hbm>>
      %dma_wait3A_336 = tpu.memref_squeeze %dma_wait3A_335 : memref<1x125x80xi32, #tpu.memory_space<hbm>> -> memref<125x80xi32, #tpu.memory_space<hbm>>
      tpu.wait_dma2 semaphore(%run_scoped3A : memref<!tpu.dma_semaphore, #tpu.memory_space<semaphore_mem>>) src(%dma_wait3A_336 : memref<125x80xi32, #tpu.memory_space<hbm>>) dst(%arg8 : memref<125x80xi32, #tpu.memory_space<vmem>>)
      tpu.yield
    }) : () -> ()
    %lt3A = arith.constant 15 : i32
    %lt3A_1 = arith.cmpi slt, %arg1, %lt3A : i32
    %convert_element_type3A = arith.extui %lt3A_1 : i1 to i32
    %cond3A = arith.constant 0 : i32
    %cond3A_2 = arith.cmpi ne, %convert_element_type3A, %cond3A : i32
    scf.if %cond3A_2 {
      %mul3A_321 = arith.constant 624 : i32
      %mul3A_322 = arith.muli %arg1, %mul3A_321 : i32
      "tpu.region"() ({
        %run_scoped3A = tpu.sem_alloc : memref<!tpu.dma_semaphore, #tpu.memory_space<semaphore_mem>>
        %dma_start3A_323 = arith.constant 0 : i32
        %dma_start3A_324 = tpu.memref_slice %arg10[%mul3A_322, %dma_start3A_323] : memref<10000x64xf32, #tpu.memory_space<vmem_shared>> -> memref<624x64xf32, #tpu.memory_space<vmem_shared>>
        %dma_start3A_325 = arith.constant 0 : i32
        %dma_start3A_326 = tpu.memref_slice %arg5[%mul3A_322, %dma_start3A_325] : memref<10000x64xf32, #tpu.memory_space<hbm>> -> memref<624x64xf32, #tpu.memory_space<hbm>>
        tpu.enqueue_dma source(%dma_start3A_326 : memref<624x64xf32, #tpu.memory_space<hbm>>) target(%dma_start3A_324 : memref<624x64xf32, #tpu.memory_space<vmem_shared>>) target_semaphore(%run_scoped3A : memref<!tpu.dma_semaphore, #tpu.memory_space<semaphore_mem>>)
        %dma_wait3A_327 = arith.constant 0 : i32
        %dma_wait3A_328 = tpu.memref_slice %arg10[%mul3A_322, %dma_wait3A_327] : memref<10000x64xf32, #tpu.memory_space<vmem_shared>> -> memref<624x64xf32, #tpu.memory_space<vmem_shared>>
        %dma_wait3A_329 = arith.constant 0 : i32
        %dma_wait3A_330 = tpu.memref_slice %arg5[%mul3A_322, %dma_wait3A_329] : memref<10000x64xf32, #tpu.memory_space<hbm>> -> memref<624x64xf32, #tpu.memory_space<hbm>>
        tpu.wait_dma2 semaphore(%run_scoped3A : memref<!tpu.dma_semaphore, #tpu.memory_space<semaphore_mem>>) src(%dma_wait3A_330 : memref<624x64xf32, #tpu.memory_space<hbm>>) dst(%dma_wait3A_328 : memref<624x64xf32, #tpu.memory_space<vmem_shared>>)
        tpu.yield
      }) : () -> ()
    } else {
    }
    %eq3A = arith.constant 15 : i32
    %eq3A_3 = arith.cmpi eq, %arg1, %eq3A : i32
    %convert_element_type3A_4 = arith.extui %eq3A_3 : i1 to i32
    %cond3A_5 = arith.constant 0 : i32
    %cond3A_6 = arith.cmpi ne, %convert_element_type3A_4, %cond3A_5 : i32
    scf.if %cond3A_6 {
      "tpu.region"() ({
        %run_scoped3A = tpu.sem_alloc : memref<!tpu.dma_semaphore, #tpu.memory_space<semaphore_mem>>
        %dma_start3A_321 = arith.constant 9360 : i32
        %dma_start3A_322 = arith.constant 0 : i32
        %dma_start3A_323 = tpu.memref_slice %arg10[%dma_start3A_321, %dma_start3A_322] : memref<10000x64xf32, #tpu.memory_space<vmem_shared>> -> memref<640x64xf32, #tpu.memory_space<vmem_shared>>
        %dma_start3A_324 = arith.constant 9360 : i32
        %dma_start3A_325 = arith.constant 0 : i32
        %dma_start3A_326 = tpu.memref_slice %arg5[%dma_start3A_324, %dma_start3A_325] : memref<10000x64xf32, #tpu.memory_space<hbm>> -> memref<640x64xf32, #tpu.memory_space<hbm>>
        tpu.enqueue_dma source(%dma_start3A_326 : memref<640x64xf32, #tpu.memory_space<hbm>>) target(%dma_start3A_323 : memref<640x64xf32, #tpu.memory_space<vmem_shared>>) target_semaphore(%run_scoped3A : memref<!tpu.dma_semaphore, #tpu.memory_space<semaphore_mem>>)
        %dma_wait3A_327 = arith.constant 9360 : i32
        %dma_wait3A_328 = arith.constant 0 : i32
        %dma_wait3A_329 = tpu.memref_slice %arg10[%dma_wait3A_327, %dma_wait3A_328] : memref<10000x64xf32, #tpu.memory_space<vmem_shared>> -> memref<640x64xf32, #tpu.memory_space<vmem_shared>>
        %dma_wait3A_330 = arith.constant 9360 : i32
        %dma_wait3A_331 = arith.constant 0 : i32
        %dma_wait3A_332 = tpu.memref_slice %arg5[%dma_wait3A_330, %dma_wait3A_331] : memref<10000x64xf32, #tpu.memory_space<hbm>> -> memref<640x64xf32, #tpu.memory_space<hbm>>
        tpu.wait_dma2 semaphore(%run_scoped3A : memref<!tpu.dma_semaphore, #tpu.memory_space<semaphore_mem>>) src(%dma_wait3A_332 : memref<640x64xf32, #tpu.memory_space<hbm>>) dst(%dma_wait3A_329 : memref<640x64xf32, #tpu.memory_space<vmem_shared>>)
        tpu.yield
      }) : () -> ()
    } else {
    }
    %barrier3A = arith.constant 0 : index
    tpu.barrier barrier_id(%barrier3A)
    %dma_start3A = arith.constant 0 : i32
    %dma_start3A_7 = arith.constant 0 : i32
    %dma_start3A_8 = arith.constant 0 : i32
    %dma_start3A_9 = arith.constant 0 : i32
    %dma_start3A_10 = tpu.memref_slice %arg9[%dma_start3A_7, %dma_start3A_8, %dma_start3A_9] : memref<10x80x64xf32, #tpu.memory_space<vmem>> -> memref<1x80x64xf32, #tpu.memory_space<vmem>>
    %dma_start3A_11 = tpu.memref_squeeze %dma_start3A_10 : memref<1x80x64xf32, #tpu.memory_space<vmem>> -> memref<80x64xf32, #tpu.memory_space<vmem>>
    %dma_start3A_12 = arith.constant 0 : i32
    %dma_start3A_13 = tpu.memref_slice %arg7[%dma_start3A, %dma_start3A_12] : memref<125x80xi32, #tpu.memory_space<vmem>> -> memref<1x80xi32, #tpu.memory_space<vmem>>
    %dma_start3A_14 = tpu.memref_squeeze %dma_start3A_13 : memref<1x80xi32, #tpu.memory_space<vmem>> -> memref<80xi32, #tpu.memory_space<vmem>>
    %dma_start3A_15 = arith.constant 0 : i32
    %dma_start3A_16 = arith.constant 0 : i32
    %dma_start3A_17 = tpu.memref_slice %arg2[%dma_start3A_15, %dma_start3A_16] : memref<10000x64xf32, #tpu.memory_space<hbm>> -> memref<10000x64xf32, #tpu.memory_space<hbm>>
    tpu.enqueue_indirect_dma source(%dma_start3A_17 : memref<10000x64xf32, #tpu.memory_space<hbm>>) target(%dma_start3A_11 : memref<80x64xf32, #tpu.memory_space<vmem>>) offsets(%dma_start3A_14 : memref<80xi32, #tpu.memory_space<vmem>>) semaphore(%arg11 : memref<!tpu.dma_semaphore, #tpu.memory_space<semaphore_mem>>)
    %dma_start3A_18 = arith.constant 1 : i32
    %dma_start3A_19 = arith.constant 1 : i32
    %dma_start3A_20 = arith.constant 0 : i32
    %dma_start3A_21 = arith.constant 0 : i32
    %dma_start3A_22 = tpu.memref_slice %arg9[%dma_start3A_19, %dma_start3A_20, %dma_start3A_21] : memref<10x80x64xf32, #tpu.memory_space<vmem>> -> memref<1x80x64xf32, #tpu.memory_space<vmem>>
    %dma_start3A_23 = tpu.memref_squeeze %dma_start3A_22 : memref<1x80x64xf32, #tpu.memory_space<vmem>> -> memref<80x64xf32, #tpu.memory_space<vmem>>
    %dma_start3A_24 = arith.constant 0 : i32
    %dma_start3A_25 = tpu.memref_slice %arg7[%dma_start3A_18, %dma_start3A_24] : memref<125x80xi32, #tpu.memory_space<vmem>> -> memref<1x80xi32, #tpu.memory_space<vmem>>
    %dma_start3A_26 = tpu.memref_squeeze %dma_start3A_25 : memref<1x80xi32, #tpu.memory_space<vmem>> -> memref<80xi32, #tpu.memory_space<vmem>>
    %dma_start3A_27 = arith.constant 0 : i32
    %dma_start3A_28 = arith.constant 0 : i32
    %dma_start3A_29 = tpu.memref_slice %arg2[%dma_start3A_27, %dma_start3A_28] : memref<10000x64xf32, #tpu.memory_space<hbm>> -> memref<10000x64xf32, #tpu.memory_space<hbm>>
    tpu.enqueue_indirect_dma source(%dma_start3A_29 : memref<10000x64xf32, #tpu.memory_space<hbm>>) target(%dma_start3A_23 : memref<80x64xf32, #tpu.memory_space<vmem>>) offsets(%dma_start3A_26 : memref<80xi32, #tpu.memory_space<vmem>>) semaphore(%arg12 : memref<!tpu.dma_semaphore, #tpu.memory_space<semaphore_mem>>)
    %dma_start3A_30 = arith.constant 2 : i32
    %dma_start3A_31 = arith.constant 2 : i32
    %dma_start3A_32 = arith.constant 0 : i32
    %dma_start3A_33 = arith.constant 0 : i32
    %dma_start3A_34 = tpu.memref_slice %arg9[%dma_start3A_31, %dma_start3A_32, %dma_start3A_33] : memref<10x80x64xf32, #tpu.memory_space<vmem>> -> memref<1x80x64xf32, #tpu.memory_space<vmem>>
    %dma_start3A_35 = tpu.memref_squeeze %dma_start3A_34 : memref<1x80x64xf32, #tpu.memory_space<vmem>> -> memref<80x64xf32, #tpu.memory_space<vmem>>
    %dma_start3A_36 = arith.constant 0 : i32
    %dma_start3A_37 = tpu.memref_slice %arg7[%dma_start3A_30, %dma_start3A_36] : memref<125x80xi32, #tpu.memory_space<vmem>> -> memref<1x80xi32, #tpu.memory_space<vmem>>
    %dma_start3A_38 = tpu.memref_squeeze %dma_start3A_37 : memref<1x80xi32, #tpu.memory_space<vmem>> -> memref<80xi32, #tpu.memory_space<vmem>>
    %dma_start3A_39 = arith.constant 0 : i32
    %dma_start3A_40 = arith.constant 0 : i32
    %dma_start3A_41 = tpu.memref_slice %arg2[%dma_start3A_39, %dma_start3A_40] : memref<10000x64xf32, #tpu.memory_space<hbm>> -> memref<10000x64xf32, #tpu.memory_space<hbm>>
    tpu.enqueue_indirect_dma source(%dma_start3A_41 : memref<10000x64xf32, #tpu.memory_space<hbm>>) target(%dma_start3A_35 : memref<80x64xf32, #tpu.memory_space<vmem>>) offsets(%dma_start3A_38 : memref<80xi32, #tpu.memory_space<vmem>>) semaphore(%arg13 : memref<!tpu.dma_semaphore, #tpu.memory_space<semaphore_mem>>)
    %dma_start3A_42 = arith.constant 3 : i32
    %dma_start3A_43 = arith.constant 3 : i32
    %dma_start3A_44 = arith.constant 0 : i32
    %dma_start3A_45 = arith.constant 0 : i32
    %dma_start3A_46 = tpu.memref_slice %arg9[%dma_start3A_43, %dma_start3A_44, %dma_start3A_45] : memref<10x80x64xf32, #tpu.memory_space<vmem>> -> memref<1x80x64xf32, #tpu.memory_space<vmem>>
    %dma_start3A_47 = tpu.memref_squeeze %dma_start3A_46 : memref<1x80x64xf32, #tpu.memory_space<vmem>> -> memref<80x64xf32, #tpu.memory_space<vmem>>
    %dma_start3A_48 = arith.constant 0 : i32
    %dma_start3A_49 = tpu.memref_slice %arg7[%dma_start3A_42, %dma_start3A_48] : memref<125x80xi32, #tpu.memory_space<vmem>> -> memref<1x80xi32, #tpu.memory_space<vmem>>
    %dma_start3A_50 = tpu.memref_squeeze %dma_start3A_49 : memref<1x80xi32, #tpu.memory_space<vmem>> -> memref<80xi32, #tpu.memory_space<vmem>>
    %dma_start3A_51 = arith.constant 0 : i32
    %dma_start3A_52 = arith.constant 0 : i32
    %dma_start3A_53 = tpu.memref_slice %arg2[%dma_start3A_51, %dma_start3A_52] : memref<10000x64xf32, #tpu.memory_space<hbm>> -> memref<10000x64xf32, #tpu.memory_space<hbm>>
    tpu.enqueue_indirect_dma source(%dma_start3A_53 : memref<10000x64xf32, #tpu.memory_space<hbm>>) target(%dma_start3A_47 : memref<80x64xf32, #tpu.memory_space<vmem>>) offsets(%dma_start3A_50 : memref<80xi32, #tpu.memory_space<vmem>>) semaphore(%arg14 : memref<!tpu.dma_semaphore, #tpu.memory_space<semaphore_mem>>)
    %dma_start3A_54 = arith.constant 4 : i32
    %dma_start3A_55 = arith.constant 4 : i32
    %dma_start3A_56 = arith.constant 0 : i32
    %dma_start3A_57 = arith.constant 0 : i32
    %dma_start3A_58 = tpu.memref_slice %arg9[%dma_start3A_55, %dma_start3A_56, %dma_start3A_57] : memref<10x80x64xf32, #tpu.memory_space<vmem>> -> memref<1x80x64xf32, #tpu.memory_space<vmem>>
    %dma_start3A_59 = tpu.memref_squeeze %dma_start3A_58 : memref<1x80x64xf32, #tpu.memory_space<vmem>> -> memref<80x64xf32, #tpu.memory_space<vmem>>
    %dma_start3A_60 = arith.constant 0 : i32
    %dma_start3A_61 = tpu.memref_slice %arg7[%dma_start3A_54, %dma_start3A_60] : memref<125x80xi32, #tpu.memory_space<vmem>> -> memref<1x80xi32, #tpu.memory_space<vmem>>
    %dma_start3A_62 = tpu.memref_squeeze %dma_start3A_61 : memref<1x80xi32, #tpu.memory_space<vmem>> -> memref<80xi32, #tpu.memory_space<vmem>>
    %dma_start3A_63 = arith.constant 0 : i32
    %dma_start3A_64 = arith.constant 0 : i32
    %dma_start3A_65 = tpu.memref_slice %arg2[%dma_start3A_63, %dma_start3A_64] : memref<10000x64xf32, #tpu.memory_space<hbm>> -> memref<10000x64xf32, #tpu.memory_space<hbm>>
    tpu.enqueue_indirect_dma source(%dma_start3A_65 : memref<10000x64xf32, #tpu.memory_space<hbm>>) target(%dma_start3A_59 : memref<80x64xf32, #tpu.memory_space<vmem>>) offsets(%dma_start3A_62 : memref<80xi32, #tpu.memory_space<vmem>>) semaphore(%arg15 : memref<!tpu.dma_semaphore, #tpu.memory_space<semaphore_mem>>)
    %dma_start3A_66 = arith.constant 5 : i32
    %dma_start3A_67 = arith.constant 5 : i32
    %dma_start3A_68 = arith.constant 0 : i32
    %dma_start3A_69 = arith.constant 0 : i32
    %dma_start3A_70 = tpu.memref_slice %arg9[%dma_start3A_67, %dma_start3A_68, %dma_start3A_69] : memref<10x80x64xf32, #tpu.memory_space<vmem>> -> memref<1x80x64xf32, #tpu.memory_space<vmem>>
    %dma_start3A_71 = tpu.memref_squeeze %dma_start3A_70 : memref<1x80x64xf32, #tpu.memory_space<vmem>> -> memref<80x64xf32, #tpu.memory_space<vmem>>
    %dma_start3A_72 = arith.constant 0 : i32
    %dma_start3A_73 = tpu.memref_slice %arg7[%dma_start3A_66, %dma_start3A_72] : memref<125x80xi32, #tpu.memory_space<vmem>> -> memref<1x80xi32, #tpu.memory_space<vmem>>
    %dma_start3A_74 = tpu.memref_squeeze %dma_start3A_73 : memref<1x80xi32, #tpu.memory_space<vmem>> -> memref<80xi32, #tpu.memory_space<vmem>>
    %dma_start3A_75 = arith.constant 0 : i32
    %dma_start3A_76 = arith.constant 0 : i32
    %dma_start3A_77 = tpu.memref_slice %arg2[%dma_start3A_75, %dma_start3A_76] : memref<10000x64xf32, #tpu.memory_space<hbm>> -> memref<10000x64xf32, #tpu.memory_space<hbm>>
    tpu.enqueue_indirect_dma source(%dma_start3A_77 : memref<10000x64xf32, #tpu.memory_space<hbm>>) target(%dma_start3A_71 : memref<80x64xf32, #tpu.memory_space<vmem>>) offsets(%dma_start3A_74 : memref<80xi32, #tpu.memory_space<vmem>>) semaphore(%arg16 : memref<!tpu.dma_semaphore, #tpu.memory_space<semaphore_mem>>)
    %dma_start3A_78 = arith.constant 6 : i32
    %dma_start3A_79 = arith.constant 6 : i32
    %dma_start3A_80 = arith.constant 0 : i32
    %dma_start3A_81 = arith.constant 0 : i32
    %dma_start3A_82 = tpu.memref_slice %arg9[%dma_start3A_79, %dma_start3A_80, %dma_start3A_81] : memref<10x80x64xf32, #tpu.memory_space<vmem>> -> memref<1x80x64xf32, #tpu.memory_space<vmem>>
    %dma_start3A_83 = tpu.memref_squeeze %dma_start3A_82 : memref<1x80x64xf32, #tpu.memory_space<vmem>> -> memref<80x64xf32, #tpu.memory_space<vmem>>
    %dma_start3A_84 = arith.constant 0 : i32
    %dma_start3A_85 = tpu.memref_slice %arg7[%dma_start3A_78, %dma_start3A_84] : memref<125x80xi32, #tpu.memory_space<vmem>> -> memref<1x80xi32, #tpu.memory_space<vmem>>
    %dma_start3A_86 = tpu.memref_squeeze %dma_start3A_85 : memref<1x80xi32, #tpu.memory_space<vmem>> -> memref<80xi32, #tpu.memory_space<vmem>>
    %dma_start3A_87 = arith.constant 0 : i32
    %dma_start3A_88 = arith.constant 0 : i32
    %dma_start3A_89 = tpu.memref_slice %arg2[%dma_start3A_87, %dma_start3A_88] : memref<10000x64xf32, #tpu.memory_space<hbm>> -> memref<10000x64xf32, #tpu.memory_space<hbm>>
    tpu.enqueue_indirect_dma source(%dma_start3A_89 : memref<10000x64xf32, #tpu.memory_space<hbm>>) target(%dma_start3A_83 : memref<80x64xf32, #tpu.memory_space<vmem>>) offsets(%dma_start3A_86 : memref<80xi32, #tpu.memory_space<vmem>>) semaphore(%arg17 : memref<!tpu.dma_semaphore, #tpu.memory_space<semaphore_mem>>)
    %dma_start3A_90 = arith.constant 7 : i32
    %dma_start3A_91 = arith.constant 7 : i32
    %dma_start3A_92 = arith.constant 0 : i32
    %dma_start3A_93 = arith.constant 0 : i32
    %dma_start3A_94 = tpu.memref_slice %arg9[%dma_start3A_91, %dma_start3A_92, %dma_start3A_93] : memref<10x80x64xf32, #tpu.memory_space<vmem>> -> memref<1x80x64xf32, #tpu.memory_space<vmem>>
    %dma_start3A_95 = tpu.memref_squeeze %dma_start3A_94 : memref<1x80x64xf32, #tpu.memory_space<vmem>> -> memref<80x64xf32, #tpu.memory_space<vmem>>
    %dma_start3A_96 = arith.constant 0 : i32
    %dma_start3A_97 = tpu.memref_slice %arg7[%dma_start3A_90, %dma_start3A_96] : memref<125x80xi32, #tpu.memory_space<vmem>> -> memref<1x80xi32, #tpu.memory_space<vmem>>
    %dma_start3A_98 = tpu.memref_squeeze %dma_start3A_97 : memref<1x80xi32, #tpu.memory_space<vmem>> -> memref<80xi32, #tpu.memory_space<vmem>>
    %dma_start3A_99 = arith.constant 0 : i32
    %dma_start3A_100 = arith.constant 0 : i32
    %dma_start3A_101 = tpu.memref_slice %arg2[%dma_start3A_99, %dma_start3A_100] : memref<10000x64xf32, #tpu.memory_space<hbm>> -> memref<10000x64xf32, #tpu.memory_space<hbm>>
    tpu.enqueue_indirect_dma source(%dma_start3A_101 : memref<10000x64xf32, #tpu.memory_space<hbm>>) target(%dma_start3A_95 : memref<80x64xf32, #tpu.memory_space<vmem>>) offsets(%dma_start3A_98 : memref<80xi32, #tpu.memory_space<vmem>>) semaphore(%arg18 : memref<!tpu.dma_semaphore, #tpu.memory_space<semaphore_mem>>)
    %dma_start3A_102 = arith.constant 8 : i32
    %dma_start3A_103 = arith.constant 8 : i32
    %dma_start3A_104 = arith.constant 0 : i32
    %dma_start3A_105 = arith.constant 0 : i32
    %dma_start3A_106 = tpu.memref_slice %arg9[%dma_start3A_103, %dma_start3A_104, %dma_start3A_105] : memref<10x80x64xf32, #tpu.memory_space<vmem>> -> memref<1x80x64xf32, #tpu.memory_space<vmem>>
    %dma_start3A_107 = tpu.memref_squeeze %dma_start3A_106 : memref<1x80x64xf32, #tpu.memory_space<vmem>> -> memref<80x64xf32, #tpu.memory_space<vmem>>
    %dma_start3A_108 = arith.constant 0 : i32
    %dma_start3A_109 = tpu.memref_slice %arg7[%dma_start3A_102, %dma_start3A_108] : memref<125x80xi32, #tpu.memory_space<vmem>> -> memref<1x80xi32, #tpu.memory_space<vmem>>
    %dma_start3A_110 = tpu.memref_squeeze %dma_start3A_109 : memref<1x80xi32, #tpu.memory_space<vmem>> -> memref<80xi32, #tpu.memory_space<vmem>>
    %dma_start3A_111 = arith.constant 0 : i32
    %dma_start3A_112 = arith.constant 0 : i32
    %dma_start3A_113 = tpu.memref_slice %arg2[%dma_start3A_111, %dma_start3A_112] : memref<10000x64xf32, #tpu.memory_space<hbm>> -> memref<10000x64xf32, #tpu.memory_space<hbm>>
    tpu.enqueue_indirect_dma source(%dma_start3A_113 : memref<10000x64xf32, #tpu.memory_space<hbm>>) target(%dma_start3A_107 : memref<80x64xf32, #tpu.memory_space<vmem>>) offsets(%dma_start3A_110 : memref<80xi32, #tpu.memory_space<vmem>>) semaphore(%arg19 : memref<!tpu.dma_semaphore, #tpu.memory_space<semaphore_mem>>)
    %dma_start3A_114 = arith.constant 9 : i32
    %dma_start3A_115 = arith.constant 9 : i32
    %dma_start3A_116 = arith.constant 0 : i32
    %dma_start3A_117 = arith.constant 0 : i32
    %dma_start3A_118 = tpu.memref_slice %arg9[%dma_start3A_115, %dma_start3A_116, %dma_start3A_117] : memref<10x80x64xf32, #tpu.memory_space<vmem>> -> memref<1x80x64xf32, #tpu.memory_space<vmem>>
    %dma_start3A_119 = tpu.memref_squeeze %dma_start3A_118 : memref<1x80x64xf32, #tpu.memory_space<vmem>> -> memref<80x64xf32, #tpu.memory_space<vmem>>
    %dma_start3A_120 = arith.constant 0 : i32
    %dma_start3A_121 = tpu.memref_slice %arg7[%dma_start3A_114, %dma_start3A_120] : memref<125x80xi32, #tpu.memory_space<vmem>> -> memref<1x80xi32, #tpu.memory_space<vmem>>
    %dma_start3A_122 = tpu.memref_squeeze %dma_start3A_121 : memref<1x80xi32, #tpu.memory_space<vmem>> -> memref<80xi32, #tpu.memory_space<vmem>>
    %dma_start3A_123 = arith.constant 0 : i32
    %dma_start3A_124 = arith.constant 0 : i32
    %dma_start3A_125 = tpu.memref_slice %arg2[%dma_start3A_123, %dma_start3A_124] : memref<10000x64xf32, #tpu.memory_space<hbm>> -> memref<10000x64xf32, #tpu.memory_space<hbm>>
    tpu.enqueue_indirect_dma source(%dma_start3A_125 : memref<10000x64xf32, #tpu.memory_space<hbm>>) target(%dma_start3A_119 : memref<80x64xf32, #tpu.memory_space<vmem>>) offsets(%dma_start3A_122 : memref<80xi32, #tpu.memory_space<vmem>>) semaphore(%arg20 : memref<!tpu.dma_semaphore, #tpu.memory_space<semaphore_mem>>)
    %scan3A = arith.constant 0 : i32
    %scan3A_126 = arith.constant 0 : i32
    %scan3A_127 = arith.constant 12 : i32
    %scan3A_128 = arith.addi %scan3A_126, %scan3A_127 : i32
    %scan3A_129 = arith.constant 1 : i32
    scf.for %scan3A_321 = %scan3A_126 to %scan3A_128 step %scan3A_129  : i32 {
      %mul3A_322 = arith.constant 2 : i32
      %mul3A_323 = arith.muli %mul3A_322, %scan3A_321 : i32
      %mul3A_324 = arith.constant 5 : i32
      %mul3A_325 = arith.muli %mul3A_323, %mul3A_324 : i32
      %add3A_326 = arith.constant 0 : i32
      %add3A_327 = arith.addi %mul3A_325, %add3A_326 : i32
      %dma_wait3A_328 = arith.constant 0 : i32
      %dma_wait3A_329 = arith.constant 0 : i32
      %dma_wait3A_330 = arith.constant 0 : i32
      %dma_wait3A_331 = tpu.memref_slice %arg9[%dma_wait3A_328, %dma_wait3A_329, %dma_wait3A_330] : memref<10x80x64xf32, #tpu.memory_space<vmem>> -> memref<1x80x64xf32, #tpu.memory_space<vmem>>
      %dma_wait3A_332 = tpu.memref_squeeze %dma_wait3A_331 : memref<1x80x64xf32, #tpu.memory_space<vmem>> -> memref<80x64xf32, #tpu.memory_space<vmem>>
      %dma_wait3A_333 = arith.constant 0 : i32
      %dma_wait3A_334 = tpu.memref_slice %arg7[%add3A_327, %dma_wait3A_333] : memref<125x80xi32, #tpu.memory_space<vmem>> -> memref<1x80xi32, #tpu.memory_space<vmem>>
      %dma_wait3A_335 = tpu.memref_squeeze %dma_wait3A_334 : memref<1x80xi32, #tpu.memory_space<vmem>> -> memref<80xi32, #tpu.memory_space<vmem>>
      %dma_wait3A_336 = arith.constant 0 : i32
      %dma_wait3A_337 = arith.constant 0 : i32
      %dma_wait3A_338 = tpu.memref_slice %arg2[%dma_wait3A_336, %dma_wait3A_337] : memref<10000x64xf32, #tpu.memory_space<hbm>> -> memref<10000x64xf32, #tpu.memory_space<hbm>>
      tpu.wait_indirect_dma semaphore(%arg11 : memref<!tpu.dma_semaphore, #tpu.memory_space<semaphore_mem>>) src(%dma_wait3A_338 : memref<10000x64xf32, #tpu.memory_space<hbm>>) dst(%dma_wait3A_332 : memref<80x64xf32, #tpu.memory_space<vmem>>)
      %mul3A_339 = arith.constant 5 : i32
      %mul3A_340 = arith.muli %mul3A_323, %mul3A_339 : i32
      %add3A_341 = arith.constant 0 : i32
      %add3A_342 = arith.addi %mul3A_340, %add3A_341 : i32
      %dma_start3A_343 = arith.constant 0 : i32
      %dma_start3A_344 = arith.constant 0 : i32
      %dma_start3A_345 = arith.constant 0 : i32
      %dma_start3A_346 = tpu.memref_slice %arg9[%dma_start3A_343, %dma_start3A_344, %dma_start3A_345] : memref<10x80x64xf32, #tpu.memory_space<vmem>> -> memref<1x80x64xf32, #tpu.memory_space<vmem>>
      %dma_start3A_347 = tpu.memref_squeeze %dma_start3A_346 : memref<1x80x64xf32, #tpu.memory_space<vmem>> -> memref<80x64xf32, #tpu.memory_space<vmem>>
      %dma_start3A_348 = arith.constant 0 : i32
      %dma_start3A_349 = tpu.memref_slice %arg8[%add3A_342, %dma_start3A_348] : memref<125x80xi32, #tpu.memory_space<vmem>> -> memref<1x80xi32, #tpu.memory_space<vmem>>
      %dma_start3A_350 = tpu.memref_squeeze %dma_start3A_349 : memref<1x80xi32, #tpu.memory_space<vmem>> -> memref<80xi32, #tpu.memory_space<vmem>>
      %dma_start3A_351 = arith.constant 0 : i32
      %dma_start3A_352 = arith.constant 0 : i32
      %dma_start3A_353 = tpu.memref_slice %arg10[%dma_start3A_351, %dma_start3A_352] : memref<10000x64xf32, #tpu.memory_space<vmem_shared>> -> memref<10000x64xf32, #tpu.memory_space<vmem_shared>>
      tpu.enqueue_indirect_dma source(%dma_start3A_347 : memref<80x64xf32, #tpu.memory_space<vmem>>) target(%dma_start3A_353 : memref<10000x64xf32, #tpu.memory_space<vmem_shared>>) offsets(%dma_start3A_350 : memref<80xi32, #tpu.memory_space<vmem>>) semaphore(%arg21 : memref<!tpu.dma_semaphore, #tpu.memory_space<semaphore_mem>>) {add = true}
      %mul3A_354 = arith.constant 5 : i32
      %mul3A_355 = arith.muli %mul3A_323, %mul3A_354 : i32
      %add3A_356 = arith.constant 1 : i32
      %add3A_357 = arith.addi %mul3A_355, %add3A_356 : i32
      %dma_wait3A_358 = arith.constant 1 : i32
      %dma_wait3A_359 = arith.constant 0 : i32
      %dma_wait3A_360 = arith.constant 0 : i32
      %dma_wait3A_361 = tpu.memref_slice %arg9[%dma_wait3A_358, %dma_wait3A_359, %dma_wait3A_360] : memref<10x80x64xf32, #tpu.memory_space<vmem>> -> memref<1x80x64xf32, #tpu.memory_space<vmem>>
      %dma_wait3A_362 = tpu.memref_squeeze %dma_wait3A_361 : memref<1x80x64xf32, #tpu.memory_space<vmem>> -> memref<80x64xf32, #tpu.memory_space<vmem>>
      %dma_wait3A_363 = arith.constant 0 : i32
      %dma_wait3A_364 = tpu.memref_slice %arg7[%add3A_357, %dma_wait3A_363] : memref<125x80xi32, #tpu.memory_space<vmem>> -> memref<1x80xi32, #tpu.memory_space<vmem>>
      %dma_wait3A_365 = tpu.memref_squeeze %dma_wait3A_364 : memref<1x80xi32, #tpu.memory_space<vmem>> -> memref<80xi32, #tpu.memory_space<vmem>>
      %dma_wait3A_366 = arith.constant 0 : i32
      %dma_wait3A_367 = arith.constant 0 : i32
      %dma_wait3A_368 = tpu.memref_slice %arg2[%dma_wait3A_366, %dma_wait3A_367] : memref<10000x64xf32, #tpu.memory_space<hbm>> -> memref<10000x64xf32, #tpu.memory_space<hbm>>
      tpu.wait_indirect_dma semaphore(%arg12 : memref<!tpu.dma_semaphore, #tpu.memory_space<semaphore_mem>>) src(%dma_wait3A_368 : memref<10000x64xf32, #tpu.memory_space<hbm>>) dst(%dma_wait3A_362 : memref<80x64xf32, #tpu.memory_space<vmem>>)
      %mul3A_369 = arith.constant 5 : i32
      %mul3A_370 = arith.muli %mul3A_323, %mul3A_369 : i32
      %add3A_371 = arith.constant 1 : i32
      %add3A_372 = arith.addi %mul3A_370, %add3A_371 : i32
      %dma_start3A_373 = arith.constant 1 : i32
      %dma_start3A_374 = arith.constant 0 : i32
      %dma_start3A_375 = arith.constant 0 : i32
      %dma_start3A_376 = tpu.memref_slice %arg9[%dma_start3A_373, %dma_start3A_374, %dma_start3A_375] : memref<10x80x64xf32, #tpu.memory_space<vmem>> -> memref<1x80x64xf32, #tpu.memory_space<vmem>>
      %dma_start3A_377 = tpu.memref_squeeze %dma_start3A_376 : memref<1x80x64xf32, #tpu.memory_space<vmem>> -> memref<80x64xf32, #tpu.memory_space<vmem>>
      %dma_start3A_378 = arith.constant 0 : i32
      %dma_start3A_379 = tpu.memref_slice %arg8[%add3A_372, %dma_start3A_378] : memref<125x80xi32, #tpu.memory_space<vmem>> -> memref<1x80xi32, #tpu.memory_space<vmem>>
      %dma_start3A_380 = tpu.memref_squeeze %dma_start3A_379 : memref<1x80xi32, #tpu.memory_space<vmem>> -> memref<80xi32, #tpu.memory_space<vmem>>
      %dma_start3A_381 = arith.constant 0 : i32
      %dma_start3A_382 = arith.constant 0 : i32
      %dma_start3A_383 = tpu.memref_slice %arg10[%dma_start3A_381, %dma_start3A_382] : memref<10000x64xf32, #tpu.memory_space<vmem_shared>> -> memref<10000x64xf32, #tpu.memory_space<vmem_shared>>
      tpu.enqueue_indirect_dma source(%dma_start3A_377 : memref<80x64xf32, #tpu.memory_space<vmem>>) target(%dma_start3A_383 : memref<10000x64xf32, #tpu.memory_space<vmem_shared>>) offsets(%dma_start3A_380 : memref<80xi32, #tpu.memory_space<vmem>>) semaphore(%arg22 : memref<!tpu.dma_semaphore, #tpu.memory_space<semaphore_mem>>) {add = true}
      %mul3A_384 = arith.constant 5 : i32
      %mul3A_385 = arith.muli %mul3A_323, %mul3A_384 : i32
      %add3A_386 = arith.constant 2 : i32
      %add3A_387 = arith.addi %mul3A_385, %add3A_386 : i32
      %dma_wait3A_388 = arith.constant 2 : i32
      %dma_wait3A_389 = arith.constant 0 : i32
      %dma_wait3A_390 = arith.constant 0 : i32
      %dma_wait3A_391 = tpu.memref_slice %arg9[%dma_wait3A_388, %dma_wait3A_389, %dma_wait3A_390] : memref<10x80x64xf32, #tpu.memory_space<vmem>> -> memref<1x80x64xf32, #tpu.memory_space<vmem>>
      %dma_wait3A_392 = tpu.memref_squeeze %dma_wait3A_391 : memref<1x80x64xf32, #tpu.memory_space<vmem>> -> memref<80x64xf32, #tpu.memory_space<vmem>>
      %dma_wait3A_393 = arith.constant 0 : i32
      %dma_wait3A_394 = tpu.memref_slice %arg7[%add3A_387, %dma_wait3A_393] : memref<125x80xi32, #tpu.memory_space<vmem>> -> memref<1x80xi32, #tpu.memory_space<vmem>>
      %dma_wait3A_395 = tpu.memref_squeeze %dma_wait3A_394 : memref<1x80xi32, #tpu.memory_space<vmem>> -> memref<80xi32, #tpu.memory_space<vmem>>
      %dma_wait3A_396 = arith.constant 0 : i32
      %dma_wait3A_397 = arith.constant 0 : i32
      %dma_wait3A_398 = tpu.memref_slice %arg2[%dma_wait3A_396, %dma_wait3A_397] : memref<10000x64xf32, #tpu.memory_space<hbm>> -> memref<10000x64xf32, #tpu.memory_space<hbm>>
      tpu.wait_indirect_dma semaphore(%arg13 : memref<!tpu.dma_semaphore, #tpu.memory_space<semaphore_mem>>) src(%dma_wait3A_398 : memref<10000x64xf32, #tpu.memory_space<hbm>>) dst(%dma_wait3A_392 : memref<80x64xf32, #tpu.memory_space<vmem>>)
      %mul3A_399 = arith.constant 5 : i32
      %mul3A_400 = arith.muli %mul3A_323, %mul3A_399 : i32
      %add3A_401 = arith.constant 2 : i32
      %add3A_402 = arith.addi %mul3A_400, %add3A_401 : i32
      %dma_start3A_403 = arith.constant 2 : i32
      %dma_start3A_404 = arith.constant 0 : i32
      %dma_start3A_405 = arith.constant 0 : i32
      %dma_start3A_406 = tpu.memref_slice %arg9[%dma_start3A_403, %dma_start3A_404, %dma_start3A_405] : memref<10x80x64xf32, #tpu.memory_space<vmem>> -> memref<1x80x64xf32, #tpu.memory_space<vmem>>
      %dma_start3A_407 = tpu.memref_squeeze %dma_start3A_406 : memref<1x80x64xf32, #tpu.memory_space<vmem>> -> memref<80x64xf32, #tpu.memory_space<vmem>>
      %dma_start3A_408 = arith.constant 0 : i32
      %dma_start3A_409 = tpu.memref_slice %arg8[%add3A_402, %dma_start3A_408] : memref<125x80xi32, #tpu.memory_space<vmem>> -> memref<1x80xi32, #tpu.memory_space<vmem>>
      %dma_start3A_410 = tpu.memref_squeeze %dma_start3A_409 : memref<1x80xi32, #tpu.memory_space<vmem>> -> memref<80xi32, #tpu.memory_space<vmem>>
      %dma_start3A_411 = arith.constant 0 : i32
      %dma_start3A_412 = arith.constant 0 : i32
      %dma_start3A_413 = tpu.memref_slice %arg10[%dma_start3A_411, %dma_start3A_412] : memref<10000x64xf32, #tpu.memory_space<vmem_shared>> -> memref<10000x64xf32, #tpu.memory_space<vmem_shared>>
      tpu.enqueue_indirect_dma source(%dma_start3A_407 : memref<80x64xf32, #tpu.memory_space<vmem>>) target(%dma_start3A_413 : memref<10000x64xf32, #tpu.memory_space<vmem_shared>>) offsets(%dma_start3A_410 : memref<80xi32, #tpu.memory_space<vmem>>) semaphore(%arg23 : memref<!tpu.dma_semaphore, #tpu.memory_space<semaphore_mem>>) {add = true}
      %mul3A_414 = arith.constant 5 : i32
      %mul3A_415 = arith.muli %mul3A_323, %mul3A_414 : i32
      %add3A_416 = arith.constant 3 : i32
      %add3A_417 = arith.addi %mul3A_415, %add3A_416 : i32
      %dma_wait3A_418 = arith.constant 3 : i32
      %dma_wait3A_419 = arith.constant 0 : i32
      %dma_wait3A_420 = arith.constant 0 : i32
      %dma_wait3A_421 = tpu.memref_slice %arg9[%dma_wait3A_418, %dma_wait3A_419, %dma_wait3A_420] : memref<10x80x64xf32, #tpu.memory_space<vmem>> -> memref<1x80x64xf32, #tpu.memory_space<vmem>>
      %dma_wait3A_422 = tpu.memref_squeeze %dma_wait3A_421 : memref<1x80x64xf32, #tpu.memory_space<vmem>> -> memref<80x64xf32, #tpu.memory_space<vmem>>
      %dma_wait3A_423 = arith.constant 0 : i32
      %dma_wait3A_424 = tpu.memref_slice %arg7[%add3A_417, %dma_wait3A_423] : memref<125x80xi32, #tpu.memory_space<vmem>> -> memref<1x80xi32, #tpu.memory_space<vmem>>
      %dma_wait3A_425 = tpu.memref_squeeze %dma_wait3A_424 : memref<1x80xi32, #tpu.memory_space<vmem>> -> memref<80xi32, #tpu.memory_space<vmem>>
      %dma_wait3A_426 = arith.constant 0 : i32
      %dma_wait3A_427 = arith.constant 0 : i32
      %dma_wait3A_428 = tpu.memref_slice %arg2[%dma_wait3A_426, %dma_wait3A_427] : memref<10000x64xf32, #tpu.memory_space<hbm>> -> memref<10000x64xf32, #tpu.memory_space<hbm>>
      tpu.wait_indirect_dma semaphore(%arg14 : memref<!tpu.dma_semaphore, #tpu.memory_space<semaphore_mem>>) src(%dma_wait3A_428 : memref<10000x64xf32, #tpu.memory_space<hbm>>) dst(%dma_wait3A_422 : memref<80x64xf32, #tpu.memory_space<vmem>>)
      %mul3A_429 = arith.constant 5 : i32
      %mul3A_430 = arith.muli %mul3A_323, %mul3A_429 : i32
      %add3A_431 = arith.constant 3 : i32
      %add3A_432 = arith.addi %mul3A_430, %add3A_431 : i32
      %dma_start3A_433 = arith.constant 3 : i32
      %dma_start3A_434 = arith.constant 0 : i32
      %dma_start3A_435 = arith.constant 0 : i32
      %dma_start3A_436 = tpu.memref_slice %arg9[%dma_start3A_433, %dma_start3A_434, %dma_start3A_435] : memref<10x80x64xf32, #tpu.memory_space<vmem>> -> memref<1x80x64xf32, #tpu.memory_space<vmem>>
      %dma_start3A_437 = tpu.memref_squeeze %dma_start3A_436 : memref<1x80x64xf32, #tpu.memory_space<vmem>> -> memref<80x64xf32, #tpu.memory_space<vmem>>
      %dma_start3A_438 = arith.constant 0 : i32
      %dma_start3A_439 = tpu.memref_slice %arg8[%add3A_432, %dma_start3A_438] : memref<125x80xi32, #tpu.memory_space<vmem>> -> memref<1x80xi32, #tpu.memory_space<vmem>>
      %dma_start3A_440 = tpu.memref_squeeze %dma_start3A_439 : memref<1x80xi32, #tpu.memory_space<vmem>> -> memref<80xi32, #tpu.memory_space<vmem>>
      %dma_start3A_441 = arith.constant 0 : i32
      %dma_start3A_442 = arith.constant 0 : i32
      %dma_start3A_443 = tpu.memref_slice %arg10[%dma_start3A_441, %dma_start3A_442] : memref<10000x64xf32, #tpu.memory_space<vmem_shared>> -> memref<10000x64xf32, #tpu.memory_space<vmem_shared>>
      tpu.enqueue_indirect_dma source(%dma_start3A_437 : memref<80x64xf32, #tpu.memory_space<vmem>>) target(%dma_start3A_443 : memref<10000x64xf32, #tpu.memory_space<vmem_shared>>) offsets(%dma_start3A_440 : memref<80xi32, #tpu.memory_space<vmem>>) semaphore(%arg24 : memref<!tpu.dma_semaphore, #tpu.memory_space<semaphore_mem>>) {add = true}
      %mul3A_444 = arith.constant 5 : i32
      %mul3A_445 = arith.muli %mul3A_323, %mul3A_444 : i32
      %add3A_446 = arith.constant 4 : i32
      %add3A_447 = arith.addi %mul3A_445, %add3A_446 : i32
      %dma_wait3A_448 = arith.constant 4 : i32
      %dma_wait3A_449 = arith.constant 0 : i32
      %dma_wait3A_450 = arith.constant 0 : i32
      %dma_wait3A_451 = tpu.memref_slice %arg9[%dma_wait3A_448, %dma_wait3A_449, %dma_wait3A_450] : memref<10x80x64xf32, #tpu.memory_space<vmem>> -> memref<1x80x64xf32, #tpu.memory_space<vmem>>
      %dma_wait3A_452 = tpu.memref_squeeze %dma_wait3A_451 : memref<1x80x64xf32, #tpu.memory_space<vmem>> -> memref<80x64xf32, #tpu.memory_space<vmem>>
      %dma_wait3A_453 = arith.constant 0 : i32
      %dma_wait3A_454 = tpu.memref_slice %arg7[%add3A_447, %dma_wait3A_453] : memref<125x80xi32, #tpu.memory_space<vmem>> -> memref<1x80xi32, #tpu.memory_space<vmem>>
      %dma_wait3A_455 = tpu.memref_squeeze %dma_wait3A_454 : memref<1x80xi32, #tpu.memory_space<vmem>> -> memref<80xi32, #tpu.memory_space<vmem>>
      %dma_wait3A_456 = arith.constant 0 : i32
      %dma_wait3A_457 = arith.constant 0 : i32
      %dma_wait3A_458 = tpu.memref_slice %arg2[%dma_wait3A_456, %dma_wait3A_457] : memref<10000x64xf32, #tpu.memory_space<hbm>> -> memref<10000x64xf32, #tpu.memory_space<hbm>>
      tpu.wait_indirect_dma semaphore(%arg15 : memref<!tpu.dma_semaphore, #tpu.memory_space<semaphore_mem>>) src(%dma_wait3A_458 : memref<10000x64xf32, #tpu.memory_space<hbm>>) dst(%dma_wait3A_452 : memref<80x64xf32, #tpu.memory_space<vmem>>)
      %mul3A_459 = arith.constant 5 : i32
      %mul3A_460 = arith.muli %mul3A_323, %mul3A_459 : i32
      %add3A_461 = arith.constant 4 : i32
      %add3A_462 = arith.addi %mul3A_460, %add3A_461 : i32
      %dma_start3A_463 = arith.constant 4 : i32
      %dma_start3A_464 = arith.constant 0 : i32
      %dma_start3A_465 = arith.constant 0 : i32
      %dma_start3A_466 = tpu.memref_slice %arg9[%dma_start3A_463, %dma_start3A_464, %dma_start3A_465] : memref<10x80x64xf32, #tpu.memory_space<vmem>> -> memref<1x80x64xf32, #tpu.memory_space<vmem>>
      %dma_start3A_467 = tpu.memref_squeeze %dma_start3A_466 : memref<1x80x64xf32, #tpu.memory_space<vmem>> -> memref<80x64xf32, #tpu.memory_space<vmem>>
      %dma_start3A_468 = arith.constant 0 : i32
      %dma_start3A_469 = tpu.memref_slice %arg8[%add3A_462, %dma_start3A_468] : memref<125x80xi32, #tpu.memory_space<vmem>> -> memref<1x80xi32, #tpu.memory_space<vmem>>
      %dma_start3A_470 = tpu.memref_squeeze %dma_start3A_469 : memref<1x80xi32, #tpu.memory_space<vmem>> -> memref<80xi32, #tpu.memory_space<vmem>>
      %dma_start3A_471 = arith.constant 0 : i32
      %dma_start3A_472 = arith.constant 0 : i32
      %dma_start3A_473 = tpu.memref_slice %arg10[%dma_start3A_471, %dma_start3A_472] : memref<10000x64xf32, #tpu.memory_space<vmem_shared>> -> memref<10000x64xf32, #tpu.memory_space<vmem_shared>>
      tpu.enqueue_indirect_dma source(%dma_start3A_467 : memref<80x64xf32, #tpu.memory_space<vmem>>) target(%dma_start3A_473 : memref<10000x64xf32, #tpu.memory_space<vmem_shared>>) offsets(%dma_start3A_470 : memref<80xi32, #tpu.memory_space<vmem>>) semaphore(%arg25 : memref<!tpu.dma_semaphore, #tpu.memory_space<semaphore_mem>>) {add = true}
      %dma_wait3A_474 = arith.constant 0 : i32
      %dma_wait3A_475 = arith.constant 0 : i32
      %dma_wait3A_476 = arith.constant 0 : i32
      %dma_wait3A_477 = tpu.memref_slice %arg9[%dma_wait3A_474, %dma_wait3A_475, %dma_wait3A_476] : memref<10x80x64xf32, #tpu.memory_space<vmem>> -> memref<1x80x64xf32, #tpu.memory_space<vmem>>
      %dma_wait3A_478 = tpu.memref_squeeze %dma_wait3A_477 : memref<1x80x64xf32, #tpu.memory_space<vmem>> -> memref<80x64xf32, #tpu.memory_space<vmem>>
      %dma_wait3A_479 = arith.constant 0 : i32
      %dma_wait3A_480 = tpu.memref_slice %arg8[%add3A_342, %dma_wait3A_479] : memref<125x80xi32, #tpu.memory_space<vmem>> -> memref<1x80xi32, #tpu.memory_space<vmem>>
      %dma_wait3A_481 = tpu.memref_squeeze %dma_wait3A_480 : memref<1x80xi32, #tpu.memory_space<vmem>> -> memref<80xi32, #tpu.memory_space<vmem>>
      %dma_wait3A_482 = arith.constant 0 : i32
      %dma_wait3A_483 = arith.constant 0 : i32
      %dma_wait3A_484 = tpu.memref_slice %arg10[%dma_wait3A_482, %dma_wait3A_483] : memref<10000x64xf32, #tpu.memory_space<vmem_shared>> -> memref<10000x64xf32, #tpu.memory_space<vmem_shared>>
      tpu.wait_indirect_dma semaphore(%arg21 : memref<!tpu.dma_semaphore, #tpu.memory_space<semaphore_mem>>) src(%dma_wait3A_478 : memref<80x64xf32, #tpu.memory_space<vmem>>) dst(%dma_wait3A_484 : memref<10000x64xf32, #tpu.memory_space<vmem_shared>>)
      %add3A_485 = arith.constant 2 : i32
      %add3A_486 = arith.addi %mul3A_323, %add3A_485 : i32
      %lt3A_487 = arith.constant 25 : i32
      %lt3A_488 = arith.cmpi slt, %add3A_486, %lt3A_487 : i32
      %convert_element_type3A_489 = arith.extui %lt3A_488 : i1 to i32
      %cond3A_490 = arith.constant 0 : i32
      %cond3A_491 = arith.cmpi ne, %convert_element_type3A_489, %cond3A_490 : i32
      scf.if %cond3A_491 {
        %add3A_808 = arith.constant 2 : i32
        %add3A_809 = arith.addi %mul3A_323, %add3A_808 : i32
        %mul3A_810 = arith.constant 5 : i32
        %mul3A_811 = arith.muli %add3A_809, %mul3A_810 : i32
        %add3A_812 = arith.constant 0 : i32
        %add3A_813 = arith.addi %mul3A_811, %add3A_812 : i32
        %dma_start3A_814 = arith.constant 0 : i32
        %dma_start3A_815 = arith.constant 0 : i32
        %dma_start3A_816 = arith.constant 0 : i32
        %dma_start3A_817 = tpu.memref_slice %arg9[%dma_start3A_814, %dma_start3A_815, %dma_start3A_816] : memref<10x80x64xf32, #tpu.memory_space<vmem>> -> memref<1x80x64xf32, #tpu.memory_space<vmem>>
        %dma_start3A_818 = tpu.memref_squeeze %dma_start3A_817 : memref<1x80x64xf32, #tpu.memory_space<vmem>> -> memref<80x64xf32, #tpu.memory_space<vmem>>
        %dma_start3A_819 = arith.constant 0 : i32
        %dma_start3A_820 = tpu.memref_slice %arg7[%add3A_813, %dma_start3A_819] : memref<125x80xi32, #tpu.memory_space<vmem>> -> memref<1x80xi32, #tpu.memory_space<vmem>>
        %dma_start3A_821 = tpu.memref_squeeze %dma_start3A_820 : memref<1x80xi32, #tpu.memory_space<vmem>> -> memref<80xi32, #tpu.memory_space<vmem>>
        %dma_start3A_822 = arith.constant 0 : i32
        %dma_start3A_823 = arith.constant 0 : i32
        %dma_start3A_824 = tpu.memref_slice %arg2[%dma_start3A_822, %dma_start3A_823] : memref<10000x64xf32, #tpu.memory_space<hbm>> -> memref<10000x64xf32, #tpu.memory_space<hbm>>
        tpu.enqueue_indirect_dma source(%dma_start3A_824 : memref<10000x64xf32, #tpu.memory_space<hbm>>) target(%dma_start3A_818 : memref<80x64xf32, #tpu.memory_space<vmem>>) offsets(%dma_start3A_821 : memref<80xi32, #tpu.memory_space<vmem>>) semaphore(%arg11 : memref<!tpu.dma_semaphore, #tpu.memory_space<semaphore_mem>>)
      } else {
      }
      %dma_wait3A_492 = arith.constant 1 : i32
      %dma_wait3A_493 = arith.constant 0 : i32
      %dma_wait3A_494 = arith.constant 0 : i32
      %dma_wait3A_495 = tpu.memref_slice %arg9[%dma_wait3A_492, %dma_wait3A_493, %dma_wait3A_494] : memref<10x80x64xf32, #tpu.memory_space<vmem>> -> memref<1x80x64xf32, #tpu.memory_space<vmem>>
      %dma_wait3A_496 = tpu.memref_squeeze %dma_wait3A_495 : memref<1x80x64xf32, #tpu.memory_space<vmem>> -> memref<80x64xf32, #tpu.memory_space<vmem>>
      %dma_wait3A_497 = arith.constant 0 : i32
      %dma_wait3A_498 = tpu.memref_slice %arg8[%add3A_372, %dma_wait3A_497] : memref<125x80xi32, #tpu.memory_space<vmem>> -> memref<1x80xi32, #tpu.memory_space<vmem>>
      %dma_wait3A_499 = tpu.memref_squeeze %dma_wait3A_498 : memref<1x80xi32, #tpu.memory_space<vmem>> -> memref<80xi32, #tpu.memory_space<vmem>>
      %dma_wait3A_500 = arith.constant 0 : i32
      %dma_wait3A_501 = arith.constant 0 : i32
      %dma_wait3A_502 = tpu.memref_slice %arg10[%dma_wait3A_500, %dma_wait3A_501] : memref<10000x64xf32, #tpu.memory_space<vmem_shared>> -> memref<10000x64xf32, #tpu.memory_space<vmem_shared>>
      tpu.wait_indirect_dma semaphore(%arg22 : memref<!tpu.dma_semaphore, #tpu.memory_space<semaphore_mem>>) src(%dma_wait3A_496 : memref<80x64xf32, #tpu.memory_space<vmem>>) dst(%dma_wait3A_502 : memref<10000x64xf32, #tpu.memory_space<vmem_shared>>)
      %add3A_503 = arith.constant 2 : i32
      %add3A_504 = arith.addi %mul3A_323, %add3A_503 : i32
      %lt3A_505 = arith.constant 25 : i32
      %lt3A_506 = arith.cmpi slt, %add3A_504, %lt3A_505 : i32
      %convert_element_type3A_507 = arith.extui %lt3A_506 : i1 to i32
      %cond3A_508 = arith.constant 0 : i32
      %cond3A_509 = arith.cmpi ne, %convert_element_type3A_507, %cond3A_508 : i32
      scf.if %cond3A_509 {
        %add3A_808 = arith.constant 2 : i32
        %add3A_809 = arith.addi %mul3A_323, %add3A_808 : i32
        %mul3A_810 = arith.constant 5 : i32
        %mul3A_811 = arith.muli %add3A_809, %mul3A_810 : i32
        %add3A_812 = arith.constant 1 : i32
        %add3A_813 = arith.addi %mul3A_811, %add3A_812 : i32
        %dma_start3A_814 = arith.constant 1 : i32
        %dma_start3A_815 = arith.constant 0 : i32
        %dma_start3A_816 = arith.constant 0 : i32
        %dma_start3A_817 = tpu.memref_slice %arg9[%dma_start3A_814, %dma_start3A_815, %dma_start3A_816] : memref<10x80x64xf32, #tpu.memory_space<vmem>> -> memref<1x80x64xf32, #tpu.memory_space<vmem>>
        %dma_start3A_818 = tpu.memref_squeeze %dma_start3A_817 : memref<1x80x64xf32, #tpu.memory_space<vmem>> -> memref<80x64xf32, #tpu.memory_space<vmem>>
        %dma_start3A_819 = arith.constant 0 : i32
        %dma_start3A_820 = tpu.memref_slice %arg7[%add3A_813, %dma_start3A_819] : memref<125x80xi32, #tpu.memory_space<vmem>> -> memref<1x80xi32, #tpu.memory_space<vmem>>
        %dma_start3A_821 = tpu.memref_squeeze %dma_start3A_820 : memref<1x80xi32, #tpu.memory_space<vmem>> -> memref<80xi32, #tpu.memory_space<vmem>>
        %dma_start3A_822 = arith.constant 0 : i32
        %dma_start3A_823 = arith.constant 0 : i32
        %dma_start3A_824 = tpu.memref_slice %arg2[%dma_start3A_822, %dma_start3A_823] : memref<10000x64xf32, #tpu.memory_space<hbm>> -> memref<10000x64xf32, #tpu.memory_space<hbm>>
        tpu.enqueue_indirect_dma source(%dma_start3A_824 : memref<10000x64xf32, #tpu.memory_space<hbm>>) target(%dma_start3A_818 : memref<80x64xf32, #tpu.memory_space<vmem>>) offsets(%dma_start3A_821 : memref<80xi32, #tpu.memory_space<vmem>>) semaphore(%arg12 : memref<!tpu.dma_semaphore, #tpu.memory_space<semaphore_mem>>)
      } else {
      }
      %dma_wait3A_510 = arith.constant 2 : i32
      %dma_wait3A_511 = arith.constant 0 : i32
      %dma_wait3A_512 = arith.constant 0 : i32
      %dma_wait3A_513 = tpu.memref_slice %arg9[%dma_wait3A_510, %dma_wait3A_511, %dma_wait3A_512] : memref<10x80x64xf32, #tpu.memory_space<vmem>> -> memref<1x80x64xf32, #tpu.memory_space<vmem>>
      %dma_wait3A_514 = tpu.memref_squeeze %dma_wait3A_513 : memref<1x80x64xf32, #tpu.memory_space<vmem>> -> memref<80x64xf32, #tpu.memory_space<vmem>>
      %dma_wait3A_515 = arith.constant 0 : i32
      %dma_wait3A_516 = tpu.memref_slice %arg8[%add3A_402, %dma_wait3A_515] : memref<125x80xi32, #tpu.memory_space<vmem>> -> memref<1x80xi32, #tpu.memory_space<vmem>>
      %dma_wait3A_517 = tpu.memref_squeeze %dma_wait3A_516 : memref<1x80xi32, #tpu.memory_space<vmem>> -> memref<80xi32, #tpu.memory_space<vmem>>
      %dma_wait3A_518 = arith.constant 0 : i32
      %dma_wait3A_519 = arith.constant 0 : i32
      %dma_wait3A_520 = tpu.memref_slice %arg10[%dma_wait3A_518, %dma_wait3A_519] : memref<10000x64xf32, #tpu.memory_space<vmem_shared>> -> memref<10000x64xf32, #tpu.memory_space<vmem_shared>>
      tpu.wait_indirect_dma semaphore(%arg23 : memref<!tpu.dma_semaphore, #tpu.memory_space<semaphore_mem>>) src(%dma_wait3A_514 : memref<80x64xf32, #tpu.memory_space<vmem>>) dst(%dma_wait3A_520 : memref<10000x64xf32, #tpu.memory_space<vmem_shared>>)
      %add3A_521 = arith.constant 2 : i32
      %add3A_522 = arith.addi %mul3A_323, %add3A_521 : i32
      %lt3A_523 = arith.constant 25 : i32
      %lt3A_524 = arith.cmpi slt, %add3A_522, %lt3A_523 : i32
      %convert_element_type3A_525 = arith.extui %lt3A_524 : i1 to i32
      %cond3A_526 = arith.constant 0 : i32
      %cond3A_527 = arith.cmpi ne, %convert_element_type3A_525, %cond3A_526 : i32
      scf.if %cond3A_527 {
        %add3A_808 = arith.constant 2 : i32
        %add3A_809 = arith.addi %mul3A_323, %add3A_808 : i32
        %mul3A_810 = arith.constant 5 : i32
        %mul3A_811 = arith.muli %add3A_809, %mul3A_810 : i32
        %add3A_812 = arith.constant 2 : i32
        %add3A_813 = arith.addi %mul3A_811, %add3A_812 : i32
        %dma_start3A_814 = arith.constant 2 : i32
        %dma_start3A_815 = arith.constant 0 : i32
        %dma_start3A_816 = arith.constant 0 : i32
        %dma_start3A_817 = tpu.memref_slice %arg9[%dma_start3A_814, %dma_start3A_815, %dma_start3A_816] : memref<10x80x64xf32, #tpu.memory_space<vmem>> -> memref<1x80x64xf32, #tpu.memory_space<vmem>>
        %dma_start3A_818 = tpu.memref_squeeze %dma_start3A_817 : memref<1x80x64xf32, #tpu.memory_space<vmem>> -> memref<80x64xf32, #tpu.memory_space<vmem>>
        %dma_start3A_819 = arith.constant 0 : i32
        %dma_start3A_820 = tpu.memref_slice %arg7[%add3A_813, %dma_start3A_819] : memref<125x80xi32, #tpu.memory_space<vmem>> -> memref<1x80xi32, #tpu.memory_space<vmem>>
        %dma_start3A_821 = tpu.memref_squeeze %dma_start3A_820 : memref<1x80xi32, #tpu.memory_space<vmem>> -> memref<80xi32, #tpu.memory_space<vmem>>
        %dma_start3A_822 = arith.constant 0 : i32
        %dma_start3A_823 = arith.constant 0 : i32
        %dma_start3A_824 = tpu.memref_slice %arg2[%dma_start3A_822, %dma_start3A_823] : memref<10000x64xf32, #tpu.memory_space<hbm>> -> memref<10000x64xf32, #tpu.memory_space<hbm>>
        tpu.enqueue_indirect_dma source(%dma_start3A_824 : memref<10000x64xf32, #tpu.memory_space<hbm>>) target(%dma_start3A_818 : memref<80x64xf32, #tpu.memory_space<vmem>>) offsets(%dma_start3A_821 : memref<80xi32, #tpu.memory_space<vmem>>) semaphore(%arg13 : memref<!tpu.dma_semaphore, #tpu.memory_space<semaphore_mem>>)
      } else {
      }
      %dma_wait3A_528 = arith.constant 3 : i32
      %dma_wait3A_529 = arith.constant 0 : i32
      %dma_wait3A_530 = arith.constant 0 : i32
      %dma_wait3A_531 = tpu.memref_slice %arg9[%dma_wait3A_528, %dma_wait3A_529, %dma_wait3A_530] : memref<10x80x64xf32, #tpu.memory_space<vmem>> -> memref<1x80x64xf32, #tpu.memory_space<vmem>>
      %dma_wait3A_532 = tpu.memref_squeeze %dma_wait3A_531 : memref<1x80x64xf32, #tpu.memory_space<vmem>> -> memref<80x64xf32, #tpu.memory_space<vmem>>
      %dma_wait3A_533 = arith.constant 0 : i32
      %dma_wait3A_534 = tpu.memref_slice %arg8[%add3A_432, %dma_wait3A_533] : memref<125x80xi32, #tpu.memory_space<vmem>> -> memref<1x80xi32, #tpu.memory_space<vmem>>
      %dma_wait3A_535 = tpu.memref_squeeze %dma_wait3A_534 : memref<1x80xi32, #tpu.memory_space<vmem>> -> memref<80xi32, #tpu.memory_space<vmem>>
      %dma_wait3A_536 = arith.constant 0 : i32
      %dma_wait3A_537 = arith.constant 0 : i32
      %dma_wait3A_538 = tpu.memref_slice %arg10[%dma_wait3A_536, %dma_wait3A_537] : memref<10000x64xf32, #tpu.memory_space<vmem_shared>> -> memref<10000x64xf32, #tpu.memory_space<vmem_shared>>
      tpu.wait_indirect_dma semaphore(%arg24 : memref<!tpu.dma_semaphore, #tpu.memory_space<semaphore_mem>>) src(%dma_wait3A_532 : memref<80x64xf32, #tpu.memory_space<vmem>>) dst(%dma_wait3A_538 : memref<10000x64xf32, #tpu.memory_space<vmem_shared>>)
      %add3A_539 = arith.constant 2 : i32
      %add3A_540 = arith.addi %mul3A_323, %add3A_539 : i32
      %lt3A_541 = arith.constant 25 : i32
      %lt3A_542 = arith.cmpi slt, %add3A_540, %lt3A_541 : i32
      %convert_element_type3A_543 = arith.extui %lt3A_542 : i1 to i32
      %cond3A_544 = arith.constant 0 : i32
      %cond3A_545 = arith.cmpi ne, %convert_element_type3A_543, %cond3A_544 : i32
      scf.if %cond3A_545 {
        %add3A_808 = arith.constant 2 : i32
        %add3A_809 = arith.addi %mul3A_323, %add3A_808 : i32
        %mul3A_810 = arith.constant 5 : i32
        %mul3A_811 = arith.muli %add3A_809, %mul3A_810 : i32
        %add3A_812 = arith.constant 3 : i32
        %add3A_813 = arith.addi %mul3A_811, %add3A_812 : i32
        %dma_start3A_814 = arith.constant 3 : i32
        %dma_start3A_815 = arith.constant 0 : i32
        %dma_start3A_816 = arith.constant 0 : i32
        %dma_start3A_817 = tpu.memref_slice %arg9[%dma_start3A_814, %dma_start3A_815, %dma_start3A_816] : memref<10x80x64xf32, #tpu.memory_space<vmem>> -> memref<1x80x64xf32, #tpu.memory_space<vmem>>
        %dma_start3A_818 = tpu.memref_squeeze %dma_start3A_817 : memref<1x80x64xf32, #tpu.memory_space<vmem>> -> memref<80x64xf32, #tpu.memory_space<vmem>>
        %dma_start3A_819 = arith.constant 0 : i32
        %dma_start3A_820 = tpu.memref_slice %arg7[%add3A_813, %dma_start3A_819] : memref<125x80xi32, #tpu.memory_space<vmem>> -> memref<1x80xi32, #tpu.memory_space<vmem>>
        %dma_start3A_821 = tpu.memref_squeeze %dma_start3A_820 : memref<1x80xi32, #tpu.memory_space<vmem>> -> memref<80xi32, #tpu.memory_space<vmem>>
        %dma_start3A_822 = arith.constant 0 : i32
        %dma_start3A_823 = arith.constant 0 : i32
        %dma_start3A_824 = tpu.memref_slice %arg2[%dma_start3A_822, %dma_start3A_823] : memref<10000x64xf32, #tpu.memory_space<hbm>> -> memref<10000x64xf32, #tpu.memory_space<hbm>>
        tpu.enqueue_indirect_dma source(%dma_start3A_824 : memref<10000x64xf32, #tpu.memory_space<hbm>>) target(%dma_start3A_818 : memref<80x64xf32, #tpu.memory_space<vmem>>) offsets(%dma_start3A_821 : memref<80xi32, #tpu.memory_space<vmem>>) semaphore(%arg14 : memref<!tpu.dma_semaphore, #tpu.memory_space<semaphore_mem>>)
      } else {
      }
      %dma_wait3A_546 = arith.constant 4 : i32
      %dma_wait3A_547 = arith.constant 0 : i32
      %dma_wait3A_548 = arith.constant 0 : i32
      %dma_wait3A_549 = tpu.memref_slice %arg9[%dma_wait3A_546, %dma_wait3A_547, %dma_wait3A_548] : memref<10x80x64xf32, #tpu.memory_space<vmem>> -> memref<1x80x64xf32, #tpu.memory_space<vmem>>
      %dma_wait3A_550 = tpu.memref_squeeze %dma_wait3A_549 : memref<1x80x64xf32, #tpu.memory_space<vmem>> -> memref<80x64xf32, #tpu.memory_space<vmem>>
      %dma_wait3A_551 = arith.constant 0 : i32
      %dma_wait3A_552 = tpu.memref_slice %arg8[%add3A_462, %dma_wait3A_551] : memref<125x80xi32, #tpu.memory_space<vmem>> -> memref<1x80xi32, #tpu.memory_space<vmem>>
      %dma_wait3A_553 = tpu.memref_squeeze %dma_wait3A_552 : memref<1x80xi32, #tpu.memory_space<vmem>> -> memref<80xi32, #tpu.memory_space<vmem>>
      %dma_wait3A_554 = arith.constant 0 : i32
      %dma_wait3A_555 = arith.constant 0 : i32
      %dma_wait3A_556 = tpu.memref_slice %arg10[%dma_wait3A_554, %dma_wait3A_555] : memref<10000x64xf32, #tpu.memory_space<vmem_shared>> -> memref<10000x64xf32, #tpu.memory_space<vmem_shared>>
      tpu.wait_indirect_dma semaphore(%arg25 : memref<!tpu.dma_semaphore, #tpu.memory_space<semaphore_mem>>) src(%dma_wait3A_550 : memref<80x64xf32, #tpu.memory_space<vmem>>) dst(%dma_wait3A_556 : memref<10000x64xf32, #tpu.memory_space<vmem_shared>>)
      %add3A_557 = arith.constant 2 : i32
      %add3A_558 = arith.addi %mul3A_323, %add3A_557 : i32
      %lt3A_559 = arith.constant 25 : i32
      %lt3A_560 = arith.cmpi slt, %add3A_558, %lt3A_559 : i32
      %convert_element_type3A_561 = arith.extui %lt3A_560 : i1 to i32
      %cond3A_562 = arith.constant 0 : i32
      %cond3A_563 = arith.cmpi ne, %convert_element_type3A_561, %cond3A_562 : i32
      scf.if %cond3A_563 {
        %add3A_808 = arith.constant 2 : i32
        %add3A_809 = arith.addi %mul3A_323, %add3A_808 : i32
        %mul3A_810 = arith.constant 5 : i32
        %mul3A_811 = arith.muli %add3A_809, %mul3A_810 : i32
        %add3A_812 = arith.constant 4 : i32
        %add3A_813 = arith.addi %mul3A_811, %add3A_812 : i32
        %dma_start3A_814 = arith.constant 4 : i32
        %dma_start3A_815 = arith.constant 0 : i32
        %dma_start3A_816 = arith.constant 0 : i32
        %dma_start3A_817 = tpu.memref_slice %arg9[%dma_start3A_814, %dma_start3A_815, %dma_start3A_816] : memref<10x80x64xf32, #tpu.memory_space<vmem>> -> memref<1x80x64xf32, #tpu.memory_space<vmem>>
        %dma_start3A_818 = tpu.memref_squeeze %dma_start3A_817 : memref<1x80x64xf32, #tpu.memory_space<vmem>> -> memref<80x64xf32, #tpu.memory_space<vmem>>
        %dma_start3A_819 = arith.constant 0 : i32
        %dma_start3A_820 = tpu.memref_slice %arg7[%add3A_813, %dma_start3A_819] : memref<125x80xi32, #tpu.memory_space<vmem>> -> memref<1x80xi32, #tpu.memory_space<vmem>>
        %dma_start3A_821 = tpu.memref_squeeze %dma_start3A_820 : memref<1x80xi32, #tpu.memory_space<vmem>> -> memref<80xi32, #tpu.memory_space<vmem>>
        %dma_start3A_822 = arith.constant 0 : i32
        %dma_start3A_823 = arith.constant 0 : i32
        %dma_start3A_824 = tpu.memref_slice %arg2[%dma_start3A_822, %dma_start3A_823] : memref<10000x64xf32, #tpu.memory_space<hbm>> -> memref<10000x64xf32, #tpu.memory_space<hbm>>
        tpu.enqueue_indirect_dma source(%dma_start3A_824 : memref<10000x64xf32, #tpu.memory_space<hbm>>) target(%dma_start3A_818 : memref<80x64xf32, #tpu.memory_space<vmem>>) offsets(%dma_start3A_821 : memref<80xi32, #tpu.memory_space<vmem>>) semaphore(%arg15 : memref<!tpu.dma_semaphore, #tpu.memory_space<semaphore_mem>>)
      } else {
      }
      %mul3A_564 = arith.constant 2 : i32
      %mul3A_565 = arith.muli %mul3A_564, %scan3A_321 : i32
      %add3A_566 = arith.constant 1 : i32
      %add3A_567 = arith.addi %mul3A_565, %add3A_566 : i32
      %mul3A_568 = arith.constant 5 : i32
      %mul3A_569 = arith.muli %add3A_567, %mul3A_568 : i32
      %add3A_570 = arith.constant 0 : i32
      %add3A_571 = arith.addi %mul3A_569, %add3A_570 : i32
      %dma_wait3A_572 = arith.constant 5 : i32
      %dma_wait3A_573 = arith.constant 0 : i32
      %dma_wait3A_574 = arith.constant 0 : i32
      %dma_wait3A_575 = tpu.memref_slice %arg9[%dma_wait3A_572, %dma_wait3A_573, %dma_wait3A_574] : memref<10x80x64xf32, #tpu.memory_space<vmem>> -> memref<1x80x64xf32, #tpu.memory_space<vmem>>
      %dma_wait3A_576 = tpu.memref_squeeze %dma_wait3A_575 : memref<1x80x64xf32, #tpu.memory_space<vmem>> -> memref<80x64xf32, #tpu.memory_space<vmem>>
      %dma_wait3A_577 = arith.constant 0 : i32
      %dma_wait3A_578 = tpu.memref_slice %arg7[%add3A_571, %dma_wait3A_577] : memref<125x80xi32, #tpu.memory_space<vmem>> -> memref<1x80xi32, #tpu.memory_space<vmem>>
      %dma_wait3A_579 = tpu.memref_squeeze %dma_wait3A_578 : memref<1x80xi32, #tpu.memory_space<vmem>> -> memref<80xi32, #tpu.memory_space<vmem>>
      %dma_wait3A_580 = arith.constant 0 : i32
      %dma_wait3A_581 = arith.constant 0 : i32
      %dma_wait3A_582 = tpu.memref_slice %arg2[%dma_wait3A_580, %dma_wait3A_581] : memref<10000x64xf32, #tpu.memory_space<hbm>> -> memref<10000x64xf32, #tpu.memory_space<hbm>>
      tpu.wait_indirect_dma semaphore(%arg16 : memref<!tpu.dma_semaphore, #tpu.memory_space<semaphore_mem>>) src(%dma_wait3A_582 : memref<10000x64xf32, #tpu.memory_space<hbm>>) dst(%dma_wait3A_576 : memref<80x64xf32, #tpu.memory_space<vmem>>)
      %mul3A_583 = arith.constant 5 : i32
      %mul3A_584 = arith.muli %add3A_567, %mul3A_583 : i32
      %add3A_585 = arith.constant 0 : i32
      %add3A_586 = arith.addi %mul3A_584, %add3A_585 : i32
      %dma_start3A_587 = arith.constant 5 : i32
      %dma_start3A_588 = arith.constant 0 : i32
      %dma_start3A_589 = arith.constant 0 : i32
      %dma_start3A_590 = tpu.memref_slice %arg9[%dma_start3A_587, %dma_start3A_588, %dma_start3A_589] : memref<10x80x64xf32, #tpu.memory_space<vmem>> -> memref<1x80x64xf32, #tpu.memory_space<vmem>>
      %dma_start3A_591 = tpu.memref_squeeze %dma_start3A_590 : memref<1x80x64xf32, #tpu.memory_space<vmem>> -> memref<80x64xf32, #tpu.memory_space<vmem>>
      %dma_start3A_592 = arith.constant 0 : i32
      %dma_start3A_593 = tpu.memref_slice %arg8[%add3A_586, %dma_start3A_592] : memref<125x80xi32, #tpu.memory_space<vmem>> -> memref<1x80xi32, #tpu.memory_space<vmem>>
      %dma_start3A_594 = tpu.memref_squeeze %dma_start3A_593 : memref<1x80xi32, #tpu.memory_space<vmem>> -> memref<80xi32, #tpu.memory_space<vmem>>
      %dma_start3A_595 = arith.constant 0 : i32
      %dma_start3A_596 = arith.constant 0 : i32
      %dma_start3A_597 = tpu.memref_slice %arg10[%dma_start3A_595, %dma_start3A_596] : memref<10000x64xf32, #tpu.memory_space<vmem_shared>> -> memref<10000x64xf32, #tpu.memory_space<vmem_shared>>
      tpu.enqueue_indirect_dma source(%dma_start3A_591 : memref<80x64xf32, #tpu.memory_space<vmem>>) target(%dma_start3A_597 : memref<10000x64xf32, #tpu.memory_space<vmem_shared>>) offsets(%dma_start3A_594 : memref<80xi32, #tpu.memory_space<vmem>>) semaphore(%arg26 : memref<!tpu.dma_semaphore, #tpu.memory_space<semaphore_mem>>) {add = true}
      %mul3A_598 = arith.constant 5 : i32
      %mul3A_599 = arith.muli %add3A_567, %mul3A_598 : i32
      %add3A_600 = arith.constant 1 : i32
      %add3A_601 = arith.addi %mul3A_599, %add3A_600 : i32
      %dma_wait3A_602 = arith.constant 6 : i32
      %dma_wait3A_603 = arith.constant 0 : i32
      %dma_wait3A_604 = arith.constant 0 : i32
      %dma_wait3A_605 = tpu.memref_slice %arg9[%dma_wait3A_602, %dma_wait3A_603, %dma_wait3A_604] : memref<10x80x64xf32, #tpu.memory_space<vmem>> -> memref<1x80x64xf32, #tpu.memory_space<vmem>>
      %dma_wait3A_606 = tpu.memref_squeeze %dma_wait3A_605 : memref<1x80x64xf32, #tpu.memory_space<vmem>> -> memref<80x64xf32, #tpu.memory_space<vmem>>
      %dma_wait3A_607 = arith.constant 0 : i32
      %dma_wait3A_608 = tpu.memref_slice %arg7[%add3A_601, %dma_wait3A_607] : memref<125x80xi32, #tpu.memory_space<vmem>> -> memref<1x80xi32, #tpu.memory_space<vmem>>
      %dma_wait3A_609 = tpu.memref_squeeze %dma_wait3A_608 : memref<1x80xi32, #tpu.memory_space<vmem>> -> memref<80xi32, #tpu.memory_space<vmem>>
      %dma_wait3A_610 = arith.constant 0 : i32
      %dma_wait3A_611 = arith.constant 0 : i32
      %dma_wait3A_612 = tpu.memref_slice %arg2[%dma_wait3A_610, %dma_wait3A_611] : memref<10000x64xf32, #tpu.memory_space<hbm>> -> memref<10000x64xf32, #tpu.memory_space<hbm>>
      tpu.wait_indirect_dma semaphore(%arg17 : memref<!tpu.dma_semaphore, #tpu.memory_space<semaphore_mem>>) src(%dma_wait3A_612 : memref<10000x64xf32, #tpu.memory_space<hbm>>) dst(%dma_wait3A_606 : memref<80x64xf32, #tpu.memory_space<vmem>>)
      %mul3A_613 = arith.constant 5 : i32
      %mul3A_614 = arith.muli %add3A_567, %mul3A_613 : i32
      %add3A_615 = arith.constant 1 : i32
      %add3A_616 = arith.addi %mul3A_614, %add3A_615 : i32
      %dma_start3A_617 = arith.constant 6 : i32
      %dma_start3A_618 = arith.constant 0 : i32
      %dma_start3A_619 = arith.constant 0 : i32
      %dma_start3A_620 = tpu.memref_slice %arg9[%dma_start3A_617, %dma_start3A_618, %dma_start3A_619] : memref<10x80x64xf32, #tpu.memory_space<vmem>> -> memref<1x80x64xf32, #tpu.memory_space<vmem>>
      %dma_start3A_621 = tpu.memref_squeeze %dma_start3A_620 : memref<1x80x64xf32, #tpu.memory_space<vmem>> -> memref<80x64xf32, #tpu.memory_space<vmem>>
      %dma_start3A_622 = arith.constant 0 : i32
      %dma_start3A_623 = tpu.memref_slice %arg8[%add3A_616, %dma_start3A_622] : memref<125x80xi32, #tpu.memory_space<vmem>> -> memref<1x80xi32, #tpu.memory_space<vmem>>
      %dma_start3A_624 = tpu.memref_squeeze %dma_start3A_623 : memref<1x80xi32, #tpu.memory_space<vmem>> -> memref<80xi32, #tpu.memory_space<vmem>>
      %dma_start3A_625 = arith.constant 0 : i32
      %dma_start3A_626 = arith.constant 0 : i32
      %dma_start3A_627 = tpu.memref_slice %arg10[%dma_start3A_625, %dma_start3A_626] : memref<10000x64xf32, #tpu.memory_space<vmem_shared>> -> memref<10000x64xf32, #tpu.memory_space<vmem_shared>>
      tpu.enqueue_indirect_dma source(%dma_start3A_621 : memref<80x64xf32, #tpu.memory_space<vmem>>) target(%dma_start3A_627 : memref<10000x64xf32, #tpu.memory_space<vmem_shared>>) offsets(%dma_start3A_624 : memref<80xi32, #tpu.memory_space<vmem>>) semaphore(%arg27 : memref<!tpu.dma_semaphore, #tpu.memory_space<semaphore_mem>>) {add = true}
      %mul3A_628 = arith.constant 5 : i32
      %mul3A_629 = arith.muli %add3A_567, %mul3A_628 : i32
      %add3A_630 = arith.constant 2 : i32
      %add3A_631 = arith.addi %mul3A_629, %add3A_630 : i32
      %dma_wait3A_632 = arith.constant 7 : i32
      %dma_wait3A_633 = arith.constant 0 : i32
      %dma_wait3A_634 = arith.constant 0 : i32
      %dma_wait3A_635 = tpu.memref_slice %arg9[%dma_wait3A_632, %dma_wait3A_633, %dma_wait3A_634] : memref<10x80x64xf32, #tpu.memory_space<vmem>> -> memref<1x80x64xf32, #tpu.memory_space<vmem>>
      %dma_wait3A_636 = tpu.memref_squeeze %dma_wait3A_635 : memref<1x80x64xf32, #tpu.memory_space<vmem>> -> memref<80x64xf32, #tpu.memory_space<vmem>>
      %dma_wait3A_637 = arith.constant 0 : i32
      %dma_wait3A_638 = tpu.memref_slice %arg7[%add3A_631, %dma_wait3A_637] : memref<125x80xi32, #tpu.memory_space<vmem>> -> memref<1x80xi32, #tpu.memory_space<vmem>>
      %dma_wait3A_639 = tpu.memref_squeeze %dma_wait3A_638 : memref<1x80xi32, #tpu.memory_space<vmem>> -> memref<80xi32, #tpu.memory_space<vmem>>
      %dma_wait3A_640 = arith.constant 0 : i32
      %dma_wait3A_641 = arith.constant 0 : i32
      %dma_wait3A_642 = tpu.memref_slice %arg2[%dma_wait3A_640, %dma_wait3A_641] : memref<10000x64xf32, #tpu.memory_space<hbm>> -> memref<10000x64xf32, #tpu.memory_space<hbm>>
      tpu.wait_indirect_dma semaphore(%arg18 : memref<!tpu.dma_semaphore, #tpu.memory_space<semaphore_mem>>) src(%dma_wait3A_642 : memref<10000x64xf32, #tpu.memory_space<hbm>>) dst(%dma_wait3A_636 : memref<80x64xf32, #tpu.memory_space<vmem>>)
      %mul3A_643 = arith.constant 5 : i32
      %mul3A_644 = arith.muli %add3A_567, %mul3A_643 : i32
      %add3A_645 = arith.constant 2 : i32
      %add3A_646 = arith.addi %mul3A_644, %add3A_645 : i32
      %dma_start3A_647 = arith.constant 7 : i32
      %dma_start3A_648 = arith.constant 0 : i32
      %dma_start3A_649 = arith.constant 0 : i32
      %dma_start3A_650 = tpu.memref_slice %arg9[%dma_start3A_647, %dma_start3A_648, %dma_start3A_649] : memref<10x80x64xf32, #tpu.memory_space<vmem>> -> memref<1x80x64xf32, #tpu.memory_space<vmem>>
      %dma_start3A_651 = tpu.memref_squeeze %dma_start3A_650 : memref<1x80x64xf32, #tpu.memory_space<vmem>> -> memref<80x64xf32, #tpu.memory_space<vmem>>
      %dma_start3A_652 = arith.constant 0 : i32
      %dma_start3A_653 = tpu.memref_slice %arg8[%add3A_646, %dma_start3A_652] : memref<125x80xi32, #tpu.memory_space<vmem>> -> memref<1x80xi32, #tpu.memory_space<vmem>>
      %dma_start3A_654 = tpu.memref_squeeze %dma_start3A_653 : memref<1x80xi32, #tpu.memory_space<vmem>> -> memref<80xi32, #tpu.memory_space<vmem>>
      %dma_start3A_655 = arith.constant 0 : i32
      %dma_start3A_656 = arith.constant 0 : i32
      %dma_start3A_657 = tpu.memref_slice %arg10[%dma_start3A_655, %dma_start3A_656] : memref<10000x64xf32, #tpu.memory_space<vmem_shared>> -> memref<10000x64xf32, #tpu.memory_space<vmem_shared>>
      tpu.enqueue_indirect_dma source(%dma_start3A_651 : memref<80x64xf32, #tpu.memory_space<vmem>>) target(%dma_start3A_657 : memref<10000x64xf32, #tpu.memory_space<vmem_shared>>) offsets(%dma_start3A_654 : memref<80xi32, #tpu.memory_space<vmem>>) semaphore(%arg28 : memref<!tpu.dma_semaphore, #tpu.memory_space<semaphore_mem>>) {add = true}
      %mul3A_658 = arith.constant 5 : i32
      %mul3A_659 = arith.muli %add3A_567, %mul3A_658 : i32
      %add3A_660 = arith.constant 3 : i32
      %add3A_661 = arith.addi %mul3A_659, %add3A_660 : i32
      %dma_wait3A_662 = arith.constant 8 : i32
      %dma_wait3A_663 = arith.constant 0 : i32
      %dma_wait3A_664 = arith.constant 0 : i32
      %dma_wait3A_665 = tpu.memref_slice %arg9[%dma_wait3A_662, %dma_wait3A_663, %dma_wait3A_664] : memref<10x80x64xf32, #tpu.memory_space<vmem>> -> memref<1x80x64xf32, #tpu.memory_space<vmem>>
      %dma_wait3A_666 = tpu.memref_squeeze %dma_wait3A_665 : memref<1x80x64xf32, #tpu.memory_space<vmem>> -> memref<80x64xf32, #tpu.memory_space<vmem>>
      %dma_wait3A_667 = arith.constant 0 : i32
      %dma_wait3A_668 = tpu.memref_slice %arg7[%add3A_661, %dma_wait3A_667] : memref<125x80xi32, #tpu.memory_space<vmem>> -> memref<1x80xi32, #tpu.memory_space<vmem>>
      %dma_wait3A_669 = tpu.memref_squeeze %dma_wait3A_668 : memref<1x80xi32, #tpu.memory_space<vmem>> -> memref<80xi32, #tpu.memory_space<vmem>>
      %dma_wait3A_670 = arith.constant 0 : i32
      %dma_wait3A_671 = arith.constant 0 : i32
      %dma_wait3A_672 = tpu.memref_slice %arg2[%dma_wait3A_670, %dma_wait3A_671] : memref<10000x64xf32, #tpu.memory_space<hbm>> -> memref<10000x64xf32, #tpu.memory_space<hbm>>
      tpu.wait_indirect_dma semaphore(%arg19 : memref<!tpu.dma_semaphore, #tpu.memory_space<semaphore_mem>>) src(%dma_wait3A_672 : memref<10000x64xf32, #tpu.memory_space<hbm>>) dst(%dma_wait3A_666 : memref<80x64xf32, #tpu.memory_space<vmem>>)
      %mul3A_673 = arith.constant 5 : i32
      %mul3A_674 = arith.muli %add3A_567, %mul3A_673 : i32
      %add3A_675 = arith.constant 3 : i32
      %add3A_676 = arith.addi %mul3A_674, %add3A_675 : i32
      %dma_start3A_677 = arith.constant 8 : i32
      %dma_start3A_678 = arith.constant 0 : i32
      %dma_start3A_679 = arith.constant 0 : i32
      %dma_start3A_680 = tpu.memref_slice %arg9[%dma_start3A_677, %dma_start3A_678, %dma_start3A_679] : memref<10x80x64xf32, #tpu.memory_space<vmem>> -> memref<1x80x64xf32, #tpu.memory_space<vmem>>
      %dma_start3A_681 = tpu.memref_squeeze %dma_start3A_680 : memref<1x80x64xf32, #tpu.memory_space<vmem>> -> memref<80x64xf32, #tpu.memory_space<vmem>>
      %dma_start3A_682 = arith.constant 0 : i32
      %dma_start3A_683 = tpu.memref_slice %arg8[%add3A_676, %dma_start3A_682] : memref<125x80xi32, #tpu.memory_space<vmem>> -> memref<1x80xi32, #tpu.memory_space<vmem>>
      %dma_start3A_684 = tpu.memref_squeeze %dma_start3A_683 : memref<1x80xi32, #tpu.memory_space<vmem>> -> memref<80xi32, #tpu.memory_space<vmem>>
      %dma_start3A_685 = arith.constant 0 : i32
      %dma_start3A_686 = arith.constant 0 : i32
      %dma_start3A_687 = tpu.memref_slice %arg10[%dma_start3A_685, %dma_start3A_686] : memref<10000x64xf32, #tpu.memory_space<vmem_shared>> -> memref<10000x64xf32, #tpu.memory_space<vmem_shared>>
      tpu.enqueue_indirect_dma source(%dma_start3A_681 : memref<80x64xf32, #tpu.memory_space<vmem>>) target(%dma_start3A_687 : memref<10000x64xf32, #tpu.memory_space<vmem_shared>>) offsets(%dma_start3A_684 : memref<80xi32, #tpu.memory_space<vmem>>) semaphore(%arg29 : memref<!tpu.dma_semaphore, #tpu.memory_space<semaphore_mem>>) {add = true}
      %mul3A_688 = arith.constant 5 : i32
      %mul3A_689 = arith.muli %add3A_567, %mul3A_688 : i32
      %add3A_690 = arith.constant 4 : i32
      %add3A_691 = arith.addi %mul3A_689, %add3A_690 : i32
      %dma_wait3A_692 = arith.constant 9 : i32
      %dma_wait3A_693 = arith.constant 0 : i32
      %dma_wait3A_694 = arith.constant 0 : i32
      %dma_wait3A_695 = tpu.memref_slice %arg9[%dma_wait3A_692, %dma_wait3A_693, %dma_wait3A_694] : memref<10x80x64xf32, #tpu.memory_space<vmem>> -> memref<1x80x64xf32, #tpu.memory_space<vmem>>
      %dma_wait3A_696 = tpu.memref_squeeze %dma_wait3A_695 : memref<1x80x64xf32, #tpu.memory_space<vmem>> -> memref<80x64xf32, #tpu.memory_space<vmem>>
      %dma_wait3A_697 = arith.constant 0 : i32
      %dma_wait3A_698 = tpu.memref_slice %arg7[%add3A_691, %dma_wait3A_697] : memref<125x80xi32, #tpu.memory_space<vmem>> -> memref<1x80xi32, #tpu.memory_space<vmem>>
      %dma_wait3A_699 = tpu.memref_squeeze %dma_wait3A_698 : memref<1x80xi32, #tpu.memory_space<vmem>> -> memref<80xi32, #tpu.memory_space<vmem>>
      %dma_wait3A_700 = arith.constant 0 : i32
      %dma_wait3A_701 = arith.constant 0 : i32
      %dma_wait3A_702 = tpu.memref_slice %arg2[%dma_wait3A_700, %dma_wait3A_701] : memref<10000x64xf32, #tpu.memory_space<hbm>> -> memref<10000x64xf32, #tpu.memory_space<hbm>>
      tpu.wait_indirect_dma semaphore(%arg20 : memref<!tpu.dma_semaphore, #tpu.memory_space<semaphore_mem>>) src(%dma_wait3A_702 : memref<10000x64xf32, #tpu.memory_space<hbm>>) dst(%dma_wait3A_696 : memref<80x64xf32, #tpu.memory_space<vmem>>)
      %mul3A_703 = arith.constant 5 : i32
      %mul3A_704 = arith.muli %add3A_567, %mul3A_703 : i32
      %add3A_705 = arith.constant 4 : i32
      %add3A_706 = arith.addi %mul3A_704, %add3A_705 : i32
      %dma_start3A_707 = arith.constant 9 : i32
      %dma_start3A_708 = arith.constant 0 : i32
      %dma_start3A_709 = arith.constant 0 : i32
      %dma_start3A_710 = tpu.memref_slice %arg9[%dma_start3A_707, %dma_start3A_708, %dma_start3A_709] : memref<10x80x64xf32, #tpu.memory_space<vmem>> -> memref<1x80x64xf32, #tpu.memory_space<vmem>>
      %dma_start3A_711 = tpu.memref_squeeze %dma_start3A_710 : memref<1x80x64xf32, #tpu.memory_space<vmem>> -> memref<80x64xf32, #tpu.memory_space<vmem>>
      %dma_start3A_712 = arith.constant 0 : i32
      %dma_start3A_713 = tpu.memref_slice %arg8[%add3A_706, %dma_start3A_712] : memref<125x80xi32, #tpu.memory_space<vmem>> -> memref<1x80xi32, #tpu.memory_space<vmem>>
      %dma_start3A_714 = tpu.memref_squeeze %dma_start3A_713 : memref<1x80xi32, #tpu.memory_space<vmem>> -> memref<80xi32, #tpu.memory_space<vmem>>
      %dma_start3A_715 = arith.constant 0 : i32
      %dma_start3A_716 = arith.constant 0 : i32
      %dma_start3A_717 = tpu.memref_slice %arg10[%dma_start3A_715, %dma_start3A_716] : memref<10000x64xf32, #tpu.memory_space<vmem_shared>> -> memref<10000x64xf32, #tpu.memory_space<vmem_shared>>
      tpu.enqueue_indirect_dma source(%dma_start3A_711 : memref<80x64xf32, #tpu.memory_space<vmem>>) target(%dma_start3A_717 : memref<10000x64xf32, #tpu.memory_space<vmem_shared>>) offsets(%dma_start3A_714 : memref<80xi32, #tpu.memory_space<vmem>>) semaphore(%arg30 : memref<!tpu.dma_semaphore, #tpu.memory_space<semaphore_mem>>) {add = true}
      %dma_wait3A_718 = arith.constant 5 : i32
      %dma_wait3A_719 = arith.constant 0 : i32
      %dma_wait3A_720 = arith.constant 0 : i32
      %dma_wait3A_721 = tpu.memref_slice %arg9[%dma_wait3A_718, %dma_wait3A_719, %dma_wait3A_720] : memref<10x80x64xf32, #tpu.memory_space<vmem>> -> memref<1x80x64xf32, #tpu.memory_space<vmem>>
      %dma_wait3A_722 = tpu.memref_squeeze %dma_wait3A_721 : memref<1x80x64xf32, #tpu.memory_space<vmem>> -> memref<80x64xf32, #tpu.memory_space<vmem>>
      %dma_wait3A_723 = arith.constant 0 : i32
      %dma_wait3A_724 = tpu.memref_slice %arg8[%add3A_586, %dma_wait3A_723] : memref<125x80xi32, #tpu.memory_space<vmem>> -> memref<1x80xi32, #tpu.memory_space<vmem>>
      %dma_wait3A_725 = tpu.memref_squeeze %dma_wait3A_724 : memref<1x80xi32, #tpu.memory_space<vmem>> -> memref<80xi32, #tpu.memory_space<vmem>>
      %dma_wait3A_726 = arith.constant 0 : i32
      %dma_wait3A_727 = arith.constant 0 : i32
      %dma_wait3A_728 = tpu.memref_slice %arg10[%dma_wait3A_726, %dma_wait3A_727] : memref<10000x64xf32, #tpu.memory_space<vmem_shared>> -> memref<10000x64xf32, #tpu.memory_space<vmem_shared>>
      tpu.wait_indirect_dma semaphore(%arg26 : memref<!tpu.dma_semaphore, #tpu.memory_space<semaphore_mem>>) src(%dma_wait3A_722 : memref<80x64xf32, #tpu.memory_space<vmem>>) dst(%dma_wait3A_728 : memref<10000x64xf32, #tpu.memory_space<vmem_shared>>)
      %add3A_729 = arith.constant 2 : i32
      %add3A_730 = arith.addi %add3A_567, %add3A_729 : i32
      %lt3A_731 = arith.constant 25 : i32
      %lt3A_732 = arith.cmpi slt, %add3A_730, %lt3A_731 : i32
      %convert_element_type3A_733 = arith.extui %lt3A_732 : i1 to i32
      %cond3A_734 = arith.constant 0 : i32
      %cond3A_735 = arith.cmpi ne, %convert_element_type3A_733, %cond3A_734 : i32
      scf.if %cond3A_735 {
        %add3A_808 = arith.constant 2 : i32
        %add3A_809 = arith.addi %add3A_567, %add3A_808 : i32
        %mul3A_810 = arith.constant 5 : i32
        %mul3A_811 = arith.muli %add3A_809, %mul3A_810 : i32
        %add3A_812 = arith.constant 0 : i32
        %add3A_813 = arith.addi %mul3A_811, %add3A_812 : i32
        %dma_start3A_814 = arith.constant 5 : i32
        %dma_start3A_815 = arith.constant 0 : i32
        %dma_start3A_816 = arith.constant 0 : i32
        %dma_start3A_817 = tpu.memref_slice %arg9[%dma_start3A_814, %dma_start3A_815, %dma_start3A_816] : memref<10x80x64xf32, #tpu.memory_space<vmem>> -> memref<1x80x64xf32, #tpu.memory_space<vmem>>
        %dma_start3A_818 = tpu.memref_squeeze %dma_start3A_817 : memref<1x80x64xf32, #tpu.memory_space<vmem>> -> memref<80x64xf32, #tpu.memory_space<vmem>>
        %dma_start3A_819 = arith.constant 0 : i32
        %dma_start3A_820 = tpu.memref_slice %arg7[%add3A_813, %dma_start3A_819] : memref<125x80xi32, #tpu.memory_space<vmem>> -> memref<1x80xi32, #tpu.memory_space<vmem>>
        %dma_start3A_821 = tpu.memref_squeeze %dma_start3A_820 : memref<1x80xi32, #tpu.memory_space<vmem>> -> memref<80xi32, #tpu.memory_space<vmem>>
        %dma_start3A_822 = arith.constant 0 : i32
        %dma_start3A_823 = arith.constant 0 : i32
        %dma_start3A_824 = tpu.memref_slice %arg2[%dma_start3A_822, %dma_start3A_823] : memref<10000x64xf32, #tpu.memory_space<hbm>> -> memref<10000x64xf32, #tpu.memory_space<hbm>>
        tpu.enqueue_indirect_dma source(%dma_start3A_824 : memref<10000x64xf32, #tpu.memory_space<hbm>>) target(%dma_start3A_818 : memref<80x64xf32, #tpu.memory_space<vmem>>) offsets(%dma_start3A_821 : memref<80xi32, #tpu.memory_space<vmem>>) semaphore(%arg16 : memref<!tpu.dma_semaphore, #tpu.memory_space<semaphore_mem>>)
      } else {
      }
      %dma_wait3A_736 = arith.constant 6 : i32
      %dma_wait3A_737 = arith.constant 0 : i32
      %dma_wait3A_738 = arith.constant 0 : i32
      %dma_wait3A_739 = tpu.memref_slice %arg9[%dma_wait3A_736, %dma_wait3A_737, %dma_wait3A_738] : memref<10x80x64xf32, #tpu.memory_space<vmem>> -> memref<1x80x64xf32, #tpu.memory_space<vmem>>
      %dma_wait3A_740 = tpu.memref_squeeze %dma_wait3A_739 : memref<1x80x64xf32, #tpu.memory_space<vmem>> -> memref<80x64xf32, #tpu.memory_space<vmem>>
      %dma_wait3A_741 = arith.constant 0 : i32
      %dma_wait3A_742 = tpu.memref_slice %arg8[%add3A_616, %dma_wait3A_741] : memref<125x80xi32, #tpu.memory_space<vmem>> -> memref<1x80xi32, #tpu.memory_space<vmem>>
      %dma_wait3A_743 = tpu.memref_squeeze %dma_wait3A_742 : memref<1x80xi32, #tpu.memory_space<vmem>> -> memref<80xi32, #tpu.memory_space<vmem>>
      %dma_wait3A_744 = arith.constant 0 : i32
      %dma_wait3A_745 = arith.constant 0 : i32
      %dma_wait3A_746 = tpu.memref_slice %arg10[%dma_wait3A_744, %dma_wait3A_745] : memref<10000x64xf32, #tpu.memory_space<vmem_shared>> -> memref<10000x64xf32, #tpu.memory_space<vmem_shared>>
      tpu.wait_indirect_dma semaphore(%arg27 : memref<!tpu.dma_semaphore, #tpu.memory_space<semaphore_mem>>) src(%dma_wait3A_740 : memref<80x64xf32, #tpu.memory_space<vmem>>) dst(%dma_wait3A_746 : memref<10000x64xf32, #tpu.memory_space<vmem_shared>>)
      %add3A_747 = arith.constant 2 : i32
      %add3A_748 = arith.addi %add3A_567, %add3A_747 : i32
      %lt3A_749 = arith.constant 25 : i32
      %lt3A_750 = arith.cmpi slt, %add3A_748, %lt3A_749 : i32
      %convert_element_type3A_751 = arith.extui %lt3A_750 : i1 to i32
      %cond3A_752 = arith.constant 0 : i32
      %cond3A_753 = arith.cmpi ne, %convert_element_type3A_751, %cond3A_752 : i32
      scf.if %cond3A_753 {
        %add3A_808 = arith.constant 2 : i32
        %add3A_809 = arith.addi %add3A_567, %add3A_808 : i32
        %mul3A_810 = arith.constant 5 : i32
        %mul3A_811 = arith.muli %add3A_809, %mul3A_810 : i32
        %add3A_812 = arith.constant 1 : i32
        %add3A_813 = arith.addi %mul3A_811, %add3A_812 : i32
        %dma_start3A_814 = arith.constant 6 : i32
        %dma_start3A_815 = arith.constant 0 : i32
        %dma_start3A_816 = arith.constant 0 : i32
        %dma_start3A_817 = tpu.memref_slice %arg9[%dma_start3A_814, %dma_start3A_815, %dma_start3A_816] : memref<10x80x64xf32, #tpu.memory_space<vmem>> -> memref<1x80x64xf32, #tpu.memory_space<vmem>>
        %dma_start3A_818 = tpu.memref_squeeze %dma_start3A_817 : memref<1x80x64xf32, #tpu.memory_space<vmem>> -> memref<80x64xf32, #tpu.memory_space<vmem>>
        %dma_start3A_819 = arith.constant 0 : i32
        %dma_start3A_820 = tpu.memref_slice %arg7[%add3A_813, %dma_start3A_819] : memref<125x80xi32, #tpu.memory_space<vmem>> -> memref<1x80xi32, #tpu.memory_space<vmem>>
        %dma_start3A_821 = tpu.memref_squeeze %dma_start3A_820 : memref<1x80xi32, #tpu.memory_space<vmem>> -> memref<80xi32, #tpu.memory_space<vmem>>
        %dma_start3A_822 = arith.constant 0 : i32
        %dma_start3A_823 = arith.constant 0 : i32
        %dma_start3A_824 = tpu.memref_slice %arg2[%dma_start3A_822, %dma_start3A_823] : memref<10000x64xf32, #tpu.memory_space<hbm>> -> memref<10000x64xf32, #tpu.memory_space<hbm>>
        tpu.enqueue_indirect_dma source(%dma_start3A_824 : memref<10000x64xf32, #tpu.memory_space<hbm>>) target(%dma_start3A_818 : memref<80x64xf32, #tpu.memory_space<vmem>>) offsets(%dma_start3A_821 : memref<80xi32, #tpu.memory_space<vmem>>) semaphore(%arg17 : memref<!tpu.dma_semaphore, #tpu.memory_space<semaphore_mem>>)
      } else {
      }
      %dma_wait3A_754 = arith.constant 7 : i32
      %dma_wait3A_755 = arith.constant 0 : i32
      %dma_wait3A_756 = arith.constant 0 : i32
      %dma_wait3A_757 = tpu.memref_slice %arg9[%dma_wait3A_754, %dma_wait3A_755, %dma_wait3A_756] : memref<10x80x64xf32, #tpu.memory_space<vmem>> -> memref<1x80x64xf32, #tpu.memory_space<vmem>>
      %dma_wait3A_758 = tpu.memref_squeeze %dma_wait3A_757 : memref<1x80x64xf32, #tpu.memory_space<vmem>> -> memref<80x64xf32, #tpu.memory_space<vmem>>
      %dma_wait3A_759 = arith.constant 0 : i32
      %dma_wait3A_760 = tpu.memref_slice %arg8[%add3A_646, %dma_wait3A_759] : memref<125x80xi32, #tpu.memory_space<vmem>> -> memref<1x80xi32, #tpu.memory_space<vmem>>
      %dma_wait3A_761 = tpu.memref_squeeze %dma_wait3A_760 : memref<1x80xi32, #tpu.memory_space<vmem>> -> memref<80xi32, #tpu.memory_space<vmem>>
      %dma_wait3A_762 = arith.constant 0 : i32
      %dma_wait3A_763 = arith.constant 0 : i32
      %dma_wait3A_764 = tpu.memref_slice %arg10[%dma_wait3A_762, %dma_wait3A_763] : memref<10000x64xf32, #tpu.memory_space<vmem_shared>> -> memref<10000x64xf32, #tpu.memory_space<vmem_shared>>
      tpu.wait_indirect_dma semaphore(%arg28 : memref<!tpu.dma_semaphore, #tpu.memory_space<semaphore_mem>>) src(%dma_wait3A_758 : memref<80x64xf32, #tpu.memory_space<vmem>>) dst(%dma_wait3A_764 : memref<10000x64xf32, #tpu.memory_space<vmem_shared>>)
      %add3A_765 = arith.constant 2 : i32
      %add3A_766 = arith.addi %add3A_567, %add3A_765 : i32
      %lt3A_767 = arith.constant 25 : i32
      %lt3A_768 = arith.cmpi slt, %add3A_766, %lt3A_767 : i32
      %convert_element_type3A_769 = arith.extui %lt3A_768 : i1 to i32
      %cond3A_770 = arith.constant 0 : i32
      %cond3A_771 = arith.cmpi ne, %convert_element_type3A_769, %cond3A_770 : i32
      scf.if %cond3A_771 {
        %add3A_808 = arith.constant 2 : i32
        %add3A_809 = arith.addi %add3A_567, %add3A_808 : i32
        %mul3A_810 = arith.constant 5 : i32
        %mul3A_811 = arith.muli %add3A_809, %mul3A_810 : i32
        %add3A_812 = arith.constant 2 : i32
        %add3A_813 = arith.addi %mul3A_811, %add3A_812 : i32
        %dma_start3A_814 = arith.constant 7 : i32
        %dma_start3A_815 = arith.constant 0 : i32
        %dma_start3A_816 = arith.constant 0 : i32
        %dma_start3A_817 = tpu.memref_slice %arg9[%dma_start3A_814, %dma_start3A_815, %dma_start3A_816] : memref<10x80x64xf32, #tpu.memory_space<vmem>> -> memref<1x80x64xf32, #tpu.memory_space<vmem>>
        %dma_start3A_818 = tpu.memref_squeeze %dma_start3A_817 : memref<1x80x64xf32, #tpu.memory_space<vmem>> -> memref<80x64xf32, #tpu.memory_space<vmem>>
        %dma_start3A_819 = arith.constant 0 : i32
        %dma_start3A_820 = tpu.memref_slice %arg7[%add3A_813, %dma_start3A_819] : memref<125x80xi32, #tpu.memory_space<vmem>> -> memref<1x80xi32, #tpu.memory_space<vmem>>
        %dma_start3A_821 = tpu.memref_squeeze %dma_start3A_820 : memref<1x80xi32, #tpu.memory_space<vmem>> -> memref<80xi32, #tpu.memory_space<vmem>>
        %dma_start3A_822 = arith.constant 0 : i32
        %dma_start3A_823 = arith.constant 0 : i32
        %dma_start3A_824 = tpu.memref_slice %arg2[%dma_start3A_822, %dma_start3A_823] : memref<10000x64xf32, #tpu.memory_space<hbm>> -> memref<10000x64xf32, #tpu.memory_space<hbm>>
        tpu.enqueue_indirect_dma source(%dma_start3A_824 : memref<10000x64xf32, #tpu.memory_space<hbm>>) target(%dma_start3A_818 : memref<80x64xf32, #tpu.memory_space<vmem>>) offsets(%dma_start3A_821 : memref<80xi32, #tpu.memory_space<vmem>>) semaphore(%arg18 : memref<!tpu.dma_semaphore, #tpu.memory_space<semaphore_mem>>)
      } else {
      }
      %dma_wait3A_772 = arith.constant 8 : i32
      %dma_wait3A_773 = arith.constant 0 : i32
      %dma_wait3A_774 = arith.constant 0 : i32
      %dma_wait3A_775 = tpu.memref_slice %arg9[%dma_wait3A_772, %dma_wait3A_773, %dma_wait3A_774] : memref<10x80x64xf32, #tpu.memory_space<vmem>> -> memref<1x80x64xf32, #tpu.memory_space<vmem>>
      %dma_wait3A_776 = tpu.memref_squeeze %dma_wait3A_775 : memref<1x80x64xf32, #tpu.memory_space<vmem>> -> memref<80x64xf32, #tpu.memory_space<vmem>>
      %dma_wait3A_777 = arith.constant 0 : i32
      %dma_wait3A_778 = tpu.memref_slice %arg8[%add3A_676, %dma_wait3A_777] : memref<125x80xi32, #tpu.memory_space<vmem>> -> memref<1x80xi32, #tpu.memory_space<vmem>>
      %dma_wait3A_779 = tpu.memref_squeeze %dma_wait3A_778 : memref<1x80xi32, #tpu.memory_space<vmem>> -> memref<80xi32, #tpu.memory_space<vmem>>
      %dma_wait3A_780 = arith.constant 0 : i32
      %dma_wait3A_781 = arith.constant 0 : i32
      %dma_wait3A_782 = tpu.memref_slice %arg10[%dma_wait3A_780, %dma_wait3A_781] : memref<10000x64xf32, #tpu.memory_space<vmem_shared>> -> memref<10000x64xf32, #tpu.memory_space<vmem_shared>>
      tpu.wait_indirect_dma semaphore(%arg29 : memref<!tpu.dma_semaphore, #tpu.memory_space<semaphore_mem>>) src(%dma_wait3A_776 : memref<80x64xf32, #tpu.memory_space<vmem>>) dst(%dma_wait3A_782 : memref<10000x64xf32, #tpu.memory_space<vmem_shared>>)
      %add3A_783 = arith.constant 2 : i32
      %add3A_784 = arith.addi %add3A_567, %add3A_783 : i32
      %lt3A_785 = arith.constant 25 : i32
      %lt3A_786 = arith.cmpi slt, %add3A_784, %lt3A_785 : i32
      %convert_element_type3A_787 = arith.extui %lt3A_786 : i1 to i32
      %cond3A_788 = arith.constant 0 : i32
      %cond3A_789 = arith.cmpi ne, %convert_element_type3A_787, %cond3A_788 : i32
      scf.if %cond3A_789 {
        %add3A_808 = arith.constant 2 : i32
        %add3A_809 = arith.addi %add3A_567, %add3A_808 : i32
        %mul3A_810 = arith.constant 5 : i32
        %mul3A_811 = arith.muli %add3A_809, %mul3A_810 : i32
        %add3A_812 = arith.constant 3 : i32
        %add3A_813 = arith.addi %mul3A_811, %add3A_812 : i32
        %dma_start3A_814 = arith.constant 8 : i32
        %dma_start3A_815 = arith.constant 0 : i32
        %dma_start3A_816 = arith.constant 0 : i32
        %dma_start3A_817 = tpu.memref_slice %arg9[%dma_start3A_814, %dma_start3A_815, %dma_start3A_816] : memref<10x80x64xf32, #tpu.memory_space<vmem>> -> memref<1x80x64xf32, #tpu.memory_space<vmem>>
        %dma_start3A_818 = tpu.memref_squeeze %dma_start3A_817 : memref<1x80x64xf32, #tpu.memory_space<vmem>> -> memref<80x64xf32, #tpu.memory_space<vmem>>
        %dma_start3A_819 = arith.constant 0 : i32
        %dma_start3A_820 = tpu.memref_slice %arg7[%add3A_813, %dma_start3A_819] : memref<125x80xi32, #tpu.memory_space<vmem>> -> memref<1x80xi32, #tpu.memory_space<vmem>>
        %dma_start3A_821 = tpu.memref_squeeze %dma_start3A_820 : memref<1x80xi32, #tpu.memory_space<vmem>> -> memref<80xi32, #tpu.memory_space<vmem>>
        %dma_start3A_822 = arith.constant 0 : i32
        %dma_start3A_823 = arith.constant 0 : i32
        %dma_start3A_824 = tpu.memref_slice %arg2[%dma_start3A_822, %dma_start3A_823] : memref<10000x64xf32, #tpu.memory_space<hbm>> -> memref<10000x64xf32, #tpu.memory_space<hbm>>
        tpu.enqueue_indirect_dma source(%dma_start3A_824 : memref<10000x64xf32, #tpu.memory_space<hbm>>) target(%dma_start3A_818 : memref<80x64xf32, #tpu.memory_space<vmem>>) offsets(%dma_start3A_821 : memref<80xi32, #tpu.memory_space<vmem>>) semaphore(%arg19 : memref<!tpu.dma_semaphore, #tpu.memory_space<semaphore_mem>>)
      } else {
      }
      %dma_wait3A_790 = arith.constant 9 : i32
      %dma_wait3A_791 = arith.constant 0 : i32
      %dma_wait3A_792 = arith.constant 0 : i32
      %dma_wait3A_793 = tpu.memref_slice %arg9[%dma_wait3A_790, %dma_wait3A_791, %dma_wait3A_792] : memref<10x80x64xf32, #tpu.memory_space<vmem>> -> memref<1x80x64xf32, #tpu.memory_space<vmem>>
      %dma_wait3A_794 = tpu.memref_squeeze %dma_wait3A_793 : memref<1x80x64xf32, #tpu.memory_space<vmem>> -> memref<80x64xf32, #tpu.memory_space<vmem>>
      %dma_wait3A_795 = arith.constant 0 : i32
      %dma_wait3A_796 = tpu.memref_slice %arg8[%add3A_706, %dma_wait3A_795] : memref<125x80xi32, #tpu.memory_space<vmem>> -> memref<1x80xi32, #tpu.memory_space<vmem>>
      %dma_wait3A_797 = tpu.memref_squeeze %dma_wait3A_796 : memref<1x80xi32, #tpu.memory_space<vmem>> -> memref<80xi32, #tpu.memory_space<vmem>>
      %dma_wait3A_798 = arith.constant 0 : i32
      %dma_wait3A_799 = arith.constant 0 : i32
      %dma_wait3A_800 = tpu.memref_slice %arg10[%dma_wait3A_798, %dma_wait3A_799] : memref<10000x64xf32, #tpu.memory_space<vmem_shared>> -> memref<10000x64xf32, #tpu.memory_space<vmem_shared>>
      tpu.wait_indirect_dma semaphore(%arg30 : memref<!tpu.dma_semaphore, #tpu.memory_space<semaphore_mem>>) src(%dma_wait3A_794 : memref<80x64xf32, #tpu.memory_space<vmem>>) dst(%dma_wait3A_800 : memref<10000x64xf32, #tpu.memory_space<vmem_shared>>)
      %add3A_801 = arith.constant 2 : i32
      %add3A_802 = arith.addi %add3A_567, %add3A_801 : i32
      %lt3A_803 = arith.constant 25 : i32
      %lt3A_804 = arith.cmpi slt, %add3A_802, %lt3A_803 : i32
      %convert_element_type3A_805 = arith.extui %lt3A_804 : i1 to i32
      %cond3A_806 = arith.constant 0 : i32
      %cond3A_807 = arith.cmpi ne, %convert_element_type3A_805, %cond3A_806 : i32
      scf.if %cond3A_807 {
        %add3A_808 = arith.constant 2 : i32
        %add3A_809 = arith.addi %add3A_567, %add3A_808 : i32
        %mul3A_810 = arith.constant 5 : i32
        %mul3A_811 = arith.muli %add3A_809, %mul3A_810 : i32
        %add3A_812 = arith.constant 4 : i32
        %add3A_813 = arith.addi %mul3A_811, %add3A_812 : i32
        %dma_start3A_814 = arith.constant 9 : i32
        %dma_start3A_815 = arith.constant 0 : i32
        %dma_start3A_816 = arith.constant 0 : i32
        %dma_start3A_817 = tpu.memref_slice %arg9[%dma_start3A_814, %dma_start3A_815, %dma_start3A_816] : memref<10x80x64xf32, #tpu.memory_space<vmem>> -> memref<1x80x64xf32, #tpu.memory_space<vmem>>
        %dma_start3A_818 = tpu.memref_squeeze %dma_start3A_817 : memref<1x80x64xf32, #tpu.memory_space<vmem>> -> memref<80x64xf32, #tpu.memory_space<vmem>>
        %dma_start3A_819 = arith.constant 0 : i32
        %dma_start3A_820 = tpu.memref_slice %arg7[%add3A_813, %dma_start3A_819] : memref<125x80xi32, #tpu.memory_space<vmem>> -> memref<1x80xi32, #tpu.memory_space<vmem>>
        %dma_start3A_821 = tpu.memref_squeeze %dma_start3A_820 : memref<1x80xi32, #tpu.memory_space<vmem>> -> memref<80xi32, #tpu.memory_space<vmem>>
        %dma_start3A_822 = arith.constant 0 : i32
        %dma_start3A_823 = arith.constant 0 : i32
        %dma_start3A_824 = tpu.memref_slice %arg2[%dma_start3A_822, %dma_start3A_823] : memref<10000x64xf32, #tpu.memory_space<hbm>> -> memref<10000x64xf32, #tpu.memory_space<hbm>>
        tpu.enqueue_indirect_dma source(%dma_start3A_824 : memref<10000x64xf32, #tpu.memory_space<hbm>>) target(%dma_start3A_818 : memref<80x64xf32, #tpu.memory_space<vmem>>) offsets(%dma_start3A_821 : memref<80xi32, #tpu.memory_space<vmem>>) semaphore(%arg20 : memref<!tpu.dma_semaphore, #tpu.memory_space<semaphore_mem>>)
      } else {
      }
    }
    %scan3A_130 = arith.constant 12 : i32
    %dma_wait3A = arith.constant 120 : i32
    %dma_wait3A_131 = arith.constant 0 : i32
    %dma_wait3A_132 = arith.constant 0 : i32
    %dma_wait3A_133 = arith.constant 0 : i32
    %dma_wait3A_134 = tpu.memref_slice %arg9[%dma_wait3A_131, %dma_wait3A_132, %dma_wait3A_133] : memref<10x80x64xf32, #tpu.memory_space<vmem>> -> memref<1x80x64xf32, #tpu.memory_space<vmem>>
    %dma_wait3A_135 = tpu.memref_squeeze %dma_wait3A_134 : memref<1x80x64xf32, #tpu.memory_space<vmem>> -> memref<80x64xf32, #tpu.memory_space<vmem>>
    %dma_wait3A_136 = arith.constant 0 : i32
    %dma_wait3A_137 = tpu.memref_slice %arg7[%dma_wait3A, %dma_wait3A_136] : memref<125x80xi32, #tpu.memory_space<vmem>> -> memref<1x80xi32, #tpu.memory_space<vmem>>
    %dma_wait3A_138 = tpu.memref_squeeze %dma_wait3A_137 : memref<1x80xi32, #tpu.memory_space<vmem>> -> memref<80xi32, #tpu.memory_space<vmem>>
    %dma_wait3A_139 = arith.constant 0 : i32
    %dma_wait3A_140 = arith.constant 0 : i32
    %dma_wait3A_141 = tpu.memref_slice %arg2[%dma_wait3A_139, %dma_wait3A_140] : memref<10000x64xf32, #tpu.memory_space<hbm>> -> memref<10000x64xf32, #tpu.memory_space<hbm>>
    tpu.wait_indirect_dma semaphore(%arg11 : memref<!tpu.dma_semaphore, #tpu.memory_space<semaphore_mem>>) src(%dma_wait3A_141 : memref<10000x64xf32, #tpu.memory_space<hbm>>) dst(%dma_wait3A_135 : memref<80x64xf32, #tpu.memory_space<vmem>>)
    %dma_start3A_142 = arith.constant 0 : i32
    %dma_start3A_143 = arith.constant 120 : i32
    %dma_start3A_144 = arith.constant 0 : i32
    %dma_start3A_145 = arith.constant 0 : i32
    %dma_start3A_146 = tpu.memref_slice %arg9[%dma_start3A_142, %dma_start3A_144, %dma_start3A_145] : memref<10x80x64xf32, #tpu.memory_space<vmem>> -> memref<1x80x64xf32, #tpu.memory_space<vmem>>
    %dma_start3A_147 = tpu.memref_squeeze %dma_start3A_146 : memref<1x80x64xf32, #tpu.memory_space<vmem>> -> memref<80x64xf32, #tpu.memory_space<vmem>>
    %dma_start3A_148 = arith.constant 0 : i32
    %dma_start3A_149 = tpu.memref_slice %arg8[%dma_start3A_143, %dma_start3A_148] : memref<125x80xi32, #tpu.memory_space<vmem>> -> memref<1x80xi32, #tpu.memory_space<vmem>>
    %dma_start3A_150 = tpu.memref_squeeze %dma_start3A_149 : memref<1x80xi32, #tpu.memory_space<vmem>> -> memref<80xi32, #tpu.memory_space<vmem>>
    %dma_start3A_151 = arith.constant 0 : i32
    %dma_start3A_152 = arith.constant 0 : i32
    %dma_start3A_153 = tpu.memref_slice %arg10[%dma_start3A_151, %dma_start3A_152] : memref<10000x64xf32, #tpu.memory_space<vmem_shared>> -> memref<10000x64xf32, #tpu.memory_space<vmem_shared>>
    tpu.enqueue_indirect_dma source(%dma_start3A_147 : memref<80x64xf32, #tpu.memory_space<vmem>>) target(%dma_start3A_153 : memref<10000x64xf32, #tpu.memory_space<vmem_shared>>) offsets(%dma_start3A_150 : memref<80xi32, #tpu.memory_space<vmem>>) semaphore(%arg21 : memref<!tpu.dma_semaphore, #tpu.memory_space<semaphore_mem>>) {add = true}
    %dma_wait3A_154 = arith.constant 121 : i32
    %dma_wait3A_155 = arith.constant 1 : i32
    %dma_wait3A_156 = arith.constant 0 : i32
    %dma_wait3A_157 = arith.constant 0 : i32
    %dma_wait3A_158 = tpu.memref_slice %arg9[%dma_wait3A_155, %dma_wait3A_156, %dma_wait3A_157] : memref<10x80x64xf32, #tpu.memory_space<vmem>> -> memref<1x80x64xf32, #tpu.memory_space<vmem>>
    %dma_wait3A_159 = tpu.memref_squeeze %dma_wait3A_158 : memref<1x80x64xf32, #tpu.memory_space<vmem>> -> memref<80x64xf32, #tpu.memory_space<vmem>>
    %dma_wait3A_160 = arith.constant 0 : i32
    %dma_wait3A_161 = tpu.memref_slice %arg7[%dma_wait3A_154, %dma_wait3A_160] : memref<125x80xi32, #tpu.memory_space<vmem>> -> memref<1x80xi32, #tpu.memory_space<vmem>>
    %dma_wait3A_162 = tpu.memref_squeeze %dma_wait3A_161 : memref<1x80xi32, #tpu.memory_space<vmem>> -> memref<80xi32, #tpu.memory_space<vmem>>
    %dma_wait3A_163 = arith.constant 0 : i32
    %dma_wait3A_164 = arith.constant 0 : i32
    %dma_wait3A_165 = tpu.memref_slice %arg2[%dma_wait3A_163, %dma_wait3A_164] : memref<10000x64xf32, #tpu.memory_space<hbm>> -> memref<10000x64xf32, #tpu.memory_space<hbm>>
    tpu.wait_indirect_dma semaphore(%arg12 : memref<!tpu.dma_semaphore, #tpu.memory_space<semaphore_mem>>) src(%dma_wait3A_165 : memref<10000x64xf32, #tpu.memory_space<hbm>>) dst(%dma_wait3A_159 : memref<80x64xf32, #tpu.memory_space<vmem>>)
    %dma_start3A_166 = arith.constant 1 : i32
    %dma_start3A_167 = arith.constant 121 : i32
    %dma_start3A_168 = arith.constant 0 : i32
    %dma_start3A_169 = arith.constant 0 : i32
    %dma_start3A_170 = tpu.memref_slice %arg9[%dma_start3A_166, %dma_start3A_168, %dma_start3A_169] : memref<10x80x64xf32, #tpu.memory_space<vmem>> -> memref<1x80x64xf32, #tpu.memory_space<vmem>>
    %dma_start3A_171 = tpu.memref_squeeze %dma_start3A_170 : memref<1x80x64xf32, #tpu.memory_space<vmem>> -> memref<80x64xf32, #tpu.memory_space<vmem>>
    %dma_start3A_172 = arith.constant 0 : i32
    %dma_start3A_173 = tpu.memref_slice %arg8[%dma_start3A_167, %dma_start3A_172] : memref<125x80xi32, #tpu.memory_space<vmem>> -> memref<1x80xi32, #tpu.memory_space<vmem>>
    %dma_start3A_174 = tpu.memref_squeeze %dma_start3A_173 : memref<1x80xi32, #tpu.memory_space<vmem>> -> memref<80xi32, #tpu.memory_space<vmem>>
    %dma_start3A_175 = arith.constant 0 : i32
    %dma_start3A_176 = arith.constant 0 : i32
    %dma_start3A_177 = tpu.memref_slice %arg10[%dma_start3A_175, %dma_start3A_176] : memref<10000x64xf32, #tpu.memory_space<vmem_shared>> -> memref<10000x64xf32, #tpu.memory_space<vmem_shared>>
    tpu.enqueue_indirect_dma source(%dma_start3A_171 : memref<80x64xf32, #tpu.memory_space<vmem>>) target(%dma_start3A_177 : memref<10000x64xf32, #tpu.memory_space<vmem_shared>>) offsets(%dma_start3A_174 : memref<80xi32, #tpu.memory_space<vmem>>) semaphore(%arg22 : memref<!tpu.dma_semaphore, #tpu.memory_space<semaphore_mem>>) {add = true}
    %dma_wait3A_178 = arith.constant 122 : i32
    %dma_wait3A_179 = arith.constant 2 : i32
    %dma_wait3A_180 = arith.constant 0 : i32
    %dma_wait3A_181 = arith.constant 0 : i32
    %dma_wait3A_182 = tpu.memref_slice %arg9[%dma_wait3A_179, %dma_wait3A_180, %dma_wait3A_181] : memref<10x80x64xf32, #tpu.memory_space<vmem>> -> memref<1x80x64xf32, #tpu.memory_space<vmem>>
    %dma_wait3A_183 = tpu.memref_squeeze %dma_wait3A_182 : memref<1x80x64xf32, #tpu.memory_space<vmem>> -> memref<80x64xf32, #tpu.memory_space<vmem>>
    %dma_wait3A_184 = arith.constant 0 : i32
    %dma_wait3A_185 = tpu.memref_slice %arg7[%dma_wait3A_178, %dma_wait3A_184] : memref<125x80xi32, #tpu.memory_space<vmem>> -> memref<1x80xi32, #tpu.memory_space<vmem>>
    %dma_wait3A_186 = tpu.memref_squeeze %dma_wait3A_185 : memref<1x80xi32, #tpu.memory_space<vmem>> -> memref<80xi32, #tpu.memory_space<vmem>>
    %dma_wait3A_187 = arith.constant 0 : i32
    %dma_wait3A_188 = arith.constant 0 : i32
    %dma_wait3A_189 = tpu.memref_slice %arg2[%dma_wait3A_187, %dma_wait3A_188] : memref<10000x64xf32, #tpu.memory_space<hbm>> -> memref<10000x64xf32, #tpu.memory_space<hbm>>
    tpu.wait_indirect_dma semaphore(%arg13 : memref<!tpu.dma_semaphore, #tpu.memory_space<semaphore_mem>>) src(%dma_wait3A_189 : memref<10000x64xf32, #tpu.memory_space<hbm>>) dst(%dma_wait3A_183 : memref<80x64xf32, #tpu.memory_space<vmem>>)
    %dma_start3A_190 = arith.constant 2 : i32
    %dma_start3A_191 = arith.constant 122 : i32
    %dma_start3A_192 = arith.constant 0 : i32
    %dma_start3A_193 = arith.constant 0 : i32
    %dma_start3A_194 = tpu.memref_slice %arg9[%dma_start3A_190, %dma_start3A_192, %dma_start3A_193] : memref<10x80x64xf32, #tpu.memory_space<vmem>> -> memref<1x80x64xf32, #tpu.memory_space<vmem>>
    %dma_start3A_195 = tpu.memref_squeeze %dma_start3A_194 : memref<1x80x64xf32, #tpu.memory_space<vmem>> -> memref<80x64xf32, #tpu.memory_space<vmem>>
    %dma_start3A_196 = arith.constant 0 : i32
    %dma_start3A_197 = tpu.memref_slice %arg8[%dma_start3A_191, %dma_start3A_196] : memref<125x80xi32, #tpu.memory_space<vmem>> -> memref<1x80xi32, #tpu.memory_space<vmem>>
    %dma_start3A_198 = tpu.memref_squeeze %dma_start3A_197 : memref<1x80xi32, #tpu.memory_space<vmem>> -> memref<80xi32, #tpu.memory_space<vmem>>
    %dma_start3A_199 = arith.constant 0 : i32
    %dma_start3A_200 = arith.constant 0 : i32
    %dma_start3A_201 = tpu.memref_slice %arg10[%dma_start3A_199, %dma_start3A_200] : memref<10000x64xf32, #tpu.memory_space<vmem_shared>> -> memref<10000x64xf32, #tpu.memory_space<vmem_shared>>
    tpu.enqueue_indirect_dma source(%dma_start3A_195 : memref<80x64xf32, #tpu.memory_space<vmem>>) target(%dma_start3A_201 : memref<10000x64xf32, #tpu.memory_space<vmem_shared>>) offsets(%dma_start3A_198 : memref<80xi32, #tpu.memory_space<vmem>>) semaphore(%arg23 : memref<!tpu.dma_semaphore, #tpu.memory_space<semaphore_mem>>) {add = true}
    %dma_wait3A_202 = arith.constant 123 : i32
    %dma_wait3A_203 = arith.constant 3 : i32
    %dma_wait3A_204 = arith.constant 0 : i32
    %dma_wait3A_205 = arith.constant 0 : i32
    %dma_wait3A_206 = tpu.memref_slice %arg9[%dma_wait3A_203, %dma_wait3A_204, %dma_wait3A_205] : memref<10x80x64xf32, #tpu.memory_space<vmem>> -> memref<1x80x64xf32, #tpu.memory_space<vmem>>
    %dma_wait3A_207 = tpu.memref_squeeze %dma_wait3A_206 : memref<1x80x64xf32, #tpu.memory_space<vmem>> -> memref<80x64xf32, #tpu.memory_space<vmem>>
    %dma_wait3A_208 = arith.constant 0 : i32
    %dma_wait3A_209 = tpu.memref_slice %arg7[%dma_wait3A_202, %dma_wait3A_208] : memref<125x80xi32, #tpu.memory_space<vmem>> -> memref<1x80xi32, #tpu.memory_space<vmem>>
    %dma_wait3A_210 = tpu.memref_squeeze %dma_wait3A_209 : memref<1x80xi32, #tpu.memory_space<vmem>> -> memref<80xi32, #tpu.memory_space<vmem>>
    %dma_wait3A_211 = arith.constant 0 : i32
    %dma_wait3A_212 = arith.constant 0 : i32
    %dma_wait3A_213 = tpu.memref_slice %arg2[%dma_wait3A_211, %dma_wait3A_212] : memref<10000x64xf32, #tpu.memory_space<hbm>> -> memref<10000x64xf32, #tpu.memory_space<hbm>>
    tpu.wait_indirect_dma semaphore(%arg14 : memref<!tpu.dma_semaphore, #tpu.memory_space<semaphore_mem>>) src(%dma_wait3A_213 : memref<10000x64xf32, #tpu.memory_space<hbm>>) dst(%dma_wait3A_207 : memref<80x64xf32, #tpu.memory_space<vmem>>)
    %dma_start3A_214 = arith.constant 3 : i32
    %dma_start3A_215 = arith.constant 123 : i32
    %dma_start3A_216 = arith.constant 0 : i32
    %dma_start3A_217 = arith.constant 0 : i32
    %dma_start3A_218 = tpu.memref_slice %arg9[%dma_start3A_214, %dma_start3A_216, %dma_start3A_217] : memref<10x80x64xf32, #tpu.memory_space<vmem>> -> memref<1x80x64xf32, #tpu.memory_space<vmem>>
    %dma_start3A_219 = tpu.memref_squeeze %dma_start3A_218 : memref<1x80x64xf32, #tpu.memory_space<vmem>> -> memref<80x64xf32, #tpu.memory_space<vmem>>
    %dma_start3A_220 = arith.constant 0 : i32
    %dma_start3A_221 = tpu.memref_slice %arg8[%dma_start3A_215, %dma_start3A_220] : memref<125x80xi32, #tpu.memory_space<vmem>> -> memref<1x80xi32, #tpu.memory_space<vmem>>
    %dma_start3A_222 = tpu.memref_squeeze %dma_start3A_221 : memref<1x80xi32, #tpu.memory_space<vmem>> -> memref<80xi32, #tpu.memory_space<vmem>>
    %dma_start3A_223 = arith.constant 0 : i32
    %dma_start3A_224 = arith.constant 0 : i32
    %dma_start3A_225 = tpu.memref_slice %arg10[%dma_start3A_223, %dma_start3A_224] : memref<10000x64xf32, #tpu.memory_space<vmem_shared>> -> memref<10000x64xf32, #tpu.memory_space<vmem_shared>>
    tpu.enqueue_indirect_dma source(%dma_start3A_219 : memref<80x64xf32, #tpu.memory_space<vmem>>) target(%dma_start3A_225 : memref<10000x64xf32, #tpu.memory_space<vmem_shared>>) offsets(%dma_start3A_222 : memref<80xi32, #tpu.memory_space<vmem>>) semaphore(%arg24 : memref<!tpu.dma_semaphore, #tpu.memory_space<semaphore_mem>>) {add = true}
    %dma_wait3A_226 = arith.constant 124 : i32
    %dma_wait3A_227 = arith.constant 4 : i32
    %dma_wait3A_228 = arith.constant 0 : i32
    %dma_wait3A_229 = arith.constant 0 : i32
    %dma_wait3A_230 = tpu.memref_slice %arg9[%dma_wait3A_227, %dma_wait3A_228, %dma_wait3A_229] : memref<10x80x64xf32, #tpu.memory_space<vmem>> -> memref<1x80x64xf32, #tpu.memory_space<vmem>>
    %dma_wait3A_231 = tpu.memref_squeeze %dma_wait3A_230 : memref<1x80x64xf32, #tpu.memory_space<vmem>> -> memref<80x64xf32, #tpu.memory_space<vmem>>
    %dma_wait3A_232 = arith.constant 0 : i32
    %dma_wait3A_233 = tpu.memref_slice %arg7[%dma_wait3A_226, %dma_wait3A_232] : memref<125x80xi32, #tpu.memory_space<vmem>> -> memref<1x80xi32, #tpu.memory_space<vmem>>
    %dma_wait3A_234 = tpu.memref_squeeze %dma_wait3A_233 : memref<1x80xi32, #tpu.memory_space<vmem>> -> memref<80xi32, #tpu.memory_space<vmem>>
    %dma_wait3A_235 = arith.constant 0 : i32
    %dma_wait3A_236 = arith.constant 0 : i32
    %dma_wait3A_237 = tpu.memref_slice %arg2[%dma_wait3A_235, %dma_wait3A_236] : memref<10000x64xf32, #tpu.memory_space<hbm>> -> memref<10000x64xf32, #tpu.memory_space<hbm>>
    tpu.wait_indirect_dma semaphore(%arg15 : memref<!tpu.dma_semaphore, #tpu.memory_space<semaphore_mem>>) src(%dma_wait3A_237 : memref<10000x64xf32, #tpu.memory_space<hbm>>) dst(%dma_wait3A_231 : memref<80x64xf32, #tpu.memory_space<vmem>>)
    %dma_start3A_238 = arith.constant 4 : i32
    %dma_start3A_239 = arith.constant 124 : i32
    %dma_start3A_240 = arith.constant 0 : i32
    %dma_start3A_241 = arith.constant 0 : i32
    %dma_start3A_242 = tpu.memref_slice %arg9[%dma_start3A_238, %dma_start3A_240, %dma_start3A_241] : memref<10x80x64xf32, #tpu.memory_space<vmem>> -> memref<1x80x64xf32, #tpu.memory_space<vmem>>
    %dma_start3A_243 = tpu.memref_squeeze %dma_start3A_242 : memref<1x80x64xf32, #tpu.memory_space<vmem>> -> memref<80x64xf32, #tpu.memory_space<vmem>>
    %dma_start3A_244 = arith.constant 0 : i32
    %dma_start3A_245 = tpu.memref_slice %arg8[%dma_start3A_239, %dma_start3A_244] : memref<125x80xi32, #tpu.memory_space<vmem>> -> memref<1x80xi32, #tpu.memory_space<vmem>>
    %dma_start3A_246 = tpu.memref_squeeze %dma_start3A_245 : memref<1x80xi32, #tpu.memory_space<vmem>> -> memref<80xi32, #tpu.memory_space<vmem>>
    %dma_start3A_247 = arith.constant 0 : i32
    %dma_start3A_248 = arith.constant 0 : i32
    %dma_start3A_249 = tpu.memref_slice %arg10[%dma_start3A_247, %dma_start3A_248] : memref<10000x64xf32, #tpu.memory_space<vmem_shared>> -> memref<10000x64xf32, #tpu.memory_space<vmem_shared>>
    tpu.enqueue_indirect_dma source(%dma_start3A_243 : memref<80x64xf32, #tpu.memory_space<vmem>>) target(%dma_start3A_249 : memref<10000x64xf32, #tpu.memory_space<vmem_shared>>) offsets(%dma_start3A_246 : memref<80xi32, #tpu.memory_space<vmem>>) semaphore(%arg25 : memref<!tpu.dma_semaphore, #tpu.memory_space<semaphore_mem>>) {add = true}
    %dma_wait3A_250 = arith.constant 0 : i32
    %dma_wait3A_251 = arith.constant 120 : i32
    %dma_wait3A_252 = arith.constant 0 : i32
    %dma_wait3A_253 = arith.constant 0 : i32
    %dma_wait3A_254 = tpu.memref_slice %arg9[%dma_wait3A_250, %dma_wait3A_252, %dma_wait3A_253] : memref<10x80x64xf32, #tpu.memory_space<vmem>> -> memref<1x80x64xf32, #tpu.memory_space<vmem>>
    %dma_wait3A_255 = tpu.memref_squeeze %dma_wait3A_254 : memref<1x80x64xf32, #tpu.memory_space<vmem>> -> memref<80x64xf32, #tpu.memory_space<vmem>>
    %dma_wait3A_256 = arith.constant 0 : i32
    %dma_wait3A_257 = tpu.memref_slice %arg8[%dma_wait3A_251, %dma_wait3A_256] : memref<125x80xi32, #tpu.memory_space<vmem>> -> memref<1x80xi32, #tpu.memory_space<vmem>>
    %dma_wait3A_258 = tpu.memref_squeeze %dma_wait3A_257 : memref<1x80xi32, #tpu.memory_space<vmem>> -> memref<80xi32, #tpu.memory_space<vmem>>
    %dma_wait3A_259 = arith.constant 0 : i32
    %dma_wait3A_260 = arith.constant 0 : i32
    %dma_wait3A_261 = tpu.memref_slice %arg10[%dma_wait3A_259, %dma_wait3A_260] : memref<10000x64xf32, #tpu.memory_space<vmem_shared>> -> memref<10000x64xf32, #tpu.memory_space<vmem_shared>>
    tpu.wait_indirect_dma semaphore(%arg21 : memref<!tpu.dma_semaphore, #tpu.memory_space<semaphore_mem>>) src(%dma_wait3A_255 : memref<80x64xf32, #tpu.memory_space<vmem>>) dst(%dma_wait3A_261 : memref<10000x64xf32, #tpu.memory_space<vmem_shared>>)
    %dma_wait3A_262 = arith.constant 1 : i32
    %dma_wait3A_263 = arith.constant 121 : i32
    %dma_wait3A_264 = arith.constant 0 : i32
    %dma_wait3A_265 = arith.constant 0 : i32
    %dma_wait3A_266 = tpu.memref_slice %arg9[%dma_wait3A_262, %dma_wait3A_264, %dma_wait3A_265] : memref<10x80x64xf32, #tpu.memory_space<vmem>> -> memref<1x80x64xf32, #tpu.memory_space<vmem>>
    %dma_wait3A_267 = tpu.memref_squeeze %dma_wait3A_266 : memref<1x80x64xf32, #tpu.memory_space<vmem>> -> memref<80x64xf32, #tpu.memory_space<vmem>>
    %dma_wait3A_268 = arith.constant 0 : i32
    %dma_wait3A_269 = tpu.memref_slice %arg8[%dma_wait3A_263, %dma_wait3A_268] : memref<125x80xi32, #tpu.memory_space<vmem>> -> memref<1x80xi32, #tpu.memory_space<vmem>>
    %dma_wait3A_270 = tpu.memref_squeeze %dma_wait3A_269 : memref<1x80xi32, #tpu.memory_space<vmem>> -> memref<80xi32, #tpu.memory_space<vmem>>
    %dma_wait3A_271 = arith.constant 0 : i32
    %dma_wait3A_272 = arith.constant 0 : i32
    %dma_wait3A_273 = tpu.memref_slice %arg10[%dma_wait3A_271, %dma_wait3A_272] : memref<10000x64xf32, #tpu.memory_space<vmem_shared>> -> memref<10000x64xf32, #tpu.memory_space<vmem_shared>>
    tpu.wait_indirect_dma semaphore(%arg22 : memref<!tpu.dma_semaphore, #tpu.memory_space<semaphore_mem>>) src(%dma_wait3A_267 : memref<80x64xf32, #tpu.memory_space<vmem>>) dst(%dma_wait3A_273 : memref<10000x64xf32, #tpu.memory_space<vmem_shared>>)
    %dma_wait3A_274 = arith.constant 2 : i32
    %dma_wait3A_275 = arith.constant 122 : i32
    %dma_wait3A_276 = arith.constant 0 : i32
    %dma_wait3A_277 = arith.constant 0 : i32
    %dma_wait3A_278 = tpu.memref_slice %arg9[%dma_wait3A_274, %dma_wait3A_276, %dma_wait3A_277] : memref<10x80x64xf32, #tpu.memory_space<vmem>> -> memref<1x80x64xf32, #tpu.memory_space<vmem>>
    %dma_wait3A_279 = tpu.memref_squeeze %dma_wait3A_278 : memref<1x80x64xf32, #tpu.memory_space<vmem>> -> memref<80x64xf32, #tpu.memory_space<vmem>>
    %dma_wait3A_280 = arith.constant 0 : i32
    %dma_wait3A_281 = tpu.memref_slice %arg8[%dma_wait3A_275, %dma_wait3A_280] : memref<125x80xi32, #tpu.memory_space<vmem>> -> memref<1x80xi32, #tpu.memory_space<vmem>>
    %dma_wait3A_282 = tpu.memref_squeeze %dma_wait3A_281 : memref<1x80xi32, #tpu.memory_space<vmem>> -> memref<80xi32, #tpu.memory_space<vmem>>
    %dma_wait3A_283 = arith.constant 0 : i32
    %dma_wait3A_284 = arith.constant 0 : i32
    %dma_wait3A_285 = tpu.memref_slice %arg10[%dma_wait3A_283, %dma_wait3A_284] : memref<10000x64xf32, #tpu.memory_space<vmem_shared>> -> memref<10000x64xf32, #tpu.memory_space<vmem_shared>>
    tpu.wait_indirect_dma semaphore(%arg23 : memref<!tpu.dma_semaphore, #tpu.memory_space<semaphore_mem>>) src(%dma_wait3A_279 : memref<80x64xf32, #tpu.memory_space<vmem>>) dst(%dma_wait3A_285 : memref<10000x64xf32, #tpu.memory_space<vmem_shared>>)
    %dma_wait3A_286 = arith.constant 3 : i32
    %dma_wait3A_287 = arith.constant 123 : i32
    %dma_wait3A_288 = arith.constant 0 : i32
    %dma_wait3A_289 = arith.constant 0 : i32
    %dma_wait3A_290 = tpu.memref_slice %arg9[%dma_wait3A_286, %dma_wait3A_288, %dma_wait3A_289] : memref<10x80x64xf32, #tpu.memory_space<vmem>> -> memref<1x80x64xf32, #tpu.memory_space<vmem>>
    %dma_wait3A_291 = tpu.memref_squeeze %dma_wait3A_290 : memref<1x80x64xf32, #tpu.memory_space<vmem>> -> memref<80x64xf32, #tpu.memory_space<vmem>>
    %dma_wait3A_292 = arith.constant 0 : i32
    %dma_wait3A_293 = tpu.memref_slice %arg8[%dma_wait3A_287, %dma_wait3A_292] : memref<125x80xi32, #tpu.memory_space<vmem>> -> memref<1x80xi32, #tpu.memory_space<vmem>>
    %dma_wait3A_294 = tpu.memref_squeeze %dma_wait3A_293 : memref<1x80xi32, #tpu.memory_space<vmem>> -> memref<80xi32, #tpu.memory_space<vmem>>
    %dma_wait3A_295 = arith.constant 0 : i32
    %dma_wait3A_296 = arith.constant 0 : i32
    %dma_wait3A_297 = tpu.memref_slice %arg10[%dma_wait3A_295, %dma_wait3A_296] : memref<10000x64xf32, #tpu.memory_space<vmem_shared>> -> memref<10000x64xf32, #tpu.memory_space<vmem_shared>>
    tpu.wait_indirect_dma semaphore(%arg24 : memref<!tpu.dma_semaphore, #tpu.memory_space<semaphore_mem>>) src(%dma_wait3A_291 : memref<80x64xf32, #tpu.memory_space<vmem>>) dst(%dma_wait3A_297 : memref<10000x64xf32, #tpu.memory_space<vmem_shared>>)
    %dma_wait3A_298 = arith.constant 4 : i32
    %dma_wait3A_299 = arith.constant 124 : i32
    %dma_wait3A_300 = arith.constant 0 : i32
    %dma_wait3A_301 = arith.constant 0 : i32
    %dma_wait3A_302 = tpu.memref_slice %arg9[%dma_wait3A_298, %dma_wait3A_300, %dma_wait3A_301] : memref<10x80x64xf32, #tpu.memory_space<vmem>> -> memref<1x80x64xf32, #tpu.memory_space<vmem>>
    %dma_wait3A_303 = tpu.memref_squeeze %dma_wait3A_302 : memref<1x80x64xf32, #tpu.memory_space<vmem>> -> memref<80x64xf32, #tpu.memory_space<vmem>>
    %dma_wait3A_304 = arith.constant 0 : i32
    %dma_wait3A_305 = tpu.memref_slice %arg8[%dma_wait3A_299, %dma_wait3A_304] : memref<125x80xi32, #tpu.memory_space<vmem>> -> memref<1x80xi32, #tpu.memory_space<vmem>>
    %dma_wait3A_306 = tpu.memref_squeeze %dma_wait3A_305 : memref<1x80xi32, #tpu.memory_space<vmem>> -> memref<80xi32, #tpu.memory_space<vmem>>
    %dma_wait3A_307 = arith.constant 0 : i32
    %dma_wait3A_308 = arith.constant 0 : i32
    %dma_wait3A_309 = tpu.memref_slice %arg10[%dma_wait3A_307, %dma_wait3A_308] : memref<10000x64xf32, #tpu.memory_space<vmem_shared>> -> memref<10000x64xf32, #tpu.memory_space<vmem_shared>>
    tpu.wait_indirect_dma semaphore(%arg25 : memref<!tpu.dma_semaphore, #tpu.memory_space<semaphore_mem>>) src(%dma_wait3A_303 : memref<80x64xf32, #tpu.memory_space<vmem>>) dst(%dma_wait3A_309 : memref<10000x64xf32, #tpu.memory_space<vmem_shared>>)
    %barrier3A_310 = arith.constant 0 : index
    tpu.barrier barrier_id(%barrier3A_310)
    %lt3A_311 = arith.constant 15 : i32
    %lt3A_312 = arith.cmpi slt, %arg1, %lt3A_311 : i32
    %convert_element_type3A_313 = arith.extui %lt3A_312 : i1 to i32
    %cond3A_314 = arith.constant 0 : i32
    %cond3A_315 = arith.cmpi ne, %convert_element_type3A_313, %cond3A_314 : i32
    scf.if %cond3A_315 {
      %mul3A_321 = arith.constant 624 : i32
      %mul3A_322 = arith.muli %arg1, %mul3A_321 : i32
      "tpu.region"() ({
        %run_scoped3A = tpu.sem_alloc : memref<!tpu.dma_semaphore, #tpu.memory_space<semaphore_mem>>
        %dma_start3A_323 = arith.constant 0 : i32
        %dma_start3A_324 = tpu.memref_slice %arg6[%arg0, %mul3A_322, %dma_start3A_323] : memref<2x10000x64xf32, #tpu.memory_space<hbm>> -> memref<1x624x64xf32, #tpu.memory_space<hbm>>
        %dma_start3A_325 = tpu.memref_squeeze %dma_start3A_324 : memref<1x624x64xf32, #tpu.memory_space<hbm>> -> memref<624x64xf32, #tpu.memory_space<hbm>>
        %dma_start3A_326 = arith.constant 0 : i32
        %dma_start3A_327 = tpu.memref_slice %arg10[%mul3A_322, %dma_start3A_326] : memref<10000x64xf32, #tpu.memory_space<vmem_shared>> -> memref<624x64xf32, #tpu.memory_space<vmem_shared>>
        tpu.enqueue_dma source(%dma_start3A_327 : memref<624x64xf32, #tpu.memory_space<vmem_shared>>) target(%dma_start3A_325 : memref<624x64xf32, #tpu.memory_space<hbm>>) target_semaphore(%run_scoped3A : memref<!tpu.dma_semaphore, #tpu.memory_space<semaphore_mem>>)
        %dma_wait3A_328 = arith.constant 0 : i32
        %dma_wait3A_329 = tpu.memref_slice %arg6[%arg0, %mul3A_322, %dma_wait3A_328] : memref<2x10000x64xf32, #tpu.memory_space<hbm>> -> memref<1x624x64xf32, #tpu.memory_space<hbm>>
        %dma_wait3A_330 = tpu.memref_squeeze %dma_wait3A_329 : memref<1x624x64xf32, #tpu.memory_space<hbm>> -> memref<624x64xf32, #tpu.memory_space<hbm>>
        %dma_wait3A_331 = arith.constant 0 : i32
        %dma_wait3A_332 = tpu.memref_slice %arg10[%mul3A_322, %dma_wait3A_331] : memref<10000x64xf32, #tpu.memory_space<vmem_shared>> -> memref<624x64xf32, #tpu.memory_space<vmem_shared>>
        tpu.wait_dma2 semaphore(%run_scoped3A : memref<!tpu.dma_semaphore, #tpu.memory_space<semaphore_mem>>) src(%dma_wait3A_332 : memref<624x64xf32, #tpu.memory_space<vmem_shared>>) dst(%dma_wait3A_330 : memref<624x64xf32, #tpu.memory_space<hbm>>)
        tpu.yield
      }) : () -> ()
    } else {
    }
    %eq3A_316 = arith.constant 15 : i32
    %eq3A_317 = arith.cmpi eq, %arg1, %eq3A_316 : i32
    %convert_element_type3A_318 = arith.extui %eq3A_317 : i1 to i32
    %cond3A_319 = arith.constant 0 : i32
    %cond3A_320 = arith.cmpi ne, %convert_element_type3A_318, %cond3A_319 : i32
    scf.if %cond3A_320 {
      "tpu.region"() ({
        %run_scoped3A = tpu.sem_alloc : memref<!tpu.dma_semaphore, #tpu.memory_space<semaphore_mem>>
        %dma_start3A_321 = arith.constant 9360 : i32
        %dma_start3A_322 = arith.constant 0 : i32
        %dma_start3A_323 = tpu.memref_slice %arg6[%arg0, %dma_start3A_321, %dma_start3A_322] : memref<2x10000x64xf32, #tpu.memory_space<hbm>> -> memref<1x640x64xf32, #tpu.memory_space<hbm>>
        %dma_start3A_324 = tpu.memref_squeeze %dma_start3A_323 : memref<1x640x64xf32, #tpu.memory_space<hbm>> -> memref<640x64xf32, #tpu.memory_space<hbm>>
        %dma_start3A_325 = arith.constant 9360 : i32
        %dma_start3A_326 = arith.constant 0 : i32
        %dma_start3A_327 = tpu.memref_slice %arg10[%dma_start3A_325, %dma_start3A_326] : memref<10000x64xf32, #tpu.memory_space<vmem_shared>> -> memref<640x64xf32, #tpu.memory_space<vmem_shared>>
        tpu.enqueue_dma source(%dma_start3A_327 : memref<640x64xf32, #tpu.memory_space<vmem_shared>>) target(%dma_start3A_324 : memref<640x64xf32, #tpu.memory_space<hbm>>) target_semaphore(%run_scoped3A : memref<!tpu.dma_semaphore, #tpu.memory_space<semaphore_mem>>)
        %dma_wait3A_328 = arith.constant 9360 : i32
        %dma_wait3A_329 = arith.constant 0 : i32
        %dma_wait3A_330 = tpu.memref_slice %arg6[%arg0, %dma_wait3A_328, %dma_wait3A_329] : memref<2x10000x64xf32, #tpu.memory_space<hbm>> -> memref<1x640x64xf32, #tpu.memory_space<hbm>>
        %dma_wait3A_331 = tpu.memref_squeeze %dma_wait3A_330 : memref<1x640x64xf32, #tpu.memory_space<hbm>> -> memref<640x64xf32, #tpu.memory_space<hbm>>
        %dma_wait3A_332 = arith.constant 9360 : i32
        %dma_wait3A_333 = arith.constant 0 : i32
        %dma_wait3A_334 = tpu.memref_slice %arg10[%dma_wait3A_332, %dma_wait3A_333] : memref<10000x64xf32, #tpu.memory_space<vmem_shared>> -> memref<640x64xf32, #tpu.memory_space<vmem_shared>>
        tpu.wait_dma2 semaphore(%run_scoped3A : memref<!tpu.dma_semaphore, #tpu.memory_space<semaphore_mem>>) src(%dma_wait3A_334 : memref<640x64xf32, #tpu.memory_space<vmem_shared>>) dst(%dma_wait3A_331 : memref<640x64xf32, #tpu.memory_space<hbm>>)
        tpu.yield
      }) : () -> ()
    } else {
    }
    return
  }
}

module attributes {stable_mosaic.version = 14 : i64} {
  func.func @_tc1_body(%arg0: i32, %arg1: memref<1000x256xf32, #tpu.memory_space<vmem>>, %arg2: memref<256x128xf32, #tpu.memory_space<vmem>>, %arg3: memref<1x2x1000xf32, #tpu.memory_space<vmem>>, %arg4: memref<1x2x1000xf32, #tpu.memory_space<vmem>>, %arg5: memref<1000x128xf32, #tpu.memory_space<vmem>>) attributes {dimension_semantics = [#tpu.dimension_semantics<arbitrary>], iteration_bounds = array<i64: 5>, scalar_prefetch = 0 : i64, scratch_operands = 0 : i64, tpu.core_type = #tpu.core_type<tc>, window_params = [{transform_indices = @transform_0, window_bounds = array<i64: 1000, 256>}, {pipeline_mode = #tpu.pipeline_mode<synchronous>, transform_indices = @transform_1, window_bounds = array<i64: 256, 128>}, {transform_indices = @transform_2, window_bounds = array<i64: 1, 2, 1000>}, {transform_indices = @transform_3, window_bounds = array<i64: 1, 2, 1000>}, {transform_indices = @transform_4, window_bounds = array<i64: 1000, 128>}]} {
    %get3A = arith.constant 0 : index
    %get3A_0 = arith.constant 0 : index
    %get3A_1 = arith.constant 0 : index
    %get3A_2 = vector.load %arg3[%get3A, %get3A_0, %get3A_1] : memref<1x2x1000xf32, #tpu.memory_space<vmem>>, vector<1x2x1000xf32>
    %get3A_3 = arith.constant 0 : index
    %get3A_4 = arith.constant 0 : index
    %get3A_5 = arith.constant 0 : index
    %get3A_6 = vector.load %arg4[%get3A_3, %get3A_4, %get3A_5] : memref<1x2x1000xf32, #tpu.memory_space<vmem>>, vector<1x2x1000xf32>
    %slice3A = vector.extract_strided_slice %get3A_2 {offsets = [0, 0, 0], sizes = [1, 1, 1000], strides = [1, 1, 1]} : vector<1x2x1000xf32> to vector<1x1x1000xf32>
    %squeeze3A = vector.shape_cast %slice3A : vector<1x1x1000xf32> to vector<1x1000xf32>
    %add3A = arith.constant 1.000000e+00 : f32
    %add3A_7 = vector.broadcast %add3A : f32 to vector<1x1000xf32>
    %add3A_8 = arith.addf %add3A_7, %squeeze3A : vector<1x1000xf32>
    %slice3A_9 = vector.extract_strided_slice %get3A_2 {offsets = [0, 1, 0], sizes = [1, 1, 1000], strides = [1, 1, 1]} : vector<1x2x1000xf32> to vector<1x1x1000xf32>
    %squeeze3A_10 = vector.shape_cast %slice3A_9 : vector<1x1x1000xf32> to vector<1x1000xf32>
    %add3A_11 = arith.addf %add3A_8, %squeeze3A_10 : vector<1x1000xf32>
    %slice3A_12 = vector.extract_strided_slice %get3A_6 {offsets = [0, 0, 0], sizes = [1, 1, 1000], strides = [1, 1, 1]} : vector<1x2x1000xf32> to vector<1x1x1000xf32>
    %squeeze3A_13 = vector.shape_cast %slice3A_12 : vector<1x1x1000xf32> to vector<1x1000xf32>
    %add3A_14 = arith.constant 1.000000e+00 : f32
    %add3A_15 = vector.broadcast %add3A_14 : f32 to vector<1x1000xf32>
    %add3A_16 = arith.addf %add3A_15, %squeeze3A_13 : vector<1x1000xf32>
    %slice3A_17 = vector.extract_strided_slice %get3A_6 {offsets = [0, 1, 0], sizes = [1, 1, 1000], strides = [1, 1, 1]} : vector<1x2x1000xf32> to vector<1x1x1000xf32>
    %squeeze3A_18 = vector.shape_cast %slice3A_17 : vector<1x1x1000xf32> to vector<1x1000xf32>
    %add3A_19 = arith.addf %add3A_16, %squeeze3A_18 : vector<1x1000xf32>
    %rsqrt3A = math.rsqrt %add3A_11 : vector<1x1000xf32>
    %transpose3A = tpu.transpose %rsqrt3A, [1, 0] : vector<1x1000xf32> -> vector<1000x1xf32>
    %rsqrt3A_20 = math.rsqrt %add3A_19 : vector<1x1000xf32>
    %transpose3A_21 = tpu.transpose %rsqrt3A_20, [1, 0] : vector<1x1000xf32> -> vector<1000x1xf32>
    %broadcast_in_dim3A = vector.shape_cast %transpose3A : vector<1000x1xf32> to vector<1000x1xf32>
    %broadcast_in_dim3A_22 = vector.broadcast %broadcast_in_dim3A : vector<1000x1xf32> to vector<1000x64xf32>
    %broadcast_in_dim3A_23 = vector.shape_cast %transpose3A_21 : vector<1000x1xf32> to vector<1000x1xf32>
    %broadcast_in_dim3A_24 = vector.broadcast %broadcast_in_dim3A_23 : vector<1000x1xf32> to vector<1000x64xf32>
    %concatenate3A = tpu.concatenate %broadcast_in_dim3A_22, %broadcast_in_dim3A_24 in 1 : vector<1000x64xf32>, vector<1000x64xf32> -> vector<1000x128xf32>
    %get3A_25 = arith.constant 0 : index
    %get3A_26 = arith.constant 0 : index
    %get3A_27 = vector.load %arg1[%get3A_25, %get3A_26] : memref<1000x256xf32, #tpu.memory_space<vmem>>, vector<1000x256xf32>
    %get3A_28 = arith.constant 0 : index
    %get3A_29 = arith.constant 0 : index
    %get3A_30 = vector.load %arg2[%get3A_28, %get3A_29] : memref<256x128xf32, #tpu.memory_space<vmem>>, vector<256x128xf32>
    %dot_general3A = arith.constant dense<0.000000e+00> : vector<1000x128xf32>
    %dot_general3A_31 = tpu.matmul %get3A_27, %get3A_30, %dot_general3A {dimension_numbers = #tpu.dot_dimension_numbers<[1], [0], [0], [1], [0, 0, 1, 1], [], []>, transpose_lhs_hint = false} : vector<1000x256xf32>, vector<256x128xf32>, vector<1000x128xf32> -> vector<1000x128xf32>
    %mul3A = arith.mulf %dot_general3A_31, %concatenate3A : vector<1000x128xf32>
    %swap3A = arith.constant 0 : index
    %swap3A_32 = arith.constant 0 : index
    %swap3A_33 = vector.load %arg5[%swap3A, %swap3A_32] : memref<1000x128xf32, #tpu.memory_space<vmem>>, vector<1000x128xf32>
    tpu.vector_store %arg5[%swap3A, %swap3A_32], %mul3A {strides = array<i32>} : memref<1000x128xf32, #tpu.memory_space<vmem>>, vector<1000x128xf32>,
    return
  }
  func.func @transform_0(%arg0: i32) -> (i32, i32) {
    %c0_i32 = arith.constant 0 : i32
    %c0_i32_0 = arith.constant 0 : i32
    return %arg0, %c0_i32 : i32, i32
  }
  func.func @transform_1(%arg0: i32) -> (i32, i32) {
    %c0_i32 = arith.constant 0 : i32
    %c0_i32_0 = arith.constant 0 : i32
    %c0_i32_1 = arith.constant 0 : i32
    return %c0_i32, %c0_i32_0 : i32, i32
  }
  func.func @transform_2(%arg0: i32) -> (i32, i32, i32) {
    %c0_i32 = arith.constant 0 : i32
    %c0_i32_0 = arith.constant 0 : i32
    %c0_i32_1 = arith.constant 0 : i32
    return %arg0, %c0_i32, %c0_i32_0 : i32, i32, i32
  }
  func.func @transform_3(%arg0: i32) -> (i32, i32, i32) {
    %c0_i32 = arith.constant 0 : i32
    %c0_i32_0 = arith.constant 0 : i32
    %c0_i32_1 = arith.constant 0 : i32
    return %arg0, %c0_i32, %c0_i32_0 : i32, i32, i32
  }
  func.func @transform_4(%arg0: i32) -> (i32, i32) {
    %c0_i32 = arith.constant 0 : i32
    %c0_i32_0 = arith.constant 0 : i32
    return %arg0, %c0_i32 : i32, i32
  }
}

module attributes {stable_mosaic.version = 14 : i64} {
  func.func @_tc2_body(%arg0: i32, %arg1: memref<2x1000x128xf32, #tpu.memory_space<vmem>>, %arg2: memref<1000x128xf32, #tpu.memory_space<vmem>>, %arg3: memref<1x2x1000xf32, #tpu.memory_space<vmem>>, %arg4: memref<1x2x1000xf32, #tpu.memory_space<vmem>>, %arg5: memref<1x128xf32, #tpu.memory_space<vmem>>, %arg6: memref<128x128xf32, #tpu.memory_space<vmem>>, %arg7: memref<1000x128xf32, #tpu.memory_space<vmem>>) attributes {dimension_semantics = [#tpu.dimension_semantics<arbitrary>], iteration_bounds = array<i64: 5>, scalar_prefetch = 0 : i64, scratch_operands = 0 : i64, tpu.core_type = #tpu.core_type<tc>, window_params = [{transform_indices = @transform_0, window_bounds = array<i64: 2, 1000, 128>}, {transform_indices = @transform_1, window_bounds = array<i64: 1000, 128>}, {transform_indices = @transform_2, window_bounds = array<i64: 1, 2, 1000>}, {transform_indices = @transform_3, window_bounds = array<i64: 1, 2, 1000>}, {pipeline_mode = #tpu.pipeline_mode<synchronous>, transform_indices = @transform_4, window_bounds = array<i64: 1, 128>}, {pipeline_mode = #tpu.pipeline_mode<synchronous>, transform_indices = @transform_5, window_bounds = array<i64: 128, 128>}, {transform_indices = @transform_6, window_bounds = array<i64: 1000, 128>}]} {
    %get3A = arith.constant 0 : index
    %get3A_0 = arith.constant 0 : index
    %get3A_1 = arith.constant 0 : index
    %get3A_2 = vector.load %arg3[%get3A, %get3A_0, %get3A_1] : memref<1x2x1000xf32, #tpu.memory_space<vmem>>, vector<1x2x1000xf32>
    %get3A_3 = arith.constant 0 : index
    %get3A_4 = arith.constant 0 : index
    %get3A_5 = arith.constant 0 : index
    %get3A_6 = vector.load %arg4[%get3A_3, %get3A_4, %get3A_5] : memref<1x2x1000xf32, #tpu.memory_space<vmem>>, vector<1x2x1000xf32>
    %slice3A = vector.extract_strided_slice %get3A_2 {offsets = [0, 0, 0], sizes = [1, 1, 1000], strides = [1, 1, 1]} : vector<1x2x1000xf32> to vector<1x1x1000xf32>
    %squeeze3A = vector.shape_cast %slice3A : vector<1x1x1000xf32> to vector<1x1000xf32>
    %add3A = arith.constant 1.000000e+00 : f32
    %add3A_7 = vector.broadcast %add3A : f32 to vector<1x1000xf32>
    %add3A_8 = arith.addf %add3A_7, %squeeze3A : vector<1x1000xf32>
    %slice3A_9 = vector.extract_strided_slice %get3A_2 {offsets = [0, 1, 0], sizes = [1, 1, 1000], strides = [1, 1, 1]} : vector<1x2x1000xf32> to vector<1x1x1000xf32>
    %squeeze3A_10 = vector.shape_cast %slice3A_9 : vector<1x1x1000xf32> to vector<1x1000xf32>
    %add3A_11 = arith.addf %add3A_8, %squeeze3A_10 : vector<1x1000xf32>
    %slice3A_12 = vector.extract_strided_slice %get3A_6 {offsets = [0, 0, 0], sizes = [1, 1, 1000], strides = [1, 1, 1]} : vector<1x2x1000xf32> to vector<1x1x1000xf32>
    %squeeze3A_13 = vector.shape_cast %slice3A_12 : vector<1x1x1000xf32> to vector<1x1000xf32>
    %add3A_14 = arith.constant 1.000000e+00 : f32
    %add3A_15 = vector.broadcast %add3A_14 : f32 to vector<1x1000xf32>
    %add3A_16 = arith.addf %add3A_15, %squeeze3A_13 : vector<1x1000xf32>
    %slice3A_17 = vector.extract_strided_slice %get3A_6 {offsets = [0, 1, 0], sizes = [1, 1, 1000], strides = [1, 1, 1]} : vector<1x2x1000xf32> to vector<1x1x1000xf32>
    %squeeze3A_18 = vector.shape_cast %slice3A_17 : vector<1x1x1000xf32> to vector<1x1000xf32>
    %add3A_19 = arith.addf %add3A_16, %squeeze3A_18 : vector<1x1000xf32>
    %rsqrt3A = math.rsqrt %add3A_11 : vector<1x1000xf32>
    %transpose3A = tpu.transpose %rsqrt3A, [1, 0] : vector<1x1000xf32> -> vector<1000x1xf32>
    %rsqrt3A_20 = math.rsqrt %add3A_19 : vector<1x1000xf32>
    %transpose3A_21 = tpu.transpose %rsqrt3A_20, [1, 0] : vector<1x1000xf32> -> vector<1000x1xf32>
    %broadcast_in_dim3A = vector.shape_cast %transpose3A : vector<1000x1xf32> to vector<1000x1xf32>
    %broadcast_in_dim3A_22 = vector.broadcast %broadcast_in_dim3A : vector<1000x1xf32> to vector<1000x64xf32>
    %broadcast_in_dim3A_23 = vector.shape_cast %transpose3A_21 : vector<1000x1xf32> to vector<1000x1xf32>
    %broadcast_in_dim3A_24 = vector.broadcast %broadcast_in_dim3A_23 : vector<1000x1xf32> to vector<1000x64xf32>
    %concatenate3A = tpu.concatenate %broadcast_in_dim3A_22, %broadcast_in_dim3A_24 in 1 : vector<1000x64xf32>, vector<1000x64xf32> -> vector<1000x128xf32>
    %get3A_25 = arith.constant 0 : index
    %get3A_26 = arith.constant 0 : index
    %get3A_27 = arith.constant 0 : index
    %get3A_28 = vector.load %arg1[%get3A_25, %get3A_26, %get3A_27] : memref<2x1000x128xf32, #tpu.memory_space<vmem>>, vector<1x1000x128xf32>
    %get3A_29 = vector.shape_cast %get3A_28 : vector<1x1000x128xf32> to vector<1000x128xf32>
    %get3A_30 = arith.constant 1 : index
    %get3A_31 = arith.constant 0 : index
    %get3A_32 = arith.constant 0 : index
    %get3A_33 = vector.load %arg1[%get3A_30, %get3A_31, %get3A_32] : memref<2x1000x128xf32, #tpu.memory_space<vmem>>, vector<1x1000x128xf32>
    %get3A_34 = vector.shape_cast %get3A_33 : vector<1x1000x128xf32> to vector<1000x128xf32>
    %add3A_35 = arith.addf %get3A_29, %get3A_34 : vector<1000x128xf32>
    %get3A_36 = arith.constant 0 : index
    %get3A_37 = arith.constant 0 : index
    %get3A_38 = vector.load %arg2[%get3A_36, %get3A_37] : memref<1000x128xf32, #tpu.memory_space<vmem>>, vector<1000x128xf32>
    %add3A_39 = arith.addf %add3A_35, %get3A_38 : vector<1000x128xf32>
    %mul3A = arith.mulf %concatenate3A, %add3A_39 : vector<1000x128xf32>
    %get3A_40 = arith.constant 0 : index
    %get3A_41 = arith.constant 0 : index
    %get3A_42 = vector.load %arg5[%get3A_40, %get3A_41] : memref<1x128xf32, #tpu.memory_space<vmem>>, vector<1x128xf32>
    %add3A_43 = vector.broadcast %get3A_42 : vector<1x128xf32> to vector<1000x128xf32>
    %add3A_44 = arith.addf %mul3A, %add3A_43 : vector<1000x128xf32>
    %max3A = arith.constant 0.000000e+00 : f32
    %max3A_45 = vector.broadcast %max3A : f32 to vector<1000x128xf32>
    %max3A_46 = arith.maximumf %add3A_44, %max3A_45 : vector<1000x128xf32>
    %get3A_47 = arith.constant 0 : index
    %get3A_48 = arith.constant 0 : index
    %get3A_49 = vector.load %arg6[%get3A_47, %get3A_48] : memref<128x128xf32, #tpu.memory_space<vmem>>, vector<128x128xf32>
    %dot_general3A = arith.constant dense<0.000000e+00> : vector<1000x128xf32>
    %dot_general3A_50 = tpu.matmul %max3A_46, %get3A_49, %dot_general3A {dimension_numbers = #tpu.dot_dimension_numbers<[1], [0], [0], [1], [0, 0, 1, 1], [], []>, transpose_lhs_hint = false} : vector<1000x128xf32>, vector<128x128xf32>, vector<1000x128xf32> -> vector<1000x128xf32>
    %mul3A_51 = arith.mulf %dot_general3A_50, %concatenate3A : vector<1000x128xf32>
    %swap3A = arith.constant 0 : index
    %swap3A_52 = arith.constant 0 : index
    %swap3A_53 = vector.load %arg7[%swap3A, %swap3A_52] : memref<1000x128xf32, #tpu.memory_space<vmem>>, vector<1000x128xf32>
    tpu.vector_store %arg7[%swap3A, %swap3A_52], %mul3A_51 {strides = array<i32>} : memref<1000x128xf32, #tpu.memory_space<vmem>>, vector<1000x128xf32>,
    return
  }
  func.func @transform_0(%arg0: i32) -> (i32, i32, i32) {
    %c0_i32 = arith.constant 0 : i32
    %c0_i32_0 = arith.constant 0 : i32
    %c0_i32_1 = arith.constant 0 : i32
    return %c0_i32, %arg0, %c0_i32_0 : i32, i32, i32
  }
  func.func @transform_1(%arg0: i32) -> (i32, i32) {
    %c0_i32 = arith.constant 0 : i32
    %c0_i32_0 = arith.constant 0 : i32
    return %arg0, %c0_i32 : i32, i32
  }
  func.func @transform_2(%arg0: i32) -> (i32, i32, i32) {
    %c0_i32 = arith.constant 0 : i32
    %c0_i32_0 = arith.constant 0 : i32
    %c0_i32_1 = arith.constant 0 : i32
    return %arg0, %c0_i32, %c0_i32_0 : i32, i32, i32
  }
  func.func @transform_3(%arg0: i32) -> (i32, i32, i32) {
    %c0_i32 = arith.constant 0 : i32
    %c0_i32_0 = arith.constant 0 : i32
    %c0_i32_1 = arith.constant 0 : i32
    return %arg0, %c0_i32, %c0_i32_0 : i32, i32, i32
  }
  func.func @transform_4(%arg0: i32) -> (i32, i32) {
    %c0_i32 = arith.constant 0 : i32
    %c0_i32_0 = arith.constant 0 : i32
    %c0_i32_1 = arith.constant 0 : i32
    return %c0_i32, %c0_i32_0 : i32, i32
  }
  func.func @transform_5(%arg0: i32) -> (i32, i32) {
    %c0_i32 = arith.constant 0 : i32
    %c0_i32_0 = arith.constant 0 : i32
    %c0_i32_1 = arith.constant 0 : i32
    return %c0_i32, %c0_i32_0 : i32, i32
  }
  func.func @transform_6(%arg0: i32) -> (i32, i32) {
    %c0_i32 = arith.constant 0 : i32
    %c0_i32_0 = arith.constant 0 : i32
    return %arg0, %c0_i32 : i32, i32
  }
}

module attributes {stable_mosaic.version = 14 : i64} {
  func.func @_tc3_body(%arg0: i32, %arg1: memref<2x1000x128xf32, #tpu.memory_space<vmem>>, %arg2: memref<1000x128xf32, #tpu.memory_space<vmem>>, %arg3: memref<1x2x1000xf32, #tpu.memory_space<vmem>>, %arg4: memref<1x2x1000xf32, #tpu.memory_space<vmem>>, %arg5: memref<1x128xf32, #tpu.memory_space<vmem>>, %arg6: memref<1x1x1000xi32, #tpu.memory_space<vmem>>, %arg7: memref<1x1x1000xi32, #tpu.memory_space<vmem>>, %arg8: memref<128x64xf32, #tpu.memory_space<vmem>>, %arg9: memref<128x128xf32, #tpu.memory_space<vmem>>) attributes {dimension_semantics = [#tpu.dimension_semantics<arbitrary>], iteration_bounds = array<i64: 5>, scalar_prefetch = 0 : i64, scratch_operands = 1 : i64, tpu.core_type = #tpu.core_type<tc>, window_params = [{transform_indices = @transform_0, window_bounds = array<i64: 2, 1000, 128>}, {transform_indices = @transform_1, window_bounds = array<i64: 1000, 128>}, {transform_indices = @transform_2, window_bounds = array<i64: 1, 2, 1000>}, {transform_indices = @transform_3, window_bounds = array<i64: 1, 2, 1000>}, {pipeline_mode = #tpu.pipeline_mode<synchronous>, transform_indices = @transform_4, window_bounds = array<i64: 1, 128>}, {transform_indices = @transform_5, window_bounds = array<i64: 1, 1, 1000>}, {transform_indices = @transform_6, window_bounds = array<i64: 1, 1, 1000>}, {pipeline_mode = #tpu.pipeline_mode<synchronous>, transform_indices = @transform_7, window_bounds = array<i64: 128, 64>}]} {
    %get3A = arith.constant 0 : index
    %get3A_0 = arith.constant 0 : index
    %get3A_1 = arith.constant 0 : index
    %get3A_2 = vector.load %arg3[%get3A, %get3A_0, %get3A_1] : memref<1x2x1000xf32, #tpu.memory_space<vmem>>, vector<1x2x1000xf32>
    %get3A_3 = arith.constant 0 : index
    %get3A_4 = arith.constant 0 : index
    %get3A_5 = arith.constant 0 : index
    %get3A_6 = vector.load %arg4[%get3A_3, %get3A_4, %get3A_5] : memref<1x2x1000xf32, #tpu.memory_space<vmem>>, vector<1x2x1000xf32>
    %slice3A = vector.extract_strided_slice %get3A_2 {offsets = [0, 0, 0], sizes = [1, 1, 1000], strides = [1, 1, 1]} : vector<1x2x1000xf32> to vector<1x1x1000xf32>
    %squeeze3A = vector.shape_cast %slice3A : vector<1x1x1000xf32> to vector<1x1000xf32>
    %add3A = arith.constant 1.000000e+00 : f32
    %add3A_7 = vector.broadcast %add3A : f32 to vector<1x1000xf32>
    %add3A_8 = arith.addf %add3A_7, %squeeze3A : vector<1x1000xf32>
    %slice3A_9 = vector.extract_strided_slice %get3A_2 {offsets = [0, 1, 0], sizes = [1, 1, 1000], strides = [1, 1, 1]} : vector<1x2x1000xf32> to vector<1x1x1000xf32>
    %squeeze3A_10 = vector.shape_cast %slice3A_9 : vector<1x1x1000xf32> to vector<1x1000xf32>
    %add3A_11 = arith.addf %add3A_8, %squeeze3A_10 : vector<1x1000xf32>
    %slice3A_12 = vector.extract_strided_slice %get3A_6 {offsets = [0, 0, 0], sizes = [1, 1, 1000], strides = [1, 1, 1]} : vector<1x2x1000xf32> to vector<1x1x1000xf32>
    %squeeze3A_13 = vector.shape_cast %slice3A_12 : vector<1x1x1000xf32> to vector<1x1000xf32>
    %add3A_14 = arith.constant 1.000000e+00 : f32
    %add3A_15 = vector.broadcast %add3A_14 : f32 to vector<1x1000xf32>
    %add3A_16 = arith.addf %add3A_15, %squeeze3A_13 : vector<1x1000xf32>
    %slice3A_17 = vector.extract_strided_slice %get3A_6 {offsets = [0, 1, 0], sizes = [1, 1, 1000], strides = [1, 1, 1]} : vector<1x2x1000xf32> to vector<1x1x1000xf32>
    %squeeze3A_18 = vector.shape_cast %slice3A_17 : vector<1x1x1000xf32> to vector<1x1000xf32>
    %add3A_19 = arith.addf %add3A_16, %squeeze3A_18 : vector<1x1000xf32>
    %rsqrt3A = math.rsqrt %add3A_11 : vector<1x1000xf32>
    %transpose3A = tpu.transpose %rsqrt3A, [1, 0] : vector<1x1000xf32> -> vector<1000x1xf32>
    %rsqrt3A_20 = math.rsqrt %add3A_19 : vector<1x1000xf32>
    %transpose3A_21 = tpu.transpose %rsqrt3A_20, [1, 0] : vector<1x1000xf32> -> vector<1000x1xf32>
    %broadcast_in_dim3A = vector.shape_cast %transpose3A : vector<1000x1xf32> to vector<1000x1xf32>
    %broadcast_in_dim3A_22 = vector.broadcast %broadcast_in_dim3A : vector<1000x1xf32> to vector<1000x64xf32>
    %broadcast_in_dim3A_23 = vector.shape_cast %transpose3A_21 : vector<1000x1xf32> to vector<1000x1xf32>
    %broadcast_in_dim3A_24 = vector.broadcast %broadcast_in_dim3A_23 : vector<1000x1xf32> to vector<1000x64xf32>
    %concatenate3A = tpu.concatenate %broadcast_in_dim3A_22, %broadcast_in_dim3A_24 in 1 : vector<1000x64xf32>, vector<1000x64xf32> -> vector<1000x128xf32>
    %get3A_25 = arith.constant 0 : index
    %get3A_26 = arith.constant 0 : index
    %get3A_27 = arith.constant 0 : index
    %get3A_28 = vector.load %arg1[%get3A_25, %get3A_26, %get3A_27] : memref<2x1000x128xf32, #tpu.memory_space<vmem>>, vector<1x1000x128xf32>
    %get3A_29 = vector.shape_cast %get3A_28 : vector<1x1000x128xf32> to vector<1000x128xf32>
    %get3A_30 = arith.constant 1 : index
    %get3A_31 = arith.constant 0 : index
    %get3A_32 = arith.constant 0 : index
    %get3A_33 = vector.load %arg1[%get3A_30, %get3A_31, %get3A_32] : memref<2x1000x128xf32, #tpu.memory_space<vmem>>, vector<1x1000x128xf32>
    %get3A_34 = vector.shape_cast %get3A_33 : vector<1x1000x128xf32> to vector<1000x128xf32>
    %add3A_35 = arith.addf %get3A_29, %get3A_34 : vector<1000x128xf32>
    %get3A_36 = arith.constant 0 : index
    %get3A_37 = arith.constant 0 : index
    %get3A_38 = vector.load %arg2[%get3A_36, %get3A_37] : memref<1000x128xf32, #tpu.memory_space<vmem>>, vector<1000x128xf32>
    %add3A_39 = arith.addf %add3A_35, %get3A_38 : vector<1000x128xf32>
    %mul3A = arith.mulf %concatenate3A, %add3A_39 : vector<1000x128xf32>
    %get3A_40 = arith.constant 0 : index
    %get3A_41 = arith.constant 0 : index
    %get3A_42 = vector.load %arg5[%get3A_40, %get3A_41] : memref<1x128xf32, #tpu.memory_space<vmem>>, vector<1x128xf32>
    %add3A_43 = vector.broadcast %get3A_42 : vector<1x128xf32> to vector<1000x128xf32>
    %add3A_44 = arith.addf %mul3A, %add3A_43 : vector<1000x128xf32>
    %broadcast_in_dim3A_45 = arith.constant 1.000000e+00 : f32
    %broadcast_in_dim3A_46 = vector.broadcast %broadcast_in_dim3A_45 : f32 to vector<1000x64xf32>
    %iota3A = tpu.iota {dimensions = array<i32: 1>} : vector<1000x128xi32>
    %get3A_47 = arith.constant 0 : index
    %get3A_48 = arith.constant 0 : index
    %get3A_49 = arith.constant 0 : index
    %get3A_50 = vector.load %arg6[%get3A_47, %get3A_48, %get3A_49] : memref<1x1x1000xi32, #tpu.memory_space<vmem>>, vector<1x1x1000xi32>
    %get3A_51 = vector.shape_cast %get3A_50 : vector<1x1x1000xi32> to vector<1x1000xi32>
    %transpose3A_52 = tpu.transpose %get3A_51, [1, 0] : vector<1x1000xi32> -> vector<1000x1xi32>
    %get3A_53 = arith.constant 0 : index
    %get3A_54 = arith.constant 0 : index
    %get3A_55 = arith.constant 0 : index
    %get3A_56 = vector.load %arg7[%get3A_53, %get3A_54, %get3A_55] : memref<1x1x1000xi32, #tpu.memory_space<vmem>>, vector<1x1x1000xi32>
    %get3A_57 = vector.shape_cast %get3A_56 : vector<1x1x1000xi32> to vector<1x1000xi32>
    %transpose3A_58 = tpu.transpose %get3A_57, [1, 0] : vector<1x1000xi32> -> vector<1000x1xi32>
    %eq3A = vector.broadcast %transpose3A_52 : vector<1000x1xi32> to vector<1000x128xi32>
    %eq3A_59 = arith.cmpi eq, %eq3A, %iota3A : vector<1000x128xi32>
    %convert_element_type3A = arith.extui %eq3A_59 : vector<1000x128xi1> to vector<1000x128xi32>
    %convert_element_type3A_60 = arith.sitofp %convert_element_type3A : vector<1000x128xi32> to vector<1000x128xf32>
    %eq3A_61 = vector.broadcast %transpose3A_58 : vector<1000x1xi32> to vector<1000x128xi32>
    %eq3A_62 = arith.cmpi eq, %eq3A_61, %iota3A : vector<1000x128xi32>
    %convert_element_type3A_63 = arith.extui %eq3A_62 : vector<1000x128xi1> to vector<1000x128xi32>
    %convert_element_type3A_64 = arith.sitofp %convert_element_type3A_63 : vector<1000x128xi32> to vector<1000x128xf32>
    %slice3A_65 = vector.extract_strided_slice %add3A_44 {offsets = [0, 0], sizes = [1000, 64], strides = [1, 1]} : vector<1000x128xf32> to vector<1000x64xf32>
    %concatenate3A_66 = tpu.concatenate %slice3A_65, %broadcast_in_dim3A_46 in 1 : vector<1000x64xf32>, vector<1000x64xf32> -> vector<1000x128xf32>
    %slice3A_67 = vector.extract_strided_slice %add3A_44 {offsets = [0, 64], sizes = [1000, 64], strides = [1, 1]} : vector<1000x128xf32> to vector<1000x64xf32>
    %concatenate3A_68 = tpu.concatenate %slice3A_67, %broadcast_in_dim3A_46 in 1 : vector<1000x64xf32>, vector<1000x64xf32> -> vector<1000x128xf32>
    %dot_general3A = arith.constant dense<0.000000e+00> : vector<128x128xf32>
    %dot_general3A_69 = tpu.matmul %convert_element_type3A_60, %concatenate3A_66, %dot_general3A {dimension_numbers = #tpu.dot_dimension_numbers<[0], [0], [1], [1], [0, 1, 1, 1], [], []>, transpose_lhs_hint = false} : vector<1000x128xf32>, vector<1000x128xf32>, vector<128x128xf32> -> vector<128x128xf32>
    %dot_general3A_70 = arith.constant dense<0.000000e+00> : vector<128x128xf32>
    %dot_general3A_71 = tpu.matmul %convert_element_type3A_64, %concatenate3A_68, %dot_general3A_70 {dimension_numbers = #tpu.dot_dimension_numbers<[0], [0], [1], [1], [0, 1, 1, 1], [], []>, transpose_lhs_hint = false} : vector<1000x128xf32>, vector<1000x128xf32>, vector<128x128xf32> -> vector<128x128xf32>
    %add3A_72 = arith.addf %dot_general3A_69, %dot_general3A_71 : vector<128x128xf32>
    %eq3A_73 = arith.constant 0 : i32
    %eq3A_74 = arith.cmpi eq, %arg0, %eq3A_73 : i32
    %convert_element_type3A_75 = arith.extui %eq3A_74 : i1 to i32
    %cond3A = arith.constant 0 : i32
    %cond3A_76 = arith.cmpi ne, %convert_element_type3A_75, %cond3A : i32
    scf.if %cond3A_76 {
      %broadcast_in_dim3A_88 = arith.constant 0.000000e+00 : f32
      %broadcast_in_dim3A_89 = vector.broadcast %broadcast_in_dim3A_88 : f32 to vector<128x128xf32>
      %swap3A_90 = arith.constant 0 : index
      %swap3A_91 = arith.constant 0 : index
      %swap3A_92 = vector.load %arg9[%swap3A_90, %swap3A_91] : memref<128x128xf32, #tpu.memory_space<vmem>>, vector<128x128xf32>
      tpu.vector_store %arg9[%swap3A_90, %swap3A_91], %broadcast_in_dim3A_89 {strides = array<i32>} : memref<128x128xf32, #tpu.memory_space<vmem>>, vector<128x128xf32>,
    } else {
    }
    %get3A_77 = arith.constant 0 : index
    %get3A_78 = arith.constant 0 : index
    %get3A_79 = vector.load %arg9[%get3A_77, %get3A_78] : memref<128x128xf32, #tpu.memory_space<vmem>>, vector<128x128xf32>
    %add3A_80 = arith.addf %get3A_79, %add3A_72 : vector<128x128xf32>
    %swap3A = arith.constant 0 : index
    %swap3A_81 = arith.constant 0 : index
    %swap3A_82 = vector.load %arg9[%swap3A, %swap3A_81] : memref<128x128xf32, #tpu.memory_space<vmem>>, vector<128x128xf32>
    tpu.vector_store %arg9[%swap3A, %swap3A_81], %add3A_80 {strides = array<i32>} : memref<128x128xf32, #tpu.memory_space<vmem>>, vector<128x128xf32>,
    %eq3A_83 = arith.constant 4 : i32
    %eq3A_84 = arith.cmpi eq, %arg0, %eq3A_83 : i32
    %convert_element_type3A_85 = arith.extui %eq3A_84 : i1 to i32
    %cond3A_86 = arith.constant 0 : i32
    %cond3A_87 = arith.cmpi ne, %convert_element_type3A_85, %cond3A_86 : i32
    scf.if %cond3A_87 {
      %get3A_88 = arith.constant 0 : index
      %get3A_89 = arith.constant 0 : index
      %get3A_90 = vector.load %arg9[%get3A_88, %get3A_89] : memref<128x128xf32, #tpu.memory_space<vmem>>, vector<128x128xf32>
      %slice3A_91 = vector.extract_strided_slice %get3A_90 {offsets = [0, 0], sizes = [128, 64], strides = [1, 1]} : vector<128x128xf32> to vector<128x64xf32>
      %slice3A_92 = vector.extract_strided_slice %get3A_90 {offsets = [0, 64], sizes = [128, 1], strides = [1, 1]} : vector<128x128xf32> to vector<128x1xf32>
      %max3A = arith.constant 1.000000e+00 : f32
      %max3A_93 = vector.broadcast %max3A : f32 to vector<128x1xf32>
      %max3A_94 = arith.maximumf %slice3A_92, %max3A_93 : vector<128x1xf32>
      %div3A = vector.broadcast %max3A_94 : vector<128x1xf32> to vector<128x64xf32>
      %div3A_95 = arith.divf %slice3A_91, %div3A : vector<128x64xf32>
      %swap3A_96 = arith.constant 0 : index
      %swap3A_97 = arith.constant 0 : index
      %swap3A_98 = vector.load %arg8[%swap3A_96, %swap3A_97] : memref<128x64xf32, #tpu.memory_space<vmem>>, vector<128x64xf32>
      tpu.vector_store %arg8[%swap3A_96, %swap3A_97], %div3A_95 {strides = array<i32>} : memref<128x64xf32, #tpu.memory_space<vmem>>, vector<128x64xf32>,
    } else {
    }
    return
  }
  func.func @transform_0(%arg0: i32) -> (i32, i32, i32) {
    %c0_i32 = arith.constant 0 : i32
    %c0_i32_0 = arith.constant 0 : i32
    %c0_i32_1 = arith.constant 0 : i32
    return %c0_i32, %arg0, %c0_i32_0 : i32, i32, i32
  }
  func.func @transform_1(%arg0: i32) -> (i32, i32) {
    %c0_i32 = arith.constant 0 : i32
    %c0_i32_0 = arith.constant 0 : i32
    return %arg0, %c0_i32 : i32, i32
  }
  func.func @transform_2(%arg0: i32) -> (i32, i32, i32) {
    %c0_i32 = arith.constant 0 : i32
    %c0_i32_0 = arith.constant 0 : i32
    %c0_i32_1 = arith.constant 0 : i32
    return %arg0, %c0_i32, %c0_i32_0 : i32, i32, i32
  }
  func.func @transform_3(%arg0: i32) -> (i32, i32, i32) {
    %c0_i32 = arith.constant 0 : i32
    %c0_i32_0 = arith.constant 0 : i32
    %c0_i32_1 = arith.constant 0 : i32
    return %arg0, %c0_i32, %c0_i32_0 : i32, i32, i32
  }
  func.func @transform_4(%arg0: i32) -> (i32, i32) {
    %c0_i32 = arith.constant 0 : i32
    %c0_i32_0 = arith.constant 0 : i32
    %c0_i32_1 = arith.constant 0 : i32
    return %c0_i32, %c0_i32_0 : i32, i32
  }
  func.func @transform_5(%arg0: i32) -> (i32, i32, i32) {
    %c0_i32 = arith.constant 0 : i32
    %c0_i32_0 = arith.constant 0 : i32
    %c0_i32_1 = arith.constant 0 : i32
    return %arg0, %c0_i32, %c0_i32_0 : i32, i32, i32
  }
  func.func @transform_6(%arg0: i32) -> (i32, i32, i32) {
    %c0_i32 = arith.constant 0 : i32
    %c0_i32_0 = arith.constant 0 : i32
    %c0_i32_1 = arith.constant 0 : i32
    return %arg0, %c0_i32, %c0_i32_0 : i32, i32, i32
  }
  func.func @transform_7(%arg0: i32) -> (i32, i32) {
    %c0_i32 = arith.constant 0 : i32
    %c0_i32_0 = arith.constant 0 : i32
    %c0_i32_1 = arith.constant 0 : i32
    return %c0_i32, %c0_i32_0 : i32, i32
  }
}

</mosaic_0001>

<sc_bundles>
// kernel: kernel.11.cloned.1.call-start
scs
__scs_entry_jumppad:
0x0: {  	(pc) =	sbr.rel $0x88, $3  }
0x1: {  	(tag) =	ssettag $0x0;
	lr =	simm.s32 $0x1  }
0x2: {  	[smem:$0x3F9A] =	sst lr;
	_ =	strace $0xD0000000  }
0x3: {  	_ = 	snop  }
0x4: {  	_ = 	snop  }
0x5: {  	_ = 	snop  }
0x6: {  	_ = 	snop  }
0x7: {  	_ = 	snop  }
__scs_overlays_trampoline_lowered:
0x8: {  	[smem:$0x3FA9] =	sst s0  }
0x9: {  	[smem:$0x3FAA] =	sst s1  }
0xa: {  	[smem:$0x3FAB] =	sst s2  }
0xb: {  	[smem:$0x3FAC] =	sst s3  }
0xc: {  	[smem:$0x3FAD] =	sst s4  }
0xd: {  	[smem:$0x3FAE] =	sst s5  }
0xe: {  	[smem:$0x3FAF] =	sst s6  }
0xf: {  	[smem:$0x3FB0] =	sst s7  }
0x10: {  	[smem:$0x3FB1] =	sst s8  }
0x11: {  	[smem:$0x3FB2] =	sst s9;
	s0 =	simm.s32 @!p0 $0x0  }
0x12: {  	s1 =	sld [smem:$0x3F98];
	s0 =	simm.s32 @p0 $0x1  }
0x13: {  	[smem:$0x3FB3] =	sst s0;
	s0 =	simm.s32 @!p1 $0x0  }
0x14: {  	s2 =	sld [smem:$0x3F97];
	s0 =	simm.s32 @p1 $0x1  }
0x15: {  	[smem:$0x3FB4] =	sst s0;
	s0 =	simm.s32 @!p2 $0x0  }
0x16: {  	s3 =	sld [smem:$0x3FDB];
	s0 =	simm.s32 @p2 $0x1  }
0x17: {  	s4 =	simm.s32 $0x1BF5;
	[smem:$0x3FB6] =	sst s0  }
0x18: {  	s0 =	sld [smem:$0x3F99];
	_ =	swait.ge [sflag:s4], $0x0  }
0x19: {  	s7 =	sld [smem:$0x3F9A]  }
0x1a: {  	s8 =	sadd.s32 $0xFFFFE003, lr  }
0x1b: {  	s9 =	sadd.s32 $0xFFFFFEF7, lr;
	s5 =	simm.s32 $0xFFFFFFFF;
	p2 =	slt.u32 s8, $0xFFFFF086  }
0x1c: {  	p1 =	slt.u32 s9, $0xF7A;
	s5 =	simm.s32 @!p2 $0x0  }
0x1d: {  	s5 =	simm.s32 @p1 $0x1;
	p0 =	seq.s32 s7, s2  }
0x1e: {  	s7 =	smul.u32 @!p0 $0xF7A, s2;
	p2 =	seq.s32 @!p0 s5, $0x0  }
0x1f: {  	s9 =	smul.u32 $0xF7A, s1;
	s8 =	simm.s32 @!p0 $0x1BF5;
	p2 =	por !p2, p0  }
0x20: {  	[sflag:s8] =	ssyncset.s32 @!p0 $0xFFFFF086;
	s6 =	sadd.s32 @!p0 s3, s7;
	s7 =	simm.s32 @!p0 $0x108  }
0x21: {  	s3 =	sadd.s32 s3, s9;
	s6 =	sadd.s32 @!p0 $0x88, s6;
	s7 =	simm.s32 @p2 $0x1082  }
0x22: {  	[simem:s7], [sflag:s8] =	dma.local @!p0 [hbm:s6], $0xF7A  }
0x23: {  	s9 =	sor.u32 $0xD0000000, s2;
	s6 =	simm.s32 $0x108;
	_ =	swait.ge @!p0 [sflag:s8], $0x0  }
0x24: {  	s3 =	sadd.s32 $0x88, s3;
	s6 =	simm.s32 @!p1 $0x1082;
	[sflag:s4] =	ssyncset.s32 $0xFFFFF086  }
0x25: {  	[simem:s6], [sflag:s4] =	dma.local [hbm:s3], $0xF7A  }
0x26: {  	[smem:$0x3F9A] =	sst s1;
	(tag) =	ssettag s2;
	_ =	strace s9  }
0x27: {  	s1 =	sld [smem:$0x3FAA]  }
0x28: {  	s2 =	sld [smem:$0x3FAB]  }
0x29: {  	s4 =	sld [smem:$0x3FAD]  }
0x2a: {  	p0 =	seq.s32 s5, $0x0;
	s5 =	sld [smem:$0x3FAE]  }
0x2b: {  	s6 =	sld [smem:$0x3FAF]  }
0x2c: {  	s7 =	sld [smem:$0x3FB0]  }
0x2d: {  	s3 =	simm.s32 $0x108;
	s8 =	sld [smem:$0x3FB1]  }
0x2e: {  	s3 =	simm.s32 @!p0 $0x1082;
	s9 =	sld [smem:$0x3FB2]  }
0x2f: {  	lr =	sadd.s32 s0, s3;
	s0 =	sld [smem:$0x3FA9]  }
0x30: {  	s3 =	sld [smem:$0x3FAC]  }
0x31: {  	[smem:$0x3FB5] =	sst s10  }
0x32: {  	s10 =	sld [smem:$0x3FB3];
	_ =	sdelay $0x3  }
0x33: {  	p0 =	seq.s32 s10, $0x1;
	s10 =	sld [smem:$0x3FB5];
	_ =	sdelay $0x3  }
0x34: {  	[smem:$0x3FB5] =	sst s10  }
0x35: {  	s10 =	sld [smem:$0x3FB4];
	_ =	sdelay $0x3  }
0x36: {  	p1 =	seq.s32 s10, $0x1;
	s10 =	sld [smem:$0x3FB5];
	_ =	sdelay $0x3  }
0x37: {  	[smem:$0x3FB5] =	sst s10  }
0x38: {  	s10 =	sld [smem:$0x3FB6]  }
0x39: {  	_ = 	snop;
	(pc) =	sbr.ind lr, $3  }
0x3a: {  	_ = 	snop  }
0x3b: {  	_ = 	snop  }
0x3c: {  	p2 =	seq.s32 s10, $0x1;
	s10 =	sld [smem:$0x3FB5]  }
0x3d: {  	_ =	shalt  }
0x3e: {  	_ =	shalt  }
0x3f: {  	_ =	shalt  }
0x40: {  	_ =	shalt  }
0x41: {  	_ =	shalt  }
0x42: {  	_ =	shalt  }
0x43: {  	_ =	shalt  }
0x44: {  	_ =	shalt  }
0x45: {  	_ =	shalt  }
0x46: {  	_ =	shalt  }
0x47: {  	_ =	shalt  }
0x48: {  	_ =	shalt  }
0x49: {  	_ =	shalt  }
0x4a: {  	_ =	shalt  }
0x4b: {  	_ =	shalt  }
0x4c: {  	_ =	shalt  }
0x4d: {  	_ =	shalt  }
0x4e: {  	_ =	shalt  }
0x4f: {  	_ =	shalt  }
0x50: {  	_ =	shalt  }
0x51: {  	_ =	shalt  }
0x52: {  	_ =	shalt  }
0x53: {  	_ =	shalt  }
0x54: {  	_ =	shalt  }
0x55: {  	_ =	shalt  }
0x56: {  	_ =	shalt  }
0x57: {  	_ =	shalt  }
0x58: {  	_ =	shalt  }
0x59: {  	_ =	shalt  }
0x5a: {  	_ =	shalt  }
0x5b: {  	_ =	shalt  }
0x5c: {  	_ =	shalt  }
0x5d: {  	_ =	shalt  }
0x5e: {  	_ =	shalt  }
0x5f: {  	_ =	shalt  }
0x60: {  	_ =	shalt  }
0x61: {  	_ =	shalt  }
0x62: {  	_ =	shalt  }
0x63: {  	_ =	shalt  }
0x64: {  	_ =	shalt  }
0x65: {  	_ =	shalt  }
0x66: {  	_ =	shalt  }
0x67: {  	_ =	shalt  }
0x68: {  	_ =	shalt  }
0x69: {  	_ =	shalt  }
0x6a: {  	_ =	shalt  }
0x6b: {  	_ =	shalt  }
0x6c: {  	_ =	shalt  }
0x6d: {  	_ =	shalt  }
0x6e: {  	_ =	shalt  }
0x6f: {  	_ =	shalt  }
0x70: {  	_ =	shalt  }
0x71: {  	_ =	shalt  }
0x72: {  	_ =	shalt  }
0x73: {  	_ =	shalt  }
0x74: {  	_ =	shalt  }
0x75: {  	_ =	shalt  }
0x76: {  	_ =	shalt  }
0x77: {  	_ =	shalt  }
0x78: {  	_ =	shalt  }
0x79: {  	_ =	shalt  }
0x7a: {  	_ =	shalt  }
0x7b: {  	_ =	shalt  }
0x7c: {  	_ =	shalt  }
0x7d: {  	_ =	shalt  }
0x7e: {  	_ =	shalt  }
0x7f: {  	_ =	shalt  }
0x80: {  	_ =	shalt  }
0x81: {  	_ =	shalt  }
0x82: {  	_ =	shalt  }
0x83: {  	_ =	shalt  }
0x84: {  	_ =	shalt  }
0x85: {  	_ =	shalt  }
0x86: {  	_ =	shalt  }
0x87: {  	_ =	shalt  }
.Lfunc_end0:
.L_simem_size_0:
called_computation.1_lowered:
.L_overlay_start_0:
0x88: {  	s2 =	sld [smem:$0x3FD9]  }
0x89: {  	s3 =	sld [smem:$0x3FFE];
	_ =	sdelay $0x1  }
0x8a: {  	s1 =	srdreg.scid  }
0x8b: {  	s0 =	sand.u32 $0x1, s1  }
0x8c: {  	s16 =	sshll.u32 s0, $0xA;
	s2 =	sadd.s32 s3, s2  }
0x8d: {  	s2 =	sadd.s32 s2, s16  }
0x8e: {  	[smem:$0x3FC1] =	sst s2  }
0x8f: {  	_ = 	snop  }
0x90: {  	(tm) =	ssettm $0x1  }
0x91: {  	s17 =	sld [smem:$0x3FFB];
	_ =	sdelay $0x3  }
0x92: {  	_ =	strace s17  }
0x93: {  	s2 =	sld [smem:$0x3FFC];
	_ =	sdelay $0x3  }
0x94: {  	_ =	strace s2  }
0x95: {  	s2 =	sld [smem:$0x3FFD];
	_ =	sdelay $0x3  }
0x96: {  	_ =	strace s2  }
0x97: {  	_ =	strace $0x8FFFFFFF  }
0x98: {  	s18 =	sld [smem:$0x3FDB];
	_ =	sdelay $0x1  }
0x99: {  	s19 =	simm.s32 $_scs_section_size  }
0x9a: {  	s4 =	simm.s32 $_size__tile_overlayer_lowered;
	s5 =	simm.s32 $_tile_overlayer_lowered  }
0x9b: {  	s22 =	simm.s32 $0x1BFF;
	s21 =	sshll.u32 s5, $0x1;
	s2 =	sadd.s32 s19, s18  }
0x9c: {  	s6 =	simm.s32 $0x0;
	s20 =	sshll.u32 s4, $0x1;
	s4 =	sadd.s32 s21, s2  }
0x9d: {  	[timem:s6], [sflag:s22] =	dma.local [hbm:s4], s20  }
0x9e: {  	_ =	swait.ge [sflag:s22], s20  }
0x9f: {  	s3 =	ssub.s32 $0x0, s20;
	[sflag:s22] =	ssyncset.done $0x0  }
0xa0: {  	[sflag:s22] =	ssyncadd.s32 s3;
	_ =	sdelay $0x1  }
0xa1: {  	s23 =	simm.s32 $0x1B8B  }
0xa2: {  	_ =	swait.ge [sflag:s23], $0x1  }
0xa3: {  	[sflag:s23] =	ssyncset.done $0x0  }
0xa4: {  	s25 =	simm.s32 $0x1B8E;
	s24 =	sld [smem:$0x3FFE];
	[sflag:s23] =	ssyncadd.s32 $0xFFFFFFFF  }
0xa5: {  	s26 =	simm.s32 $execute0_lowered;
	[smem:$0x3FD2] =	sst s25  }
0xa6: {  	s4 =	sshll.u32 s26, $0x1;
	_ =	strace $0x80000049;
	[dreg:$0x1] =	wrdreg $0xFFFFFFFF  }
0xa7: {  	s28 =	simm.s32 $_size_execute0_lowered;
	s2 =	sadd.s32 s2, s4;
	[dreg:$0x0] =	wrdreg $0x0  }
0xa8: {  	s4 =	sshll.u32 s28, $0x1;
	[dreg:$0x2] =	wrdreg s2  }
0xa9: {  	[dreg:$0x3] =	wrdreg s4  }
0xaa: {  	[dreg:$0x4] =	wrdreg $0xC0  }
0xab: {  	_ =	task [dreg:s6], $0x5FFFF  }
0xac: {  	[dreg:$0x1] =	wrdreg $0xFFFFFFFF  }
0xad: {  	[dreg:$0x0] =	wrdreg $0x60  }
0xae: {  	[dreg:$0x2] =	wrdreg s24  }
0xaf: {  	[dreg:$0x3] =	wrdreg $0x116200  }
0xb0: {  	[dreg:$0x4] =	wrdreg $0x9  }
0xb1: {  	_ =	task.clear_ibuf [dreg:s6], $0x5FFFF;
	_ =	strace $0x90000049  }
0xb2: {  	s29 =	simm.s32 $0x9;
	_ =	strace $0x8000004B  }
0xb3: {  	_ =	swait.ge [sflag:s29], $0x1  }
0xb4: {  	[sflag:s29] =	ssyncadd.s32 $0xFFFFFFFF  }
0xb5: {  	_ =	strace $0x9000004B  }
0xb6: {  	_ =	sfence  }
0xb7: {  	s30 =	sld [smem:$0x0];
	_ =	sdelay $0x2  }
0xb8: {  	s31 =	sshll.u32 s1, $0xD;
	s1 =	sshrl.u32 s1, $0x2  }
0xb9: {  	s3 =	sand.u32 $0x4000, s31;
	s1 =	sadd.s32 s1, s30  }
0xba: {  	s0 =	sor.u32 s3, s0;
	s1 =	sshll.u32 s1, $0x11  }
0xbb: {  	s0 =	sor.u32 s1, s0  }
0xbc: {  	s0 =	sadd.s32 $0x8F2B, s0  }
0xbd: {  	[sflag:s0] =	ssyncadd.remote.s32 $0x1  }
0xbe: {  	_ =	sfence.sel $0xFFFF  }
0xbf: {  	[dreg:$0x0] =	wrdreg $0xFFFFFFFF;
	(pc) =	sbr.abs _section_cstart, $3  }
0xc0: {  	[dreg:$0x1] =	wrdreg $0xFFFFFFFF  }
0xc1: {  	_ =	task.clear_ibuf [dreg:s6], $0x2FFFF;
	_ =	strace $0x9FFFFFFF  }
0xc2: {  	(tm) =	ssettm $0x7FFFFFFF  }
0xc3: {  	_ =	shalt  }
tec
execute0_lowered:
.L_overlay_start_1:
0x0: {  	(tag) =	ssettag $0x1  }
0x1: {  	s0 =	rddreg [dreg:$0x0]  }
0x2: {  	s1 =	srdreg.scid;
	s2 =	rddreg [dreg:$0x1]  }
0x3: {  	s10 =	stileid.u32;
	s4 =	simm.s32 $0x0;
	s17 =	simm.s32 $0x50  }
0x4: {  	s23 =	simm.s32 $0x7620;
	s13 =	simm.s32 $0xB220;
	s22 =	simm.s32 $0xC620  }
0x5: {  	s29 =	simm.s32 $0x10220;
	s31 =	simm.s32 $0x4;
	s20 =	simm.s32 $0xB  }
0x6: {  	s11 =	simm.s32 $0x8;
	s14 =	simm.s32 $0xA;
	s15 =	simm.s32 $0x10  }
0x7: {  	s16 =	simm.s32 $0x11;
	s12 =	simm.s32 $0x12;
	s18 =	simm.s32 $0x13  }
0x8: {  	s28 =	simm.s32 $0x14;
	s1 =	sand.u32 $0x1, s1;
	s5 =	smul.u32 $0x9C00, s10  }
0x9: {  	[smem:$0x7FF] =	sst s4;
	s4 =	sadd.s32 $0x15C00, s0;
	s8 =	sadd.s32 $0x3D000, s0  }
0xa: {  	p0 =	seq.s32 s10, $0xF;
	s3 =	sshll.u32 s1, $0x4;
	_ =	strace $0x8000004A  }
0xb: {  	s7 =	ssub.s32 $0x2, s1;
	s1 =	smul.u32 $0x9C400, s1;
	s6 =	sshrl.u32 s5, $0x3  }
0xc: {  	s3 =	sor.u32 s10, s3;
	s9 =	sshrl.u32 s7, $0x1;
	s6 =	sadd.s32 s6, s0  }
0xd: {  	s3 =	smul.u32 $0x4E2, s3;
	s7 =	ssub.s32 s7, s9;
	s6 =	sadd.s32 $0x29600, s6  }
0xe: {  	s9 =	simm.s32 $0x0;
	s30 =	smax.u32 s7, $0x1;
	[dreg:$0x5] =	wrdreg s6  }
0xf: {  	s3 =	sadd.s32 s3, s0;
	s0 =	sadd.s32 $0x3BA80, s0;
	[dreg:$0x9] =	wrdreg s30  }
0x10: {  	s7 =	simm.s32 $0xE;
	s24 =	sadd.s32 $0x2000, s3;
	[dreg:$0x6] =	wrdreg s0  }
0x11: {  	s6 =	sadd.s32 $0x92400, s2;
	s3 =	sadd.s32 $0xBE00, s3;
	[dreg:$0x3] =	wrdreg s24  }
0x12: {  	[dreg:$0x4] =	wrdreg s3;
	s3 =	sadd.s32 s5, s2;
	s5 =	sadd.s32 s5, s1  }
0x13: {  	s1 =	sshrl.u32 s1, $0x3;
	s24 =	simm.s32 $0xDA20;
	s5 =	sshrl.u32 s5, $0x3  }
0x14: {  	s26 =	sadd.s32 s8, s1;
	s1 =	simm.s32 $0x5;
	s25 =	sadd.s32 s8, s5  }
0x15: {  	s0 =	sadd.s32 $0x12480, s26;
	s26 =	simm.s32 $0xEE20;
	s5 =	simm.s32 $0xC  }
.Ltmp0:
0x16: {  	s8 =	simm.s32 $0xF;
	[dreg:$0x7] =	wrdreg s25;
	(pc) =	sbr.rel .LBB2_1-.Ltmp0, $4  }
0x17: {  	[dreg:$0x8] =	wrdreg s0;
	s0 =	sshll.u32 @!p0 s10, $0x6;
	s25 =	sshrl.u32 @p0 s6, $0x3  }
0x18: {  	s6 =	simm.s32 $0xD;
	s0 =	sor.u32 @!p0 $0x1C15, s0;
	[dreg:$0xa] =	wrdreg s25  }
0x19: {  	s10 =	simm.s32 $0x7;
	[dreg:$0xb] =	wrdreg s0;
	s0 =	sshrl.u32 @!p0 s3, $0x3  }
0x1a: {  	s3 =	simm.s32 $0x9;
	[dreg:$0xc] =	wrdreg s0;
	s0 =	simm.s32 $0x6220  }
.LBB2_4:
0x1b: {  	_ =	swait.ge [sflag:s16], $0x1400  }
0x1c: {  	[sflag:s16] =	ssyncset.done $0x0  }
0x1d: {  	[sflag:s16] =	ssyncadd.s32 $0xFFFFEC00  }
0x1e: {  	_ =	swait.ge [sflag:s12], $0x1400  }
0x1f: {  	[sflag:s12] =	ssyncset.done $0x0  }
0x20: {  	[sflag:s12] =	ssyncadd.s32 $0xFFFFEC00  }
0x21: {  	_ =	swait.ge [sflag:s18], $0x1400  }
0x22: {  	[sflag:s18] =	ssyncset.done $0x0  }
0x23: {  	[sflag:s18] =	ssyncadd.s32 $0xFFFFEC00  }
0x24: {  	_ =	swait.ge [sflag:s28], $0x1400  }
0x25: {  	[sflag:s28] =	ssyncset.done $0x0  }
0x26: {  	s9 =	simm.s32 $0x1;
	[sflag:s28] =	ssyncadd.s32 $0xFFFFEC00  }
0x27: {  	_ =	swait.ge [sflag:s9], $0x1400  }
0x28: {  	[sflag:s9] =	ssyncset.done $0x0  }
0x29: {  	s19 =	simm.s32 $0x4E20;
	s30 =	simm.s32 $0x4C90;
	[sflag:s9] =	ssyncadd.s32 $0xFFFFEC00  }
0x2a: {  	[spmem:s2] =	stream.indirect.scatter.add.f32 [tilespmem:s19], [sflag:$0xB], $0x40, s30, s17, $0xb8;
	[tilespmem:$0x1B260] =	vst v63  }
0x2b: {  	s19 =	simm.s32 $0x2  }
0x2c: {  	_ =	swait.ge [sflag:s19], $0x1400  }
0x2d: {  	[sflag:s19] =	ssyncset.done $0x0  }
0x2e: {  	s21 =	simm.s32 $0x4CE0;
	s25 =	simm.s32 $0x3;
	[sflag:s19] =	ssyncadd.s32 $0xFFFFEC00  }
0x2f: {  	[spmem:s2] =	stream.indirect.scatter.add.f32 [tilespmem:s0], [sflag:$0xC], $0x40, s21, s17, $0xb8;
	[tilespmem:$0x1B260] =	vst v63  }
0x30: {  	_ =	swait.ge [sflag:s25], $0x1400  }
0x31: {  	[sflag:s25] =	ssyncset.done $0x0  }
0x32: {  	s30 =	simm.s32 $0x4D30;
	[sflag:s25] =	ssyncadd.s32 $0xFFFFEC00  }
0x33: {  	[spmem:s2] =	stream.indirect.scatter.add.f32 [tilespmem:s23], [sflag:$0xD], $0x40, s30, s17, $0xb8;
	[tilespmem:$0x1B260] =	vst v63  }
0x34: {  	_ =	swait.ge [sflag:s31], $0x1400  }
0x35: {  	[sflag:s31] =	ssyncset.done $0x0  }
0x36: {  	s9 =	simm.s32 $0x8A20;
	s21 =	simm.s32 $0x4D80;
	[sflag:s31] =	ssyncadd.s32 $0xFFFFEC00  }
0x37: {  	[spmem:s2] =	stream.indirect.scatter.add.f32 [tilespmem:s9], [sflag:$0xE], $0x40, s21, s17, $0xb8;
	[tilespmem:$0x1B260] =	vst v63  }
0x38: {  	_ =	swait.ge [sflag:s1], $0x1400  }
0x39: {  	[sflag:s1] =	ssyncset.done $0x0  }
0x3a: {  	s25 =	simm.s32 $0x9E20;
	s30 =	simm.s32 $0x4DD0;
	[sflag:s1] =	ssyncadd.s32 $0xFFFFEC00  }
0x3b: {  	[spmem:s2] =	stream.indirect.scatter.add.f32 [tilespmem:s25], [sflag:$0xF], $0x40, s30, s17, $0xb8;
	[tilespmem:$0x1B260] =	vst v63  }
0x3c: {  	_ =	swait.ge [sflag:s20], $0x1400  }
0x3d: {  	[sflag:s20] =	ssyncset.done $0x0  }
0x3e: {  	[sflag:s20] =	ssyncadd.s32 $0xFFFFEC00  }
0x3f: {  	_ =	swait.ge [sflag:s5], $0x1400  }
0x40: {  	[sflag:s5] =	ssyncset.done $0x0  }
0x41: {  	[sflag:s5] =	ssyncadd.s32 $0xFFFFEC00  }
0x42: {  	_ =	swait.ge [sflag:s6], $0x1400  }
0x43: {  	[sflag:s6] =	ssyncset.done $0x0  }
0x44: {  	[sflag:s6] =	ssyncadd.s32 $0xFFFFEC00  }
0x45: {  	_ =	swait.ge [sflag:s7], $0x1400  }
0x46: {  	[sflag:s7] =	ssyncset.done $0x0  }
0x47: {  	[sflag:s7] =	ssyncadd.s32 $0xFFFFEC00  }
0x48: {  	_ =	swait.ge [sflag:s8], $0x1400  }
0x49: {  	[sflag:s8] =	ssyncset.done $0x0  }
0x4a: {  	[sflag:s8] =	ssyncadd.s32 $0xFFFFEC00  }
0x4b: {  	[bflag:$0x0] =	sbarrier.arrive $0xFFFF  }
0x4c: {  	s21 =	rddreg [dreg:$0x8]  }
0x4d: {  	s19 =	simm.s32 @p0 $0x1FD5;
	s25 =	rddreg [dreg:$0xa]  }
0x4e: {  	[hbm:s21], [sflag:s19] =	dma.local @p0 [spmem:s25], $0x1400  }
0x4f: {  	s19 =	simm.s32 @p0 $0x15  }
0x50: {  	_ =	swait.ge @p0 [sflag:s19], $0x1400  }
0x51: {  	s9 =	rddreg [dreg:$0xb]  }
0x52: {  	[sflag:s19] =	ssyncset.done @p0 $0x0;
	s21 =	rddreg [dreg:$0xc]  }
0x53: {  	[sflag:s19] =	ssyncadd.s32 @p0 $0xFFFFEC00;
	s19 =	rddreg [dreg:$0x7]  }
0x54: {  	[hbm:s19], [sflag:s9] =	dma.local @!p0 [spmem:s21], $0x1380  }
0x55: {  	s19 =	simm.s32 @!p0 $0x15  }
0x56: {  	_ =	swait.ge @!p0 [sflag:s19], $0x1380  }
0x57: {  	s21 =	rddreg [dreg:$0xd]  }
0x58: {  	s30 =	rddreg [dreg:$0x9];
	s9 =	sadd.s32 $0x1, s21  }
0x59: {  	p1 =	sne.s32 s9, s30  }
.Ltmp1:
0x5a: {  	_ = 	snop;
	(pc) =	sbr.rel @!p1 .LBB2_5-.Ltmp1, $3  }
0x5b: {  	_ =	sdelay $0x1  }
0x5c: {  	[sflag:s19] =	ssyncset.done @!p0 $0x0  }
0x5d: {  	[sflag:s19] =	ssyncadd.s32 @!p0 $0xFFFFEC80  }
.LBB2_1:
0x5e: {  	[dreg:$0xd] =	wrdreg s9  }
0x5f: {  	s9 =	simm.s32 $0x0;
	s19 =	rddreg [dreg:$0x3];
	s30 =	simm.s32 $0x15  }
0x60: {  	[tilespmem:s9], [sflag:$0x15] =	stream.linear.gather [hbm4b:s19+s9], $0x2710, $0x38;
	[tilespmem:$0x1B260] =	vst v63  }
0x61: {  	_ =	swait.ge [sflag:s30], $0x2710  }
0x62: {  	[sflag:s30] =	ssyncset.done $0x0  }
0x63: {  	s21 =	simm.s32 $0x2710;
	s19 =	rddreg [dreg:$0x4];
	[sflag:s30] =	ssyncadd.s32 $0xFFFFD8F0  }
0x64: {  	[tilespmem:s21], [sflag:$0x15] =	stream.linear.gather [hbm4b:s19+s9], $0x2710, $0x38;
	[tilespmem:$0x1B260] =	vst v63  }
0x65: {  	_ =	swait.ge [sflag:s30], $0x2710  }
0x66: {  	[sflag:s30] =	ssyncset.done $0x0  }
0x67: {  	s19 =	simm.s32 @p0 $0x1FD5;
	[sflag:s30] =	ssyncadd.s32 $0xFFFFD8F0;
	s30 =	rddreg [dreg:$0x6]  }
0x68: {  	[spmem:s25], [sflag:s19] =	dma.local @p0 [hbm:s30], $0x1400  }
0x69: {  	s19 =	simm.s32 @p0 $0x15  }
0x6a: {  	_ =	swait.ge @p0 [sflag:s19], $0x1400  }
0x6b: {  	s25 =	rddreg [dreg:$0xb]  }
0x6c: {  	[sflag:s19] =	ssyncset.done @p0 $0x0;
	s9 =	rddreg [dreg:$0xc]  }
0x6d: {  	[sflag:s19] =	ssyncadd.s32 @p0 $0xFFFFEC00;
	s19 =	rddreg [dreg:$0x5]  }
0x6e: {  	[spmem:s9], [sflag:s25] =	dma.local @!p0 [hbm:s19], $0x1380  }
0x6f: {  	s19 =	simm.s32 @!p0 $0x15  }
0x70: {  	_ =	swait.ge @!p0 [sflag:s19], $0x1380  }
0x71: {  	[sflag:s19] =	ssyncset.done @!p0 $0x0  }
0x72: {  	[sflag:s19] =	ssyncadd.s32 @!p0 $0xFFFFEC80  }
0x73: {  	s21 =	simm.s32 $0x0;
	s30 =	simm.s32 $0x4E20;
	[bflag:$0x0] =	sbarrier.arrive $0xFFFF  }
0x74: {  	[tilespmem:s30], [sflag:$0x1] =	stream.indirect.gather [hbm4b:s4+s17], $0x40, s21, s17, $0xb8;
	[tilespmem:$0x1B260] =	vst v63  }
0x75: {  	_ = 	snop  }
0x76: {  	[tilespmem:s0], [sflag:$0x2] =	stream.indirect.gather [hbm4b:s4+s17], $0x40, s17, s17, $0xb8;
	[tilespmem:$0x1B260] =	vst v63  }
0x77: {  	s19 =	simm.s32 $0xA0  }
0x78: {  	[tilespmem:s23], [sflag:$0x3] =	stream.indirect.gather [hbm4b:s4+s17], $0x40, s19, s17, $0xb8;
	[tilespmem:$0x1B260] =	vst v63  }
0x79: {  	s21 =	simm.s32 $0xF0;
	s23 =	simm.s32 $0x8A20  }
0x7a: {  	[tilespmem:s23], [sflag:$0x4] =	stream.indirect.gather [hbm4b:s4+s17], $0x40, s21, s17, $0xb8;
	[tilespmem:$0x1B260] =	vst v63  }
0x7b: {  	s25 =	simm.s32 $0x140;
	s30 =	simm.s32 $0x9E20  }
0x7c: {  	[tilespmem:s30], [sflag:$0x5] =	stream.indirect.gather [hbm4b:s4+s17], $0x40, s25, s17, $0xb8;
	[tilespmem:$0x1B260] =	vst v63  }
0x7d: {  	s19 =	simm.s32 $0x190  }
0x7e: {  	[tilespmem:s13], [sflag:$0x6] =	stream.indirect.gather [hbm4b:s4+s17], $0x40, s19, s17, $0xb8;
	[tilespmem:$0x1B260] =	vst v63  }
0x7f: {  	s21 =	simm.s32 $0x1E0  }
0x80: {  	[tilespmem:s22], [sflag:$0x7] =	stream.indirect.gather [hbm4b:s4+s17], $0x40, s21, s17, $0xb8;
	[tilespmem:$0x1B260] =	vst v63  }
0x81: {  	s23 =	simm.s32 $0x230  }
0x82: {  	[tilespmem:s24], [sflag:$0x8] =	stream.indirect.gather [hbm4b:s4+s17], $0x40, s23, s17, $0xb8;
	[tilespmem:$0x1B260] =	vst v63  }
0x83: {  	s9 =	simm.s32 $0x10220;
	s25 =	simm.s32 $0x280  }
0x84: {  	[tilespmem:s26], [sflag:$0x9] =	stream.indirect.gather [hbm4b:s4+s17], $0x40, s25, s17, $0xb8;
	[tilespmem:$0x1B260] =	vst v63  }
0x85: {  	s30 =	simm.s32 $0x2D0;
	s19 =	simm.s32 $0x0;
	s24 =	simm.s32 $0xC620  }
0x86: {  	[tilespmem:s29], [sflag:$0xA] =	stream.indirect.gather [hbm4b:s4+s17], $0x40, s30, s17, $0xb8;
	[tilespmem:$0x1B260] =	vst v63  }
0x87: {  	s25 =	simm.s32 $0xB220;
	s26 =	simm.s32 $0xDA20;
	s29 =	simm.s32 $0xEE20  }
.LBB2_2:
0x88: {  	s0 =	simm.s32 $0x1  }
0x89: {  	_ =	swait.ge [sflag:s0], $0x1400  }
0x8a: {  	s30 =	sshra.s32 s19, $0x2;
	s13 =	simm.s32 $0x2;
	[sflag:s0] =	ssyncset.done $0x0  }
0x8b: {  	s21 =	sadd.s32 $0x2710, s30;
	[sflag:s0] =	ssyncadd.s32 $0xFFFFEC00;
	s0 =	simm.s32 $0x4E20  }
0x8c: {  	[spmem:s2] =	stream.indirect.scatter.add.f32 [tilespmem:s0], [sflag:$0xB], $0x40, s21, s17, $0xb8;
	[tilespmem:$0x1B260] =	vst v63  }
0x8d: {  	_ =	swait.ge [sflag:s13], $0x1400  }
0x8e: {  	[sflag:s13] =	ssyncset.done $0x0  }
0x8f: {  	s23 =	simm.s32 $0x6220;
	s22 =	sadd.s32 $0x2760, s30;
	[sflag:s13] =	ssyncadd.s32 $0xFFFFEC00  }
0x90: {  	[spmem:s2] =	stream.indirect.scatter.add.f32 [tilespmem:s23], [sflag:$0xC], $0x40, s22, s17, $0xb8;
	[tilespmem:$0x1B260] =	vst v63  }
0x91: {  	s23 =	simm.s32 $0x3  }
0x92: {  	_ =	swait.ge [sflag:s23], $0x1400  }
0x93: {  	[sflag:s23] =	ssyncset.done $0x0  }
0x94: {  	s13 =	sadd.s32 $0x27B0, s30;
	[sflag:s23] =	ssyncadd.s32 $0xFFFFEC00;
	s23 =	simm.s32 $0x7620  }
0x95: {  	[spmem:s2] =	stream.indirect.scatter.add.f32 [tilespmem:s23], [sflag:$0xD], $0x40, s13, s17, $0xb8;
	[tilespmem:$0x1B260] =	vst v63  }
0x96: {  	_ =	swait.ge [sflag:s31], $0x1400  }
0x97: {  	[sflag:s31] =	ssyncset.done $0x0  }
0x98: {  	s22 =	sadd.s32 $0x2800, s30;
	s13 =	simm.s32 $0x8A20;
	[sflag:s31] =	ssyncadd.s32 $0xFFFFEC00  }
0x99: {  	[spmem:s2] =	stream.indirect.scatter.add.f32 [tilespmem:s13], [sflag:$0xE], $0x40, s22, s17, $0xb8;
	[tilespmem:$0x1B260] =	vst v63  }
0x9a: {  	_ =	swait.ge [sflag:s1], $0x1400  }
0x9b: {  	[sflag:s1] =	ssyncset.done $0x0  }
0x9c: {  	s21 =	sadd.s32 $0x2850, s30;
	s22 =	simm.s32 $0x9E20;
	[sflag:s1] =	ssyncadd.s32 $0xFFFFEC00  }
0x9d: {  	[spmem:s2] =	stream.indirect.scatter.add.f32 [tilespmem:s22], [sflag:$0xF], $0x40, s21, s17, $0xb8;
	[tilespmem:$0x1B260] =	vst v63  }
0x9e: {  	_ =	swait.ge [sflag:s20], $0x1400  }
0x9f: {  	[sflag:s20] =	ssyncset.done $0x0  }
0xa0: {  	s21 =	sadd.s32 $0x320, s30;
	[sflag:s20] =	ssyncadd.s32 $0xFFFFEC00  }
0xa1: {  	[tilespmem:s0], [sflag:$0x1] =	stream.indirect.gather [hbm4b:s4+s17], $0x40, s21, s17, $0xb8;
	[tilespmem:$0x1B260] =	vst v63  }
0xa2: {  	_ =	swait.ge [sflag:s5], $0x1400  }
0xa3: {  	[sflag:s5] =	ssyncset.done $0x0  }
0xa4: {  	s0 =	simm.s32 $0x6220;
	s21 =	sadd.s32 $0x370, s30;
	[sflag:s5] =	ssyncadd.s32 $0xFFFFEC00  }
0xa5: {  	[tilespmem:s0], [sflag:$0x2] =	stream.indirect.gather [hbm4b:s4+s17], $0x40, s21, s17, $0xb8;
	[tilespmem:$0x1B260] =	vst v63  }
0xa6: {  	_ =	swait.ge [sflag:s6], $0x1400  }
0xa7: {  	[sflag:s6] =	ssyncset.done $0x0  }
0xa8: {  	s21 =	sadd.s32 $0x3C0, s30;
	[sflag:s6] =	ssyncadd.s32 $0xFFFFEC00  }
0xa9: {  	[tilespmem:s23], [sflag:$0x3] =	stream.indirect.gather [hbm4b:s4+s17], $0x40, s21, s17, $0xb8;
	[tilespmem:$0x1B260] =	vst v63  }
0xaa: {  	_ =	swait.ge [sflag:s7], $0x1400  }
0xab: {  	[sflag:s7] =	ssyncset.done $0x0  }
0xac: {  	s21 =	sadd.s32 $0x410, s30;
	[sflag:s7] =	ssyncadd.s32 $0xFFFFEC00  }
0xad: {  	[tilespmem:s13], [sflag:$0x4] =	stream.indirect.gather [hbm4b:s4+s17], $0x40, s21, s17, $0xb8;
	[tilespmem:$0x1B260] =	vst v63  }
0xae: {  	_ =	swait.ge [sflag:s8], $0x1400  }
0xaf: {  	[sflag:s8] =	ssyncset.done $0x0  }
0xb0: {  	s13 =	sadd.s32 $0x460, s30;
	[sflag:s8] =	ssyncadd.s32 $0xFFFFEC00  }
0xb1: {  	[tilespmem:s22], [sflag:$0x5] =	stream.indirect.gather [hbm4b:s4+s17], $0x40, s13, s17, $0xb8;
	[tilespmem:$0x1B260] =	vst v63  }
0xb2: {  	s22 =	simm.s32 $0x6  }
0xb3: {  	_ =	swait.ge [sflag:s22], $0x1400  }
0xb4: {  	[sflag:s22] =	ssyncset.done $0x0  }
0xb5: {  	s13 =	sadd.s32 $0x28A0, s30;
	[sflag:s22] =	ssyncadd.s32 $0xFFFFEC00  }
0xb6: {  	[spmem:s2] =	stream.indirect.scatter.add.f32 [tilespmem:s25], [sflag:$0x10], $0x40, s13, s17, $0xb8;
	[tilespmem:$0x1B260] =	vst v63  }
0xb7: {  	_ =	swait.ge [sflag:s10], $0x1400  }
0xb8: {  	[sflag:s10] =	ssyncset.done $0x0  }
0xb9: {  	s22 =	sadd.s32 $0x28F0, s30;
	[sflag:s10] =	ssyncadd.s32 $0xFFFFEC00  }
0xba: {  	[spmem:s2] =	stream.indirect.scatter.add.f32 [tilespmem:s24], [sflag:$0x11], $0x40, s22, s17, $0xb8;
	[tilespmem:$0x1B260] =	vst v63  }
0xbb: {  	_ =	swait.ge [sflag:s11], $0x1400  }
0xbc: {  	[sflag:s11] =	ssyncset.done $0x0  }
0xbd: {  	s24 =	sadd.s32 $0x2940, s30;
	[sflag:s11] =	ssyncadd.s32 $0xFFFFEC00  }
0xbe: {  	[spmem:s2] =	stream.indirect.scatter.add.f32 [tilespmem:s26], [sflag:$0x12], $0x40, s24, s17, $0xb8;
	[tilespmem:$0x1B260] =	vst v63  }
0xbf: {  	_ =	swait.ge [sflag:s3], $0x1400  }
0xc0: {  	[sflag:s3] =	ssyncset.done $0x0  }
0xc1: {  	s25 =	sadd.s32 $0x2990, s30;
	[sflag:s3] =	ssyncadd.s32 $0xFFFFEC00  }
0xc2: {  	[spmem:s2] =	stream.indirect.scatter.add.f32 [tilespmem:s29], [sflag:$0x13], $0x40, s25, s17, $0xb8;
	[tilespmem:$0x1B260] =	vst v63  }
0xc3: {  	_ =	swait.ge [sflag:s14], $0x1400  }
0xc4: {  	p1 =	seq.s32 s19, $0x8980;
	[sflag:s14] =	ssyncset.done $0x0  }
.Ltmp2:
0xc5: {  	s26 =	sadd.s32 $0x29E0, s30;
	[sflag:s14] =	ssyncadd.s32 $0xFFFFEC00;
	(pc) =	sbr.rel @p1 .LBB2_4-.Ltmp2, $4  }
0xc6: {  	[spmem:s2] =	stream.indirect.scatter.add.f32 [tilespmem:s9], [sflag:$0x14], $0x40, s26, s17, $0xb8;
	[tilespmem:$0x1B260] =	vst v63  }
0xc7: {  	s13 =	simm.s32 $0xB220;
	_ =	swait.ge [sflag:s15], $0x1400  }
0xc8: {  	s22 =	simm.s32 $0xC620;
	s24 =	simm.s32 $0xDA20;
	[sflag:s15] =	ssyncset.done $0x0  }
0xc9: {  	s29 =	simm.s32 $0x10220;
	s26 =	simm.s32 $0xEE20;
	[sflag:s15] =	ssyncadd.s32 $0xFFFFEC00  }
0xca: {  	s21 =	sadd.s32 $0x4B0, s30  }
0xcb: {  	[tilespmem:s13], [sflag:$0x6] =	stream.indirect.gather [hbm4b:s4+s17], $0x40, s21, s17, $0xb8;
	[tilespmem:$0x1B260] =	vst v63  }
0xcc: {  	_ =	swait.ge [sflag:s16], $0x1400  }
0xcd: {  	[sflag:s16] =	ssyncset.done $0x0  }
0xce: {  	s13 =	sadd.s32 $0x500, s30;
	[sflag:s16] =	ssyncadd.s32 $0xFFFFEC00  }
0xcf: {  	[tilespmem:s22], [sflag:$0x7] =	stream.indirect.gather [hbm4b:s4+s17], $0x40, s13, s17, $0xb8;
	[tilespmem:$0x1B260] =	vst v63  }
0xd0: {  	_ =	swait.ge [sflag:s12], $0x1400  }
0xd1: {  	[sflag:s12] =	ssyncset.done $0x0  }
0xd2: {  	s23 =	sadd.s32 $0x550, s30;
	[sflag:s12] =	ssyncadd.s32 $0xFFFFEC00  }
0xd3: {  	[tilespmem:s24], [sflag:$0x8] =	stream.indirect.gather [hbm4b:s4+s17], $0x40, s23, s17, $0xb8;
	[tilespmem:$0x1B260] =	vst v63  }
0xd4: {  	_ =	swait.ge [sflag:s18], $0x1400  }
0xd5: {  	[sflag:s18] =	ssyncset.done $0x0  }
0xd6: {  	s25 =	sadd.s32 $0x5A0, s30;
	[sflag:s18] =	ssyncadd.s32 $0xFFFFEC00  }
0xd7: {  	[tilespmem:s26], [sflag:$0x9] =	stream.indirect.gather [hbm4b:s4+s17], $0x40, s25, s17, $0xb8;
	[tilespmem:$0x1B260] =	vst v63  }
.Ltmp3:
0xd8: {  	_ =	swait.ge [sflag:s28], $0x1400;
	(pc) =	sbr.rel .LBB2_2-.Ltmp3, $4  }
0xd9: {  	s19 =	sadd.s32 $0xC80, s19;
	s9 =	simm.s32 $0x10220;
	[sflag:s28] =	ssyncset.done $0x0  }
0xda: {  	s30 =	sadd.s32 $0x5F0, s30;
	s24 =	simm.s32 $0xC620;
	[sflag:s28] =	ssyncadd.s32 $0xFFFFEC00  }
0xdb: {  	[tilespmem:s29], [sflag:$0xA] =	stream.indirect.gather [hbm4b:s4+s17], $0x40, s30, s17, $0xb8;
	[tilespmem:$0x1B260] =	vst v63  }
0xdc: {  	s25 =	simm.s32 $0xB220;
	s26 =	simm.s32 $0xDA20;
	s29 =	simm.s32 $0xEE20  }
.LBB2_5:
0xdd: {  	_ =	sfence.sel $0x180000  }
0xde: {  	[bflag:$0x0] =	sbarrier.arrive $0xFFFF  }
0xdf: {  	_ =	strace $0x9000004A  }
0xe0: {  	s0 =	stileid.u32;
	[bflag:$0x2] =	sbarrier.arrive $0xFFFF  }
0xe1: {  	p0 =	sne.s32 s0, $0x0;
	s0 =	rddreg [dreg:$0x2]  }
0xe2: {  	s0 =	sadd.s32 @!p0 $0x100000, s0  }
0xe3: {  	[sflag:s0] =	ssyncadd.tile.s32 @!p0 $0x1;
	_ =	shalt  }
.Lfunc_end2:
_tile_overlayer_lowered:
.L_overlay_start_2:
0xe4: {  	(tag) =	ssettag $0x2  }
0xe5: {  	s0 =	rddreg [dreg:$0x0];
	s2 =	stileid.u32  }
0xe6: {  	s1 =	rddreg [dreg:$0x1];
	p0 =	sne.s32 s2, $0x0  }
0xe7: {  	s3 =	rddreg [dreg:$0x2];
	[bflag:$0x3] =	sbarrier.arrive $0xFFFF;
	s2 =	simm.s32 @!p0 $0x1C15  }
0xe8: {  	[timem:s3], [sflag:s2] =	dma.local @!p0 [hbm:s0], s1  }
0xe9: {  	s0 =	simm.s32 @!p0 $0x15  }
0xea: {  	_ =	swait.ge @!p0 [sflag:s0], s1  }
0xeb: {  	s1 =	ssub.s32 @!p0 $0x0, s1;
	[sflag:s0] =	ssyncset.done @!p0 $0x0  }
0xec: {  	[sflag:s0] =	ssyncadd.s32 @!p0 s1  }
0xed: {  	[bflag:$0x3] =	sbarrier.arrive $0xFFFF  }
0xee: {  	_ =	shalt  }

// kernel: kernel.14.cloned.1.call-start
scs
__scs_entry_jumppad:
0x0: {  	(pc) =	sbr.rel $0x88, $3  }
0x1: {  	(tag) =	ssettag $0x0;
	lr =	simm.s32 $0x1  }
0x2: {  	[smem:$0x3F9A] =	sst lr;
	_ =	strace $0xD0000000  }
0x3: {  	_ = 	snop  }
0x4: {  	_ = 	snop  }
0x5: {  	_ = 	snop  }
0x6: {  	_ = 	snop  }
0x7: {  	_ = 	snop  }
__scs_overlays_trampoline_lowered:
0x8: {  	[smem:$0x3FA9] =	sst s0  }
0x9: {  	[smem:$0x3FAA] =	sst s1  }
0xa: {  	[smem:$0x3FAB] =	sst s2  }
0xb: {  	[smem:$0x3FAC] =	sst s3  }
0xc: {  	[smem:$0x3FAD] =	sst s4  }
0xd: {  	[smem:$0x3FAE] =	sst s5  }
0xe: {  	[smem:$0x3FAF] =	sst s6  }
0xf: {  	[smem:$0x3FB0] =	sst s7  }
0x10: {  	[smem:$0x3FB1] =	sst s8  }
0x11: {  	[smem:$0x3FB2] =	sst s9;
	s0 =	simm.s32 @!p0 $0x0  }
0x12: {  	s1 =	sld [smem:$0x3F98];
	s0 =	simm.s32 @p0 $0x1  }
0x13: {  	[smem:$0x3FB3] =	sst s0;
	s0 =	simm.s32 @!p1 $0x0  }
0x14: {  	s2 =	sld [smem:$0x3F97];
	s0 =	simm.s32 @p1 $0x1  }
0x15: {  	[smem:$0x3FB4] =	sst s0;
	s0 =	simm.s32 @!p2 $0x0  }
0x16: {  	s3 =	sld [smem:$0x3FDB];
	s0 =	simm.s32 @p2 $0x1  }
0x17: {  	s4 =	simm.s32 $0x1BF5;
	[smem:$0x3FB6] =	sst s0  }
0x18: {  	s0 =	sld [smem:$0x3F99];
	_ =	swait.ge [sflag:s4], $0x0  }
0x19: {  	s7 =	sld [smem:$0x3F9A]  }
0x1a: {  	s8 =	sadd.s32 $0xFFFFE003, lr  }
0x1b: {  	s9 =	sadd.s32 $0xFFFFFEF7, lr;
	s5 =	simm.s32 $0xFFFFFFFF;
	p2 =	slt.u32 s8, $0xFFFFF086  }
0x1c: {  	p1 =	slt.u32 s9, $0xF7A;
	s5 =	simm.s32 @!p2 $0x0  }
0x1d: {  	s5 =	simm.s32 @p1 $0x1;
	p0 =	seq.s32 s7, s2  }
0x1e: {  	s7 =	smul.u32 @!p0 $0xF7A, s2;
	p2 =	seq.s32 @!p0 s5, $0x0  }
0x1f: {  	s9 =	smul.u32 $0xF7A, s1;
	s8 =	simm.s32 @!p0 $0x1BF5;
	p2 =	por !p2, p0  }
0x20: {  	[sflag:s8] =	ssyncset.s32 @!p0 $0xFFFFF086;
	s6 =	sadd.s32 @!p0 s3, s7;
	s7 =	simm.s32 @!p0 $0x108  }
0x21: {  	s3 =	sadd.s32 s3, s9;
	s6 =	sadd.s32 @!p0 $0x88, s6;
	s7 =	simm.s32 @p2 $0x1082  }
0x22: {  	[simem:s7], [sflag:s8] =	dma.local @!p0 [hbm:s6], $0xF7A  }
0x23: {  	s9 =	sor.u32 $0xD0000000, s2;
	s6 =	simm.s32 $0x108;
	_ =	swait.ge @!p0 [sflag:s8], $0x0  }
0x24: {  	s3 =	sadd.s32 $0x88, s3;
	s6 =	simm.s32 @!p1 $0x1082;
	[sflag:s4] =	ssyncset.s32 $0xFFFFF086  }
0x25: {  	[simem:s6], [sflag:s4] =	dma.local [hbm:s3], $0xF7A  }
0x26: {  	[smem:$0x3F9A] =	sst s1;
	(tag) =	ssettag s2;
	_ =	strace s9  }
0x27: {  	s1 =	sld [smem:$0x3FAA]  }
0x28: {  	s2 =	sld [smem:$0x3FAB]  }
0x29: {  	s4 =	sld [smem:$0x3FAD]  }
0x2a: {  	p0 =	seq.s32 s5, $0x0;
	s5 =	sld [smem:$0x3FAE]  }
0x2b: {  	s6 =	sld [smem:$0x3FAF]  }
0x2c: {  	s7 =	sld [smem:$0x3FB0]  }
0x2d: {  	s3 =	simm.s32 $0x108;
	s8 =	sld [smem:$0x3FB1]  }
0x2e: {  	s3 =	simm.s32 @!p0 $0x1082;
	s9 =	sld [smem:$0x3FB2]  }
0x2f: {  	lr =	sadd.s32 s0, s3;
	s0 =	sld [smem:$0x3FA9]  }
0x30: {  	s3 =	sld [smem:$0x3FAC]  }
0x31: {  	[smem:$0x3FB5] =	sst s10  }
0x32: {  	s10 =	sld [smem:$0x3FB3];
	_ =	sdelay $0x3  }
0x33: {  	p0 =	seq.s32 s10, $0x1;
	s10 =	sld [smem:$0x3FB5];
	_ =	sdelay $0x3  }
0x34: {  	[smem:$0x3FB5] =	sst s10  }
0x35: {  	s10 =	sld [smem:$0x3FB4];
	_ =	sdelay $0x3  }
0x36: {  	p1 =	seq.s32 s10, $0x1;
	s10 =	sld [smem:$0x3FB5];
	_ =	sdelay $0x3  }
0x37: {  	[smem:$0x3FB5] =	sst s10  }
0x38: {  	s10 =	sld [smem:$0x3FB6]  }
0x39: {  	_ = 	snop;
	(pc) =	sbr.ind lr, $3  }
0x3a: {  	_ = 	snop  }
0x3b: {  	_ = 	snop  }
0x3c: {  	p2 =	seq.s32 s10, $0x1;
	s10 =	sld [smem:$0x3FB5]  }
0x3d: {  	_ =	shalt  }
0x3e: {  	_ =	shalt  }
0x3f: {  	_ =	shalt  }
0x40: {  	_ =	shalt  }
0x41: {  	_ =	shalt  }
0x42: {  	_ =	shalt  }
0x43: {  	_ =	shalt  }
0x44: {  	_ =	shalt  }
0x45: {  	_ =	shalt  }
0x46: {  	_ =	shalt  }
0x47: {  	_ =	shalt  }
0x48: {  	_ =	shalt  }
0x49: {  	_ =	shalt  }
0x4a: {  	_ =	shalt  }
0x4b: {  	_ =	shalt  }
0x4c: {  	_ =	shalt  }
0x4d: {  	_ =	shalt  }
0x4e: {  	_ =	shalt  }
0x4f: {  	_ =	shalt  }
0x50: {  	_ =	shalt  }
0x51: {  	_ =	shalt  }
0x52: {  	_ =	shalt  }
0x53: {  	_ =	shalt  }
0x54: {  	_ =	shalt  }
0x55: {  	_ =	shalt  }
0x56: {  	_ =	shalt  }
0x57: {  	_ =	shalt  }
0x58: {  	_ =	shalt  }
0x59: {  	_ =	shalt  }
0x5a: {  	_ =	shalt  }
0x5b: {  	_ =	shalt  }
0x5c: {  	_ =	shalt  }
0x5d: {  	_ =	shalt  }
0x5e: {  	_ =	shalt  }
0x5f: {  	_ =	shalt  }
0x60: {  	_ =	shalt  }
0x61: {  	_ =	shalt  }
0x62: {  	_ =	shalt  }
0x63: {  	_ =	shalt  }
0x64: {  	_ =	shalt  }
0x65: {  	_ =	shalt  }
0x66: {  	_ =	shalt  }
0x67: {  	_ =	shalt  }
0x68: {  	_ =	shalt  }
0x69: {  	_ =	shalt  }
0x6a: {  	_ =	shalt  }
0x6b: {  	_ =	shalt  }
0x6c: {  	_ =	shalt  }
0x6d: {  	_ =	shalt  }
0x6e: {  	_ =	shalt  }
0x6f: {  	_ =	shalt  }
0x70: {  	_ =	shalt  }
0x71: {  	_ =	shalt  }
0x72: {  	_ =	shalt  }
0x73: {  	_ =	shalt  }
0x74: {  	_ =	shalt  }
0x75: {  	_ =	shalt  }
0x76: {  	_ =	shalt  }
0x77: {  	_ =	shalt  }
0x78: {  	_ =	shalt  }
0x79: {  	_ =	shalt  }
0x7a: {  	_ =	shalt  }
0x7b: {  	_ =	shalt  }
0x7c: {  	_ =	shalt  }
0x7d: {  	_ =	shalt  }
0x7e: {  	_ =	shalt  }
0x7f: {  	_ =	shalt  }
0x80: {  	_ =	shalt  }
0x81: {  	_ =	shalt  }
0x82: {  	_ =	shalt  }
0x83: {  	_ =	shalt  }
0x84: {  	_ =	shalt  }
0x85: {  	_ =	shalt  }
0x86: {  	_ =	shalt  }
0x87: {  	_ =	shalt  }
.Lfunc_end0:
.L_simem_size_0:
called_computation.2_lowered:
.L_overlay_start_0:
0x88: {  	s2 =	sld [smem:$0x3FD9]  }
0x89: {  	s3 =	sld [smem:$0x3FFE];
	_ =	sdelay $0x1  }
0x8a: {  	s1 =	srdreg.scid  }
0x8b: {  	s0 =	sand.u32 $0x1, s1  }
0x8c: {  	s16 =	sshll.u32 s0, $0xA;
	s2 =	sadd.s32 s3, s2  }
0x8d: {  	s2 =	sadd.s32 s2, s16  }
0x8e: {  	[smem:$0x3FC1] =	sst s2  }
0x8f: {  	_ = 	snop  }
0x90: {  	(tm) =	ssettm $0x1  }
0x91: {  	s17 =	sld [smem:$0x3FFB];
	_ =	sdelay $0x3  }
0x92: {  	_ =	strace s17  }
0x93: {  	s2 =	sld [smem:$0x3FFC];
	_ =	sdelay $0x3  }
0x94: {  	_ =	strace s2  }
0x95: {  	s2 =	sld [smem:$0x3FFD];
	_ =	sdelay $0x3  }
0x96: {  	_ =	strace s2  }
0x97: {  	_ =	strace $0x8FFFFFFF  }
0x98: {  	s18 =	sld [smem:$0x3FDB];
	_ =	sdelay $0x1  }
0x99: {  	s19 =	simm.s32 $_scs_section_size  }
0x9a: {  	s4 =	simm.s32 $_size__tile_overlayer_lowered;
	s5 =	simm.s32 $_tile_overlayer_lowered  }
0x9b: {  	s22 =	simm.s32 $0x1BFF;
	s21 =	sshll.u32 s5, $0x1;
	s2 =	sadd.s32 s19, s18  }
0x9c: {  	s6 =	simm.s32 $0x0;
	s20 =	sshll.u32 s4, $0x1;
	s4 =	sadd.s32 s21, s2  }
0x9d: {  	[timem:s6], [sflag:s22] =	dma.local [hbm:s4], s20  }
0x9e: {  	_ =	swait.ge [sflag:s22], s20  }
0x9f: {  	s3 =	ssub.s32 $0x0, s20;
	[sflag:s22] =	ssyncset.done $0x0  }
0xa0: {  	[sflag:s22] =	ssyncadd.s32 s3;
	_ =	sdelay $0x1  }
0xa1: {  	s23 =	simm.s32 $0x1B8B  }
0xa2: {  	_ =	swait.ge [sflag:s23], $0x1  }
0xa3: {  	[sflag:s23] =	ssyncset.done $0x0  }
0xa4: {  	s25 =	simm.s32 $0x1B8E;
	s24 =	sld [smem:$0x3FFE];
	[sflag:s23] =	ssyncadd.s32 $0xFFFFFFFF  }
0xa5: {  	s26 =	simm.s32 $execute0_lowered;
	[smem:$0x3FD2] =	sst s25  }
0xa6: {  	s4 =	sshll.u32 s26, $0x1;
	_ =	strace $0x8000004C;
	[dreg:$0x1] =	wrdreg $0xFFFFFFFF  }
0xa7: {  	s28 =	simm.s32 $_size_execute0_lowered;
	s2 =	sadd.s32 s2, s4;
	[dreg:$0x0] =	wrdreg $0x0  }
0xa8: {  	s4 =	sshll.u32 s28, $0x1;
	[dreg:$0x2] =	wrdreg s2  }
0xa9: {  	[dreg:$0x3] =	wrdreg s4  }
0xaa: {  	[dreg:$0x4] =	wrdreg $0xC0  }
0xab: {  	_ =	task [dreg:s6], $0x5FFFF  }
0xac: {  	[dreg:$0x1] =	wrdreg $0xFFFFFFFF  }
0xad: {  	[dreg:$0x0] =	wrdreg $0x60  }
0xae: {  	[dreg:$0x2] =	wrdreg s24  }
0xaf: {  	[dreg:$0x3] =	wrdreg $0x116200  }
0xb0: {  	[dreg:$0x4] =	wrdreg $0x9  }
0xb1: {  	_ =	task.clear_ibuf [dreg:s6], $0x5FFFF;
	_ =	strace $0x9000004C  }
0xb2: {  	s29 =	simm.s32 $0x9;
	_ =	strace $0x8000004E  }
0xb3: {  	_ =	swait.ge [sflag:s29], $0x1  }
0xb4: {  	[sflag:s29] =	ssyncadd.s32 $0xFFFFFFFF  }
0xb5: {  	_ =	strace $0x9000004E  }
0xb6: {  	_ =	sfence  }
0xb7: {  	s30 =	sld [smem:$0x0];
	_ =	sdelay $0x2  }
0xb8: {  	s31 =	sshll.u32 s1, $0xD;
	s1 =	sshrl.u32 s1, $0x2  }
0xb9: {  	s3 =	sand.u32 $0x4000, s31;
	s1 =	sadd.s32 s1, s30  }
0xba: {  	s0 =	sor.u32 s3, s0;
	s1 =	sshll.u32 s1, $0x11  }
0xbb: {  	s0 =	sor.u32 s1, s0  }
0xbc: {  	s0 =	sadd.s32 $0x8F2B, s0  }
0xbd: {  	[sflag:s0] =	ssyncadd.remote.s32 $0x1  }
0xbe: {  	_ =	sfence.sel $0xFFFF  }
0xbf: {  	[dreg:$0x0] =	wrdreg $0xFFFFFFFF;
	(pc) =	sbr.abs _section_cstart, $3  }
0xc0: {  	[dreg:$0x1] =	wrdreg $0xFFFFFFFF  }
0xc1: {  	_ =	task.clear_ibuf [dreg:s6], $0x2FFFF;
	_ =	strace $0x9FFFFFFF  }
0xc2: {  	(tm) =	ssettm $0x7FFFFFFF  }
0xc3: {  	_ =	shalt  }
tec
execute0_lowered:
.L_overlay_start_1:
0x0: {  	(tag) =	ssettag $0x1  }
0x1: {  	s0 =	rddreg [dreg:$0x0]  }
0x2: {  	s1 =	srdreg.scid;
	s2 =	rddreg [dreg:$0x1]  }
0x3: {  	s10 =	stileid.u32;
	s4 =	simm.s32 $0x0;
	s17 =	simm.s32 $0x50  }
0x4: {  	s23 =	simm.s32 $0x7620;
	s13 =	simm.s32 $0xB220;
	s22 =	simm.s32 $0xC620  }
0x5: {  	s29 =	simm.s32 $0x10220;
	s31 =	simm.s32 $0x4;
	s20 =	simm.s32 $0xB  }
0x6: {  	s11 =	simm.s32 $0x8;
	s14 =	simm.s32 $0xA;
	s15 =	simm.s32 $0x10  }
0x7: {  	s16 =	simm.s32 $0x11;
	s12 =	simm.s32 $0x12;
	s18 =	simm.s32 $0x13  }
0x8: {  	s28 =	simm.s32 $0x14;
	s1 =	sand.u32 $0x1, s1;
	s5 =	smul.u32 $0x9C00, s10  }
0x9: {  	[smem:$0x7FF] =	sst s4;
	s4 =	sadd.s32 $0x15C00, s0;
	s8 =	sadd.s32 $0x3D000, s0  }
0xa: {  	p0 =	seq.s32 s10, $0xF;
	s3 =	sshll.u32 s1, $0x4;
	_ =	strace $0x8000004D  }
0xb: {  	s7 =	ssub.s32 $0x2, s1;
	s1 =	smul.u32 $0x9C400, s1;
	s6 =	sshrl.u32 s5, $0x3  }
0xc: {  	s3 =	sor.u32 s10, s3;
	s9 =	sshrl.u32 s7, $0x1;
	s6 =	sadd.s32 s6, s0  }
0xd: {  	s3 =	smul.u32 $0x4E2, s3;
	s7 =	ssub.s32 s7, s9;
	s6 =	sadd.s32 $0x29600, s6  }
0xe: {  	s9 =	simm.s32 $0x0;
	s30 =	smax.u32 s7, $0x1;
	[dreg:$0x5] =	wrdreg s6  }
0xf: {  	s3 =	sadd.s32 s3, s0;
	s0 =	sadd.s32 $0x3BA80, s0;
	[dreg:$0x9] =	wrdreg s30  }
0x10: {  	s7 =	simm.s32 $0xE;
	s24 =	sadd.s32 $0x2000, s3;
	[dreg:$0x6] =	wrdreg s0  }
0x11: {  	s6 =	sadd.s32 $0x92400, s2;
	s3 =	sadd.s32 $0xBE00, s3;
	[dreg:$0x3] =	wrdreg s24  }
0x12: {  	[dreg:$0x4] =	wrdreg s3;
	s3 =	sadd.s32 s5, s2;
	s5 =	sadd.s32 s5, s1  }
0x13: {  	s1 =	sshrl.u32 s1, $0x3;
	s24 =	simm.s32 $0xDA20;
	s5 =	sshrl.u32 s5, $0x3  }
0x14: {  	s26 =	sadd.s32 s8, s1;
	s1 =	simm.s32 $0x5;
	s25 =	sadd.s32 s8, s5  }
0x15: {  	s0 =	sadd.s32 $0x12480, s26;
	s26 =	simm.s32 $0xEE20;
	s5 =	simm.s32 $0xC  }
.Ltmp0:
0x16: {  	s8 =	simm.s32 $0xF;
	[dreg:$0x7] =	wrdreg s25;
	(pc) =	sbr.rel .LBB2_1-.Ltmp0, $4  }
0x17: {  	[dreg:$0x8] =	wrdreg s0;
	s0 =	sshll.u32 @!p0 s10, $0x6;
	s25 =	sshrl.u32 @p0 s6, $0x3  }
0x18: {  	s6 =	simm.s32 $0xD;
	s0 =	sor.u32 @!p0 $0x1C15, s0;
	[dreg:$0xa] =	wrdreg s25  }
0x19: {  	s10 =	simm.s32 $0x7;
	[dreg:$0xb] =	wrdreg s0;
	s0 =	sshrl.u32 @!p0 s3, $0x3  }
0x1a: {  	s3 =	simm.s32 $0x9;
	[dreg:$0xc] =	wrdreg s0;
	s0 =	simm.s32 $0x6220  }
.LBB2_4:
0x1b: {  	_ =	swait.ge [sflag:s16], $0x1400  }
0x1c: {  	[sflag:s16] =	ssyncset.done $0x0  }
0x1d: {  	[sflag:s16] =	ssyncadd.s32 $0xFFFFEC00  }
0x1e: {  	_ =	swait.ge [sflag:s12], $0x1400  }
0x1f: {  	[sflag:s12] =	ssyncset.done $0x0  }
0x20: {  	[sflag:s12] =	ssyncadd.s32 $0xFFFFEC00  }
0x21: {  	_ =	swait.ge [sflag:s18], $0x1400  }
0x22: {  	[sflag:s18] =	ssyncset.done $0x0  }
0x23: {  	[sflag:s18] =	ssyncadd.s32 $0xFFFFEC00  }
0x24: {  	_ =	swait.ge [sflag:s28], $0x1400  }
0x25: {  	[sflag:s28] =	ssyncset.done $0x0  }
0x26: {  	s9 =	simm.s32 $0x1;
	[sflag:s28] =	ssyncadd.s32 $0xFFFFEC00  }
0x27: {  	_ =	swait.ge [sflag:s9], $0x1400  }
0x28: {  	[sflag:s9] =	ssyncset.done $0x0  }
0x29: {  	s19 =	simm.s32 $0x4E20;
	s30 =	simm.s32 $0x4C90;
	[sflag:s9] =	ssyncadd.s32 $0xFFFFEC00  }
0x2a: {  	[spmem:s2] =	stream.indirect.scatter.add.f32 [tilespmem:s19], [sflag:$0xB], $0x40, s30, s17, $0xb8;
	[tilespmem:$0x1B260] =	vst v63  }
0x2b: {  	s19 =	simm.s32 $0x2  }
0x2c: {  	_ =	swait.ge [sflag:s19], $0x1400  }
0x2d: {  	[sflag:s19] =	ssyncset.done $0x0  }
0x2e: {  	s21 =	simm.s32 $0x4CE0;
	s25 =	simm.s32 $0x3;
	[sflag:s19] =	ssyncadd.s32 $0xFFFFEC00  }
0x2f: {  	[spmem:s2] =	stream.indirect.scatter.add.f32 [tilespmem:s0], [sflag:$0xC], $0x40, s21, s17, $0xb8;
	[tilespmem:$0x1B260] =	vst v63  }
0x30: {  	_ =	swait.ge [sflag:s25], $0x1400  }
0x31: {  	[sflag:s25] =	ssyncset.done $0x0  }
0x32: {  	s30 =	simm.s32 $0x4D30;
	[sflag:s25] =	ssyncadd.s32 $0xFFFFEC00  }
0x33: {  	[spmem:s2] =	stream.indirect.scatter.add.f32 [tilespmem:s23], [sflag:$0xD], $0x40, s30, s17, $0xb8;
	[tilespmem:$0x1B260] =	vst v63  }
0x34: {  	_ =	swait.ge [sflag:s31], $0x1400  }
0x35: {  	[sflag:s31] =	ssyncset.done $0x0  }
0x36: {  	s9 =	simm.s32 $0x8A20;
	s21 =	simm.s32 $0x4D80;
	[sflag:s31] =	ssyncadd.s32 $0xFFFFEC00  }
0x37: {  	[spmem:s2] =	stream.indirect.scatter.add.f32 [tilespmem:s9], [sflag:$0xE], $0x40, s21, s17, $0xb8;
	[tilespmem:$0x1B260] =	vst v63  }
0x38: {  	_ =	swait.ge [sflag:s1], $0x1400  }
0x39: {  	[sflag:s1] =	ssyncset.done $0x0  }
0x3a: {  	s25 =	simm.s32 $0x9E20;
	s30 =	simm.s32 $0x4DD0;
	[sflag:s1] =	ssyncadd.s32 $0xFFFFEC00  }
0x3b: {  	[spmem:s2] =	stream.indirect.scatter.add.f32 [tilespmem:s25], [sflag:$0xF], $0x40, s30, s17, $0xb8;
	[tilespmem:$0x1B260] =	vst v63  }
0x3c: {  	_ =	swait.ge [sflag:s20], $0x1400  }
0x3d: {  	[sflag:s20] =	ssyncset.done $0x0  }
0x3e: {  	[sflag:s20] =	ssyncadd.s32 $0xFFFFEC00  }
0x3f: {  	_ =	swait.ge [sflag:s5], $0x1400  }
0x40: {  	[sflag:s5] =	ssyncset.done $0x0  }
0x41: {  	[sflag:s5] =	ssyncadd.s32 $0xFFFFEC00  }
0x42: {  	_ =	swait.ge [sflag:s6], $0x1400  }
0x43: {  	[sflag:s6] =	ssyncset.done $0x0  }
0x44: {  	[sflag:s6] =	ssyncadd.s32 $0xFFFFEC00  }
0x45: {  	_ =	swait.ge [sflag:s7], $0x1400  }
0x46: {  	[sflag:s7] =	ssyncset.done $0x0  }
0x47: {  	[sflag:s7] =	ssyncadd.s32 $0xFFFFEC00  }
0x48: {  	_ =	swait.ge [sflag:s8], $0x1400  }
0x49: {  	[sflag:s8] =	ssyncset.done $0x0  }
0x4a: {  	[sflag:s8] =	ssyncadd.s32 $0xFFFFEC00  }
0x4b: {  	[bflag:$0x0] =	sbarrier.arrive $0xFFFF  }
0x4c: {  	s21 =	rddreg [dreg:$0x8]  }
0x4d: {  	s19 =	simm.s32 @p0 $0x1FD5;
	s25 =	rddreg [dreg:$0xa]  }
0x4e: {  	[hbm:s21], [sflag:s19] =	dma.local @p0 [spmem:s25], $0x1400  }
0x4f: {  	s19 =	simm.s32 @p0 $0x15  }
0x50: {  	_ =	swait.ge @p0 [sflag:s19], $0x1400  }
0x51: {  	s9 =	rddreg [dreg:$0xb]  }
0x52: {  	[sflag:s19] =	ssyncset.done @p0 $0x0;
	s21 =	rddreg [dreg:$0xc]  }
0x53: {  	[sflag:s19] =	ssyncadd.s32 @p0 $0xFFFFEC00;
	s19 =	rddreg [dreg:$0x7]  }
0x54: {  	[hbm:s19], [sflag:s9] =	dma.local @!p0 [spmem:s21], $0x1380  }
0x55: {  	s19 =	simm.s32 @!p0 $0x15  }
0x56: {  	_ =	swait.ge @!p0 [sflag:s19], $0x1380  }
0x57: {  	s21 =	rddreg [dreg:$0xd]  }
0x58: {  	s30 =	rddreg [dreg:$0x9];
	s9 =	sadd.s32 $0x1, s21  }
0x59: {  	p1 =	sne.s32 s9, s30  }
.Ltmp1:
0x5a: {  	_ = 	snop;
	(pc) =	sbr.rel @!p1 .LBB2_5-.Ltmp1, $3  }
0x5b: {  	_ =	sdelay $0x1  }
0x5c: {  	[sflag:s19] =	ssyncset.done @!p0 $0x0  }
0x5d: {  	[sflag:s19] =	ssyncadd.s32 @!p0 $0xFFFFEC80  }
.LBB2_1:
0x5e: {  	[dreg:$0xd] =	wrdreg s9  }
0x5f: {  	s9 =	simm.s32 $0x0;
	s19 =	rddreg [dreg:$0x3];
	s30 =	simm.s32 $0x15  }
0x60: {  	[tilespmem:s9], [sflag:$0x15] =	stream.linear.gather [hbm4b:s19+s9], $0x2710, $0x38;
	[tilespmem:$0x1B260] =	vst v63  }
0x61: {  	_ =	swait.ge [sflag:s30], $0x2710  }
0x62: {  	[sflag:s30] =	ssyncset.done $0x0  }
0x63: {  	s21 =	simm.s32 $0x2710;
	s19 =	rddreg [dreg:$0x4];
	[sflag:s30] =	ssyncadd.s32 $0xFFFFD8F0  }
0x64: {  	[tilespmem:s21], [sflag:$0x15] =	stream.linear.gather [hbm4b:s19+s9], $0x2710, $0x38;
	[tilespmem:$0x1B260] =	vst v63  }
0x65: {  	_ =	swait.ge [sflag:s30], $0x2710  }
0x66: {  	[sflag:s30] =	ssyncset.done $0x0  }
0x67: {  	s19 =	simm.s32 @p0 $0x1FD5;
	[sflag:s30] =	ssyncadd.s32 $0xFFFFD8F0;
	s30 =	rddreg [dreg:$0x6]  }
0x68: {  	[spmem:s25], [sflag:s19] =	dma.local @p0 [hbm:s30], $0x1400  }
0x69: {  	s19 =	simm.s32 @p0 $0x15  }
0x6a: {  	_ =	swait.ge @p0 [sflag:s19], $0x1400  }
0x6b: {  	s25 =	rddreg [dreg:$0xb]  }
0x6c: {  	[sflag:s19] =	ssyncset.done @p0 $0x0;
	s9 =	rddreg [dreg:$0xc]  }
0x6d: {  	[sflag:s19] =	ssyncadd.s32 @p0 $0xFFFFEC00;
	s19 =	rddreg [dreg:$0x5]  }
0x6e: {  	[spmem:s9], [sflag:s25] =	dma.local @!p0 [hbm:s19], $0x1380  }
0x6f: {  	s19 =	simm.s32 @!p0 $0x15  }
0x70: {  	_ =	swait.ge @!p0 [sflag:s19], $0x1380  }
0x71: {  	[sflag:s19] =	ssyncset.done @!p0 $0x0  }
0x72: {  	[sflag:s19] =	ssyncadd.s32 @!p0 $0xFFFFEC80  }
0x73: {  	s21 =	simm.s32 $0x0;
	s30 =	simm.s32 $0x4E20;
	[bflag:$0x0] =	sbarrier.arrive $0xFFFF  }
0x74: {  	[tilespmem:s30], [sflag:$0x1] =	stream.indirect.gather [hbm4b:s4+s17], $0x40, s21, s17, $0xb8;
	[tilespmem:$0x1B260] =	vst v63  }
0x75: {  	_ = 	snop  }
0x76: {  	[tilespmem:s0], [sflag:$0x2] =	stream.indirect.gather [hbm4b:s4+s17], $0x40, s17, s17, $0xb8;
	[tilespmem:$0x1B260] =	vst v63  }
0x77: {  	s19 =	simm.s32 $0xA0  }
0x78: {  	[tilespmem:s23], [sflag:$0x3] =	stream.indirect.gather [hbm4b:s4+s17], $0x40, s19, s17, $0xb8;
	[tilespmem:$0x1B260] =	vst v63  }
0x79: {  	s21 =	simm.s32 $0xF0;
	s23 =	simm.s32 $0x8A20  }
0x7a: {  	[tilespmem:s23], [sflag:$0x4] =	stream.indirect.gather [hbm4b:s4+s17], $0x40, s21, s17, $0xb8;
	[tilespmem:$0x1B260] =	vst v63  }
0x7b: {  	s25 =	simm.s32 $0x140;
	s30 =	simm.s32 $0x9E20  }
0x7c: {  	[tilespmem:s30], [sflag:$0x5] =	stream.indirect.gather [hbm4b:s4+s17], $0x40, s25, s17, $0xb8;
	[tilespmem:$0x1B260] =	vst v63  }
0x7d: {  	s19 =	simm.s32 $0x190  }
0x7e: {  	[tilespmem:s13], [sflag:$0x6] =	stream.indirect.gather [hbm4b:s4+s17], $0x40, s19, s17, $0xb8;
	[tilespmem:$0x1B260] =	vst v63  }
0x7f: {  	s21 =	simm.s32 $0x1E0  }
0x80: {  	[tilespmem:s22], [sflag:$0x7] =	stream.indirect.gather [hbm4b:s4+s17], $0x40, s21, s17, $0xb8;
	[tilespmem:$0x1B260] =	vst v63  }
0x81: {  	s23 =	simm.s32 $0x230  }
0x82: {  	[tilespmem:s24], [sflag:$0x8] =	stream.indirect.gather [hbm4b:s4+s17], $0x40, s23, s17, $0xb8;
	[tilespmem:$0x1B260] =	vst v63  }
0x83: {  	s9 =	simm.s32 $0x10220;
	s25 =	simm.s32 $0x280  }
0x84: {  	[tilespmem:s26], [sflag:$0x9] =	stream.indirect.gather [hbm4b:s4+s17], $0x40, s25, s17, $0xb8;
	[tilespmem:$0x1B260] =	vst v63  }
0x85: {  	s30 =	simm.s32 $0x2D0;
	s19 =	simm.s32 $0x0;
	s24 =	simm.s32 $0xC620  }
0x86: {  	[tilespmem:s29], [sflag:$0xA] =	stream.indirect.gather [hbm4b:s4+s17], $0x40, s30, s17, $0xb8;
	[tilespmem:$0x1B260] =	vst v63  }
0x87: {  	s25 =	simm.s32 $0xB220;
	s26 =	simm.s32 $0xDA20;
	s29 =	simm.s32 $0xEE20  }
.LBB2_2:
0x88: {  	s0 =	simm.s32 $0x1  }
0x89: {  	_ =	swait.ge [sflag:s0], $0x1400  }
0x8a: {  	s30 =	sshra.s32 s19, $0x2;
	s13 =	simm.s32 $0x2;
	[sflag:s0] =	ssyncset.done $0x0  }
0x8b: {  	s21 =	sadd.s32 $0x2710, s30;
	[sflag:s0] =	ssyncadd.s32 $0xFFFFEC00;
	s0 =	simm.s32 $0x4E20  }
0x8c: {  	[spmem:s2] =	stream.indirect.scatter.add.f32 [tilespmem:s0], [sflag:$0xB], $0x40, s21, s17, $0xb8;
	[tilespmem:$0x1B260] =	vst v63  }
0x8d: {  	_ =	swait.ge [sflag:s13], $0x1400  }
0x8e: {  	[sflag:s13] =	ssyncset.done $0x0  }
0x8f: {  	s23 =	simm.s32 $0x6220;
	s22 =	sadd.s32 $0x2760, s30;
	[sflag:s13] =	ssyncadd.s32 $0xFFFFEC00  }
0x90: {  	[spmem:s2] =	stream.indirect.scatter.add.f32 [tilespmem:s23], [sflag:$0xC], $0x40, s22, s17, $0xb8;
	[tilespmem:$0x1B260] =	vst v63  }
0x91: {  	s23 =	simm.s32 $0x3  }
0x92: {  	_ =	swait.ge [sflag:s23], $0x1400  }
0x93: {  	[sflag:s23] =	ssyncset.done $0x0  }
0x94: {  	s13 =	sadd.s32 $0x27B0, s30;
	[sflag:s23] =	ssyncadd.s32 $0xFFFFEC00;
	s23 =	simm.s32 $0x7620  }
0x95: {  	[spmem:s2] =	stream.indirect.scatter.add.f32 [tilespmem:s23], [sflag:$0xD], $0x40, s13, s17, $0xb8;
	[tilespmem:$0x1B260] =	vst v63  }
0x96: {  	_ =	swait.ge [sflag:s31], $0x1400  }
0x97: {  	[sflag:s31] =	ssyncset.done $0x0  }
0x98: {  	s22 =	sadd.s32 $0x2800, s30;
	s13 =	simm.s32 $0x8A20;
	[sflag:s31] =	ssyncadd.s32 $0xFFFFEC00  }
0x99: {  	[spmem:s2] =	stream.indirect.scatter.add.f32 [tilespmem:s13], [sflag:$0xE], $0x40, s22, s17, $0xb8;
	[tilespmem:$0x1B260] =	vst v63  }
0x9a: {  	_ =	swait.ge [sflag:s1], $0x1400  }
0x9b: {  	[sflag:s1] =	ssyncset.done $0x0  }
0x9c: {  	s21 =	sadd.s32 $0x2850, s30;
	s22 =	simm.s32 $0x9E20;
	[sflag:s1] =	ssyncadd.s32 $0xFFFFEC00  }
0x9d: {  	[spmem:s2] =	stream.indirect.scatter.add.f32 [tilespmem:s22], [sflag:$0xF], $0x40, s21, s17, $0xb8;
	[tilespmem:$0x1B260] =	vst v63  }
0x9e: {  	_ =	swait.ge [sflag:s20], $0x1400  }
0x9f: {  	[sflag:s20] =	ssyncset.done $0x0  }
0xa0: {  	s21 =	sadd.s32 $0x320, s30;
	[sflag:s20] =	ssyncadd.s32 $0xFFFFEC00  }
0xa1: {  	[tilespmem:s0], [sflag:$0x1] =	stream.indirect.gather [hbm4b:s4+s17], $0x40, s21, s17, $0xb8;
	[tilespmem:$0x1B260] =	vst v63  }
0xa2: {  	_ =	swait.ge [sflag:s5], $0x1400  }
0xa3: {  	[sflag:s5] =	ssyncset.done $0x0  }
0xa4: {  	s0 =	simm.s32 $0x6220;
	s21 =	sadd.s32 $0x370, s30;
	[sflag:s5] =	ssyncadd.s32 $0xFFFFEC00  }
0xa5: {  	[tilespmem:s0], [sflag:$0x2] =	stream.indirect.gather [hbm4b:s4+s17], $0x40, s21, s17, $0xb8;
	[tilespmem:$0x1B260] =	vst v63  }
0xa6: {  	_ =	swait.ge [sflag:s6], $0x1400  }
0xa7: {  	[sflag:s6] =	ssyncset.done $0x0  }
0xa8: {  	s21 =	sadd.s32 $0x3C0, s30;
	[sflag:s6] =	ssyncadd.s32 $0xFFFFEC00  }
0xa9: {  	[tilespmem:s23], [sflag:$0x3] =	stream.indirect.gather [hbm4b:s4+s17], $0x40, s21, s17, $0xb8;
	[tilespmem:$0x1B260] =	vst v63  }
0xaa: {  	_ =	swait.ge [sflag:s7], $0x1400  }
0xab: {  	[sflag:s7] =	ssyncset.done $0x0  }
0xac: {  	s21 =	sadd.s32 $0x410, s30;
	[sflag:s7] =	ssyncadd.s32 $0xFFFFEC00  }
0xad: {  	[tilespmem:s13], [sflag:$0x4] =	stream.indirect.gather [hbm4b:s4+s17], $0x40, s21, s17, $0xb8;
	[tilespmem:$0x1B260] =	vst v63  }
0xae: {  	_ =	swait.ge [sflag:s8], $0x1400  }
0xaf: {  	[sflag:s8] =	ssyncset.done $0x0  }
0xb0: {  	s13 =	sadd.s32 $0x460, s30;
	[sflag:s8] =	ssyncadd.s32 $0xFFFFEC00  }
0xb1: {  	[tilespmem:s22], [sflag:$0x5] =	stream.indirect.gather [hbm4b:s4+s17], $0x40, s13, s17, $0xb8;
	[tilespmem:$0x1B260] =	vst v63  }
0xb2: {  	s22 =	simm.s32 $0x6  }
0xb3: {  	_ =	swait.ge [sflag:s22], $0x1400  }
0xb4: {  	[sflag:s22] =	ssyncset.done $0x0  }
0xb5: {  	s13 =	sadd.s32 $0x28A0, s30;
	[sflag:s22] =	ssyncadd.s32 $0xFFFFEC00  }
0xb6: {  	[spmem:s2] =	stream.indirect.scatter.add.f32 [tilespmem:s25], [sflag:$0x10], $0x40, s13, s17, $0xb8;
	[tilespmem:$0x1B260] =	vst v63  }
0xb7: {  	_ =	swait.ge [sflag:s10], $0x1400  }
0xb8: {  	[sflag:s10] =	ssyncset.done $0x0  }
0xb9: {  	s22 =	sadd.s32 $0x28F0, s30;
	[sflag:s10] =	ssyncadd.s32 $0xFFFFEC00  }
0xba: {  	[spmem:s2] =	stream.indirect.scatter.add.f32 [tilespmem:s24], [sflag:$0x11], $0x40, s22, s17, $0xb8;
	[tilespmem:$0x1B260] =	vst v63  }
0xbb: {  	_ =	swait.ge [sflag:s11], $0x1400  }
0xbc: {  	[sflag:s11] =	ssyncset.done $0x0  }
0xbd: {  	s24 =	sadd.s32 $0x2940, s30;
	[sflag:s11] =	ssyncadd.s32 $0xFFFFEC00  }
0xbe: {  	[spmem:s2] =	stream.indirect.scatter.add.f32 [tilespmem:s26], [sflag:$0x12], $0x40, s24, s17, $0xb8;
	[tilespmem:$0x1B260] =	vst v63  }
0xbf: {  	_ =	swait.ge [sflag:s3], $0x1400  }
0xc0: {  	[sflag:s3] =	ssyncset.done $0x0  }
0xc1: {  	s25 =	sadd.s32 $0x2990, s30;
	[sflag:s3] =	ssyncadd.s32 $0xFFFFEC00  }
0xc2: {  	[spmem:s2] =	stream.indirect.scatter.add.f32 [tilespmem:s29], [sflag:$0x13], $0x40, s25, s17, $0xb8;
	[tilespmem:$0x1B260] =	vst v63  }
0xc3: {  	_ =	swait.ge [sflag:s14], $0x1400  }
0xc4: {  	p1 =	seq.s32 s19, $0x8980;
	[sflag:s14] =	ssyncset.done $0x0  }
.Ltmp2:
0xc5: {  	s26 =	sadd.s32 $0x29E0, s30;
	[sflag:s14] =	ssyncadd.s32 $0xFFFFEC00;
	(pc) =	sbr.rel @p1 .LBB2_4-.Ltmp2, $4  }
0xc6: {  	[spmem:s2] =	stream.indirect.scatter.add.f32 [tilespmem:s9], [sflag:$0x14], $0x40, s26, s17, $0xb8;
	[tilespmem:$0x1B260] =	vst v63  }
0xc7: {  	s13 =	simm.s32 $0xB220;
	_ =	swait.ge [sflag:s15], $0x1400  }
0xc8: {  	s22 =	simm.s32 $0xC620;
	s24 =	simm.s32 $0xDA20;
	[sflag:s15] =	ssyncset.done $0x0  }
0xc9: {  	s29 =	simm.s32 $0x10220;
	s26 =	simm.s32 $0xEE20;
	[sflag:s15] =	ssyncadd.s32 $0xFFFFEC00  }
0xca: {  	s21 =	sadd.s32 $0x4B0, s30  }
0xcb: {  	[tilespmem:s13], [sflag:$0x6] =	stream.indirect.gather [hbm4b:s4+s17], $0x40, s21, s17, $0xb8;
	[tilespmem:$0x1B260] =	vst v63  }
0xcc: {  	_ =	swait.ge [sflag:s16], $0x1400  }
0xcd: {  	[sflag:s16] =	ssyncset.done $0x0  }
0xce: {  	s13 =	sadd.s32 $0x500, s30;
	[sflag:s16] =	ssyncadd.s32 $0xFFFFEC00  }
0xcf: {  	[tilespmem:s22], [sflag:$0x7] =	stream.indirect.gather [hbm4b:s4+s17], $0x40, s13, s17, $0xb8;
	[tilespmem:$0x1B260] =	vst v63  }
0xd0: {  	_ =	swait.ge [sflag:s12], $0x1400  }
0xd1: {  	[sflag:s12] =	ssyncset.done $0x0  }
0xd2: {  	s23 =	sadd.s32 $0x550, s30;
	[sflag:s12] =	ssyncadd.s32 $0xFFFFEC00  }
0xd3: {  	[tilespmem:s24], [sflag:$0x8] =	stream.indirect.gather [hbm4b:s4+s17], $0x40, s23, s17, $0xb8;
	[tilespmem:$0x1B260] =	vst v63  }
0xd4: {  	_ =	swait.ge [sflag:s18], $0x1400  }
0xd5: {  	[sflag:s18] =	ssyncset.done $0x0  }
0xd6: {  	s25 =	sadd.s32 $0x5A0, s30;
	[sflag:s18] =	ssyncadd.s32 $0xFFFFEC00  }
0xd7: {  	[tilespmem:s26], [sflag:$0x9] =	stream.indirect.gather [hbm4b:s4+s17], $0x40, s25, s17, $0xb8;
	[tilespmem:$0x1B260] =	vst v63  }
.Ltmp3:
0xd8: {  	_ =	swait.ge [sflag:s28], $0x1400;
	(pc) =	sbr.rel .LBB2_2-.Ltmp3, $4  }
0xd9: {  	s19 =	sadd.s32 $0xC80, s19;
	s9 =	simm.s32 $0x10220;
	[sflag:s28] =	ssyncset.done $0x0  }
0xda: {  	s30 =	sadd.s32 $0x5F0, s30;
	s24 =	simm.s32 $0xC620;
	[sflag:s28] =	ssyncadd.s32 $0xFFFFEC00  }
0xdb: {  	[tilespmem:s29], [sflag:$0xA] =	stream.indirect.gather [hbm4b:s4+s17], $0x40, s30, s17, $0xb8;
	[tilespmem:$0x1B260] =	vst v63  }
0xdc: {  	s25 =	simm.s32 $0xB220;
	s26 =	simm.s32 $0xDA20;
	s29 =	simm.s32 $0xEE20  }
.LBB2_5:
0xdd: {  	_ =	sfence.sel $0x180000  }
0xde: {  	[bflag:$0x0] =	sbarrier.arrive $0xFFFF  }
0xdf: {  	_ =	strace $0x9000004D  }
0xe0: {  	s0 =	stileid.u32;
	[bflag:$0x2] =	sbarrier.arrive $0xFFFF  }
0xe1: {  	p0 =	sne.s32 s0, $0x0;
	s0 =	rddreg [dreg:$0x2]  }
0xe2: {  	s0 =	sadd.s32 @!p0 $0x100000, s0  }
0xe3: {  	[sflag:s0] =	ssyncadd.tile.s32 @!p0 $0x1;
	_ =	shalt  }
.Lfunc_end2:
_tile_overlayer_lowered:
.L_overlay_start_2:
0xe4: {  	(tag) =	ssettag $0x2  }
0xe5: {  	s0 =	rddreg [dreg:$0x0];
	s2 =	stileid.u32  }
0xe6: {  	s1 =	rddreg [dreg:$0x1];
	p0 =	sne.s32 s2, $0x0  }
0xe7: {  	s3 =	rddreg [dreg:$0x2];
	[bflag:$0x3] =	sbarrier.arrive $0xFFFF;
	s2 =	simm.s32 @!p0 $0x1C15  }
0xe8: {  	[timem:s3], [sflag:s2] =	dma.local @!p0 [hbm:s0], s1  }
0xe9: {  	s0 =	simm.s32 @!p0 $0x15  }
0xea: {  	_ =	swait.ge @!p0 [sflag:s0], s1  }
0xeb: {  	s1 =	ssub.s32 @!p0 $0x0, s1;
	[sflag:s0] =	ssyncset.done @!p0 $0x0  }
0xec: {  	[sflag:s0] =	ssyncadd.s32 @!p0 s1  }
0xed: {  	[bflag:$0x3] =	sbarrier.arrive $0xFFFF  }
0xee: {  	_ =	shalt  }

// kernel: kernel.8.cloned.1.call-start
scs
__scs_entry_jumppad:
0x0: {  	(pc) =	sbr.rel $0x88, $3  }
0x1: {  	(tag) =	ssettag $0x0;
	lr =	simm.s32 $0x1  }
0x2: {  	[smem:$0x3F9A] =	sst lr;
	_ =	strace $0xD0000000  }
0x3: {  	_ = 	snop  }
0x4: {  	_ = 	snop  }
0x5: {  	_ = 	snop  }
0x6: {  	_ = 	snop  }
0x7: {  	_ = 	snop  }
__scs_overlays_trampoline_lowered:
0x8: {  	[smem:$0x3FA9] =	sst s0  }
0x9: {  	[smem:$0x3FAA] =	sst s1  }
0xa: {  	[smem:$0x3FAB] =	sst s2  }
0xb: {  	[smem:$0x3FAC] =	sst s3  }
0xc: {  	[smem:$0x3FAD] =	sst s4  }
0xd: {  	[smem:$0x3FAE] =	sst s5  }
0xe: {  	[smem:$0x3FAF] =	sst s6  }
0xf: {  	[smem:$0x3FB0] =	sst s7  }
0x10: {  	[smem:$0x3FB1] =	sst s8  }
0x11: {  	[smem:$0x3FB2] =	sst s9;
	s0 =	simm.s32 @!p0 $0x0  }
0x12: {  	s1 =	sld [smem:$0x3F98];
	s0 =	simm.s32 @p0 $0x1  }
0x13: {  	[smem:$0x3FB3] =	sst s0;
	s0 =	simm.s32 @!p1 $0x0  }
0x14: {  	s2 =	sld [smem:$0x3F97];
	s0 =	simm.s32 @p1 $0x1  }
0x15: {  	[smem:$0x3FB4] =	sst s0;
	s0 =	simm.s32 @!p2 $0x0  }
0x16: {  	s3 =	sld [smem:$0x3FDB];
	s0 =	simm.s32 @p2 $0x1  }
0x17: {  	s4 =	simm.s32 $0x1BF5;
	[smem:$0x3FB6] =	sst s0  }
0x18: {  	s0 =	sld [smem:$0x3F99];
	_ =	swait.ge [sflag:s4], $0x0  }
0x19: {  	s7 =	sld [smem:$0x3F9A]  }
0x1a: {  	s8 =	sadd.s32 $0xFFFFE003, lr  }
0x1b: {  	s9 =	sadd.s32 $0xFFFFFEF7, lr;
	s5 =	simm.s32 $0xFFFFFFFF;
	p2 =	slt.u32 s8, $0xFFFFF086  }
0x1c: {  	p1 =	slt.u32 s9, $0xF7A;
	s5 =	simm.s32 @!p2 $0x0  }
0x1d: {  	s5 =	simm.s32 @p1 $0x1;
	p0 =	seq.s32 s7, s2  }
0x1e: {  	s7 =	smul.u32 @!p0 $0xF7A, s2;
	p2 =	seq.s32 @!p0 s5, $0x0  }
0x1f: {  	s9 =	smul.u32 $0xF7A, s1;
	s8 =	simm.s32 @!p0 $0x1BF5;
	p2 =	por !p2, p0  }
0x20: {  	[sflag:s8] =	ssyncset.s32 @!p0 $0xFFFFF086;
	s6 =	sadd.s32 @!p0 s3, s7;
	s7 =	simm.s32 @!p0 $0x108  }
0x21: {  	s3 =	sadd.s32 s3, s9;
	s6 =	sadd.s32 @!p0 $0x88, s6;
	s7 =	simm.s32 @p2 $0x1082  }
0x22: {  	[simem:s7], [sflag:s8] =	dma.local @!p0 [hbm:s6], $0xF7A  }
0x23: {  	s9 =	sor.u32 $0xD0000000, s2;
	s6 =	simm.s32 $0x108;
	_ =	swait.ge @!p0 [sflag:s8], $0x0  }
0x24: {  	s3 =	sadd.s32 $0x88, s3;
	s6 =	simm.s32 @!p1 $0x1082;
	[sflag:s4] =	ssyncset.s32 $0xFFFFF086  }
0x25: {  	[simem:s6], [sflag:s4] =	dma.local [hbm:s3], $0xF7A  }
0x26: {  	[smem:$0x3F9A] =	sst s1;
	(tag) =	ssettag s2;
	_ =	strace s9  }
0x27: {  	s1 =	sld [smem:$0x3FAA]  }
0x28: {  	s2 =	sld [smem:$0x3FAB]  }
0x29: {  	s4 =	sld [smem:$0x3FAD]  }
0x2a: {  	p0 =	seq.s32 s5, $0x0;
	s5 =	sld [smem:$0x3FAE]  }
0x2b: {  	s6 =	sld [smem:$0x3FAF]  }
0x2c: {  	s7 =	sld [smem:$0x3FB0]  }
0x2d: {  	s3 =	simm.s32 $0x108;
	s8 =	sld [smem:$0x3FB1]  }
0x2e: {  	s3 =	simm.s32 @!p0 $0x1082;
	s9 =	sld [smem:$0x3FB2]  }
0x2f: {  	lr =	sadd.s32 s0, s3;
	s0 =	sld [smem:$0x3FA9]  }
0x30: {  	s3 =	sld [smem:$0x3FAC]  }
0x31: {  	[smem:$0x3FB5] =	sst s10  }
0x32: {  	s10 =	sld [smem:$0x3FB3];
	_ =	sdelay $0x3  }
0x33: {  	p0 =	seq.s32 s10, $0x1;
	s10 =	sld [smem:$0x3FB5];
	_ =	sdelay $0x3  }
0x34: {  	[smem:$0x3FB5] =	sst s10  }
0x35: {  	s10 =	sld [smem:$0x3FB4];
	_ =	sdelay $0x3  }
0x36: {  	p1 =	seq.s32 s10, $0x1;
	s10 =	sld [smem:$0x3FB5];
	_ =	sdelay $0x3  }
0x37: {  	[smem:$0x3FB5] =	sst s10  }
0x38: {  	s10 =	sld [smem:$0x3FB6]  }
0x39: {  	_ = 	snop;
	(pc) =	sbr.ind lr, $3  }
0x3a: {  	_ = 	snop  }
0x3b: {  	_ = 	snop  }
0x3c: {  	p2 =	seq.s32 s10, $0x1;
	s10 =	sld [smem:$0x3FB5]  }
0x3d: {  	_ =	shalt  }
0x3e: {  	_ =	shalt  }
0x3f: {  	_ =	shalt  }
0x40: {  	_ =	shalt  }
0x41: {  	_ =	shalt  }
0x42: {  	_ =	shalt  }
0x43: {  	_ =	shalt  }
0x44: {  	_ =	shalt  }
0x45: {  	_ =	shalt  }
0x46: {  	_ =	shalt  }
0x47: {  	_ =	shalt  }
0x48: {  	_ =	shalt  }
0x49: {  	_ =	shalt  }
0x4a: {  	_ =	shalt  }
0x4b: {  	_ =	shalt  }
0x4c: {  	_ =	shalt  }
0x4d: {  	_ =	shalt  }
0x4e: {  	_ =	shalt  }
0x4f: {  	_ =	shalt  }
0x50: {  	_ =	shalt  }
0x51: {  	_ =	shalt  }
0x52: {  	_ =	shalt  }
0x53: {  	_ =	shalt  }
0x54: {  	_ =	shalt  }
0x55: {  	_ =	shalt  }
0x56: {  	_ =	shalt  }
0x57: {  	_ =	shalt  }
0x58: {  	_ =	shalt  }
0x59: {  	_ =	shalt  }
0x5a: {  	_ =	shalt  }
0x5b: {  	_ =	shalt  }
0x5c: {  	_ =	shalt  }
0x5d: {  	_ =	shalt  }
0x5e: {  	_ =	shalt  }
0x5f: {  	_ =	shalt  }
0x60: {  	_ =	shalt  }
0x61: {  	_ =	shalt  }
0x62: {  	_ =	shalt  }
0x63: {  	_ =	shalt  }
0x64: {  	_ =	shalt  }
0x65: {  	_ =	shalt  }
0x66: {  	_ =	shalt  }
0x67: {  	_ =	shalt  }
0x68: {  	_ =	shalt  }
0x69: {  	_ =	shalt  }
0x6a: {  	_ =	shalt  }
0x6b: {  	_ =	shalt  }
0x6c: {  	_ =	shalt  }
0x6d: {  	_ =	shalt  }
0x6e: {  	_ =	shalt  }
0x6f: {  	_ =	shalt  }
0x70: {  	_ =	shalt  }
0x71: {  	_ =	shalt  }
0x72: {  	_ =	shalt  }
0x73: {  	_ =	shalt  }
0x74: {  	_ =	shalt  }
0x75: {  	_ =	shalt  }
0x76: {  	_ =	shalt  }
0x77: {  	_ =	shalt  }
0x78: {  	_ =	shalt  }
0x79: {  	_ =	shalt  }
0x7a: {  	_ =	shalt  }
0x7b: {  	_ =	shalt  }
0x7c: {  	_ =	shalt  }
0x7d: {  	_ =	shalt  }
0x7e: {  	_ =	shalt  }
0x7f: {  	_ =	shalt  }
0x80: {  	_ =	shalt  }
0x81: {  	_ =	shalt  }
0x82: {  	_ =	shalt  }
0x83: {  	_ =	shalt  }
0x84: {  	_ =	shalt  }
0x85: {  	_ =	shalt  }
0x86: {  	_ =	shalt  }
0x87: {  	_ =	shalt  }
.Lfunc_end0:
.L_simem_size_0:
called_computation_lowered:
.L_overlay_start_0:
0x88: {  	s2 =	sld [smem:$0x3FD9]  }
0x89: {  	s3 =	sld [smem:$0x3FFE];
	_ =	sdelay $0x1  }
0x8a: {  	s1 =	srdreg.scid  }
0x8b: {  	s0 =	sand.u32 $0x1, s1  }
0x8c: {  	s16 =	sshll.u32 s0, $0xA;
	s2 =	sadd.s32 s3, s2  }
0x8d: {  	s2 =	sadd.s32 s2, s16  }
0x8e: {  	[smem:$0x3FC1] =	sst s2  }
0x8f: {  	_ = 	snop  }
0x90: {  	(tm) =	ssettm $0x1  }
0x91: {  	s17 =	sld [smem:$0x3FFB];
	_ =	sdelay $0x3  }
0x92: {  	_ =	strace s17  }
0x93: {  	s2 =	sld [smem:$0x3FFC];
	_ =	sdelay $0x3  }
0x94: {  	_ =	strace s2  }
0x95: {  	s2 =	sld [smem:$0x3FFD];
	_ =	sdelay $0x3  }
0x96: {  	_ =	strace s2  }
0x97: {  	_ =	strace $0x8FFFFFFF  }
0x98: {  	s18 =	sld [smem:$0x3FDB];
	_ =	sdelay $0x1  }
0x99: {  	s19 =	simm.s32 $_scs_section_size  }
0x9a: {  	s4 =	simm.s32 $_size__tile_overlayer_lowered;
	s5 =	simm.s32 $_tile_overlayer_lowered  }
0x9b: {  	s22 =	simm.s32 $0x1BFF;
	s21 =	sshll.u32 s5, $0x1;
	s2 =	sadd.s32 s19, s18  }
0x9c: {  	s6 =	simm.s32 $0x0;
	s20 =	sshll.u32 s4, $0x1;
	s4 =	sadd.s32 s21, s2  }
0x9d: {  	[timem:s6], [sflag:s22] =	dma.local [hbm:s4], s20  }
0x9e: {  	_ =	swait.ge [sflag:s22], s20  }
0x9f: {  	s3 =	ssub.s32 $0x0, s20;
	[sflag:s22] =	ssyncset.done $0x0  }
0xa0: {  	[sflag:s22] =	ssyncadd.s32 s3;
	_ =	sdelay $0x1  }
0xa1: {  	s23 =	simm.s32 $0x1B8B  }
0xa2: {  	_ =	swait.ge [sflag:s23], $0x1  }
0xa3: {  	[sflag:s23] =	ssyncset.done $0x0  }
0xa4: {  	s25 =	simm.s32 $0x1B8E;
	s24 =	sld [smem:$0x3FFE];
	[sflag:s23] =	ssyncadd.s32 $0xFFFFFFFF  }
0xa5: {  	s26 =	simm.s32 $execute0_lowered;
	[smem:$0x3FD2] =	sst s25  }
0xa6: {  	s4 =	sshll.u32 s26, $0x1;
	_ =	strace $0x80000046;
	[dreg:$0x1] =	wrdreg $0xFFFFFFFF  }
0xa7: {  	s28 =	simm.s32 $_size_execute0_lowered;
	s2 =	sadd.s32 s2, s4;
	[dreg:$0x0] =	wrdreg $0x0  }
0xa8: {  	s4 =	sshll.u32 s28, $0x1;
	[dreg:$0x2] =	wrdreg s2  }
0xa9: {  	[dreg:$0x3] =	wrdreg s4  }
0xaa: {  	[dreg:$0x4] =	wrdreg $0xC0  }
0xab: {  	_ =	task [dreg:s6], $0x5FFFF  }
0xac: {  	[dreg:$0x1] =	wrdreg $0xFFFFFFFF  }
0xad: {  	[dreg:$0x0] =	wrdreg $0x60  }
0xae: {  	[dreg:$0x2] =	wrdreg s24  }
0xaf: {  	[dreg:$0x3] =	wrdreg $0x27600  }
0xb0: {  	[dreg:$0x4] =	wrdreg $0x9  }
0xb1: {  	_ =	task.clear_ibuf [dreg:s6], $0x5FFFF;
	_ =	strace $0x90000046  }
0xb2: {  	s29 =	simm.s32 $0x9;
	_ =	strace $0x80000048  }
0xb3: {  	_ =	swait.ge [sflag:s29], $0x1  }
0xb4: {  	[sflag:s29] =	ssyncadd.s32 $0xFFFFFFFF  }
0xb5: {  	_ =	strace $0x90000048  }
0xb6: {  	_ =	sfence  }
0xb7: {  	s30 =	sld [smem:$0x0];
	_ =	sdelay $0x2  }
0xb8: {  	s31 =	sshll.u32 s1, $0xD;
	s1 =	sshrl.u32 s1, $0x2  }
0xb9: {  	s3 =	sand.u32 $0x4000, s31;
	s1 =	sadd.s32 s1, s30  }
0xba: {  	s0 =	sor.u32 s3, s0;
	s1 =	sshll.u32 s1, $0x11  }
0xbb: {  	s0 =	sor.u32 s1, s0  }
0xbc: {  	s0 =	sadd.s32 $0x8F2B, s0  }
0xbd: {  	[sflag:s0] =	ssyncadd.remote.s32 $0x1  }
0xbe: {  	_ =	sfence.sel $0xFFFF  }
0xbf: {  	[dreg:$0x0] =	wrdreg $0xFFFFFFFF;
	(pc) =	sbr.abs _section_cstart, $3  }
0xc0: {  	[dreg:$0x1] =	wrdreg $0xFFFFFFFF  }
0xc1: {  	_ =	task.clear_ibuf [dreg:s6], $0x2FFFF;
	_ =	strace $0x9FFFFFFF  }
0xc2: {  	(tm) =	ssettm $0x7FFFFFFF  }
0xc3: {  	_ =	shalt  }
tec
execute0_lowered:
.L_overlay_start_1:
0x0: {  	(tag) =	ssettag $0x1  }
0x1: {  	s0 =	srdreg.scid;
	s2 =	rddreg [dreg:$0x0]  }
0x2: {  	s15 =	stileid.u32;
	s1 =	rddreg [dreg:$0x1];
	s4 =	simm.s32 $0x0  }
0x3: {  	s28 =	simm.s32 $0x2710;
	s29 =	simm.s32 $0x1;
	s30 =	simm.s32 $0x0  }
0x4: {  	s0 =	sand.u32 $0x1, s0;
	[smem:$0x7FF] =	sst s4;
	s26 =	sadd.s32 $0x15C00, s2  }
0x5: {  	s13 =	sadd.s32 $0x16800, s2;
	s17 =	sadd.s32 $0x1388, s1;
	s18 =	sadd.s32 $0x3E8, s1  }
0x6: {  	s19 =	sadd.s32 $0x1770, s1;
	s20 =	sadd.s32 $0x7D0, s1;
	s21 =	sadd.s32 $0x1B58, s1  }
0x7: {  	s22 =	sadd.s32 $0xBB8, s1;
	s23 =	sadd.s32 $0x1F40, s1;
	s24 =	sadd.s32 $0xFA0, s1  }
0x8: {  	p0 =	sne.s32 s15, $0x0;
	s3 =	sshll.u32 s0, $0x4;
	_ =	strace $0x80000047  }
0x9: {  	[dreg:$0x3] =	wrdreg s26;
	s5 =	ssub.s32 $0x2, s0;
	s0 =	smul.u32 $0x3E8, s0  }
0xa: {  	s17 =	sshrl.u32 @!p0 s17, $0x3;
	s18 =	sshrl.u32 @!p0 s18, $0x3;
	s19 =	sshrl.u32 @!p0 s19, $0x3  }
0xb: {  	s20 =	sshrl.u32 @!p0 s20, $0x3;
	s21 =	sshrl.u32 @!p0 s21, $0x3;
	s22 =	sshrl.u32 @!p0 s22, $0x3  }
0xc: {  	s23 =	sshrl.u32 @!p0 s23, $0x3;
	s24 =	sshrl.u32 @!p0 s24, $0x3;
	s26 =	simm.s32 $0x50  }
0xd: {  	s3 =	sor.u32 s15, s3;
	s6 =	sshrl.u32 s5, $0x1;
	s0 =	sshrl.u32 s0, $0x3  }
0xe: {  	s3 =	smul.u32 $0x4E2, s3;
	s16 =	ssub.s32 s5, s6;
	s5 =	sadd.s32 s13, s0  }
0xf: {  	s8 =	sadd.s32 $0xFA, s0;
	s10 =	sadd.s32 $0x1F4, s0;
	s12 =	sadd.s32 $0x2EE, s0  }
0x10: {  	s15 =	smax.u32 s16, $0x1;
	s16 =	simm.s32 $0x2;
	s25 =	sadd.s32 s3, s2  }
0x11: {  	s2 =	sadd.s32 $0x16200, s2;
	s7 =	sadd.s32 s13, s8;
	s9 =	sadd.s32 s13, s10  }
0x12: {  	s11 =	sadd.s32 s13, s12;
	s31 =	sadd.s32 $0xBE00, s25;
	s6 =	sadd.s32 s2, s0  }
0x13: {  	s8 =	sadd.s32 s2, s8;
	s10 =	sadd.s32 s2, s10;
	s0 =	sadd.s32 $0x3E8, s0  }
0x14: {  	s13 =	sadd.s32 s13, s0;
	s14 =	sadd.s32 s2, s0;
	s0 =	sadd.s32 $0x2328, s1  }
0x15: {  	v0 =	vimm.f32 $1.000000000e+00;
	v1 =	vimm.s32 $0x0;
	s12 =	sadd.s32 s2, s12;
	[dreg:$0x4] =	wrdreg s31;
	s25 =	sshrl.u32 @!p0 s0, $0x3  }
.LBB2_1:
0x16: {  	[tilespmem:$0x2710] =	vst v0  }
0x17: {  	[tilespmem:$0x2720] =	vst v0  }
0x18: {  	[tilespmem:$0x2730] =	vst v0  }
0x19: {  	[tilespmem:$0x2740] =	vst v0  }
0x1a: {  	[tilespmem:$0x2750] =	vst v0;
	s0 =	simm.s32 $0x0;
	s2 =	rddreg [dreg:$0x4]  }
0x1b: {  	[tilespmem:s0], [sflag:$0x2] =	stream.linear.gather [hbm4b:s2+s0], $0x2710, $0x38;
	[tilespmem:$0x29D8] =	vst v63  }
0x1c: {  	_ =	swait.ge [sflag:s16], $0x2710  }
0x1d: {  	[sflag:s16] =	ssyncset.done $0x0  }
0x1e: {  	s31 =	simm.s32 $0xC0;
	[sflag:s16] =	ssyncadd.s32 $0xFFFFD8F0  }
0x1f: {  	v2 =	vld [tilespmem:s31+$0xC0]  }
0x20: {  	v3 =	vld [tilespmem:s31+$0xFFFFFF50]  }
0x21: {  	v10 =	vld [tilespmem:s31+$0xFFFFFF60]  }
0x22: {  	v13 =	vld [tilespmem:s31+$0xFFFFFF70]  }
0x23: {  	v16 =	vld [tilespmem:s31+$0xFFFFFF80]  }
0x24: {  	v18 =	vld [tilespmem:s31+$0xFFFFFF90]  }
0x25: {  	v22 =	vld [tilespmem:s31+$0xFFFFFFA0]  }
0x26: {  	v24 =	vld [tilespmem:s31+$0xFFFFFFB0]  }
0x27: {  	v25 =	vld [tilespmem:s31+$0xFFFFFFC0]  }
0x28: {  	v32 =	vld [tilespmem:s31+$0x10]  }
0x29: {  	v40 =	vld [tilespmem:s31+$0x30]  }
0x2a: {  	v45 =	vld [tilespmem:s31+$0x40]  }
0x2b: {  	v46 =	vld [tilespmem:s31+$0x50]  }
0x2c: {  	v47 =	vld [tilespmem:s31+$0x60]  }
0x2d: {  	v48 =	vld [tilespmem:s31+$0x70]  }
0x2e: {  	v49 =	vld [tilespmem:s31+$0x80]  }
0x2f: {  	v50 =	vld [tilespmem:s31+$0x90]  }
0x30: {  	v51 =	vld [tilespmem:s31+$0xA0]  }
0x31: {  	v52 =	vld [tilespmem:s31+$0xB0]  }
0x32: {  	v20 =	vld [tilespmem:s31+$0xFFFFFF40];
	v4 =	vand.u32 $0x1, v2  }
0x33: {  	v26 =	vld [tilespmem:s31+$0xFFFFFFD0];
	v23 =	vshra.s32 v3, $0x1;
	v3 =	vand.u32 $0x1, v3;
	v2 =	vshra.s32 v2, $0x1  }
0x34: {  	v28 =	vld [tilespmem:s31+$0xFFFFFFE0];
	v6 =	vand.u32 $0x1, v32;
	v7 =	vand.u32 $0x1, v40;
	v8 =	vand.u32 $0x1, v45  }
0x35: {  	v30 =	vld [tilespmem:s31+$0xFFFFFFF0];
	v9 =	vand.u32 $0x1, v46;
	v11 =	vand.u32 $0x1, v47;
	v12 =	vand.u32 $0x1, v48  }
0x36: {  	v31 =	vld [tilespmem:s31+$0x0];
	v14 =	vand.u32 $0x1, v49;
	v15 =	vand.u32 $0x1, v50;
	v17 =	vand.u32 $0x1, v51  }
0x37: {  	v19 =	vand.u32 $0x1, v52;
	v21 =	vand.u32 $0x1, v20;
	v53 =	vshra.s32 v20, $0x1  }
0x38: {  	v33 =	vld [tilespmem:s31+$0x20];
	v55 =	vshra.s32 v10, $0x1;
	v56 =	vshra.s32 v13, $0x1;
	v57 =	vshra.s32 v16, $0x1  }
0x39: {  	v58 =	vshra.s32 v18, $0x1;
	v59 =	vshra.s32 v22, $0x1;
	v60 =	vshra.s32 v24, $0x1  }
0x3a: {  	v38 =	vshra.s32 v25, $0x1;
	v37 =	vshra.s32 v26, $0x1;
	v36 =	vshra.s32 v28, $0x1  }
0x3b: {  	v35 =	vshra.s32 v30, $0x1;
	v34 =	vshra.s32 v31, $0x1;
	vm0 =	veq.s32 v4, $0x1  }
0x3c: {  	v4 =	vand.u32 $0x1, v10;
	vm7 =	veq.s32 v3, $0x1;
	v3 =	vand.u32 $0x1, v13  }
0x3d: {  	vm5 =	veq.s32 v6, $0x1;
	v6 =	vand.u32 $0x1, v33;
	vm3 =	veq.s32 v21, $0x1  }
0x3e: {  	v13 =	vshra.s32 v32, $0x1;
	v33 =	vshra.s32 v33, $0x1;
	v32 =	vshra.s32 v40, $0x1  }
0x3f: {  	v10 =	vshra.s32 v52, $0x1;
	v5 =	vsel vm0, $0x1388, v1;
	vm1 =	veq.s32 v4, $0x1  }
0x40: {  	vm2 =	veq.s32 v3, $0x1;
	v27 =	vsel vm7, $0x1388, v1;
	v3 =	vand.u32 $0x1, v30  }
0x41: {  	v4 =	vand.u32 $0x1, v31;
	vm6 =	veq.s32 v6, $0x1;
	vm7 =	veq.s32 v7, $0x1  }
0x42: {  	v7 =	vsel vm5, $0x1388, v1;
	v54 =	vsel vm3, $0x1388, v1;
	v31 =	vshra.s32 v46, $0x1  }
0x43: {  	v5 =	vadd.s32 v2, v5;
	v2 =	vand.u32 $0x1, v16;
	v29 =	vsel vm1, $0x1388, v1  }
0x44: {  	v39 =	vsel vm2, $0x1388, v1;
	vm15 =	veq.s32 v3, $0x1;
	vm4 =	veq.s32 v4, $0x1  }
0x45: {  	v16 =	vshra.s32 v45, $0x1;
	v23 =	vadd.s32 v23, v27;
	vm8 =	veq.s32 v2, $0x1  }
0x46: {  	v2 =	vand.u32 $0x1, v18;
	[tilespmem:s31+$0xC0] =	vst v5;
	v5 =	vsel vm15, $0x1388, v1;
	v6 =	vsel vm4, $0x1388, v1  }
0x47: {  	vm15 =	veq.s32 v19, $0x1;
	v18 =	vshra.s32 v48, $0x1;
	v40 =	vadd.s32 v55, v29  }
0x48: {  	v39 =	vadd.s32 v56, v39;
	vm9 =	veq.s32 v2, $0x1;
	v2 =	vand.u32 $0x1, v22  }
0x49: {  	v41 =	vsel vm8, $0x1388, v1;
	vm8 =	veq.s32 v8, $0x1;
	v8 =	vsel vm6, $0x1388, v1  }
0x4a: {  	v20 =	vsel vm15, $0x1388, v1;
	v22 =	vshra.s32 v51, $0x1;
	vm10 =	veq.s32 v2, $0x1  }
0x4b: {  	v2 =	vand.u32 $0x1, v24;
	v42 =	vsel vm9, $0x1388, v1;
	vm9 =	veq.s32 v9, $0x1  }
0x4c: {  	v9 =	vsel vm7, $0x1388, v1;
	v24 =	vadd.s32 v53, v54;
	v29 =	vadd.s32 v57, v41  }
0x4d: {  	vm11 =	veq.s32 v2, $0x1;
	v2 =	vand.u32 $0x1, v25;
	v43 =	vsel vm10, $0x1388, v1  }
0x4e: {  	vm10 =	veq.s32 v11, $0x1;
	v11 =	vsel vm8, $0x1388, v1;
	v25 =	vshra.s32 v50, $0x1  }
0x4f: {  	v27 =	vadd.s32 v58, v42;
	vm12 =	veq.s32 v2, $0x1;
	v2 =	vand.u32 $0x1, v26  }
0x50: {  	v44 =	vsel vm11, $0x1388, v1;
	vm11 =	veq.s32 v12, $0x1;
	v12 =	vsel vm9, $0x1388, v1  }
0x51: {  	[tilespmem:s31+$0xFFFFFF40] =	vst v24;
	v26 =	vshra.s32 v49, $0x1;
	v24 =	vadd.s32 v59, v43;
	vm13 =	veq.s32 v2, $0x1  }
0x52: {  	[tilespmem:s31+$0xFFFFFF50] =	vst v23;
	v2 =	vand.u32 $0x1, v28;
	v28 =	vshra.s32 v47, $0x1;
	v23 =	vadd.s32 v60, v44  }
0x53: {  	vm14 =	veq.s32 v2, $0x1;
	v2 =	vsel vm12, $0x1388, v1;
	v3 =	vsel vm13, $0x1388, v1  }
0x54: {  	vm12 =	veq.s32 v14, $0x1;
	v14 =	vsel vm10, $0x1388, v1;
	vm13 =	veq.s32 v15, $0x1  }
0x55: {  	v15 =	vsel vm11, $0x1388, v1;
	v4 =	vsel vm14, $0x1388, v1;
	vm14 =	veq.s32 v17, $0x1  }
0x56: {  	s0 =	simm.s32 $0x0;
	s2 =	simm.s32 $0x250;
	v17 =	vsel vm12, $0x1388, v1;
	v21 =	vsel vm13, $0x1388, v1;
	v19 =	vsel vm14, $0x1388, v1  }
.LBB2_2:
0x57: {  	v30 =	vld [tilespmem:s2+$0xC0];
	s0 =	sadd.s32 $0x5, s0;
	[tilespmem:s31+$0xFFFFFF60] =	vst v40;
	v2 =	vadd.s32 v38, v2;
	v3 =	vadd.s32 v37, v3;
	v4 =	vadd.s32 v36, v4  }
0x58: {  	v5 =	vadd.s32 v35, v5;
	v6 =	vadd.s32 v34, v6;
	v7 =	vadd.s32 v13, v7;
	v36 =	vld [tilespmem:s2+$0xFFFFFF50];
	p1 =	slt.u32 s0, $0x78;
	[tilespmem:s31+$0xFFFFFF70] =	vst v39  }
0x59: {  	v8 =	vadd.s32 v33, v8;
	v9 =	vadd.s32 v32, v9;
	v11 =	vadd.s32 v16, v11;
	v13 =	vld [tilespmem:s2+$0xFFFFFF60];
	[tilespmem:s31+$0xFFFFFF80] =	vst v29  }
0x5a: {  	v12 =	vadd.s32 v31, v12;
	v14 =	vadd.s32 v28, v14;
	v15 =	vadd.s32 v18, v15;
	v16 =	vld [tilespmem:s2+$0xFFFFFF70];
	[tilespmem:s31+$0xFFFFFF90] =	vst v27  }
0x5b: {  	v17 =	vadd.s32 v26, v17;
	v21 =	vadd.s32 v25, v21;
	v19 =	vadd.s32 v22, v19;
	v18 =	vld [tilespmem:s2+$0xFFFFFF80];
	[tilespmem:s31+$0xFFFFFFA0] =	vst v24  }
0x5c: {  	v20 =	vadd.s32 v10, v20;
	v22 =	vld [tilespmem:s2+$0xFFFFFF90];
	v24 =	vand.u32 $0x1, v30;
	[tilespmem:s31+$0xFFFFFFB0] =	vst v23  }
0x5d: {  	v10 =	vshra.s32 v36, $0x1;
	v23 =	vand.u32 $0x1, v36;
	v25 =	vld [tilespmem:s2+$0xFFFFFFA0];
	vm0 =	veq.s32 v24, $0x1;
	[tilespmem:s31+$0xFFFFFFC0] =	vst v2  }
0x5e: {  	v24 =	vshra.s32 v30, $0x1;
	v2 =	vand.u32 $0x1, v13;
	v26 =	vld [tilespmem:s2+$0xFFFFFFB0];
	v27 =	vsel vm0, $0x1388, v1;
	[tilespmem:s31+$0xFFFFFFD0] =	vst v3  }
0x5f: {  	vm0 =	veq.s32 v23, $0x1;
	v3 =	vand.u32 $0x1, v16;
	v28 =	vld [tilespmem:s2+$0xFFFFFFC0];
	v23 =	vadd.s32 v24, v27;
	[tilespmem:s31+$0xFFFFFFE0] =	vst v4  }
0x60: {  	vm1 =	veq.s32 v2, $0x1;
	vm2 =	veq.s32 v3, $0x1;
	v2 =	vand.u32 $0x1, v18;
	v31 =	vld [tilespmem:s2+$0xFFFFFFD0];
	[tilespmem:s2+$0xC0] =	vst v23  }
0x61: {  	v23 =	vsel vm0, $0x1388, v1;
	vm0 =	veq.s32 v2, $0x1;
	v2 =	vand.u32 $0x1, v22;
	v32 =	vld [tilespmem:s2+$0xFFFFFFE0];
	[tilespmem:s31+$0xFFFFFFF0] =	vst v5  }
0x62: {  	v24 =	vsel vm1, $0x1388, v1;
	vm1 =	veq.s32 v2, $0x1;
	v2 =	vand.u32 $0x1, v25;
	v33 =	vld [tilespmem:s2+$0xFFFFFFF0];
	[tilespmem:s31+$0x0] =	vst v6  }
0x63: {  	v27 =	vsel vm2, $0x1388, v1;
	vm2 =	veq.s32 v2, $0x1;
	v2 =	vand.u32 $0x1, v26;
	v34 =	vld [tilespmem:s2+$0x0];
	[tilespmem:s31+$0x10] =	vst v7  }
0x64: {  	v29 =	vsel vm0, $0x1388, v1;
	vm0 =	veq.s32 v2, $0x1;
	v2 =	vand.u32 $0x1, v28;
	v39 =	vld [tilespmem:s2+$0x10];
	[tilespmem:s31+$0x20] =	vst v8  }
0x65: {  	v30 =	vsel vm1, $0x1388, v1;
	vm1 =	veq.s32 v2, $0x1;
	v2 =	vand.u32 $0x1, v31;
	v40 =	vld [tilespmem:s2+$0x20];
	[tilespmem:s31+$0x30] =	vst v9  }
0x66: {  	v41 =	vsel vm2, $0x1388, v1;
	vm2 =	veq.s32 v2, $0x1;
	v2 =	vand.u32 $0x1, v32;
	v42 =	vld [tilespmem:s2+$0x30];
	[tilespmem:s31+$0x40] =	vst v11  }
0x67: {  	v43 =	vsel vm0, $0x1388, v1;
	vm0 =	veq.s32 v2, $0x1;
	v3 =	vand.u32 $0x1, v33;
	v44 =	vld [tilespmem:s2+$0x40];
	[tilespmem:s31+$0x50] =	vst v12  }
0x68: {  	v2 =	vsel vm1, $0x1388, v1;
	vm1 =	veq.s32 v3, $0x1;
	v4 =	vand.u32 $0x1, v34;
	v45 =	vld [tilespmem:s2+$0x50];
	[tilespmem:s31+$0x60] =	vst v14  }
0x69: {  	v3 =	vsel vm2, $0x1388, v1;
	vm2 =	veq.s32 v4, $0x1;
	v5 =	vand.u32 $0x1, v39;
	v46 =	vld [tilespmem:s2+$0x60];
	[tilespmem:s31+$0x70] =	vst v15  }
0x6a: {  	v4 =	vsel vm0, $0x1388, v1;
	vm0 =	veq.s32 v5, $0x1;
	v6 =	vand.u32 $0x1, v40;
	v47 =	vld [tilespmem:s2+$0x70];
	[tilespmem:s31+$0x80] =	vst v17  }
0x6b: {  	v5 =	vsel vm1, $0x1388, v1;
	vm1 =	veq.s32 v6, $0x1;
	v7 =	vand.u32 $0x1, v42;
	v48 =	vld [tilespmem:s2+$0x80];
	[tilespmem:s31+$0x90] =	vst v21  }
0x6c: {  	v6 =	vsel vm2, $0x1388, v1;
	vm2 =	veq.s32 v7, $0x1;
	v8 =	vand.u32 $0x1, v44;
	v49 =	vld [tilespmem:s2+$0x90];
	[tilespmem:s31+$0xA0] =	vst v19  }
0x6d: {  	v7 =	vsel vm0, $0x1388, v1;
	vm0 =	veq.s32 v8, $0x1;
	v9 =	vand.u32 $0x1, v45;
	v50 =	vld [tilespmem:s2+$0xA0];
	[tilespmem:s31+$0xB0] =	vst v20;
	s31 =	smov.u32 s2  }
0x6e: {  	v8 =	vsel vm1, $0x1388, v1;
	vm1 =	veq.s32 v9, $0x1;
	v11 =	vand.u32 $0x1, v46;
	v51 =	vld [tilespmem:s2+$0xB0]  }
0x6f: {  	v9 =	vsel vm2, $0x1388, v1;
	v20 =	vld [tilespmem:s2+$0xFFFFFF40];
	vm2 =	veq.s32 v11, $0x1;
	v12 =	vand.u32 $0x1, v47  }
0x70: {  	v11 =	vsel vm0, $0x1388, v1;
	vm0 =	veq.s32 v12, $0x1;
	v14 =	vand.u32 $0x1, v48  }
0x71: {  	v12 =	vsel vm1, $0x1388, v1;
	vm1 =	veq.s32 v14, $0x1;
	v15 =	vand.u32 $0x1, v49  }
0x72: {  	v14 =	vsel vm2, $0x1388, v1;
	vm2 =	veq.s32 v15, $0x1;
	v17 =	vand.u32 $0x1, v50  }
0x73: {  	v15 =	vsel vm0, $0x1388, v1;
	vm0 =	veq.s32 v17, $0x1;
	v19 =	vand.u32 $0x1, v51  }
0x74: {  	v17 =	vsel vm1, $0x1388, v1;
	v21 =	vand.u32 $0x1, v20;
	vm1 =	veq.s32 v19, $0x1  }
0x75: {  	v19 =	vsel vm0, $0x1388, v1;
	vm3 =	veq.s32 v21, $0x1;
	v21 =	vsel vm2, $0x1388, v1  }
0x76: {  	v52 =	vshra.s32 v20, $0x1;
	v20 =	vsel vm1, $0x1388, v1;
	v53 =	vsel vm3, $0x1388, v1  }
0x77: {  	v54 =	vshra.s32 v13, $0x1;
	v55 =	vshra.s32 v16, $0x1;
	v56 =	vshra.s32 v18, $0x1  }
0x78: {  	v57 =	vshra.s32 v22, $0x1;
	v58 =	vshra.s32 v25, $0x1;
	v59 =	vshra.s32 v26, $0x1  }
0x79: {  	v38 =	vshra.s32 v28, $0x1;
	v37 =	vshra.s32 v31, $0x1;
	v36 =	vshra.s32 v32, $0x1  }
0x7a: {  	v35 =	vshra.s32 v33, $0x1;
	v34 =	vshra.s32 v34, $0x1;
	v13 =	vshra.s32 v39, $0x1  }
0x7b: {  	v33 =	vshra.s32 v40, $0x1;
	v32 =	vshra.s32 v42, $0x1;
	v16 =	vshra.s32 v44, $0x1  }
.Ltmp0:
0x7c: {  	v31 =	vshra.s32 v45, $0x1;
	v28 =	vshra.s32 v46, $0x1;
	v18 =	vshra.s32 v47, $0x1;
	(pc) =	sbr.rel @p1 .LBB2_2-.Ltmp0, $4  }
0x7d: {  	v26 =	vshra.s32 v48, $0x1;
	v25 =	vshra.s32 v49, $0x1;
	v22 =	vshra.s32 v50, $0x1  }
0x7e: {  	v23 =	vadd.s32 v10, v23;
	v10 =	vshra.s32 v51, $0x1;
	v39 =	vadd.s32 v52, v53  }
0x7f: {  	v29 =	vadd.s32 v56, v29;
	v40 =	vadd.s32 v54, v24;
	[tilespmem:s2+$0xFFFFFF40] =	vst v39;
	v39 =	vadd.s32 v55, v27  }
0x80: {  	v24 =	vadd.s32 v58, v41;
	v27 =	vadd.s32 v57, v30;
	s2 =	sadd.s32 $0x190, s2;
	[tilespmem:s31+$0xFFFFFF50] =	vst v23;
	v23 =	vadd.s32 v59, v43  }
0x81: {  	[tilespmem:s31+$0xFFFFFF60] =	vst v40  }
0x82: {  	[tilespmem:s31+$0xFFFFFF70] =	vst v39  }
0x83: {  	[tilespmem:s31+$0xFFFFFF80] =	vst v29  }
0x84: {  	[tilespmem:s31+$0xFFFFFF90] =	vst v27  }
0x85: {  	[tilespmem:s31+$0xFFFFFFA0] =	vst v24  }
0x86: {  	v2 =	vadd.s32 v38, v2;
	[tilespmem:s31+$0xFFFFFFB0] =	vst v23  }
0x87: {  	v3 =	vadd.s32 v37, v3;
	[tilespmem:s31+$0xFFFFFFC0] =	vst v2  }
0x88: {  	v2 =	vadd.s32 v36, v4;
	[tilespmem:s31+$0xFFFFFFD0] =	vst v3  }
0x89: {  	v3 =	vadd.s32 v35, v5;
	[tilespmem:s31+$0xFFFFFFE0] =	vst v2  }
0x8a: {  	v2 =	vadd.s32 v34, v6;
	[tilespmem:s31+$0xFFFFFFF0] =	vst v3  }
0x8b: {  	v3 =	vadd.s32 v13, v7;
	[tilespmem:s31+$0x0] =	vst v2  }
0x8c: {  	v2 =	vadd.s32 v33, v8;
	[tilespmem:s31+$0x10] =	vst v3  }
0x8d: {  	v3 =	vadd.s32 v32, v9;
	[tilespmem:s31+$0x20] =	vst v2  }
0x8e: {  	v2 =	vadd.s32 v16, v11;
	[tilespmem:s31+$0x30] =	vst v3  }
0x8f: {  	v3 =	vadd.s32 v31, v12;
	[tilespmem:s31+$0x40] =	vst v2  }
0x90: {  	v2 =	vadd.s32 v28, v14;
	[tilespmem:s31+$0x50] =	vst v3  }
0x91: {  	v3 =	vadd.s32 v18, v15;
	[tilespmem:s31+$0x60] =	vst v2  }
0x92: {  	v2 =	vadd.s32 v26, v17;
	[tilespmem:s31+$0x70] =	vst v3  }
0x93: {  	v3 =	vadd.s32 v25, v21;
	[tilespmem:s31+$0x80] =	vst v2  }
0x94: {  	v2 =	vadd.s32 v22, v19;
	[tilespmem:s31+$0x90] =	vst v3  }
0x95: {  	v3 =	vadd.s32 v10, v20;
	[tilespmem:s31+$0xA0] =	vst v2  }
0x96: {  	[tilespmem:s31+$0xB0] =	vst v3  }
0x97: {  	s0 =	sshrl.u32 @!p0 s1, $0x3;
	s2 =	simm.s32 @!p0 $0x1C02;
	s3 =	rddreg [dreg:$0x3]  }
0x98: {  	[spmem:s0], [sflag:s2] =	dma.local @!p0 [hbm:s3], $0x4E2  }
0x99: {  	s2 =	simm.s32 @!p0 $0x2  }
0x9a: {  	_ =	swait.ge @!p0 [sflag:s2], $0x4E2  }
0x9b: {  	[sflag:s2] =	ssyncset.done @!p0 $0x0  }
0x9c: {  	[sflag:s2] =	ssyncadd.s32 @!p0 $0xFFFFFB1E  }
0x9d: {  	s4 =	simm.s32 $0x0;
	[bflag:$0x0] =	sbarrier.arrive $0xFFFF  }
0x9e: {  	[spmem:s1] =	stream.indirect.scatter.add.f32 [tilespmem:s28], [sflag:$0x1], $0x1, s4, s26, $0xb8;
	[tilespmem:$0x29D8] =	vst v63  }
0x9f: {  	s3 =	simm.s32 $0x50  }
0xa0: {  	[spmem:s1] =	stream.indirect.scatter.add.f32 [tilespmem:s28], [sflag:$0x1], $0x1, s3, s26, $0xb8;
	[tilespmem:$0x29D8] =	vst v63  }
0xa1: {  	s4 =	simm.s32 $0xA0  }
0xa2: {  	[spmem:s1] =	stream.indirect.scatter.add.f32 [tilespmem:s28], [sflag:$0x1], $0x1, s4, s26, $0xb8;
	[tilespmem:$0x29D8] =	vst v63  }
0xa3: {  	s3 =	simm.s32 $0xF0  }
0xa4: {  	[spmem:s1] =	stream.indirect.scatter.add.f32 [tilespmem:s28], [sflag:$0x1], $0x1, s3, s26, $0xb8;
	[tilespmem:$0x29D8] =	vst v63  }
0xa5: {  	s4 =	simm.s32 $0x140  }
0xa6: {  	[spmem:s1] =	stream.indirect.scatter.add.f32 [tilespmem:s28], [sflag:$0x1], $0x1, s4, s26, $0xb8;
	[tilespmem:$0x29D8] =	vst v63  }
0xa7: {  	_ =	swait.ge [sflag:s29], $0x50  }
0xa8: {  	[sflag:s29] =	ssyncset.done $0x0  }
0xa9: {  	[sflag:s29] =	ssyncadd.s32 $0xFFFFFFB0  }
0xaa: {  	_ =	swait.ge [sflag:s29], $0x50  }
0xab: {  	[sflag:s29] =	ssyncset.done $0x0  }
0xac: {  	[sflag:s29] =	ssyncadd.s32 $0xFFFFFFB0  }
0xad: {  	_ =	swait.ge [sflag:s29], $0x50  }
0xae: {  	[sflag:s29] =	ssyncset.done $0x0  }
0xaf: {  	[sflag:s29] =	ssyncadd.s32 $0xFFFFFFB0  }
0xb0: {  	_ =	swait.ge [sflag:s29], $0x50  }
0xb1: {  	[sflag:s29] =	ssyncset.done $0x0  }
0xb2: {  	[sflag:s29] =	ssyncadd.s32 $0xFFFFFFB0  }
0xb3: {  	_ =	swait.ge [sflag:s29], $0x50  }
0xb4: {  	s31 =	simm.s32 $0xC80;
	s2 =	simm.s32 $0x640;
	[sflag:s29] =	ssyncset.done $0x0  }
.LBB2_4:
0xb5: {  	s3 =	sshra.s32 s2, $0x2  }
0xb6: {  	[sflag:s29] =	ssyncadd.s32 $0xFFFFFFB0;
	s2 =	smov.u32 s31;
	s4 =	sadd.s32 $0x640, s31  }
0xb7: {  	[spmem:s1] =	stream.indirect.scatter.add.f32 [tilespmem:s28], [sflag:$0x1], $0x1, s3, s26, $0xb8;
	[tilespmem:$0x29D8] =	vst v63  }
0xb8: {  	p1 =	sne.s32 s31, $0x9600;
	s31 =	sadd.s32 $0x50, s3  }
0xb9: {  	[spmem:s1] =	stream.indirect.scatter.add.f32 [tilespmem:s28], [sflag:$0x1], $0x1, s31, s26, $0xb8;
	[tilespmem:$0x29D8] =	vst v63  }
0xba: {  	s31 =	sadd.s32 $0xA0, s3  }
0xbb: {  	[spmem:s1] =	stream.indirect.scatter.add.f32 [tilespmem:s28], [sflag:$0x1], $0x1, s31, s26, $0xb8;
	[tilespmem:$0x29D8] =	vst v63  }
0xbc: {  	s31 =	sadd.s32 $0xF0, s3  }
0xbd: {  	[spmem:s1] =	stream.indirect.scatter.add.f32 [tilespmem:s28], [sflag:$0x1], $0x1, s31, s26, $0xb8;
	[tilespmem:$0x29D8] =	vst v63  }
0xbe: {  	s3 =	sadd.s32 $0x140, s3  }
0xbf: {  	[spmem:s1] =	stream.indirect.scatter.add.f32 [tilespmem:s28], [sflag:$0x1], $0x1, s3, s26, $0xb8;
	[tilespmem:$0x29D8] =	vst v63  }
0xc0: {  	_ =	swait.ge [sflag:s29], $0x50  }
0xc1: {  	[sflag:s29] =	ssyncset.done $0x0  }
0xc2: {  	[sflag:s29] =	ssyncadd.s32 $0xFFFFFFB0  }
0xc3: {  	_ =	swait.ge [sflag:s29], $0x50  }
0xc4: {  	[sflag:s29] =	ssyncset.done $0x0  }
0xc5: {  	[sflag:s29] =	ssyncadd.s32 $0xFFFFFFB0  }
0xc6: {  	_ =	swait.ge [sflag:s29], $0x50  }
0xc7: {  	[sflag:s29] =	ssyncset.done $0x0  }
0xc8: {  	[sflag:s29] =	ssyncadd.s32 $0xFFFFFFB0  }
.Ltmp1:
0xc9: {  	_ =	swait.ge [sflag:s29], $0x50;
	(pc) =	sbr.rel @p1 .LBB2_4-.Ltmp1, $4  }
0xca: {  	[sflag:s29] =	ssyncset.done $0x0  }
0xcb: {  	[sflag:s29] =	ssyncadd.s32 $0xFFFFFFB0  }
0xcc: {  	_ =	swait.ge [sflag:s29], $0x50  }
0xcd: {  	s31 =	smov.u32 s4;
	[sflag:s29] =	ssyncset.done $0x0  }
0xce: {  	s2 =	sshra.s32 s2, $0x2;
	[sflag:s29] =	ssyncadd.s32 $0xFFFFFFB0  }
0xcf: {  	[spmem:s1] =	stream.indirect.scatter.add.f32 [tilespmem:s28], [sflag:$0x1], $0x1, s2, s26, $0xb8;
	[tilespmem:$0x29D8] =	vst v63  }
0xd0: {  	s3 =	sadd.s32 $0x50, s2  }
0xd1: {  	[spmem:s1] =	stream.indirect.scatter.add.f32 [tilespmem:s28], [sflag:$0x1], $0x1, s3, s26, $0xb8;
	[tilespmem:$0x29D8] =	vst v63  }
0xd2: {  	s4 =	sadd.s32 $0xA0, s2  }
0xd3: {  	[spmem:s1] =	stream.indirect.scatter.add.f32 [tilespmem:s28], [sflag:$0x1], $0x1, s4, s26, $0xb8;
	[tilespmem:$0x29D8] =	vst v63  }
0xd4: {  	s31 =	sadd.s32 $0xF0, s2  }
0xd5: {  	[spmem:s1] =	stream.indirect.scatter.add.f32 [tilespmem:s28], [sflag:$0x1], $0x1, s31, s26, $0xb8;
	[tilespmem:$0x29D8] =	vst v63  }
0xd6: {  	s2 =	sadd.s32 $0x140, s2  }
0xd7: {  	[spmem:s1] =	stream.indirect.scatter.add.f32 [tilespmem:s28], [sflag:$0x1], $0x1, s2, s26, $0xb8;
	[tilespmem:$0x29D8] =	vst v63  }
0xd8: {  	_ =	swait.ge [sflag:s29], $0x50  }
0xd9: {  	[sflag:s29] =	ssyncset.done $0x0  }
0xda: {  	[sflag:s29] =	ssyncadd.s32 $0xFFFFFFB0  }
0xdb: {  	_ =	swait.ge [sflag:s29], $0x50  }
0xdc: {  	[sflag:s29] =	ssyncset.done $0x0  }
0xdd: {  	[sflag:s29] =	ssyncadd.s32 $0xFFFFFFB0  }
0xde: {  	_ =	swait.ge [sflag:s29], $0x50  }
0xdf: {  	[sflag:s29] =	ssyncset.done $0x0  }
0xe0: {  	[sflag:s29] =	ssyncadd.s32 $0xFFFFFFB0  }
0xe1: {  	_ =	swait.ge [sflag:s29], $0x50  }
0xe2: {  	[sflag:s29] =	ssyncset.done $0x0  }
0xe3: {  	[sflag:s29] =	ssyncadd.s32 $0xFFFFFFB0  }
0xe4: {  	_ =	swait.ge [sflag:s29], $0x50  }
0xe5: {  	[sflag:s29] =	ssyncset.done $0x0  }
0xe6: {  	[sflag:s29] =	ssyncadd.s32 $0xFFFFFFB0  }
0xe7: {  	s2 =	simm.s32 @!p0 $0x1C02;
	[bflag:$0x0] =	sbarrier.arrive $0xFFFF  }
0xe8: {  	[hbm:s5], [sflag:s2] =	dma.local @!p0 [spmem:s0], $0x7D  }
0xe9: {  	s0 =	simm.s32 @!p0 $0x2  }
0xea: {  	_ =	swait.ge @!p0 [sflag:s0], $0x7D  }
0xeb: {  	[sflag:s0] =	ssyncset.done @!p0 $0x0  }
0xec: {  	[sflag:s0] =	ssyncadd.s32 @!p0 $0xFFFFFF83  }
0xed: {  	[hbm:s6], [sflag:s2] =	dma.local @!p0 [spmem:s17], $0x7D  }
0xee: {  	_ =	swait.ge @!p0 [sflag:s0], $0x7D  }
0xef: {  	[sflag:s0] =	ssyncset.done @!p0 $0x0  }
0xf0: {  	[sflag:s0] =	ssyncadd.s32 @!p0 $0xFFFFFF83  }
0xf1: {  	[hbm:s7], [sflag:s2] =	dma.local @!p0 [spmem:s18], $0x7D  }
0xf2: {  	_ =	swait.ge @!p0 [sflag:s0], $0x7D  }
0xf3: {  	[sflag:s0] =	ssyncset.done @!p0 $0x0  }
0xf4: {  	[sflag:s0] =	ssyncadd.s32 @!p0 $0xFFFFFF83  }
0xf5: {  	[hbm:s8], [sflag:s2] =	dma.local @!p0 [spmem:s19], $0x7D  }
0xf6: {  	_ =	swait.ge @!p0 [sflag:s0], $0x7D  }
0xf7: {  	[sflag:s0] =	ssyncset.done @!p0 $0x0  }
0xf8: {  	[sflag:s0] =	ssyncadd.s32 @!p0 $0xFFFFFF83  }
0xf9: {  	[hbm:s9], [sflag:s2] =	dma.local @!p0 [spmem:s20], $0x7D  }
0xfa: {  	_ =	swait.ge @!p0 [sflag:s0], $0x7D  }
0xfb: {  	[sflag:s0] =	ssyncset.done @!p0 $0x0  }
0xfc: {  	[sflag:s0] =	ssyncadd.s32 @!p0 $0xFFFFFF83  }
0xfd: {  	[hbm:s10], [sflag:s2] =	dma.local @!p0 [spmem:s21], $0x7D  }
0xfe: {  	_ =	swait.ge @!p0 [sflag:s0], $0x7D  }
0xff: {  	[sflag:s0] =	ssyncset.done @!p0 $0x0  }
0x100: {  	[sflag:s0] =	ssyncadd.s32 @!p0 $0xFFFFFF83  }
0x101: {  	[hbm:s11], [sflag:s2] =	dma.local @!p0 [spmem:s22], $0x7D  }
0x102: {  	_ =	swait.ge @!p0 [sflag:s0], $0x7D  }
0x103: {  	[sflag:s0] =	ssyncset.done @!p0 $0x0  }
0x104: {  	[sflag:s0] =	ssyncadd.s32 @!p0 $0xFFFFFF83  }
0x105: {  	[hbm:s12], [sflag:s2] =	dma.local @!p0 [spmem:s23], $0x7D  }
0x106: {  	_ =	swait.ge @!p0 [sflag:s0], $0x7D  }
0x107: {  	[sflag:s0] =	ssyncset.done @!p0 $0x0  }
0x108: {  	[sflag:s0] =	ssyncadd.s32 @!p0 $0xFFFFFF83  }
0x109: {  	[hbm:s13], [sflag:s2] =	dma.local @!p0 [spmem:s24], $0x7D  }
0x10a: {  	s30 =	sadd.s32 $0x1, s30;
	_ =	swait.ge @!p0 [sflag:s0], $0x7D  }
0x10b: {  	p1 =	sne.s32 s30, s15;
	[sflag:s0] =	ssyncset.done @!p0 $0x0  }
.Ltmp2:
0x10c: {  	[sflag:s0] =	ssyncadd.s32 @!p0 $0xFFFFFF83;
	(pc) =	sbr.rel @p1 .LBB2_1-.Ltmp2, $4  }
0x10d: {  	[hbm:s14], [sflag:s2] =	dma.local @!p0 [spmem:s25], $0x7D  }
0x10e: {  	_ =	swait.ge @!p0 [sflag:s0], $0x7D  }
0x10f: {  	[sflag:s0] =	ssyncset.done @!p0 $0x0  }
0x110: {  	[sflag:s0] =	ssyncadd.s32 @!p0 $0xFFFFFF83  }
0x111: {  	_ =	sfence.sel $0x180000  }
0x112: {  	[bflag:$0x0] =	sbarrier.arrive $0xFFFF  }
0x113: {  	_ =	strace $0x90000047  }
0x114: {  	[bflag:$0x2] =	sbarrier.arrive $0xFFFF  }
0x115: {  	s0 =	rddreg [dreg:$0x2]  }
0x116: {  	s0 =	sadd.s32 @!p0 $0x100000, s0  }
0x117: {  	[sflag:s0] =	ssyncadd.tile.s32 @!p0 $0x1;
	_ =	shalt  }
.Lfunc_end2:
_tile_overlayer_lowered:
.L_overlay_start_2:
0x118: {  	(tag) =	ssettag $0x2  }
0x119: {  	s0 =	rddreg [dreg:$0x0];
	s2 =	stileid.u32  }
0x11a: {  	s1 =	rddreg [dreg:$0x1];
	p0 =	sne.s32 s2, $0x0  }
0x11b: {  	s3 =	rddreg [dreg:$0x2];
	[bflag:$0x3] =	sbarrier.arrive $0xFFFF;
	s2 =	simm.s32 @!p0 $0x1C02  }
0x11c: {  	[timem:s3], [sflag:s2] =	dma.local @!p0 [hbm:s0], s1  }
0x11d: {  	s0 =	simm.s32 @!p0 $0x2  }
0x11e: {  	_ =	swait.ge @!p0 [sflag:s0], s1  }
0x11f: {  	s1 =	ssub.s32 @!p0 $0x0, s1;
	[sflag:s0] =	ssyncset.done @!p0 $0x0  }
0x120: {  	[sflag:s0] =	ssyncadd.s32 @!p0 s1  }
0x121: {  	[bflag:$0x3] =	sbarrier.arrive $0xFFFF  }
0x122: {  	_ =	shalt  }

</sc_bundles>
